<compile_context>
chip_gen: v7x
topology: tpu7x:2x2x1
jax: 0.10.2.dev20260603
libtpu: 0.0.44.dev20260713+nightly
codegen_flags: <defaults>
</compile_context>

<pallas_src>
import jax
import jax.numpy as jnp
from jax import lax
from jax.experimental import pallas as pl
from jax.experimental.pallas import tpu as pltpu
from jax.experimental.pallas import tpu_sc as plsc

N = 10000
E = 320000
D = 128
H = 128
O = 128

NC = 2
NS = 16
NW = NC * NS
EPW = E // NW
K = 80
STEPS = EPW // K
RPT = 624
TAIL = N - RPT * NS


def _sc_body(node_hbm, ef_hbm, sd4_hbm, part_hbm,
             ibuf_s, ibuf_d, rows, ef, acc, gsem, esem, ssem, isem_s, isem_d):
    c = lax.axis_index("c")
    s = lax.axis_index("s")
    wid = c * NS + s
    base = wid * EPW

    def zrow(r, c2):
        for j in range(D // 16):
            rows[1, r, pl.ds(j * 16, 16)] = jnp.zeros((16,), jnp.float32)
        return c2
    lax.fori_loop(0, K, zrow, 0)
    for t in range(7):
        pltpu.sync_copy(rows.at[1], acc.at[pl.ds(s * RPT + t * K, K)])
    pltpu.sync_copy(rows.at[1, pl.ds(0, RPT - 7 * K)],
                    acc.at[pl.ds(s * RPT + 7 * K, RPT - 7 * K)])
    @pl.when(s == NS - 1)
    def _():
        pltpu.sync_copy(rows.at[1, pl.ds(0, TAIL)],
                        acc.at[pl.ds(RPT * NS, TAIL)])
    plsc.subcore_barrier()

    def idx_start(i, slot):
        pltpu.async_copy(sd4_hbm.at[0, wid * STEPS + i], ibuf_s.at[slot], isem_s)
        pltpu.async_copy(sd4_hbm.at[1, wid * STEPS + i], ibuf_d.at[slot], isem_d)

    def idx_wait(i, slot):
        pltpu.make_async_copy(
            sd4_hbm.at[0, wid * STEPS + i], ibuf_s.at[slot], isem_s).wait()
        pltpu.make_async_copy(
            sd4_hbm.at[1, wid * STEPS + i], ibuf_d.at[slot], isem_d).wait()

    def gather_desc(i, b, slot):
        return pltpu.make_async_copy(
            node_hbm.at[ibuf_s.at[slot, 0]], rows.at[b], gsem)

    def ef_desc(i, b):
        return pltpu.make_async_copy(
            ef_hbm.at[pl.ds(base + i * K, K)], ef.at[b], esem)

    def scat_desc(i, b, slot):
        return pltpu.make_async_copy(
            rows.at[b], acc.at[ibuf_d.at[slot, 0]], ssem)

    def adds(b):
        def addrow(r, c2):
            for j in range(D // 16):
                sl = pl.ds(j * 16, 16)
                rows[b, r, sl] = rows[b, r, sl] + ef[b, r, sl]
            return c2
        lax.fori_loop(0, K, addrow, 0)

    def step(i, b, slot, first=False, last=False):
        nb = 1 - b
        nslot = (slot + 1) % 4
        if not last:
            idx_start(i + 1, nslot)
        gather_desc(i, b, slot).wait()
        ef_desc(i, b).wait()
        if not first:
            scat_desc(i - 1, nb, (slot + 3) % 4).wait()
        if not last:
            idx_wait(i + 1, nslot)
            gather_desc(i + 1, nb, nslot).start()
            ef_desc(i + 1, nb).start()
        adds(b)
        scat_desc(i, b, slot).start(add=True)

    pltpu.sync_copy(sd4_hbm.at[0, wid * STEPS], ibuf_s.at[0])
    pltpu.sync_copy(sd4_hbm.at[1, wid * STEPS], ibuf_d.at[0])
    gather_desc(0, 0, 0).start()
    ef_desc(0, 0).start()
    step(0, 0, 0, first=True)

    def group(g, carry):
        i0 = 1 + 4 * g
        for p in range(4):
            step(i0 + p, (1 + p) % 2, (1 + p) % 4)
        return carry

    NG = (STEPS - 2) // 4
    lax.fori_loop(0, NG, group, 0)

    for i in range(1 + 4 * NG, STEPS):
        step(i, i % 2, i % 4, last=(i == STEPS - 1))
    scat_desc(STEPS - 1, (STEPS - 1) % 2, (STEPS - 1) % 4).wait()
    plsc.subcore_barrier()

    pltpu.sync_copy(acc.at[pl.ds(s * RPT, RPT)],
                    part_hbm.at[c, pl.ds(s * RPT, RPT)])
    @pl.when(s == NS - 1)
    def _():
        pltpu.sync_copy(acc.at[pl.ds(RPT * NS, TAIL)],
                        part_hbm.at[c, pl.ds(RPT * NS, TAIL)])


_sc_segment_sum = pl.kernel(
    _sc_body,
    out_type=jax.ShapeDtypeStruct((NC, N, D), jnp.float32),
    mesh=plsc.VectorSubcoreMesh(core_axis_name="c", subcore_axis_name="s"),
    scratch_types=[
        pltpu.VMEM((4, 1, K), jnp.int32),
        pltpu.VMEM((4, 1, K), jnp.int32),
        pltpu.VMEM((2, K, D), jnp.float32),
        pltpu.VMEM((2, K, D), jnp.float32),
        pltpu.VMEM_SHARED((N, D), jnp.float32),
        pltpu.SemaphoreType.DMA,
        pltpu.SemaphoreType.DMA,
        pltpu.SemaphoreType.DMA,
        pltpu.SemaphoreType.DMA,
        pltpu.SemaphoreType.DMA,
    ],
)


BLK = 2000


def _mlp_body(p0_ref, p1_ref, w1_ref, b1_ref, w2_ref, b2_ref, o_ref):
    x = p0_ref[0] + p1_ref[0]
    h = jnp.dot(x, w1_ref[...], preferred_element_type=jnp.float32)
    h = jnp.maximum(h + b1_ref[...], 0.0)
    o = jnp.dot(h, w2_ref[...], preferred_element_type=jnp.float32)
    o_ref[...] = o + b2_ref[...]


_mlp = pl.pallas_call(
    _mlp_body,
    grid=(N // BLK,),
    in_specs=[
        pl.BlockSpec((1, BLK, D), lambda i: (0, i, 0)),
        pl.BlockSpec((1, BLK, D), lambda i: (1, i, 0)),
        pl.BlockSpec((D, H), lambda i: (0, 0)),
        pl.BlockSpec((1, H), lambda i: (0, 0)),
        pl.BlockSpec((H, O), lambda i: (0, 0)),
        pl.BlockSpec((1, O), lambda i: (0, 0)),
    ],
    out_specs=pl.BlockSpec((BLK, O), lambda i: (i, 0)),
    out_shape=jax.ShapeDtypeStruct((N, O), jnp.float32),
)


@jax.jit
def kernel(node_feats, edge_feats, edge_index, W1, b1, W2, b2):
    sd4 = edge_index.reshape(2, NW * STEPS, 1, K)
    parts = _sc_segment_sum(node_feats, edge_feats, sd4)
    return _mlp(parts, parts, W1, b1.reshape(1, H), W2, b2.reshape(1, O))

# --- scband reference (transcript-rebuilt; emitter-appended) ---
"""Pipeline reference for scband-simple-gin-5514738008783 (READ-ONLY COPY).

The authoritative reference and input builder live on the scoring server;
editing this copy changes nothing except your own understanding.
"""

import jax, jax.numpy as jnp
import numpy as np

N = 10000
E = 320000
D = 128
H = 128
O = 128


def setup_inputs(seed: int = 0) -> dict:
    key = jax.random.key(seed)
    k1, k2, k3, k4, k5, k6, k7 = jax.random.split(key, 7)
    node_feats = jax.random.normal(k1, (N, D), dtype=jnp.float32)
    edge_feats = jax.random.normal(k2, (E, D), dtype=jnp.float32)
    edge_index = jax.random.randint(k3, (2, E), 0, N, dtype=jnp.int32)
    # MLP parameters: Linear(D->H), ReLU, Linear(H->O)
    W1 = jax.random.normal(k4, (D, H), dtype=jnp.float32) * (1.0 / np.sqrt(D))
    b1 = jax.random.normal(k5, (H,), dtype=jnp.float32) * 0.01
    W2 = jax.random.normal(k6, (H, O), dtype=jnp.float32) * (1.0 / np.sqrt(H))
    b2 = jax.random.normal(k7, (O,), dtype=jnp.float32) * 0.01
    return {"node_feats": node_feats, "edge_feats": edge_feats, "edge_index": edge_index,
            "W1": W1, "b1": b1, "W2": W2, "b2": b2}


def reference(node_feats, edge_feats, edge_index, W1, b1, W2, b2):
    # GIN message passing with edge features:
    #   message on edge (u -> v): m = h_u + h_e   (fn.u_add_e)
    #   reduce at dst node v:     h_out[v] = sum of incoming messages (fn.sum)
    src = edge_index[0]
    dst = edge_index[1]
    msgs = jnp.take(node_feats, src, axis=0) + edge_feats
    h_out = jax.ops.segment_sum(msgs, dst, num_segments=node_feats.shape[0])
    # 2-layer MLP applied AFTER message passing
    h = jnp.maximum(jnp.dot(h_out, W1) + b1, 0.0)
    return jnp.dot(h, W2) + b2

if __name__ == "__main__":
    import jax
    _d = setup_inputs()
    print(jax.jit(kernel)(*tuple(_d.values())))

</pallas_src>

<mosaic_0001>
#map = affine_map<(d0, d1) -> (0, 0)>
#map1 = affine_map<(d0, d1) -> (0, 0, 0, 0)>
#map2 = affine_map<(d0, d1) -> (0, 0, 0)>
module attributes {stable_mosaic.version = 14 : i64} {
  func.func @_sc_body(%arg0: i32, %arg1: i32, %arg2: memref<10000x128xf32, #tpu.memory_space<hbm>>, %arg3: memref<320000x128xf32, #tpu.memory_space<hbm>>, %arg4: memref<2x4000x1x80xi32, #tpu.memory_space<hbm>>, %arg5: memref<2x10000x128xf32, #tpu.memory_space<hbm>>, %arg6: memref<4x1x80xi32, #tpu.memory_space<vmem>>, %arg7: memref<4x1x80xi32, #tpu.memory_space<vmem>>, %arg8: memref<2x80x128xf32, #tpu.memory_space<vmem>>, %arg9: memref<2x80x128xf32, #tpu.memory_space<vmem>>, %arg10: memref<10000x128xf32, #tpu.memory_space<vmem_shared>>, %arg11: memref<!tpu.dma_semaphore, #tpu.memory_space<semaphore_mem>>, %arg12: memref<!tpu.dma_semaphore, #tpu.memory_space<semaphore_mem>>, %arg13: memref<!tpu.dma_semaphore, #tpu.memory_space<semaphore_mem>>, %arg14: memref<!tpu.dma_semaphore, #tpu.memory_space<semaphore_mem>>, %arg15: memref<!tpu.dma_semaphore, #tpu.memory_space<semaphore_mem>>) attributes {dimension_semantics = [#tpu.dimension_semantics<core_parallel>, #tpu.dimension_semantics<subcore_parallel>], iteration_bounds = array<i64: 2, 16>, scalar_prefetch = 0 : i64, scratch_operands = 10 : i64, tpu.core_type = #tpu.core_type<sc_vector_subcore>, window_params = [{transform_indices = #map}, {transform_indices = #map}, {transform_indices = #map1}, {transform_indices = #map2}]} {
    %mul3A = arith.constant 16 : i32
    %mul3A_0 = arith.muli %arg0, %mul3A : i32
    %add3A = arith.addi %mul3A_0, %arg1 : i32
    %mul3A_1 = arith.constant 10000 : i32
    %mul3A_2 = arith.muli %add3A, %mul3A_1 : i32
    %scan3A = arith.constant 0 : i32
    %scan3A_3 = arith.constant 0 : i32
    %scan3A_4 = arith.constant 80 : i32
    %scan3A_5 = arith.addi %scan3A_3, %scan3A_4 : i32
    %scan3A_6 = arith.constant 1 : i32
    scf.for %scan3A_863 = %scan3A_3 to %scan3A_5 step %scan3A_6  : i32 {
      %broadcast_in_dim3A = arith.constant 0.000000e+00 : f32
      %broadcast_in_dim3A_864 = vector.broadcast %broadcast_in_dim3A : f32 to vector<16xf32>
      %swap3A = arith.constant 1 : i32
      %swap3A_865 = arith.index_cast %swap3A : i32 to index
      %swap3A_866 = arith.index_cast %scan3A_863 : i32 to index
      %swap3A_867 = arith.constant 0 : index
      %swap3A_868 = tpu.vector_load %arg8[%swap3A_865, %swap3A_866, %swap3A_867] {strides = array<i32>} : memref<2x80x128xf32, #tpu.memory_space<vmem>>, vector<1x1x16xf32>,
      %swap3A_869 = vector.shape_cast %swap3A_868 : vector<1x1x16xf32> to vector<16xf32>
      %swap3A_870 = vector.shape_cast %broadcast_in_dim3A_864 : vector<16xf32> to vector<1x1x16xf32>
      tpu.vector_store %arg8[%swap3A_865, %swap3A_866, %swap3A_867], %swap3A_870 {strides = array<i32>} : memref<2x80x128xf32, #tpu.memory_space<vmem>>, vector<1x1x16xf32>,
      %broadcast_in_dim3A_871 = arith.constant 0.000000e+00 : f32
      %broadcast_in_dim3A_872 = vector.broadcast %broadcast_in_dim3A_871 : f32 to vector<16xf32>
      %swap3A_873 = arith.constant 1 : i32
      %swap3A_874 = arith.index_cast %swap3A_873 : i32 to index
      %swap3A_875 = arith.index_cast %scan3A_863 : i32 to index
      %swap3A_876 = arith.constant 16 : index
      %swap3A_877 = tpu.vector_load %arg8[%swap3A_874, %swap3A_875, %swap3A_876] {strides = array<i32>} : memref<2x80x128xf32, #tpu.memory_space<vmem>>, vector<1x1x16xf32>,
      %swap3A_878 = vector.shape_cast %swap3A_877 : vector<1x1x16xf32> to vector<16xf32>
      %swap3A_879 = vector.shape_cast %broadcast_in_dim3A_872 : vector<16xf32> to vector<1x1x16xf32>
      tpu.vector_store %arg8[%swap3A_874, %swap3A_875, %swap3A_876], %swap3A_879 {strides = array<i32>} : memref<2x80x128xf32, #tpu.memory_space<vmem>>, vector<1x1x16xf32>,
      %broadcast_in_dim3A_880 = arith.constant 0.000000e+00 : f32
      %broadcast_in_dim3A_881 = vector.broadcast %broadcast_in_dim3A_880 : f32 to vector<16xf32>
      %swap3A_882 = arith.constant 1 : i32
      %swap3A_883 = arith.index_cast %swap3A_882 : i32 to index
      %swap3A_884 = arith.index_cast %scan3A_863 : i32 to index
      %swap3A_885 = arith.constant 32 : index
      %swap3A_886 = tpu.vector_load %arg8[%swap3A_883, %swap3A_884, %swap3A_885] {strides = array<i32>} : memref<2x80x128xf32, #tpu.memory_space<vmem>>, vector<1x1x16xf32>,
      %swap3A_887 = vector.shape_cast %swap3A_886 : vector<1x1x16xf32> to vector<16xf32>
      %swap3A_888 = vector.shape_cast %broadcast_in_dim3A_881 : vector<16xf32> to vector<1x1x16xf32>
      tpu.vector_store %arg8[%swap3A_883, %swap3A_884, %swap3A_885], %swap3A_888 {strides = array<i32>} : memref<2x80x128xf32, #tpu.memory_space<vmem>>, vector<1x1x16xf32>,
      %broadcast_in_dim3A_889 = arith.constant 0.000000e+00 : f32
      %broadcast_in_dim3A_890 = vector.broadcast %broadcast_in_dim3A_889 : f32 to vector<16xf32>
      %swap3A_891 = arith.constant 1 : i32
      %swap3A_892 = arith.index_cast %swap3A_891 : i32 to index
      %swap3A_893 = arith.index_cast %scan3A_863 : i32 to index
      %swap3A_894 = arith.constant 48 : index
      %swap3A_895 = tpu.vector_load %arg8[%swap3A_892, %swap3A_893, %swap3A_894] {strides = array<i32>} : memref<2x80x128xf32, #tpu.memory_space<vmem>>, vector<1x1x16xf32>,
      %swap3A_896 = vector.shape_cast %swap3A_895 : vector<1x1x16xf32> to vector<16xf32>
      %swap3A_897 = vector.shape_cast %broadcast_in_dim3A_890 : vector<16xf32> to vector<1x1x16xf32>
      tpu.vector_store %arg8[%swap3A_892, %swap3A_893, %swap3A_894], %swap3A_897 {strides = array<i32>} : memref<2x80x128xf32, #tpu.memory_space<vmem>>, vector<1x1x16xf32>,
      %broadcast_in_dim3A_898 = arith.constant 0.000000e+00 : f32
      %broadcast_in_dim3A_899 = vector.broadcast %broadcast_in_dim3A_898 : f32 to vector<16xf32>
      %swap3A_900 = arith.constant 1 : i32
      %swap3A_901 = arith.index_cast %swap3A_900 : i32 to index
      %swap3A_902 = arith.index_cast %scan3A_863 : i32 to index
      %swap3A_903 = arith.constant 64 : index
      %swap3A_904 = tpu.vector_load %arg8[%swap3A_901, %swap3A_902, %swap3A_903] {strides = array<i32>} : memref<2x80x128xf32, #tpu.memory_space<vmem>>, vector<1x1x16xf32>,
      %swap3A_905 = vector.shape_cast %swap3A_904 : vector<1x1x16xf32> to vector<16xf32>
      %swap3A_906 = vector.shape_cast %broadcast_in_dim3A_899 : vector<16xf32> to vector<1x1x16xf32>
      tpu.vector_store %arg8[%swap3A_901, %swap3A_902, %swap3A_903], %swap3A_906 {strides = array<i32>} : memref<2x80x128xf32, #tpu.memory_space<vmem>>, vector<1x1x16xf32>,
      %broadcast_in_dim3A_907 = arith.constant 0.000000e+00 : f32
      %broadcast_in_dim3A_908 = vector.broadcast %broadcast_in_dim3A_907 : f32 to vector<16xf32>
      %swap3A_909 = arith.constant 1 : i32
      %swap3A_910 = arith.index_cast %swap3A_909 : i32 to index
      %swap3A_911 = arith.index_cast %scan3A_863 : i32 to index
      %swap3A_912 = arith.constant 80 : index
      %swap3A_913 = tpu.vector_load %arg8[%swap3A_910, %swap3A_911, %swap3A_912] {strides = array<i32>} : memref<2x80x128xf32, #tpu.memory_space<vmem>>, vector<1x1x16xf32>,
      %swap3A_914 = vector.shape_cast %swap3A_913 : vector<1x1x16xf32> to vector<16xf32>
      %swap3A_915 = vector.shape_cast %broadcast_in_dim3A_908 : vector<16xf32> to vector<1x1x16xf32>
      tpu.vector_store %arg8[%swap3A_910, %swap3A_911, %swap3A_912], %swap3A_915 {strides = array<i32>} : memref<2x80x128xf32, #tpu.memory_space<vmem>>, vector<1x1x16xf32>,
      %broadcast_in_dim3A_916 = arith.constant 0.000000e+00 : f32
      %broadcast_in_dim3A_917 = vector.broadcast %broadcast_in_dim3A_916 : f32 to vector<16xf32>
      %swap3A_918 = arith.constant 1 : i32
      %swap3A_919 = arith.index_cast %swap3A_918 : i32 to index
      %swap3A_920 = arith.index_cast %scan3A_863 : i32 to index
      %swap3A_921 = arith.constant 96 : index
      %swap3A_922 = tpu.vector_load %arg8[%swap3A_919, %swap3A_920, %swap3A_921] {strides = array<i32>} : memref<2x80x128xf32, #tpu.memory_space<vmem>>, vector<1x1x16xf32>,
      %swap3A_923 = vector.shape_cast %swap3A_922 : vector<1x1x16xf32> to vector<16xf32>
      %swap3A_924 = vector.shape_cast %broadcast_in_dim3A_917 : vector<16xf32> to vector<1x1x16xf32>
      tpu.vector_store %arg8[%swap3A_919, %swap3A_920, %swap3A_921], %swap3A_924 {strides = array<i32>} : memref<2x80x128xf32, #tpu.memory_space<vmem>>, vector<1x1x16xf32>,
      %broadcast_in_dim3A_925 = arith.constant 0.000000e+00 : f32
      %broadcast_in_dim3A_926 = vector.broadcast %broadcast_in_dim3A_925 : f32 to vector<16xf32>
      %swap3A_927 = arith.constant 1 : i32
      %swap3A_928 = arith.index_cast %swap3A_927 : i32 to index
      %swap3A_929 = arith.index_cast %scan3A_863 : i32 to index
      %swap3A_930 = arith.constant 112 : index
      %swap3A_931 = tpu.vector_load %arg8[%swap3A_928, %swap3A_929, %swap3A_930] {strides = array<i32>} : memref<2x80x128xf32, #tpu.memory_space<vmem>>, vector<1x1x16xf32>,
      %swap3A_932 = vector.shape_cast %swap3A_931 : vector<1x1x16xf32> to vector<16xf32>
      %swap3A_933 = vector.shape_cast %broadcast_in_dim3A_926 : vector<16xf32> to vector<1x1x16xf32>
      tpu.vector_store %arg8[%swap3A_928, %swap3A_929, %swap3A_930], %swap3A_933 {strides = array<i32>} : memref<2x80x128xf32, #tpu.memory_space<vmem>>, vector<1x1x16xf32>,
    }
    %scan3A_7 = arith.constant 80 : i32
    %mul3A_8 = arith.constant 624 : i32
    %mul3A_9 = arith.muli %arg1, %mul3A_8 : i32
    %add3A_10 = arith.constant 0 : i32
    %add3A_11 = arith.addi %mul3A_9, %add3A_10 : i32
    %run_scoped3A = arith.constant 1 : i32
    "tpu.region"() ({
      %run_scoped3A_863 = tpu.sem_alloc : memref<!tpu.dma_semaphore, #tpu.memory_space<semaphore_mem>>
      %dma_start3A_864 = arith.constant 0 : i32
      %dma_start3A_865 = arith.constant 0 : i32
      %dma_start3A_866 = tpu.memref_slice %arg8[%run_scoped3A, %dma_start3A_864, %dma_start3A_865] : memref<2x80x128xf32, #tpu.memory_space<vmem>> -> memref<1x80x128xf32, #tpu.memory_space<vmem>>
      %dma_start3A_867 = tpu.memref_squeeze %dma_start3A_866 : memref<1x80x128xf32, #tpu.memory_space<vmem>> -> memref<80x128xf32, #tpu.memory_space<vmem>>
      %dma_start3A_868 = arith.constant 0 : i32
      %dma_start3A_869 = tpu.memref_slice %arg10[%add3A_11, %dma_start3A_868] : memref<10000x128xf32, #tpu.memory_space<vmem_shared>> -> memref<80x128xf32, #tpu.memory_space<vmem_shared>>
      %dma_start3A_870 = arith.constant 0 : i32
      %dma_start3A_871 = tpu.memref_slice %arg10[%add3A_11, %dma_start3A_870] : memref<10000x128xf32, #tpu.memory_space<vmem_shared>> -> memref<80x128xf32, #tpu.memory_space<vmem_shared>>
      %dma_start3A_872 = arith.constant 0 : i32
      %dma_start3A_873 = arith.constant 0 : i32
      %dma_start3A_874 = tpu.memref_slice %arg8[%run_scoped3A, %dma_start3A_872, %dma_start3A_873] : memref<2x80x128xf32, #tpu.memory_space<vmem>> -> memref<1x80x128xf32, #tpu.memory_space<vmem>>
      %dma_start3A_875 = tpu.memref_squeeze %dma_start3A_874 : memref<1x80x128xf32, #tpu.memory_space<vmem>> -> memref<80x128xf32, #tpu.memory_space<vmem>>
      tpu.enqueue_dma source(%dma_start3A_875 : memref<80x128xf32, #tpu.memory_space<vmem>>) target(%dma_start3A_871 : memref<80x128xf32, #tpu.memory_space<vmem_shared>>) target_semaphore(%run_scoped3A_863 : memref<!tpu.dma_semaphore, #tpu.memory_space<semaphore_mem>>)
      %dma_wait3A_876 = arith.constant 0 : i32
      %dma_wait3A_877 = arith.constant 0 : i32
      %dma_wait3A_878 = tpu.memref_slice %arg8[%run_scoped3A, %dma_wait3A_876, %dma_wait3A_877] : memref<2x80x128xf32, #tpu.memory_space<vmem>> -> memref<1x80x128xf32, #tpu.memory_space<vmem>>
      %dma_wait3A_879 = tpu.memref_squeeze %dma_wait3A_878 : memref<1x80x128xf32, #tpu.memory_space<vmem>> -> memref<80x128xf32, #tpu.memory_space<vmem>>
      %dma_wait3A_880 = arith.constant 0 : i32
      %dma_wait3A_881 = tpu.memref_slice %arg10[%add3A_11, %dma_wait3A_880] : memref<10000x128xf32, #tpu.memory_space<vmem_shared>> -> memref<80x128xf32, #tpu.memory_space<vmem_shared>>
      %dma_wait3A_882 = arith.constant 0 : i32
      %dma_wait3A_883 = tpu.memref_slice %arg10[%add3A_11, %dma_wait3A_882] : memref<10000x128xf32, #tpu.memory_space<vmem_shared>> -> memref<80x128xf32, #tpu.memory_space<vmem_shared>>
      %dma_wait3A_884 = arith.constant 0 : i32
      %dma_wait3A_885 = arith.constant 0 : i32
      %dma_wait3A_886 = tpu.memref_slice %arg8[%run_scoped3A, %dma_wait3A_884, %dma_wait3A_885] : memref<2x80x128xf32, #tpu.memory_space<vmem>> -> memref<1x80x128xf32, #tpu.memory_space<vmem>>
      %dma_wait3A_887 = tpu.memref_squeeze %dma_wait3A_886 : memref<1x80x128xf32, #tpu.memory_space<vmem>> -> memref<80x128xf32, #tpu.memory_space<vmem>>
      tpu.wait_dma2 semaphore(%run_scoped3A_863 : memref<!tpu.dma_semaphore, #tpu.memory_space<semaphore_mem>>) src(%dma_wait3A_887 : memref<80x128xf32, #tpu.memory_space<vmem>>) dst(%dma_wait3A_883 : memref<80x128xf32, #tpu.memory_space<vmem_shared>>)
      tpu.yield
    }) : () -> ()
    %mul3A_12 = arith.constant 624 : i32
    %mul3A_13 = arith.muli %arg1, %mul3A_12 : i32
    %add3A_14 = arith.constant 80 : i32
    %add3A_15 = arith.addi %mul3A_13, %add3A_14 : i32
    %run_scoped3A_16 = arith.constant 1 : i32
    "tpu.region"() ({
      %run_scoped3A_863 = tpu.sem_alloc : memref<!tpu.dma_semaphore, #tpu.memory_space<semaphore_mem>>
      %dma_start3A_864 = arith.constant 0 : i32
      %dma_start3A_865 = arith.constant 0 : i32
      %dma_start3A_866 = tpu.memref_slice %arg8[%run_scoped3A_16, %dma_start3A_864, %dma_start3A_865] : memref<2x80x128xf32, #tpu.memory_space<vmem>> -> memref<1x80x128xf32, #tpu.memory_space<vmem>>
      %dma_start3A_867 = tpu.memref_squeeze %dma_start3A_866 : memref<1x80x128xf32, #tpu.memory_space<vmem>> -> memref<80x128xf32, #tpu.memory_space<vmem>>
      %dma_start3A_868 = arith.constant 0 : i32
      %dma_start3A_869 = tpu.memref_slice %arg10[%add3A_15, %dma_start3A_868] : memref<10000x128xf32, #tpu.memory_space<vmem_shared>> -> memref<80x128xf32, #tpu.memory_space<vmem_shared>>
      %dma_start3A_870 = arith.constant 0 : i32
      %dma_start3A_871 = tpu.memref_slice %arg10[%add3A_15, %dma_start3A_870] : memref<10000x128xf32, #tpu.memory_space<vmem_shared>> -> memref<80x128xf32, #tpu.memory_space<vmem_shared>>
      %dma_start3A_872 = arith.constant 0 : i32
      %dma_start3A_873 = arith.constant 0 : i32
      %dma_start3A_874 = tpu.memref_slice %arg8[%run_scoped3A_16, %dma_start3A_872, %dma_start3A_873] : memref<2x80x128xf32, #tpu.memory_space<vmem>> -> memref<1x80x128xf32, #tpu.memory_space<vmem>>
      %dma_start3A_875 = tpu.memref_squeeze %dma_start3A_874 : memref<1x80x128xf32, #tpu.memory_space<vmem>> -> memref<80x128xf32, #tpu.memory_space<vmem>>
      tpu.enqueue_dma source(%dma_start3A_875 : memref<80x128xf32, #tpu.memory_space<vmem>>) target(%dma_start3A_871 : memref<80x128xf32, #tpu.memory_space<vmem_shared>>) target_semaphore(%run_scoped3A_863 : memref<!tpu.dma_semaphore, #tpu.memory_space<semaphore_mem>>)
      %dma_wait3A_876 = arith.constant 0 : i32
      %dma_wait3A_877 = arith.constant 0 : i32
      %dma_wait3A_878 = tpu.memref_slice %arg8[%run_scoped3A_16, %dma_wait3A_876, %dma_wait3A_877] : memref<2x80x128xf32, #tpu.memory_space<vmem>> -> memref<1x80x128xf32, #tpu.memory_space<vmem>>
      %dma_wait3A_879 = tpu.memref_squeeze %dma_wait3A_878 : memref<1x80x128xf32, #tpu.memory_space<vmem>> -> memref<80x128xf32, #tpu.memory_space<vmem>>
      %dma_wait3A_880 = arith.constant 0 : i32
      %dma_wait3A_881 = tpu.memref_slice %arg10[%add3A_15, %dma_wait3A_880] : memref<10000x128xf32, #tpu.memory_space<vmem_shared>> -> memref<80x128xf32, #tpu.memory_space<vmem_shared>>
      %dma_wait3A_882 = arith.constant 0 : i32
      %dma_wait3A_883 = tpu.memref_slice %arg10[%add3A_15, %dma_wait3A_882] : memref<10000x128xf32, #tpu.memory_space<vmem_shared>> -> memref<80x128xf32, #tpu.memory_space<vmem_shared>>
      %dma_wait3A_884 = arith.constant 0 : i32
      %dma_wait3A_885 = arith.constant 0 : i32
      %dma_wait3A_886 = tpu.memref_slice %arg8[%run_scoped3A_16, %dma_wait3A_884, %dma_wait3A_885] : memref<2x80x128xf32, #tpu.memory_space<vmem>> -> memref<1x80x128xf32, #tpu.memory_space<vmem>>
      %dma_wait3A_887 = tpu.memref_squeeze %dma_wait3A_886 : memref<1x80x128xf32, #tpu.memory_space<vmem>> -> memref<80x128xf32, #tpu.memory_space<vmem>>
      tpu.wait_dma2 semaphore(%run_scoped3A_863 : memref<!tpu.dma_semaphore, #tpu.memory_space<semaphore_mem>>) src(%dma_wait3A_887 : memref<80x128xf32, #tpu.memory_space<vmem>>) dst(%dma_wait3A_883 : memref<80x128xf32, #tpu.memory_space<vmem_shared>>)
      tpu.yield
    }) : () -> ()
    %mul3A_17 = arith.constant 624 : i32
    %mul3A_18 = arith.muli %arg1, %mul3A_17 : i32
    %add3A_19 = arith.constant 160 : i32
    %add3A_20 = arith.addi %mul3A_18, %add3A_19 : i32
    %run_scoped3A_21 = arith.constant 1 : i32
    "tpu.region"() ({
      %run_scoped3A_863 = tpu.sem_alloc : memref<!tpu.dma_semaphore, #tpu.memory_space<semaphore_mem>>
      %dma_start3A_864 = arith.constant 0 : i32
      %dma_start3A_865 = arith.constant 0 : i32
      %dma_start3A_866 = tpu.memref_slice %arg8[%run_scoped3A_21, %dma_start3A_864, %dma_start3A_865] : memref<2x80x128xf32, #tpu.memory_space<vmem>> -> memref<1x80x128xf32, #tpu.memory_space<vmem>>
      %dma_start3A_867 = tpu.memref_squeeze %dma_start3A_866 : memref<1x80x128xf32, #tpu.memory_space<vmem>> -> memref<80x128xf32, #tpu.memory_space<vmem>>
      %dma_start3A_868 = arith.constant 0 : i32
      %dma_start3A_869 = tpu.memref_slice %arg10[%add3A_20, %dma_start3A_868] : memref<10000x128xf32, #tpu.memory_space<vmem_shared>> -> memref<80x128xf32, #tpu.memory_space<vmem_shared>>
      %dma_start3A_870 = arith.constant 0 : i32
      %dma_start3A_871 = tpu.memref_slice %arg10[%add3A_20, %dma_start3A_870] : memref<10000x128xf32, #tpu.memory_space<vmem_shared>> -> memref<80x128xf32, #tpu.memory_space<vmem_shared>>
      %dma_start3A_872 = arith.constant 0 : i32
      %dma_start3A_873 = arith.constant 0 : i32
      %dma_start3A_874 = tpu.memref_slice %arg8[%run_scoped3A_21, %dma_start3A_872, %dma_start3A_873] : memref<2x80x128xf32, #tpu.memory_space<vmem>> -> memref<1x80x128xf32, #tpu.memory_space<vmem>>
      %dma_start3A_875 = tpu.memref_squeeze %dma_start3A_874 : memref<1x80x128xf32, #tpu.memory_space<vmem>> -> memref<80x128xf32, #tpu.memory_space<vmem>>
      tpu.enqueue_dma source(%dma_start3A_875 : memref<80x128xf32, #tpu.memory_space<vmem>>) target(%dma_start3A_871 : memref<80x128xf32, #tpu.memory_space<vmem_shared>>) target_semaphore(%run_scoped3A_863 : memref<!tpu.dma_semaphore, #tpu.memory_space<semaphore_mem>>)
      %dma_wait3A_876 = arith.constant 0 : i32
      %dma_wait3A_877 = arith.constant 0 : i32
      %dma_wait3A_878 = tpu.memref_slice %arg8[%run_scoped3A_21, %dma_wait3A_876, %dma_wait3A_877] : memref<2x80x128xf32, #tpu.memory_space<vmem>> -> memref<1x80x128xf32, #tpu.memory_space<vmem>>
      %dma_wait3A_879 = tpu.memref_squeeze %dma_wait3A_878 : memref<1x80x128xf32, #tpu.memory_space<vmem>> -> memref<80x128xf32, #tpu.memory_space<vmem>>
      %dma_wait3A_880 = arith.constant 0 : i32
      %dma_wait3A_881 = tpu.memref_slice %arg10[%add3A_20, %dma_wait3A_880] : memref<10000x128xf32, #tpu.memory_space<vmem_shared>> -> memref<80x128xf32, #tpu.memory_space<vmem_shared>>
      %dma_wait3A_882 = arith.constant 0 : i32
      %dma_wait3A_883 = tpu.memref_slice %arg10[%add3A_20, %dma_wait3A_882] : memref<10000x128xf32, #tpu.memory_space<vmem_shared>> -> memref<80x128xf32, #tpu.memory_space<vmem_shared>>
      %dma_wait3A_884 = arith.constant 0 : i32
      %dma_wait3A_885 = arith.constant 0 : i32
      %dma_wait3A_886 = tpu.memref_slice %arg8[%run_scoped3A_21, %dma_wait3A_884, %dma_wait3A_885] : memref<2x80x128xf32, #tpu.memory_space<vmem>> -> memref<1x80x128xf32, #tpu.memory_space<vmem>>
      %dma_wait3A_887 = tpu.memref_squeeze %dma_wait3A_886 : memref<1x80x128xf32, #tpu.memory_space<vmem>> -> memref<80x128xf32, #tpu.memory_space<vmem>>
      tpu.wait_dma2 semaphore(%run_scoped3A_863 : memref<!tpu.dma_semaphore, #tpu.memory_space<semaphore_mem>>) src(%dma_wait3A_887 : memref<80x128xf32, #tpu.memory_space<vmem>>) dst(%dma_wait3A_883 : memref<80x128xf32, #tpu.memory_space<vmem_shared>>)
      tpu.yield
    }) : () -> ()
    %mul3A_22 = arith.constant 624 : i32
    %mul3A_23 = arith.muli %arg1, %mul3A_22 : i32
    %add3A_24 = arith.constant 240 : i32
    %add3A_25 = arith.addi %mul3A_23, %add3A_24 : i32
    %run_scoped3A_26 = arith.constant 1 : i32
    "tpu.region"() ({
      %run_scoped3A_863 = tpu.sem_alloc : memref<!tpu.dma_semaphore, #tpu.memory_space<semaphore_mem>>
      %dma_start3A_864 = arith.constant 0 : i32
      %dma_start3A_865 = arith.constant 0 : i32
      %dma_start3A_866 = tpu.memref_slice %arg8[%run_scoped3A_26, %dma_start3A_864, %dma_start3A_865] : memref<2x80x128xf32, #tpu.memory_space<vmem>> -> memref<1x80x128xf32, #tpu.memory_space<vmem>>
      %dma_start3A_867 = tpu.memref_squeeze %dma_start3A_866 : memref<1x80x128xf32, #tpu.memory_space<vmem>> -> memref<80x128xf32, #tpu.memory_space<vmem>>
      %dma_start3A_868 = arith.constant 0 : i32
      %dma_start3A_869 = tpu.memref_slice %arg10[%add3A_25, %dma_start3A_868] : memref<10000x128xf32, #tpu.memory_space<vmem_shared>> -> memref<80x128xf32, #tpu.memory_space<vmem_shared>>
      %dma_start3A_870 = arith.constant 0 : i32
      %dma_start3A_871 = tpu.memref_slice %arg10[%add3A_25, %dma_start3A_870] : memref<10000x128xf32, #tpu.memory_space<vmem_shared>> -> memref<80x128xf32, #tpu.memory_space<vmem_shared>>
      %dma_start3A_872 = arith.constant 0 : i32
      %dma_start3A_873 = arith.constant 0 : i32
      %dma_start3A_874 = tpu.memref_slice %arg8[%run_scoped3A_26, %dma_start3A_872, %dma_start3A_873] : memref<2x80x128xf32, #tpu.memory_space<vmem>> -> memref<1x80x128xf32, #tpu.memory_space<vmem>>
      %dma_start3A_875 = tpu.memref_squeeze %dma_start3A_874 : memref<1x80x128xf32, #tpu.memory_space<vmem>> -> memref<80x128xf32, #tpu.memory_space<vmem>>
      tpu.enqueue_dma source(%dma_start3A_875 : memref<80x128xf32, #tpu.memory_space<vmem>>) target(%dma_start3A_871 : memref<80x128xf32, #tpu.memory_space<vmem_shared>>) target_semaphore(%run_scoped3A_863 : memref<!tpu.dma_semaphore, #tpu.memory_space<semaphore_mem>>)
      %dma_wait3A_876 = arith.constant 0 : i32
      %dma_wait3A_877 = arith.constant 0 : i32
      %dma_wait3A_878 = tpu.memref_slice %arg8[%run_scoped3A_26, %dma_wait3A_876, %dma_wait3A_877] : memref<2x80x128xf32, #tpu.memory_space<vmem>> -> memref<1x80x128xf32, #tpu.memory_space<vmem>>
      %dma_wait3A_879 = tpu.memref_squeeze %dma_wait3A_878 : memref<1x80x128xf32, #tpu.memory_space<vmem>> -> memref<80x128xf32, #tpu.memory_space<vmem>>
      %dma_wait3A_880 = arith.constant 0 : i32
      %dma_wait3A_881 = tpu.memref_slice %arg10[%add3A_25, %dma_wait3A_880] : memref<10000x128xf32, #tpu.memory_space<vmem_shared>> -> memref<80x128xf32, #tpu.memory_space<vmem_shared>>
      %dma_wait3A_882 = arith.constant 0 : i32
      %dma_wait3A_883 = tpu.memref_slice %arg10[%add3A_25, %dma_wait3A_882] : memref<10000x128xf32, #tpu.memory_space<vmem_shared>> -> memref<80x128xf32, #tpu.memory_space<vmem_shared>>
      %dma_wait3A_884 = arith.constant 0 : i32
      %dma_wait3A_885 = arith.constant 0 : i32
      %dma_wait3A_886 = tpu.memref_slice %arg8[%run_scoped3A_26, %dma_wait3A_884, %dma_wait3A_885] : memref<2x80x128xf32, #tpu.memory_space<vmem>> -> memref<1x80x128xf32, #tpu.memory_space<vmem>>
      %dma_wait3A_887 = tpu.memref_squeeze %dma_wait3A_886 : memref<1x80x128xf32, #tpu.memory_space<vmem>> -> memref<80x128xf32, #tpu.memory_space<vmem>>
      tpu.wait_dma2 semaphore(%run_scoped3A_863 : memref<!tpu.dma_semaphore, #tpu.memory_space<semaphore_mem>>) src(%dma_wait3A_887 : memref<80x128xf32, #tpu.memory_space<vmem>>) dst(%dma_wait3A_883 : memref<80x128xf32, #tpu.memory_space<vmem_shared>>)
      tpu.yield
    }) : () -> ()
    %mul3A_27 = arith.constant 624 : i32
    %mul3A_28 = arith.muli %arg1, %mul3A_27 : i32
    %add3A_29 = arith.constant 320 : i32
    %add3A_30 = arith.addi %mul3A_28, %add3A_29 : i32
    %run_scoped3A_31 = arith.constant 1 : i32
    "tpu.region"() ({
      %run_scoped3A_863 = tpu.sem_alloc : memref<!tpu.dma_semaphore, #tpu.memory_space<semaphore_mem>>
      %dma_start3A_864 = arith.constant 0 : i32
      %dma_start3A_865 = arith.constant 0 : i32
      %dma_start3A_866 = tpu.memref_slice %arg8[%run_scoped3A_31, %dma_start3A_864, %dma_start3A_865] : memref<2x80x128xf32, #tpu.memory_space<vmem>> -> memref<1x80x128xf32, #tpu.memory_space<vmem>>
      %dma_start3A_867 = tpu.memref_squeeze %dma_start3A_866 : memref<1x80x128xf32, #tpu.memory_space<vmem>> -> memref<80x128xf32, #tpu.memory_space<vmem>>
      %dma_start3A_868 = arith.constant 0 : i32
      %dma_start3A_869 = tpu.memref_slice %arg10[%add3A_30, %dma_start3A_868] : memref<10000x128xf32, #tpu.memory_space<vmem_shared>> -> memref<80x128xf32, #tpu.memory_space<vmem_shared>>
      %dma_start3A_870 = arith.constant 0 : i32
      %dma_start3A_871 = tpu.memref_slice %arg10[%add3A_30, %dma_start3A_870] : memref<10000x128xf32, #tpu.memory_space<vmem_shared>> -> memref<80x128xf32, #tpu.memory_space<vmem_shared>>
      %dma_start3A_872 = arith.constant 0 : i32
      %dma_start3A_873 = arith.constant 0 : i32
      %dma_start3A_874 = tpu.memref_slice %arg8[%run_scoped3A_31, %dma_start3A_872, %dma_start3A_873] : memref<2x80x128xf32, #tpu.memory_space<vmem>> -> memref<1x80x128xf32, #tpu.memory_space<vmem>>
      %dma_start3A_875 = tpu.memref_squeeze %dma_start3A_874 : memref<1x80x128xf32, #tpu.memory_space<vmem>> -> memref<80x128xf32, #tpu.memory_space<vmem>>
      tpu.enqueue_dma source(%dma_start3A_875 : memref<80x128xf32, #tpu.memory_space<vmem>>) target(%dma_start3A_871 : memref<80x128xf32, #tpu.memory_space<vmem_shared>>) target_semaphore(%run_scoped3A_863 : memref<!tpu.dma_semaphore, #tpu.memory_space<semaphore_mem>>)
      %dma_wait3A_876 = arith.constant 0 : i32
      %dma_wait3A_877 = arith.constant 0 : i32
      %dma_wait3A_878 = tpu.memref_slice %arg8[%run_scoped3A_31, %dma_wait3A_876, %dma_wait3A_877] : memref<2x80x128xf32, #tpu.memory_space<vmem>> -> memref<1x80x128xf32, #tpu.memory_space<vmem>>
      %dma_wait3A_879 = tpu.memref_squeeze %dma_wait3A_878 : memref<1x80x128xf32, #tpu.memory_space<vmem>> -> memref<80x128xf32, #tpu.memory_space<vmem>>
      %dma_wait3A_880 = arith.constant 0 : i32
      %dma_wait3A_881 = tpu.memref_slice %arg10[%add3A_30, %dma_wait3A_880] : memref<10000x128xf32, #tpu.memory_space<vmem_shared>> -> memref<80x128xf32, #tpu.memory_space<vmem_shared>>
      %dma_wait3A_882 = arith.constant 0 : i32
      %dma_wait3A_883 = tpu.memref_slice %arg10[%add3A_30, %dma_wait3A_882] : memref<10000x128xf32, #tpu.memory_space<vmem_shared>> -> memref<80x128xf32, #tpu.memory_space<vmem_shared>>
      %dma_wait3A_884 = arith.constant 0 : i32
      %dma_wait3A_885 = arith.constant 0 : i32
      %dma_wait3A_886 = tpu.memref_slice %arg8[%run_scoped3A_31, %dma_wait3A_884, %dma_wait3A_885] : memref<2x80x128xf32, #tpu.memory_space<vmem>> -> memref<1x80x128xf32, #tpu.memory_space<vmem>>
      %dma_wait3A_887 = tpu.memref_squeeze %dma_wait3A_886 : memref<1x80x128xf32, #tpu.memory_space<vmem>> -> memref<80x128xf32, #tpu.memory_space<vmem>>
      tpu.wait_dma2 semaphore(%run_scoped3A_863 : memref<!tpu.dma_semaphore, #tpu.memory_space<semaphore_mem>>) src(%dma_wait3A_887 : memref<80x128xf32, #tpu.memory_space<vmem>>) dst(%dma_wait3A_883 : memref<80x128xf32, #tpu.memory_space<vmem_shared>>)
      tpu.yield
    }) : () -> ()
    %mul3A_32 = arith.constant 624 : i32
    %mul3A_33 = arith.muli %arg1, %mul3A_32 : i32
    %add3A_34 = arith.constant 400 : i32
    %add3A_35 = arith.addi %mul3A_33, %add3A_34 : i32
    %run_scoped3A_36 = arith.constant 1 : i32
    "tpu.region"() ({
      %run_scoped3A_863 = tpu.sem_alloc : memref<!tpu.dma_semaphore, #tpu.memory_space<semaphore_mem>>
      %dma_start3A_864 = arith.constant 0 : i32
      %dma_start3A_865 = arith.constant 0 : i32
      %dma_start3A_866 = tpu.memref_slice %arg8[%run_scoped3A_36, %dma_start3A_864, %dma_start3A_865] : memref<2x80x128xf32, #tpu.memory_space<vmem>> -> memref<1x80x128xf32, #tpu.memory_space<vmem>>
      %dma_start3A_867 = tpu.memref_squeeze %dma_start3A_866 : memref<1x80x128xf32, #tpu.memory_space<vmem>> -> memref<80x128xf32, #tpu.memory_space<vmem>>
      %dma_start3A_868 = arith.constant 0 : i32
      %dma_start3A_869 = tpu.memref_slice %arg10[%add3A_35, %dma_start3A_868] : memref<10000x128xf32, #tpu.memory_space<vmem_shared>> -> memref<80x128xf32, #tpu.memory_space<vmem_shared>>
      %dma_start3A_870 = arith.constant 0 : i32
      %dma_start3A_871 = tpu.memref_slice %arg10[%add3A_35, %dma_start3A_870] : memref<10000x128xf32, #tpu.memory_space<vmem_shared>> -> memref<80x128xf32, #tpu.memory_space<vmem_shared>>
      %dma_start3A_872 = arith.constant 0 : i32
      %dma_start3A_873 = arith.constant 0 : i32
      %dma_start3A_874 = tpu.memref_slice %arg8[%run_scoped3A_36, %dma_start3A_872, %dma_start3A_873] : memref<2x80x128xf32, #tpu.memory_space<vmem>> -> memref<1x80x128xf32, #tpu.memory_space<vmem>>
      %dma_start3A_875 = tpu.memref_squeeze %dma_start3A_874 : memref<1x80x128xf32, #tpu.memory_space<vmem>> -> memref<80x128xf32, #tpu.memory_space<vmem>>
      tpu.enqueue_dma source(%dma_start3A_875 : memref<80x128xf32, #tpu.memory_space<vmem>>) target(%dma_start3A_871 : memref<80x128xf32, #tpu.memory_space<vmem_shared>>) target_semaphore(%run_scoped3A_863 : memref<!tpu.dma_semaphore, #tpu.memory_space<semaphore_mem>>)
      %dma_wait3A_876 = arith.constant 0 : i32
      %dma_wait3A_877 = arith.constant 0 : i32
      %dma_wait3A_878 = tpu.memref_slice %arg8[%run_scoped3A_36, %dma_wait3A_876, %dma_wait3A_877] : memref<2x80x128xf32, #tpu.memory_space<vmem>> -> memref<1x80x128xf32, #tpu.memory_space<vmem>>
      %dma_wait3A_879 = tpu.memref_squeeze %dma_wait3A_878 : memref<1x80x128xf32, #tpu.memory_space<vmem>> -> memref<80x128xf32, #tpu.memory_space<vmem>>
      %dma_wait3A_880 = arith.constant 0 : i32
      %dma_wait3A_881 = tpu.memref_slice %arg10[%add3A_35, %dma_wait3A_880] : memref<10000x128xf32, #tpu.memory_space<vmem_shared>> -> memref<80x128xf32, #tpu.memory_space<vmem_shared>>
      %dma_wait3A_882 = arith.constant 0 : i32
      %dma_wait3A_883 = tpu.memref_slice %arg10[%add3A_35, %dma_wait3A_882] : memref<10000x128xf32, #tpu.memory_space<vmem_shared>> -> memref<80x128xf32, #tpu.memory_space<vmem_shared>>
      %dma_wait3A_884 = arith.constant 0 : i32
      %dma_wait3A_885 = arith.constant 0 : i32
      %dma_wait3A_886 = tpu.memref_slice %arg8[%run_scoped3A_36, %dma_wait3A_884, %dma_wait3A_885] : memref<2x80x128xf32, #tpu.memory_space<vmem>> -> memref<1x80x128xf32, #tpu.memory_space<vmem>>
      %dma_wait3A_887 = tpu.memref_squeeze %dma_wait3A_886 : memref<1x80x128xf32, #tpu.memory_space<vmem>> -> memref<80x128xf32, #tpu.memory_space<vmem>>
      tpu.wait_dma2 semaphore(%run_scoped3A_863 : memref<!tpu.dma_semaphore, #tpu.memory_space<semaphore_mem>>) src(%dma_wait3A_887 : memref<80x128xf32, #tpu.memory_space<vmem>>) dst(%dma_wait3A_883 : memref<80x128xf32, #tpu.memory_space<vmem_shared>>)
      tpu.yield
    }) : () -> ()
    %mul3A_37 = arith.constant 624 : i32
    %mul3A_38 = arith.muli %arg1, %mul3A_37 : i32
    %add3A_39 = arith.constant 480 : i32
    %add3A_40 = arith.addi %mul3A_38, %add3A_39 : i32
    %run_scoped3A_41 = arith.constant 1 : i32
    "tpu.region"() ({
      %run_scoped3A_863 = tpu.sem_alloc : memref<!tpu.dma_semaphore, #tpu.memory_space<semaphore_mem>>
      %dma_start3A_864 = arith.constant 0 : i32
      %dma_start3A_865 = arith.constant 0 : i32
      %dma_start3A_866 = tpu.memref_slice %arg8[%run_scoped3A_41, %dma_start3A_864, %dma_start3A_865] : memref<2x80x128xf32, #tpu.memory_space<vmem>> -> memref<1x80x128xf32, #tpu.memory_space<vmem>>
      %dma_start3A_867 = tpu.memref_squeeze %dma_start3A_866 : memref<1x80x128xf32, #tpu.memory_space<vmem>> -> memref<80x128xf32, #tpu.memory_space<vmem>>
      %dma_start3A_868 = arith.constant 0 : i32
      %dma_start3A_869 = tpu.memref_slice %arg10[%add3A_40, %dma_start3A_868] : memref<10000x128xf32, #tpu.memory_space<vmem_shared>> -> memref<80x128xf32, #tpu.memory_space<vmem_shared>>
      %dma_start3A_870 = arith.constant 0 : i32
      %dma_start3A_871 = tpu.memref_slice %arg10[%add3A_40, %dma_start3A_870] : memref<10000x128xf32, #tpu.memory_space<vmem_shared>> -> memref<80x128xf32, #tpu.memory_space<vmem_shared>>
      %dma_start3A_872 = arith.constant 0 : i32
      %dma_start3A_873 = arith.constant 0 : i32
      %dma_start3A_874 = tpu.memref_slice %arg8[%run_scoped3A_41, %dma_start3A_872, %dma_start3A_873] : memref<2x80x128xf32, #tpu.memory_space<vmem>> -> memref<1x80x128xf32, #tpu.memory_space<vmem>>
      %dma_start3A_875 = tpu.memref_squeeze %dma_start3A_874 : memref<1x80x128xf32, #tpu.memory_space<vmem>> -> memref<80x128xf32, #tpu.memory_space<vmem>>
      tpu.enqueue_dma source(%dma_start3A_875 : memref<80x128xf32, #tpu.memory_space<vmem>>) target(%dma_start3A_871 : memref<80x128xf32, #tpu.memory_space<vmem_shared>>) target_semaphore(%run_scoped3A_863 : memref<!tpu.dma_semaphore, #tpu.memory_space<semaphore_mem>>)
      %dma_wait3A_876 = arith.constant 0 : i32
      %dma_wait3A_877 = arith.constant 0 : i32
      %dma_wait3A_878 = tpu.memref_slice %arg8[%run_scoped3A_41, %dma_wait3A_876, %dma_wait3A_877] : memref<2x80x128xf32, #tpu.memory_space<vmem>> -> memref<1x80x128xf32, #tpu.memory_space<vmem>>
      %dma_wait3A_879 = tpu.memref_squeeze %dma_wait3A_878 : memref<1x80x128xf32, #tpu.memory_space<vmem>> -> memref<80x128xf32, #tpu.memory_space<vmem>>
      %dma_wait3A_880 = arith.constant 0 : i32
      %dma_wait3A_881 = tpu.memref_slice %arg10[%add3A_40, %dma_wait3A_880] : memref<10000x128xf32, #tpu.memory_space<vmem_shared>> -> memref<80x128xf32, #tpu.memory_space<vmem_shared>>
      %dma_wait3A_882 = arith.constant 0 : i32
      %dma_wait3A_883 = tpu.memref_slice %arg10[%add3A_40, %dma_wait3A_882] : memref<10000x128xf32, #tpu.memory_space<vmem_shared>> -> memref<80x128xf32, #tpu.memory_space<vmem_shared>>
      %dma_wait3A_884 = arith.constant 0 : i32
      %dma_wait3A_885 = arith.constant 0 : i32
      %dma_wait3A_886 = tpu.memref_slice %arg8[%run_scoped3A_41, %dma_wait3A_884, %dma_wait3A_885] : memref<2x80x128xf32, #tpu.memory_space<vmem>> -> memref<1x80x128xf32, #tpu.memory_space<vmem>>
      %dma_wait3A_887 = tpu.memref_squeeze %dma_wait3A_886 : memref<1x80x128xf32, #tpu.memory_space<vmem>> -> memref<80x128xf32, #tpu.memory_space<vmem>>
      tpu.wait_dma2 semaphore(%run_scoped3A_863 : memref<!tpu.dma_semaphore, #tpu.memory_space<semaphore_mem>>) src(%dma_wait3A_887 : memref<80x128xf32, #tpu.memory_space<vmem>>) dst(%dma_wait3A_883 : memref<80x128xf32, #tpu.memory_space<vmem_shared>>)
      tpu.yield
    }) : () -> ()
    %mul3A_42 = arith.constant 624 : i32
    %mul3A_43 = arith.muli %arg1, %mul3A_42 : i32
    %add3A_44 = arith.constant 560 : i32
    %add3A_45 = arith.addi %mul3A_43, %add3A_44 : i32
    %run_scoped3A_46 = arith.constant 1 : i32
    "tpu.region"() ({
      %run_scoped3A_863 = tpu.sem_alloc : memref<!tpu.dma_semaphore, #tpu.memory_space<semaphore_mem>>
      %dma_start3A_864 = arith.constant 0 : i32
      %dma_start3A_865 = arith.constant 0 : i32
      %dma_start3A_866 = tpu.memref_slice %arg8[%run_scoped3A_46, %dma_start3A_864, %dma_start3A_865] : memref<2x80x128xf32, #tpu.memory_space<vmem>> -> memref<1x64x128xf32, #tpu.memory_space<vmem>>
      %dma_start3A_867 = tpu.memref_squeeze %dma_start3A_866 : memref<1x64x128xf32, #tpu.memory_space<vmem>> -> memref<64x128xf32, #tpu.memory_space<vmem>>
      %dma_start3A_868 = arith.constant 0 : i32
      %dma_start3A_869 = tpu.memref_slice %arg10[%add3A_45, %dma_start3A_868] : memref<10000x128xf32, #tpu.memory_space<vmem_shared>> -> memref<64x128xf32, #tpu.memory_space<vmem_shared>>
      %dma_start3A_870 = arith.constant 0 : i32
      %dma_start3A_871 = tpu.memref_slice %arg10[%add3A_45, %dma_start3A_870] : memref<10000x128xf32, #tpu.memory_space<vmem_shared>> -> memref<64x128xf32, #tpu.memory_space<vmem_shared>>
      %dma_start3A_872 = arith.constant 0 : i32
      %dma_start3A_873 = arith.constant 0 : i32
      %dma_start3A_874 = tpu.memref_slice %arg8[%run_scoped3A_46, %dma_start3A_872, %dma_start3A_873] : memref<2x80x128xf32, #tpu.memory_space<vmem>> -> memref<1x64x128xf32, #tpu.memory_space<vmem>>
      %dma_start3A_875 = tpu.memref_squeeze %dma_start3A_874 : memref<1x64x128xf32, #tpu.memory_space<vmem>> -> memref<64x128xf32, #tpu.memory_space<vmem>>
      tpu.enqueue_dma source(%dma_start3A_875 : memref<64x128xf32, #tpu.memory_space<vmem>>) target(%dma_start3A_871 : memref<64x128xf32, #tpu.memory_space<vmem_shared>>) target_semaphore(%run_scoped3A_863 : memref<!tpu.dma_semaphore, #tpu.memory_space<semaphore_mem>>)
      %dma_wait3A_876 = arith.constant 0 : i32
      %dma_wait3A_877 = arith.constant 0 : i32
      %dma_wait3A_878 = tpu.memref_slice %arg8[%run_scoped3A_46, %dma_wait3A_876, %dma_wait3A_877] : memref<2x80x128xf32, #tpu.memory_space<vmem>> -> memref<1x64x128xf32, #tpu.memory_space<vmem>>
      %dma_wait3A_879 = tpu.memref_squeeze %dma_wait3A_878 : memref<1x64x128xf32, #tpu.memory_space<vmem>> -> memref<64x128xf32, #tpu.memory_space<vmem>>
      %dma_wait3A_880 = arith.constant 0 : i32
      %dma_wait3A_881 = tpu.memref_slice %arg10[%add3A_45, %dma_wait3A_880] : memref<10000x128xf32, #tpu.memory_space<vmem_shared>> -> memref<64x128xf32, #tpu.memory_space<vmem_shared>>
      %dma_wait3A_882 = arith.constant 0 : i32
      %dma_wait3A_883 = tpu.memref_slice %arg10[%add3A_45, %dma_wait3A_882] : memref<10000x128xf32, #tpu.memory_space<vmem_shared>> -> memref<64x128xf32, #tpu.memory_space<vmem_shared>>
      %dma_wait3A_884 = arith.constant 0 : i32
      %dma_wait3A_885 = arith.constant 0 : i32
      %dma_wait3A_886 = tpu.memref_slice %arg8[%run_scoped3A_46, %dma_wait3A_884, %dma_wait3A_885] : memref<2x80x128xf32, #tpu.memory_space<vmem>> -> memref<1x64x128xf32, #tpu.memory_space<vmem>>
      %dma_wait3A_887 = tpu.memref_squeeze %dma_wait3A_886 : memref<1x64x128xf32, #tpu.memory_space<vmem>> -> memref<64x128xf32, #tpu.memory_space<vmem>>
      tpu.wait_dma2 semaphore(%run_scoped3A_863 : memref<!tpu.dma_semaphore, #tpu.memory_space<semaphore_mem>>) src(%dma_wait3A_887 : memref<64x128xf32, #tpu.memory_space<vmem>>) dst(%dma_wait3A_883 : memref<64x128xf32, #tpu.memory_space<vmem_shared>>)
      tpu.yield
    }) : () -> ()
    %eq3A = arith.constant 15 : i32
    %eq3A_47 = arith.cmpi eq, %arg1, %eq3A : i32
    %convert_element_type3A = arith.extui %eq3A_47 : i1 to i32
    %cond3A = arith.constant 0 : i32
    %cond3A_48 = arith.cmpi ne, %convert_element_type3A, %cond3A : i32
    scf.if %cond3A_48 {
      %run_scoped3A_863 = arith.constant 1 : i32
      "tpu.region"() ({
        %run_scoped3A_864 = tpu.sem_alloc : memref<!tpu.dma_semaphore, #tpu.memory_space<semaphore_mem>>
        %dma_start3A_865 = arith.constant 0 : i32
        %dma_start3A_866 = arith.constant 0 : i32
        %dma_start3A_867 = tpu.memref_slice %arg8[%run_scoped3A_863, %dma_start3A_865, %dma_start3A_866] : memref<2x80x128xf32, #tpu.memory_space<vmem>> -> memref<1x16x128xf32, #tpu.memory_space<vmem>>
        %dma_start3A_868 = tpu.memref_squeeze %dma_start3A_867 : memref<1x16x128xf32, #tpu.memory_space<vmem>> -> memref<16x128xf32, #tpu.memory_space<vmem>>
        %dma_start3A_869 = arith.constant 9984 : i32
        %dma_start3A_870 = arith.constant 0 : i32
        %dma_start3A_871 = tpu.memref_slice %arg10[%dma_start3A_869, %dma_start3A_870] : memref<10000x128xf32, #tpu.memory_space<vmem_shared>> -> memref<16x128xf32, #tpu.memory_space<vmem_shared>>
        %dma_start3A_872 = arith.constant 9984 : i32
        %dma_start3A_873 = arith.constant 0 : i32
        %dma_start3A_874 = tpu.memref_slice %arg10[%dma_start3A_872, %dma_start3A_873] : memref<10000x128xf32, #tpu.memory_space<vmem_shared>> -> memref<16x128xf32, #tpu.memory_space<vmem_shared>>
        %dma_start3A_875 = arith.constant 0 : i32
        %dma_start3A_876 = arith.constant 0 : i32
        %dma_start3A_877 = tpu.memref_slice %arg8[%run_scoped3A_863, %dma_start3A_875, %dma_start3A_876] : memref<2x80x128xf32, #tpu.memory_space<vmem>> -> memref<1x16x128xf32, #tpu.memory_space<vmem>>
        %dma_start3A_878 = tpu.memref_squeeze %dma_start3A_877 : memref<1x16x128xf32, #tpu.memory_space<vmem>> -> memref<16x128xf32, #tpu.memory_space<vmem>>
        tpu.enqueue_dma source(%dma_start3A_878 : memref<16x128xf32, #tpu.memory_space<vmem>>) target(%dma_start3A_874 : memref<16x128xf32, #tpu.memory_space<vmem_shared>>) target_semaphore(%run_scoped3A_864 : memref<!tpu.dma_semaphore, #tpu.memory_space<semaphore_mem>>)
        %dma_wait3A_879 = arith.constant 0 : i32
        %dma_wait3A_880 = arith.constant 0 : i32
        %dma_wait3A_881 = tpu.memref_slice %arg8[%run_scoped3A_863, %dma_wait3A_879, %dma_wait3A_880] : memref<2x80x128xf32, #tpu.memory_space<vmem>> -> memref<1x16x128xf32, #tpu.memory_space<vmem>>
        %dma_wait3A_882 = tpu.memref_squeeze %dma_wait3A_881 : memref<1x16x128xf32, #tpu.memory_space<vmem>> -> memref<16x128xf32, #tpu.memory_space<vmem>>
        %dma_wait3A_883 = arith.constant 9984 : i32
        %dma_wait3A_884 = arith.constant 0 : i32
        %dma_wait3A_885 = tpu.memref_slice %arg10[%dma_wait3A_883, %dma_wait3A_884] : memref<10000x128xf32, #tpu.memory_space<vmem_shared>> -> memref<16x128xf32, #tpu.memory_space<vmem_shared>>
        %dma_wait3A_886 = arith.constant 9984 : i32
        %dma_wait3A_887 = arith.constant 0 : i32
        %dma_wait3A_888 = tpu.memref_slice %arg10[%dma_wait3A_886, %dma_wait3A_887] : memref<10000x128xf32, #tpu.memory_space<vmem_shared>> -> memref<16x128xf32, #tpu.memory_space<vmem_shared>>
        %dma_wait3A_889 = arith.constant 0 : i32
        %dma_wait3A_890 = arith.constant 0 : i32
        %dma_wait3A_891 = tpu.memref_slice %arg8[%run_scoped3A_863, %dma_wait3A_889, %dma_wait3A_890] : memref<2x80x128xf32, #tpu.memory_space<vmem>> -> memref<1x16x128xf32, #tpu.memory_space<vmem>>
        %dma_wait3A_892 = tpu.memref_squeeze %dma_wait3A_891 : memref<1x16x128xf32, #tpu.memory_space<vmem>> -> memref<16x128xf32, #tpu.memory_space<vmem>>
        tpu.wait_dma2 semaphore(%run_scoped3A_864 : memref<!tpu.dma_semaphore, #tpu.memory_space<semaphore_mem>>) src(%dma_wait3A_892 : memref<16x128xf32, #tpu.memory_space<vmem>>) dst(%dma_wait3A_888 : memref<16x128xf32, #tpu.memory_space<vmem_shared>>)
        tpu.yield
      }) : () -> ()
    } else {
    }
    %barrier3A = arith.constant 0 : index
    tpu.barrier barrier_id(%barrier3A)
    %mul3A_49 = arith.constant 125 : i32
    %mul3A_50 = arith.muli %add3A, %mul3A_49 : i32
    %run_scoped3A_51 = arith.constant 0 : i32
    %run_scoped3A_52 = arith.constant 0 : i32
    "tpu.region"() ({
      %run_scoped3A_863 = tpu.sem_alloc : memref<!tpu.dma_semaphore, #tpu.memory_space<semaphore_mem>>
      %dma_start3A_864 = arith.constant 0 : i32
      %dma_start3A_865 = arith.constant 0 : i32
      %dma_start3A_866 = tpu.memref_slice %arg6[%run_scoped3A_52, %dma_start3A_864, %dma_start3A_865] : memref<4x1x80xi32, #tpu.memory_space<vmem>> -> memref<1x1x80xi32, #tpu.memory_space<vmem>>
      %dma_start3A_867 = tpu.memref_squeeze %dma_start3A_866 : memref<1x1x80xi32, #tpu.memory_space<vmem>> -> memref<1x80xi32, #tpu.memory_space<vmem>>
      %dma_start3A_868 = arith.constant 0 : i32
      %dma_start3A_869 = arith.constant 0 : i32
      %dma_start3A_870 = tpu.memref_slice %arg4[%run_scoped3A_51, %mul3A_50, %dma_start3A_868, %dma_start3A_869] : memref<2x4000x1x80xi32, #tpu.memory_space<hbm>> -> memref<1x1x1x80xi32, #tpu.memory_space<hbm>>
      %dma_start3A_871 = tpu.memref_squeeze %dma_start3A_870 : memref<1x1x1x80xi32, #tpu.memory_space<hbm>> -> memref<1x80xi32, #tpu.memory_space<hbm>>
      %dma_start3A_872 = arith.constant 0 : i32
      %dma_start3A_873 = arith.constant 0 : i32
      %dma_start3A_874 = tpu.memref_slice %arg6[%run_scoped3A_52, %dma_start3A_872, %dma_start3A_873] : memref<4x1x80xi32, #tpu.memory_space<vmem>> -> memref<1x1x80xi32, #tpu.memory_space<vmem>>
      %dma_start3A_875 = tpu.memref_squeeze %dma_start3A_874 : memref<1x1x80xi32, #tpu.memory_space<vmem>> -> memref<1x80xi32, #tpu.memory_space<vmem>>
      %dma_start3A_876 = arith.constant 0 : i32
      %dma_start3A_877 = arith.constant 0 : i32
      %dma_start3A_878 = tpu.memref_slice %arg4[%run_scoped3A_51, %mul3A_50, %dma_start3A_876, %dma_start3A_877] : memref<2x4000x1x80xi32, #tpu.memory_space<hbm>> -> memref<1x1x1x80xi32, #tpu.memory_space<hbm>>
      %dma_start3A_879 = tpu.memref_squeeze %dma_start3A_878 : memref<1x1x1x80xi32, #tpu.memory_space<hbm>> -> memref<1x80xi32, #tpu.memory_space<hbm>>
      tpu.enqueue_dma source(%dma_start3A_879 : memref<1x80xi32, #tpu.memory_space<hbm>>) target(%dma_start3A_875 : memref<1x80xi32, #tpu.memory_space<vmem>>) target_semaphore(%run_scoped3A_863 : memref<!tpu.dma_semaphore, #tpu.memory_space<semaphore_mem>>)
      %dma_wait3A_880 = arith.constant 0 : i32
      %dma_wait3A_881 = arith.constant 0 : i32
      %dma_wait3A_882 = tpu.memref_slice %arg6[%run_scoped3A_52, %dma_wait3A_880, %dma_wait3A_881] : memref<4x1x80xi32, #tpu.memory_space<vmem>> -> memref<1x1x80xi32, #tpu.memory_space<vmem>>
      %dma_wait3A_883 = tpu.memref_squeeze %dma_wait3A_882 : memref<1x1x80xi32, #tpu.memory_space<vmem>> -> memref<1x80xi32, #tpu.memory_space<vmem>>
      %dma_wait3A_884 = arith.constant 0 : i32
      %dma_wait3A_885 = arith.constant 0 : i32
      %dma_wait3A_886 = tpu.memref_slice %arg4[%run_scoped3A_51, %mul3A_50, %dma_wait3A_884, %dma_wait3A_885] : memref<2x4000x1x80xi32, #tpu.memory_space<hbm>> -> memref<1x1x1x80xi32, #tpu.memory_space<hbm>>
      %dma_wait3A_887 = tpu.memref_squeeze %dma_wait3A_886 : memref<1x1x1x80xi32, #tpu.memory_space<hbm>> -> memref<1x80xi32, #tpu.memory_space<hbm>>
      %dma_wait3A_888 = arith.constant 0 : i32
      %dma_wait3A_889 = arith.constant 0 : i32
      %dma_wait3A_890 = tpu.memref_slice %arg6[%run_scoped3A_52, %dma_wait3A_888, %dma_wait3A_889] : memref<4x1x80xi32, #tpu.memory_space<vmem>> -> memref<1x1x80xi32, #tpu.memory_space<vmem>>
      %dma_wait3A_891 = tpu.memref_squeeze %dma_wait3A_890 : memref<1x1x80xi32, #tpu.memory_space<vmem>> -> memref<1x80xi32, #tpu.memory_space<vmem>>
      %dma_wait3A_892 = arith.constant 0 : i32
      %dma_wait3A_893 = arith.constant 0 : i32
      %dma_wait3A_894 = tpu.memref_slice %arg4[%run_scoped3A_51, %mul3A_50, %dma_wait3A_892, %dma_wait3A_893] : memref<2x4000x1x80xi32, #tpu.memory_space<hbm>> -> memref<1x1x1x80xi32, #tpu.memory_space<hbm>>
      %dma_wait3A_895 = tpu.memref_squeeze %dma_wait3A_894 : memref<1x1x1x80xi32, #tpu.memory_space<hbm>> -> memref<1x80xi32, #tpu.memory_space<hbm>>
      tpu.wait_dma2 semaphore(%run_scoped3A_863 : memref<!tpu.dma_semaphore, #tpu.memory_space<semaphore_mem>>) src(%dma_wait3A_895 : memref<1x80xi32, #tpu.memory_space<hbm>>) dst(%dma_wait3A_891 : memref<1x80xi32, #tpu.memory_space<vmem>>)
      tpu.yield
    }) : () -> ()
    %mul3A_53 = arith.constant 125 : i32
    %mul3A_54 = arith.muli %add3A, %mul3A_53 : i32
    %run_scoped3A_55 = arith.constant 1 : i32
    %run_scoped3A_56 = arith.constant 0 : i32
    "tpu.region"() ({
      %run_scoped3A_863 = tpu.sem_alloc : memref<!tpu.dma_semaphore, #tpu.memory_space<semaphore_mem>>
      %dma_start3A_864 = arith.constant 0 : i32
      %dma_start3A_865 = arith.constant 0 : i32
      %dma_start3A_866 = tpu.memref_slice %arg7[%run_scoped3A_56, %dma_start3A_864, %dma_start3A_865] : memref<4x1x80xi32, #tpu.memory_space<vmem>> -> memref<1x1x80xi32, #tpu.memory_space<vmem>>
      %dma_start3A_867 = tpu.memref_squeeze %dma_start3A_866 : memref<1x1x80xi32, #tpu.memory_space<vmem>> -> memref<1x80xi32, #tpu.memory_space<vmem>>
      %dma_start3A_868 = arith.constant 0 : i32
      %dma_start3A_869 = arith.constant 0 : i32
      %dma_start3A_870 = tpu.memref_slice %arg4[%run_scoped3A_55, %mul3A_54, %dma_start3A_868, %dma_start3A_869] : memref<2x4000x1x80xi32, #tpu.memory_space<hbm>> -> memref<1x1x1x80xi32, #tpu.memory_space<hbm>>
      %dma_start3A_871 = tpu.memref_squeeze %dma_start3A_870 : memref<1x1x1x80xi32, #tpu.memory_space<hbm>> -> memref<1x80xi32, #tpu.memory_space<hbm>>
      %dma_start3A_872 = arith.constant 0 : i32
      %dma_start3A_873 = arith.constant 0 : i32
      %dma_start3A_874 = tpu.memref_slice %arg7[%run_scoped3A_56, %dma_start3A_872, %dma_start3A_873] : memref<4x1x80xi32, #tpu.memory_space<vmem>> -> memref<1x1x80xi32, #tpu.memory_space<vmem>>
      %dma_start3A_875 = tpu.memref_squeeze %dma_start3A_874 : memref<1x1x80xi32, #tpu.memory_space<vmem>> -> memref<1x80xi32, #tpu.memory_space<vmem>>
      %dma_start3A_876 = arith.constant 0 : i32
      %dma_start3A_877 = arith.constant 0 : i32
      %dma_start3A_878 = tpu.memref_slice %arg4[%run_scoped3A_55, %mul3A_54, %dma_start3A_876, %dma_start3A_877] : memref<2x4000x1x80xi32, #tpu.memory_space<hbm>> -> memref<1x1x1x80xi32, #tpu.memory_space<hbm>>
      %dma_start3A_879 = tpu.memref_squeeze %dma_start3A_878 : memref<1x1x1x80xi32, #tpu.memory_space<hbm>> -> memref<1x80xi32, #tpu.memory_space<hbm>>
      tpu.enqueue_dma source(%dma_start3A_879 : memref<1x80xi32, #tpu.memory_space<hbm>>) target(%dma_start3A_875 : memref<1x80xi32, #tpu.memory_space<vmem>>) target_semaphore(%run_scoped3A_863 : memref<!tpu.dma_semaphore, #tpu.memory_space<semaphore_mem>>)
      %dma_wait3A_880 = arith.constant 0 : i32
      %dma_wait3A_881 = arith.constant 0 : i32
      %dma_wait3A_882 = tpu.memref_slice %arg7[%run_scoped3A_56, %dma_wait3A_880, %dma_wait3A_881] : memref<4x1x80xi32, #tpu.memory_space<vmem>> -> memref<1x1x80xi32, #tpu.memory_space<vmem>>
      %dma_wait3A_883 = tpu.memref_squeeze %dma_wait3A_882 : memref<1x1x80xi32, #tpu.memory_space<vmem>> -> memref<1x80xi32, #tpu.memory_space<vmem>>
      %dma_wait3A_884 = arith.constant 0 : i32
      %dma_wait3A_885 = arith.constant 0 : i32
      %dma_wait3A_886 = tpu.memref_slice %arg4[%run_scoped3A_55, %mul3A_54, %dma_wait3A_884, %dma_wait3A_885] : memref<2x4000x1x80xi32, #tpu.memory_space<hbm>> -> memref<1x1x1x80xi32, #tpu.memory_space<hbm>>
      %dma_wait3A_887 = tpu.memref_squeeze %dma_wait3A_886 : memref<1x1x1x80xi32, #tpu.memory_space<hbm>> -> memref<1x80xi32, #tpu.memory_space<hbm>>
      %dma_wait3A_888 = arith.constant 0 : i32
      %dma_wait3A_889 = arith.constant 0 : i32
      %dma_wait3A_890 = tpu.memref_slice %arg7[%run_scoped3A_56, %dma_wait3A_888, %dma_wait3A_889] : memref<4x1x80xi32, #tpu.memory_space<vmem>> -> memref<1x1x80xi32, #tpu.memory_space<vmem>>
      %dma_wait3A_891 = tpu.memref_squeeze %dma_wait3A_890 : memref<1x1x80xi32, #tpu.memory_space<vmem>> -> memref<1x80xi32, #tpu.memory_space<vmem>>
      %dma_wait3A_892 = arith.constant 0 : i32
      %dma_wait3A_893 = arith.constant 0 : i32
      %dma_wait3A_894 = tpu.memref_slice %arg4[%run_scoped3A_55, %mul3A_54, %dma_wait3A_892, %dma_wait3A_893] : memref<2x4000x1x80xi32, #tpu.memory_space<hbm>> -> memref<1x1x1x80xi32, #tpu.memory_space<hbm>>
      %dma_wait3A_895 = tpu.memref_squeeze %dma_wait3A_894 : memref<1x1x1x80xi32, #tpu.memory_space<hbm>> -> memref<1x80xi32, #tpu.memory_space<hbm>>
      tpu.wait_dma2 semaphore(%run_scoped3A_863 : memref<!tpu.dma_semaphore, #tpu.memory_space<semaphore_mem>>) src(%dma_wait3A_895 : memref<1x80xi32, #tpu.memory_space<hbm>>) dst(%dma_wait3A_891 : memref<1x80xi32, #tpu.memory_space<vmem>>)
      tpu.yield
    }) : () -> ()
    %dma_start3A = arith.constant 0 : i32
    %dma_start3A_57 = arith.constant 0 : i32
    %dma_start3A_58 = arith.constant 0 : i32
    %dma_start3A_59 = arith.constant 0 : i32
    %dma_start3A_60 = arith.constant 0 : i32
    %dma_start3A_61 = tpu.memref_slice %arg8[%dma_start3A_58, %dma_start3A_59, %dma_start3A_60] : memref<2x80x128xf32, #tpu.memory_space<vmem>> -> memref<1x80x128xf32, #tpu.memory_space<vmem>>
    %dma_start3A_62 = tpu.memref_squeeze %dma_start3A_61 : memref<1x80x128xf32, #tpu.memory_space<vmem>> -> memref<80x128xf32, #tpu.memory_space<vmem>>
    %dma_start3A_63 = arith.constant 0 : i32
    %dma_start3A_64 = tpu.memref_slice %arg6[%dma_start3A, %dma_start3A_57, %dma_start3A_63] : memref<4x1x80xi32, #tpu.memory_space<vmem>> -> memref<1x1x80xi32, #tpu.memory_space<vmem>>
    %dma_start3A_65 = tpu.memref_squeeze %dma_start3A_64 : memref<1x1x80xi32, #tpu.memory_space<vmem>> -> memref<80xi32, #tpu.memory_space<vmem>>
    %dma_start3A_66 = arith.constant 0 : i32
    %dma_start3A_67 = arith.constant 0 : i32
    %dma_start3A_68 = tpu.memref_slice %arg2[%dma_start3A_66, %dma_start3A_67] : memref<10000x128xf32, #tpu.memory_space<hbm>> -> memref<10000x128xf32, #tpu.memory_space<hbm>>
    tpu.enqueue_indirect_dma source(%dma_start3A_68 : memref<10000x128xf32, #tpu.memory_space<hbm>>) target(%dma_start3A_62 : memref<80x128xf32, #tpu.memory_space<vmem>>) offsets(%dma_start3A_65 : memref<80xi32, #tpu.memory_space<vmem>>) semaphore(%arg11 : memref<!tpu.dma_semaphore, #tpu.memory_space<semaphore_mem>>)
    %add3A_69 = arith.constant 0 : i32
    %add3A_70 = arith.addi %mul3A_2, %add3A_69 : i32
    %dma_start3A_71 = arith.constant 0 : i32
    %dma_start3A_72 = arith.constant 0 : i32
    %dma_start3A_73 = arith.constant 0 : i32
    %dma_start3A_74 = tpu.memref_slice %arg9[%dma_start3A_71, %dma_start3A_72, %dma_start3A_73] : memref<2x80x128xf32, #tpu.memory_space<vmem>> -> memref<1x80x128xf32, #tpu.memory_space<vmem>>
    %dma_start3A_75 = tpu.memref_squeeze %dma_start3A_74 : memref<1x80x128xf32, #tpu.memory_space<vmem>> -> memref<80x128xf32, #tpu.memory_space<vmem>>
    %dma_start3A_76 = arith.constant 0 : i32
    %dma_start3A_77 = tpu.memref_slice %arg3[%add3A_70, %dma_start3A_76] : memref<320000x128xf32, #tpu.memory_space<hbm>> -> memref<80x128xf32, #tpu.memory_space<hbm>>
    %dma_start3A_78 = arith.constant 0 : i32
    %dma_start3A_79 = arith.constant 0 : i32
    %dma_start3A_80 = tpu.memref_slice %arg9[%dma_start3A_71, %dma_start3A_78, %dma_start3A_79] : memref<2x80x128xf32, #tpu.memory_space<vmem>> -> memref<1x80x128xf32, #tpu.memory_space<vmem>>
    %dma_start3A_81 = tpu.memref_squeeze %dma_start3A_80 : memref<1x80x128xf32, #tpu.memory_space<vmem>> -> memref<80x128xf32, #tpu.memory_space<vmem>>
    %dma_start3A_82 = arith.constant 0 : i32
    %dma_start3A_83 = tpu.memref_slice %arg3[%add3A_70, %dma_start3A_82] : memref<320000x128xf32, #tpu.memory_space<hbm>> -> memref<80x128xf32, #tpu.memory_space<hbm>>
    tpu.enqueue_dma source(%dma_start3A_83 : memref<80x128xf32, #tpu.memory_space<hbm>>) target(%dma_start3A_81 : memref<80x128xf32, #tpu.memory_space<vmem>>) target_semaphore(%arg12 : memref<!tpu.dma_semaphore, #tpu.memory_space<semaphore_mem>>)
    %mul3A_84 = arith.constant 125 : i32
    %mul3A_85 = arith.muli %add3A, %mul3A_84 : i32
    %add3A_86 = arith.constant 1 : i32
    %add3A_87 = arith.addi %mul3A_85, %add3A_86 : i32
    %dma_start3A_88 = arith.constant 0 : i32
    %dma_start3A_89 = arith.constant 1 : i32
    %dma_start3A_90 = arith.constant 0 : i32
    %dma_start3A_91 = arith.constant 0 : i32
    %dma_start3A_92 = tpu.memref_slice %arg6[%dma_start3A_89, %dma_start3A_90, %dma_start3A_91] : memref<4x1x80xi32, #tpu.memory_space<vmem>> -> memref<1x1x80xi32, #tpu.memory_space<vmem>>
    %dma_start3A_93 = tpu.memref_squeeze %dma_start3A_92 : memref<1x1x80xi32, #tpu.memory_space<vmem>> -> memref<1x80xi32, #tpu.memory_space<vmem>>
    %dma_start3A_94 = arith.constant 0 : i32
    %dma_start3A_95 = arith.constant 0 : i32
    %dma_start3A_96 = tpu.memref_slice %arg4[%dma_start3A_88, %add3A_87, %dma_start3A_94, %dma_start3A_95] : memref<2x4000x1x80xi32, #tpu.memory_space<hbm>> -> memref<1x1x1x80xi32, #tpu.memory_space<hbm>>
    %dma_start3A_97 = tpu.memref_squeeze %dma_start3A_96 : memref<1x1x1x80xi32, #tpu.memory_space<hbm>> -> memref<1x80xi32, #tpu.memory_space<hbm>>
    %dma_start3A_98 = arith.constant 0 : i32
    %dma_start3A_99 = arith.constant 0 : i32
    %dma_start3A_100 = tpu.memref_slice %arg6[%dma_start3A_89, %dma_start3A_98, %dma_start3A_99] : memref<4x1x80xi32, #tpu.memory_space<vmem>> -> memref<1x1x80xi32, #tpu.memory_space<vmem>>
    %dma_start3A_101 = tpu.memref_squeeze %dma_start3A_100 : memref<1x1x80xi32, #tpu.memory_space<vmem>> -> memref<1x80xi32, #tpu.memory_space<vmem>>
    %dma_start3A_102 = arith.constant 0 : i32
    %dma_start3A_103 = arith.constant 0 : i32
    %dma_start3A_104 = tpu.memref_slice %arg4[%dma_start3A_88, %add3A_87, %dma_start3A_102, %dma_start3A_103] : memref<2x4000x1x80xi32, #tpu.memory_space<hbm>> -> memref<1x1x1x80xi32, #tpu.memory_space<hbm>>
    %dma_start3A_105 = tpu.memref_squeeze %dma_start3A_104 : memref<1x1x1x80xi32, #tpu.memory_space<hbm>> -> memref<1x80xi32, #tpu.memory_space<hbm>>
    tpu.enqueue_dma source(%dma_start3A_105 : memref<1x80xi32, #tpu.memory_space<hbm>>) target(%dma_start3A_101 : memref<1x80xi32, #tpu.memory_space<vmem>>) target_semaphore(%arg14 : memref<!tpu.dma_semaphore, #tpu.memory_space<semaphore_mem>>)
    %mul3A_106 = arith.constant 125 : i32
    %mul3A_107 = arith.muli %add3A, %mul3A_106 : i32
    %add3A_108 = arith.constant 1 : i32
    %add3A_109 = arith.addi %mul3A_107, %add3A_108 : i32
    %dma_start3A_110 = arith.constant 1 : i32
    %dma_start3A_111 = arith.constant 1 : i32
    %dma_start3A_112 = arith.constant 0 : i32
    %dma_start3A_113 = arith.constant 0 : i32
    %dma_start3A_114 = tpu.memref_slice %arg7[%dma_start3A_111, %dma_start3A_112, %dma_start3A_113] : memref<4x1x80xi32, #tpu.memory_space<vmem>> -> memref<1x1x80xi32, #tpu.memory_space<vmem>>
    %dma_start3A_115 = tpu.memref_squeeze %dma_start3A_114 : memref<1x1x80xi32, #tpu.memory_space<vmem>> -> memref<1x80xi32, #tpu.memory_space<vmem>>
    %dma_start3A_116 = arith.constant 0 : i32
    %dma_start3A_117 = arith.constant 0 : i32
    %dma_start3A_118 = tpu.memref_slice %arg4[%dma_start3A_110, %add3A_109, %dma_start3A_116, %dma_start3A_117] : memref<2x4000x1x80xi32, #tpu.memory_space<hbm>> -> memref<1x1x1x80xi32, #tpu.memory_space<hbm>>
    %dma_start3A_119 = tpu.memref_squeeze %dma_start3A_118 : memref<1x1x1x80xi32, #tpu.memory_space<hbm>> -> memref<1x80xi32, #tpu.memory_space<hbm>>
    %dma_start3A_120 = arith.constant 0 : i32
    %dma_start3A_121 = arith.constant 0 : i32
    %dma_start3A_122 = tpu.memref_slice %arg7[%dma_start3A_111, %dma_start3A_120, %dma_start3A_121] : memref<4x1x80xi32, #tpu.memory_space<vmem>> -> memref<1x1x80xi32, #tpu.memory_space<vmem>>
    %dma_start3A_123 = tpu.memref_squeeze %dma_start3A_122 : memref<1x1x80xi32, #tpu.memory_space<vmem>> -> memref<1x80xi32, #tpu.memory_space<vmem>>
    %dma_start3A_124 = arith.constant 0 : i32
    %dma_start3A_125 = arith.constant 0 : i32
    %dma_start3A_126 = tpu.memref_slice %arg4[%dma_start3A_110, %add3A_109, %dma_start3A_124, %dma_start3A_125] : memref<2x4000x1x80xi32, #tpu.memory_space<hbm>> -> memref<1x1x1x80xi32, #tpu.memory_space<hbm>>
    %dma_start3A_127 = tpu.memref_squeeze %dma_start3A_126 : memref<1x1x1x80xi32, #tpu.memory_space<hbm>> -> memref<1x80xi32, #tpu.memory_space<hbm>>
    tpu.enqueue_dma source(%dma_start3A_127 : memref<1x80xi32, #tpu.memory_space<hbm>>) target(%dma_start3A_123 : memref<1x80xi32, #tpu.memory_space<vmem>>) target_semaphore(%arg15 : memref<!tpu.dma_semaphore, #tpu.memory_space<semaphore_mem>>)
    %dma_wait3A = arith.constant 0 : i32
    %dma_wait3A_128 = arith.constant 0 : i32
    %dma_wait3A_129 = arith.constant 0 : i32
    %dma_wait3A_130 = arith.constant 0 : i32
    %dma_wait3A_131 = arith.constant 0 : i32
    %dma_wait3A_132 = tpu.memref_slice %arg8[%dma_wait3A_129, %dma_wait3A_130, %dma_wait3A_131] : memref<2x80x128xf32, #tpu.memory_space<vmem>> -> memref<1x80x128xf32, #tpu.memory_space<vmem>>
    %dma_wait3A_133 = tpu.memref_squeeze %dma_wait3A_132 : memref<1x80x128xf32, #tpu.memory_space<vmem>> -> memref<80x128xf32, #tpu.memory_space<vmem>>
    %dma_wait3A_134 = arith.constant 0 : i32
    %dma_wait3A_135 = tpu.memref_slice %arg6[%dma_wait3A, %dma_wait3A_128, %dma_wait3A_134] : memref<4x1x80xi32, #tpu.memory_space<vmem>> -> memref<1x1x80xi32, #tpu.memory_space<vmem>>
    %dma_wait3A_136 = tpu.memref_squeeze %dma_wait3A_135 : memref<1x1x80xi32, #tpu.memory_space<vmem>> -> memref<80xi32, #tpu.memory_space<vmem>>
    %dma_wait3A_137 = arith.constant 0 : i32
    %dma_wait3A_138 = arith.constant 0 : i32
    %dma_wait3A_139 = tpu.memref_slice %arg2[%dma_wait3A_137, %dma_wait3A_138] : memref<10000x128xf32, #tpu.memory_space<hbm>> -> memref<10000x128xf32, #tpu.memory_space<hbm>>
    tpu.wait_indirect_dma semaphore(%arg11 : memref<!tpu.dma_semaphore, #tpu.memory_space<semaphore_mem>>) src(%dma_wait3A_139 : memref<10000x128xf32, #tpu.memory_space<hbm>>) dst(%dma_wait3A_133 : memref<80x128xf32, #tpu.memory_space<vmem>>)
    %add3A_140 = arith.constant 0 : i32
    %add3A_141 = arith.addi %mul3A_2, %add3A_140 : i32
    %dma_wait3A_142 = arith.constant 0 : i32
    %dma_wait3A_143 = arith.constant 0 : i32
    %dma_wait3A_144 = arith.constant 0 : i32
    %dma_wait3A_145 = tpu.memref_slice %arg9[%dma_wait3A_142, %dma_wait3A_143, %dma_wait3A_144] : memref<2x80x128xf32, #tpu.memory_space<vmem>> -> memref<1x80x128xf32, #tpu.memory_space<vmem>>
    %dma_wait3A_146 = tpu.memref_squeeze %dma_wait3A_145 : memref<1x80x128xf32, #tpu.memory_space<vmem>> -> memref<80x128xf32, #tpu.memory_space<vmem>>
    %dma_wait3A_147 = arith.constant 0 : i32
    %dma_wait3A_148 = tpu.memref_slice %arg3[%add3A_141, %dma_wait3A_147] : memref<320000x128xf32, #tpu.memory_space<hbm>> -> memref<80x128xf32, #tpu.memory_space<hbm>>
    %dma_wait3A_149 = arith.constant 0 : i32
    %dma_wait3A_150 = arith.constant 0 : i32
    %dma_wait3A_151 = tpu.memref_slice %arg9[%dma_wait3A_142, %dma_wait3A_149, %dma_wait3A_150] : memref<2x80x128xf32, #tpu.memory_space<vmem>> -> memref<1x80x128xf32, #tpu.memory_space<vmem>>
    %dma_wait3A_152 = tpu.memref_squeeze %dma_wait3A_151 : memref<1x80x128xf32, #tpu.memory_space<vmem>> -> memref<80x128xf32, #tpu.memory_space<vmem>>
    %dma_wait3A_153 = arith.constant 0 : i32
    %dma_wait3A_154 = tpu.memref_slice %arg3[%add3A_141, %dma_wait3A_153] : memref<320000x128xf32, #tpu.memory_space<hbm>> -> memref<80x128xf32, #tpu.memory_space<hbm>>
    tpu.wait_dma2 semaphore(%arg12 : memref<!tpu.dma_semaphore, #tpu.memory_space<semaphore_mem>>) src(%dma_wait3A_154 : memref<80x128xf32, #tpu.memory_space<hbm>>) dst(%dma_wait3A_152 : memref<80x128xf32, #tpu.memory_space<vmem>>)
    %mul3A_155 = arith.constant 125 : i32
    %mul3A_156 = arith.muli %add3A, %mul3A_155 : i32
    %add3A_157 = arith.constant 1 : i32
    %add3A_158 = arith.addi %mul3A_156, %add3A_157 : i32
    %dma_wait3A_159 = arith.constant 0 : i32
    %dma_wait3A_160 = arith.constant 1 : i32
    %dma_wait3A_161 = arith.constant 0 : i32
    %dma_wait3A_162 = arith.constant 0 : i32
    %dma_wait3A_163 = tpu.memref_slice %arg6[%dma_wait3A_160, %dma_wait3A_161, %dma_wait3A_162] : memref<4x1x80xi32, #tpu.memory_space<vmem>> -> memref<1x1x80xi32, #tpu.memory_space<vmem>>
    %dma_wait3A_164 = tpu.memref_squeeze %dma_wait3A_163 : memref<1x1x80xi32, #tpu.memory_space<vmem>> -> memref<1x80xi32, #tpu.memory_space<vmem>>
    %dma_wait3A_165 = arith.constant 0 : i32
    %dma_wait3A_166 = arith.constant 0 : i32
    %dma_wait3A_167 = tpu.memref_slice %arg4[%dma_wait3A_159, %add3A_158, %dma_wait3A_165, %dma_wait3A_166] : memref<2x4000x1x80xi32, #tpu.memory_space<hbm>> -> memref<1x1x1x80xi32, #tpu.memory_space<hbm>>
    %dma_wait3A_168 = tpu.memref_squeeze %dma_wait3A_167 : memref<1x1x1x80xi32, #tpu.memory_space<hbm>> -> memref<1x80xi32, #tpu.memory_space<hbm>>
    %dma_wait3A_169 = arith.constant 0 : i32
    %dma_wait3A_170 = arith.constant 0 : i32
    %dma_wait3A_171 = tpu.memref_slice %arg6[%dma_wait3A_160, %dma_wait3A_169, %dma_wait3A_170] : memref<4x1x80xi32, #tpu.memory_space<vmem>> -> memref<1x1x80xi32, #tpu.memory_space<vmem>>
    %dma_wait3A_172 = tpu.memref_squeeze %dma_wait3A_171 : memref<1x1x80xi32, #tpu.memory_space<vmem>> -> memref<1x80xi32, #tpu.memory_space<vmem>>
    %dma_wait3A_173 = arith.constant 0 : i32
    %dma_wait3A_174 = arith.constant 0 : i32
    %dma_wait3A_175 = tpu.memref_slice %arg4[%dma_wait3A_159, %add3A_158, %dma_wait3A_173, %dma_wait3A_174] : memref<2x4000x1x80xi32, #tpu.memory_space<hbm>> -> memref<1x1x1x80xi32, #tpu.memory_space<hbm>>
    %dma_wait3A_176 = tpu.memref_squeeze %dma_wait3A_175 : memref<1x1x1x80xi32, #tpu.memory_space<hbm>> -> memref<1x80xi32, #tpu.memory_space<hbm>>
    tpu.wait_dma2 semaphore(%arg14 : memref<!tpu.dma_semaphore, #tpu.memory_space<semaphore_mem>>) src(%dma_wait3A_176 : memref<1x80xi32, #tpu.memory_space<hbm>>) dst(%dma_wait3A_172 : memref<1x80xi32, #tpu.memory_space<vmem>>)
    %mul3A_177 = arith.constant 125 : i32
    %mul3A_178 = arith.muli %add3A, %mul3A_177 : i32
    %add3A_179 = arith.constant 1 : i32
    %add3A_180 = arith.addi %mul3A_178, %add3A_179 : i32
    %dma_wait3A_181 = arith.constant 1 : i32
    %dma_wait3A_182 = arith.constant 1 : i32
    %dma_wait3A_183 = arith.constant 0 : i32
    %dma_wait3A_184 = arith.constant 0 : i32
    %dma_wait3A_185 = tpu.memref_slice %arg7[%dma_wait3A_182, %dma_wait3A_183, %dma_wait3A_184] : memref<4x1x80xi32, #tpu.memory_space<vmem>> -> memref<1x1x80xi32, #tpu.memory_space<vmem>>
    %dma_wait3A_186 = tpu.memref_squeeze %dma_wait3A_185 : memref<1x1x80xi32, #tpu.memory_space<vmem>> -> memref<1x80xi32, #tpu.memory_space<vmem>>
    %dma_wait3A_187 = arith.constant 0 : i32
    %dma_wait3A_188 = arith.constant 0 : i32
    %dma_wait3A_189 = tpu.memref_slice %arg4[%dma_wait3A_181, %add3A_180, %dma_wait3A_187, %dma_wait3A_188] : memref<2x4000x1x80xi32, #tpu.memory_space<hbm>> -> memref<1x1x1x80xi32, #tpu.memory_space<hbm>>
    %dma_wait3A_190 = tpu.memref_squeeze %dma_wait3A_189 : memref<1x1x1x80xi32, #tpu.memory_space<hbm>> -> memref<1x80xi32, #tpu.memory_space<hbm>>
    %dma_wait3A_191 = arith.constant 0 : i32
    %dma_wait3A_192 = arith.constant 0 : i32
    %dma_wait3A_193 = tpu.memref_slice %arg7[%dma_wait3A_182, %dma_wait3A_191, %dma_wait3A_192] : memref<4x1x80xi32, #tpu.memory_space<vmem>> -> memref<1x1x80xi32, #tpu.memory_space<vmem>>
    %dma_wait3A_194 = tpu.memref_squeeze %dma_wait3A_193 : memref<1x1x80xi32, #tpu.memory_space<vmem>> -> memref<1x80xi32, #tpu.memory_space<vmem>>
    %dma_wait3A_195 = arith.constant 0 : i32
    %dma_wait3A_196 = arith.constant 0 : i32
    %dma_wait3A_197 = tpu.memref_slice %arg4[%dma_wait3A_181, %add3A_180, %dma_wait3A_195, %dma_wait3A_196] : memref<2x4000x1x80xi32, #tpu.memory_space<hbm>> -> memref<1x1x1x80xi32, #tpu.memory_space<hbm>>
    %dma_wait3A_198 = tpu.memref_squeeze %dma_wait3A_197 : memref<1x1x1x80xi32, #tpu.memory_space<hbm>> -> memref<1x80xi32, #tpu.memory_space<hbm>>
    tpu.wait_dma2 semaphore(%arg15 : memref<!tpu.dma_semaphore, #tpu.memory_space<semaphore_mem>>) src(%dma_wait3A_198 : memref<1x80xi32, #tpu.memory_space<hbm>>) dst(%dma_wait3A_194 : memref<1x80xi32, #tpu.memory_space<vmem>>)
    %dma_start3A_199 = arith.constant 1 : i32
    %dma_start3A_200 = arith.constant 0 : i32
    %dma_start3A_201 = arith.constant 1 : i32
    %dma_start3A_202 = arith.constant 0 : i32
    %dma_start3A_203 = arith.constant 0 : i32
    %dma_start3A_204 = tpu.memref_slice %arg8[%dma_start3A_201, %dma_start3A_202, %dma_start3A_203] : memref<2x80x128xf32, #tpu.memory_space<vmem>> -> memref<1x80x128xf32, #tpu.memory_space<vmem>>
    %dma_start3A_205 = tpu.memref_squeeze %dma_start3A_204 : memref<1x80x128xf32, #tpu.memory_space<vmem>> -> memref<80x128xf32, #tpu.memory_space<vmem>>
    %dma_start3A_206 = arith.constant 0 : i32
    %dma_start3A_207 = tpu.memref_slice %arg6[%dma_start3A_199, %dma_start3A_200, %dma_start3A_206] : memref<4x1x80xi32, #tpu.memory_space<vmem>> -> memref<1x1x80xi32, #tpu.memory_space<vmem>>
    %dma_start3A_208 = tpu.memref_squeeze %dma_start3A_207 : memref<1x1x80xi32, #tpu.memory_space<vmem>> -> memref<80xi32, #tpu.memory_space<vmem>>
    %dma_start3A_209 = arith.constant 0 : i32
    %dma_start3A_210 = arith.constant 0 : i32
    %dma_start3A_211 = tpu.memref_slice %arg2[%dma_start3A_209, %dma_start3A_210] : memref<10000x128xf32, #tpu.memory_space<hbm>> -> memref<10000x128xf32, #tpu.memory_space<hbm>>
    tpu.enqueue_indirect_dma source(%dma_start3A_211 : memref<10000x128xf32, #tpu.memory_space<hbm>>) target(%dma_start3A_205 : memref<80x128xf32, #tpu.memory_space<vmem>>) offsets(%dma_start3A_208 : memref<80xi32, #tpu.memory_space<vmem>>) semaphore(%arg11 : memref<!tpu.dma_semaphore, #tpu.memory_space<semaphore_mem>>)
    %add3A_212 = arith.constant 80 : i32
    %add3A_213 = arith.addi %mul3A_2, %add3A_212 : i32
    %dma_start3A_214 = arith.constant 1 : i32
    %dma_start3A_215 = arith.constant 0 : i32
    %dma_start3A_216 = arith.constant 0 : i32
    %dma_start3A_217 = tpu.memref_slice %arg9[%dma_start3A_214, %dma_start3A_215, %dma_start3A_216] : memref<2x80x128xf32, #tpu.memory_space<vmem>> -> memref<1x80x128xf32, #tpu.memory_space<vmem>>
    %dma_start3A_218 = tpu.memref_squeeze %dma_start3A_217 : memref<1x80x128xf32, #tpu.memory_space<vmem>> -> memref<80x128xf32, #tpu.memory_space<vmem>>
    %dma_start3A_219 = arith.constant 0 : i32
    %dma_start3A_220 = tpu.memref_slice %arg3[%add3A_213, %dma_start3A_219] : memref<320000x128xf32, #tpu.memory_space<hbm>> -> memref<80x128xf32, #tpu.memory_space<hbm>>
    %dma_start3A_221 = arith.constant 0 : i32
    %dma_start3A_222 = arith.constant 0 : i32
    %dma_start3A_223 = tpu.memref_slice %arg9[%dma_start3A_214, %dma_start3A_221, %dma_start3A_222] : memref<2x80x128xf32, #tpu.memory_space<vmem>> -> memref<1x80x128xf32, #tpu.memory_space<vmem>>
    %dma_start3A_224 = tpu.memref_squeeze %dma_start3A_223 : memref<1x80x128xf32, #tpu.memory_space<vmem>> -> memref<80x128xf32, #tpu.memory_space<vmem>>
    %dma_start3A_225 = arith.constant 0 : i32
    %dma_start3A_226 = tpu.memref_slice %arg3[%add3A_213, %dma_start3A_225] : memref<320000x128xf32, #tpu.memory_space<hbm>> -> memref<80x128xf32, #tpu.memory_space<hbm>>
    tpu.enqueue_dma source(%dma_start3A_226 : memref<80x128xf32, #tpu.memory_space<hbm>>) target(%dma_start3A_224 : memref<80x128xf32, #tpu.memory_space<vmem>>) target_semaphore(%arg12 : memref<!tpu.dma_semaphore, #tpu.memory_space<semaphore_mem>>)
    %scan3A_227 = arith.constant 0 : i32
    %scan3A_228 = arith.constant 0 : i32
    %scan3A_229 = arith.constant 80 : i32
    %scan3A_230 = arith.addi %scan3A_228, %scan3A_229 : i32
    %scan3A_231 = arith.constant 1 : i32
    scf.for %scan3A_863 = %scan3A_228 to %scan3A_230 step %scan3A_231  : i32 {
      %get3A = arith.constant 0 : i32
      %get3A_864 = arith.index_cast %get3A : i32 to index
      %get3A_865 = arith.index_cast %scan3A_863 : i32 to index
      %get3A_866 = arith.constant 0 : index
      %get3A_867 = tpu.vector_load %arg8[%get3A_864, %get3A_865, %get3A_866] {strides = array<i32>} : memref<2x80x128xf32, #tpu.memory_space<vmem>>, vector<1x1x16xf32>,
      %get3A_868 = vector.shape_cast %get3A_867 : vector<1x1x16xf32> to vector<16xf32>
      %get3A_869 = arith.constant 0 : i32
      %get3A_870 = arith.index_cast %get3A_869 : i32 to index
      %get3A_871 = arith.index_cast %scan3A_863 : i32 to index
      %get3A_872 = arith.constant 0 : index
      %get3A_873 = tpu.vector_load %arg9[%get3A_870, %get3A_871, %get3A_872] {strides = array<i32>} : memref<2x80x128xf32, #tpu.memory_space<vmem>>, vector<1x1x16xf32>,
      %get3A_874 = vector.shape_cast %get3A_873 : vector<1x1x16xf32> to vector<16xf32>
      %add3A_875 = arith.addf %get3A_868, %get3A_874 : vector<16xf32>
      %swap3A = arith.constant 0 : i32
      %swap3A_876 = arith.index_cast %swap3A : i32 to index
      %swap3A_877 = arith.index_cast %scan3A_863 : i32 to index
      %swap3A_878 = arith.constant 0 : index
      %swap3A_879 = tpu.vector_load %arg8[%swap3A_876, %swap3A_877, %swap3A_878] {strides = array<i32>} : memref<2x80x128xf32, #tpu.memory_space<vmem>>, vector<1x1x16xf32>,
      %swap3A_880 = vector.shape_cast %swap3A_879 : vector<1x1x16xf32> to vector<16xf32>
      %swap3A_881 = vector.shape_cast %add3A_875 : vector<16xf32> to vector<1x1x16xf32>
      tpu.vector_store %arg8[%swap3A_876, %swap3A_877, %swap3A_878], %swap3A_881 {strides = array<i32>} : memref<2x80x128xf32, #tpu.memory_space<vmem>>, vector<1x1x16xf32>,
      %get3A_882 = arith.constant 0 : i32
      %get3A_883 = arith.index_cast %get3A_882 : i32 to index
      %get3A_884 = arith.index_cast %scan3A_863 : i32 to index
      %get3A_885 = arith.constant 16 : index
      %get3A_886 = tpu.vector_load %arg8[%get3A_883, %get3A_884, %get3A_885] {strides = array<i32>} : memref<2x80x128xf32, #tpu.memory_space<vmem>>, vector<1x1x16xf32>,
      %get3A_887 = vector.shape_cast %get3A_886 : vector<1x1x16xf32> to vector<16xf32>
      %get3A_888 = arith.constant 0 : i32
      %get3A_889 = arith.index_cast %get3A_888 : i32 to index
      %get3A_890 = arith.index_cast %scan3A_863 : i32 to index
      %get3A_891 = arith.constant 16 : index
      %get3A_892 = tpu.vector_load %arg9[%get3A_889, %get3A_890, %get3A_891] {strides = array<i32>} : memref<2x80x128xf32, #tpu.memory_space<vmem>>, vector<1x1x16xf32>,
      %get3A_893 = vector.shape_cast %get3A_892 : vector<1x1x16xf32> to vector<16xf32>
      %add3A_894 = arith.addf %get3A_887, %get3A_893 : vector<16xf32>
      %swap3A_895 = arith.constant 0 : i32
      %swap3A_896 = arith.index_cast %swap3A_895 : i32 to index
      %swap3A_897 = arith.index_cast %scan3A_863 : i32 to index
      %swap3A_898 = arith.constant 16 : index
      %swap3A_899 = tpu.vector_load %arg8[%swap3A_896, %swap3A_897, %swap3A_898] {strides = array<i32>} : memref<2x80x128xf32, #tpu.memory_space<vmem>>, vector<1x1x16xf32>,
      %swap3A_900 = vector.shape_cast %swap3A_899 : vector<1x1x16xf32> to vector<16xf32>
      %swap3A_901 = vector.shape_cast %add3A_894 : vector<16xf32> to vector<1x1x16xf32>
      tpu.vector_store %arg8[%swap3A_896, %swap3A_897, %swap3A_898], %swap3A_901 {strides = array<i32>} : memref<2x80x128xf32, #tpu.memory_space<vmem>>, vector<1x1x16xf32>,
      %get3A_902 = arith.constant 0 : i32
      %get3A_903 = arith.index_cast %get3A_902 : i32 to index
      %get3A_904 = arith.index_cast %scan3A_863 : i32 to index
      %get3A_905 = arith.constant 32 : index
      %get3A_906 = tpu.vector_load %arg8[%get3A_903, %get3A_904, %get3A_905] {strides = array<i32>} : memref<2x80x128xf32, #tpu.memory_space<vmem>>, vector<1x1x16xf32>,
      %get3A_907 = vector.shape_cast %get3A_906 : vector<1x1x16xf32> to vector<16xf32>
      %get3A_908 = arith.constant 0 : i32
      %get3A_909 = arith.index_cast %get3A_908 : i32 to index
      %get3A_910 = arith.index_cast %scan3A_863 : i32 to index
      %get3A_911 = arith.constant 32 : index
      %get3A_912 = tpu.vector_load %arg9[%get3A_909, %get3A_910, %get3A_911] {strides = array<i32>} : memref<2x80x128xf32, #tpu.memory_space<vmem>>, vector<1x1x16xf32>,
      %get3A_913 = vector.shape_cast %get3A_912 : vector<1x1x16xf32> to vector<16xf32>
      %add3A_914 = arith.addf %get3A_907, %get3A_913 : vector<16xf32>
      %swap3A_915 = arith.constant 0 : i32
      %swap3A_916 = arith.index_cast %swap3A_915 : i32 to index
      %swap3A_917 = arith.index_cast %scan3A_863 : i32 to index
      %swap3A_918 = arith.constant 32 : index
      %swap3A_919 = tpu.vector_load %arg8[%swap3A_916, %swap3A_917, %swap3A_918] {strides = array<i32>} : memref<2x80x128xf32, #tpu.memory_space<vmem>>, vector<1x1x16xf32>,
      %swap3A_920 = vector.shape_cast %swap3A_919 : vector<1x1x16xf32> to vector<16xf32>
      %swap3A_921 = vector.shape_cast %add3A_914 : vector<16xf32> to vector<1x1x16xf32>
      tpu.vector_store %arg8[%swap3A_916, %swap3A_917, %swap3A_918], %swap3A_921 {strides = array<i32>} : memref<2x80x128xf32, #tpu.memory_space<vmem>>, vector<1x1x16xf32>,
      %get3A_922 = arith.constant 0 : i32
      %get3A_923 = arith.index_cast %get3A_922 : i32 to index
      %get3A_924 = arith.index_cast %scan3A_863 : i32 to index
      %get3A_925 = arith.constant 48 : index
      %get3A_926 = tpu.vector_load %arg8[%get3A_923, %get3A_924, %get3A_925] {strides = array<i32>} : memref<2x80x128xf32, #tpu.memory_space<vmem>>, vector<1x1x16xf32>,
      %get3A_927 = vector.shape_cast %get3A_926 : vector<1x1x16xf32> to vector<16xf32>
      %get3A_928 = arith.constant 0 : i32
      %get3A_929 = arith.index_cast %get3A_928 : i32 to index
      %get3A_930 = arith.index_cast %scan3A_863 : i32 to index
      %get3A_931 = arith.constant 48 : index
      %get3A_932 = tpu.vector_load %arg9[%get3A_929, %get3A_930, %get3A_931] {strides = array<i32>} : memref<2x80x128xf32, #tpu.memory_space<vmem>>, vector<1x1x16xf32>,
      %get3A_933 = vector.shape_cast %get3A_932 : vector<1x1x16xf32> to vector<16xf32>
      %add3A_934 = arith.addf %get3A_927, %get3A_933 : vector<16xf32>
      %swap3A_935 = arith.constant 0 : i32
      %swap3A_936 = arith.index_cast %swap3A_935 : i32 to index
      %swap3A_937 = arith.index_cast %scan3A_863 : i32 to index
      %swap3A_938 = arith.constant 48 : index
      %swap3A_939 = tpu.vector_load %arg8[%swap3A_936, %swap3A_937, %swap3A_938] {strides = array<i32>} : memref<2x80x128xf32, #tpu.memory_space<vmem>>, vector<1x1x16xf32>,
      %swap3A_940 = vector.shape_cast %swap3A_939 : vector<1x1x16xf32> to vector<16xf32>
      %swap3A_941 = vector.shape_cast %add3A_934 : vector<16xf32> to vector<1x1x16xf32>
      tpu.vector_store %arg8[%swap3A_936, %swap3A_937, %swap3A_938], %swap3A_941 {strides = array<i32>} : memref<2x80x128xf32, #tpu.memory_space<vmem>>, vector<1x1x16xf32>,
      %get3A_942 = arith.constant 0 : i32
      %get3A_943 = arith.index_cast %get3A_942 : i32 to index
      %get3A_944 = arith.index_cast %scan3A_863 : i32 to index
      %get3A_945 = arith.constant 64 : index
      %get3A_946 = tpu.vector_load %arg8[%get3A_943, %get3A_944, %get3A_945] {strides = array<i32>} : memref<2x80x128xf32, #tpu.memory_space<vmem>>, vector<1x1x16xf32>,
      %get3A_947 = vector.shape_cast %get3A_946 : vector<1x1x16xf32> to vector<16xf32>
      %get3A_948 = arith.constant 0 : i32
      %get3A_949 = arith.index_cast %get3A_948 : i32 to index
      %get3A_950 = arith.index_cast %scan3A_863 : i32 to index
      %get3A_951 = arith.constant 64 : index
      %get3A_952 = tpu.vector_load %arg9[%get3A_949, %get3A_950, %get3A_951] {strides = array<i32>} : memref<2x80x128xf32, #tpu.memory_space<vmem>>, vector<1x1x16xf32>,
      %get3A_953 = vector.shape_cast %get3A_952 : vector<1x1x16xf32> to vector<16xf32>
      %add3A_954 = arith.addf %get3A_947, %get3A_953 : vector<16xf32>
      %swap3A_955 = arith.constant 0 : i32
      %swap3A_956 = arith.index_cast %swap3A_955 : i32 to index
      %swap3A_957 = arith.index_cast %scan3A_863 : i32 to index
      %swap3A_958 = arith.constant 64 : index
      %swap3A_959 = tpu.vector_load %arg8[%swap3A_956, %swap3A_957, %swap3A_958] {strides = array<i32>} : memref<2x80x128xf32, #tpu.memory_space<vmem>>, vector<1x1x16xf32>,
      %swap3A_960 = vector.shape_cast %swap3A_959 : vector<1x1x16xf32> to vector<16xf32>
      %swap3A_961 = vector.shape_cast %add3A_954 : vector<16xf32> to vector<1x1x16xf32>
      tpu.vector_store %arg8[%swap3A_956, %swap3A_957, %swap3A_958], %swap3A_961 {strides = array<i32>} : memref<2x80x128xf32, #tpu.memory_space<vmem>>, vector<1x1x16xf32>,
      %get3A_962 = arith.constant 0 : i32
      %get3A_963 = arith.index_cast %get3A_962 : i32 to index
      %get3A_964 = arith.index_cast %scan3A_863 : i32 to index
      %get3A_965 = arith.constant 80 : index
      %get3A_966 = tpu.vector_load %arg8[%get3A_963, %get3A_964, %get3A_965] {strides = array<i32>} : memref<2x80x128xf32, #tpu.memory_space<vmem>>, vector<1x1x16xf32>,
      %get3A_967 = vector.shape_cast %get3A_966 : vector<1x1x16xf32> to vector<16xf32>
      %get3A_968 = arith.constant 0 : i32
      %get3A_969 = arith.index_cast %get3A_968 : i32 to index
      %get3A_970 = arith.index_cast %scan3A_863 : i32 to index
      %get3A_971 = arith.constant 80 : index
      %get3A_972 = tpu.vector_load %arg9[%get3A_969, %get3A_970, %get3A_971] {strides = array<i32>} : memref<2x80x128xf32, #tpu.memory_space<vmem>>, vector<1x1x16xf32>,
      %get3A_973 = vector.shape_cast %get3A_972 : vector<1x1x16xf32> to vector<16xf32>
      %add3A_974 = arith.addf %get3A_967, %get3A_973 : vector<16xf32>
      %swap3A_975 = arith.constant 0 : i32
      %swap3A_976 = arith.index_cast %swap3A_975 : i32 to index
      %swap3A_977 = arith.index_cast %scan3A_863 : i32 to index
      %swap3A_978 = arith.constant 80 : index
      %swap3A_979 = tpu.vector_load %arg8[%swap3A_976, %swap3A_977, %swap3A_978] {strides = array<i32>} : memref<2x80x128xf32, #tpu.memory_space<vmem>>, vector<1x1x16xf32>,
      %swap3A_980 = vector.shape_cast %swap3A_979 : vector<1x1x16xf32> to vector<16xf32>
      %swap3A_981 = vector.shape_cast %add3A_974 : vector<16xf32> to vector<1x1x16xf32>
      tpu.vector_store %arg8[%swap3A_976, %swap3A_977, %swap3A_978], %swap3A_981 {strides = array<i32>} : memref<2x80x128xf32, #tpu.memory_space<vmem>>, vector<1x1x16xf32>,
      %get3A_982 = arith.constant 0 : i32
      %get3A_983 = arith.index_cast %get3A_982 : i32 to index
      %get3A_984 = arith.index_cast %scan3A_863 : i32 to index
      %get3A_985 = arith.constant 96 : index
      %get3A_986 = tpu.vector_load %arg8[%get3A_983, %get3A_984, %get3A_985] {strides = array<i32>} : memref<2x80x128xf32, #tpu.memory_space<vmem>>, vector<1x1x16xf32>,
      %get3A_987 = vector.shape_cast %get3A_986 : vector<1x1x16xf32> to vector<16xf32>
      %get3A_988 = arith.constant 0 : i32
      %get3A_989 = arith.index_cast %get3A_988 : i32 to index
      %get3A_990 = arith.index_cast %scan3A_863 : i32 to index
      %get3A_991 = arith.constant 96 : index
      %get3A_992 = tpu.vector_load %arg9[%get3A_989, %get3A_990, %get3A_991] {strides = array<i32>} : memref<2x80x128xf32, #tpu.memory_space<vmem>>, vector<1x1x16xf32>,
      %get3A_993 = vector.shape_cast %get3A_992 : vector<1x1x16xf32> to vector<16xf32>
      %add3A_994 = arith.addf %get3A_987, %get3A_993 : vector<16xf32>
      %swap3A_995 = arith.constant 0 : i32
      %swap3A_996 = arith.index_cast %swap3A_995 : i32 to index
      %swap3A_997 = arith.index_cast %scan3A_863 : i32 to index
      %swap3A_998 = arith.constant 96 : index
      %swap3A_999 = tpu.vector_load %arg8[%swap3A_996, %swap3A_997, %swap3A_998] {strides = array<i32>} : memref<2x80x128xf32, #tpu.memory_space<vmem>>, vector<1x1x16xf32>,
      %swap3A_1000 = vector.shape_cast %swap3A_999 : vector<1x1x16xf32> to vector<16xf32>
      %swap3A_1001 = vector.shape_cast %add3A_994 : vector<16xf32> to vector<1x1x16xf32>
      tpu.vector_store %arg8[%swap3A_996, %swap3A_997, %swap3A_998], %swap3A_1001 {strides = array<i32>} : memref<2x80x128xf32, #tpu.memory_space<vmem>>, vector<1x1x16xf32>,
      %get3A_1002 = arith.constant 0 : i32
      %get3A_1003 = arith.index_cast %get3A_1002 : i32 to index
      %get3A_1004 = arith.index_cast %scan3A_863 : i32 to index
      %get3A_1005 = arith.constant 112 : index
      %get3A_1006 = tpu.vector_load %arg8[%get3A_1003, %get3A_1004, %get3A_1005] {strides = array<i32>} : memref<2x80x128xf32, #tpu.memory_space<vmem>>, vector<1x1x16xf32>,
      %get3A_1007 = vector.shape_cast %get3A_1006 : vector<1x1x16xf32> to vector<16xf32>
      %get3A_1008 = arith.constant 0 : i32
      %get3A_1009 = arith.index_cast %get3A_1008 : i32 to index
      %get3A_1010 = arith.index_cast %scan3A_863 : i32 to index
      %get3A_1011 = arith.constant 112 : index
      %get3A_1012 = tpu.vector_load %arg9[%get3A_1009, %get3A_1010, %get3A_1011] {strides = array<i32>} : memref<2x80x128xf32, #tpu.memory_space<vmem>>, vector<1x1x16xf32>,
      %get3A_1013 = vector.shape_cast %get3A_1012 : vector<1x1x16xf32> to vector<16xf32>
      %add3A_1014 = arith.addf %get3A_1007, %get3A_1013 : vector<16xf32>
      %swap3A_1015 = arith.constant 0 : i32
      %swap3A_1016 = arith.index_cast %swap3A_1015 : i32 to index
      %swap3A_1017 = arith.index_cast %scan3A_863 : i32 to index
      %swap3A_1018 = arith.constant 112 : index
      %swap3A_1019 = tpu.vector_load %arg8[%swap3A_1016, %swap3A_1017, %swap3A_1018] {strides = array<i32>} : memref<2x80x128xf32, #tpu.memory_space<vmem>>, vector<1x1x16xf32>,
      %swap3A_1020 = vector.shape_cast %swap3A_1019 : vector<1x1x16xf32> to vector<16xf32>
      %swap3A_1021 = vector.shape_cast %add3A_1014 : vector<16xf32> to vector<1x1x16xf32>
      tpu.vector_store %arg8[%swap3A_1016, %swap3A_1017, %swap3A_1018], %swap3A_1021 {strides = array<i32>} : memref<2x80x128xf32, #tpu.memory_space<vmem>>, vector<1x1x16xf32>,
    }
    %scan3A_232 = arith.constant 80 : i32
    %dma_start3A_233 = arith.constant 0 : i32
    %dma_start3A_234 = arith.constant 0 : i32
    %dma_start3A_235 = arith.constant 0 : i32
    %dma_start3A_236 = arith.constant 0 : i32
    %dma_start3A_237 = arith.constant 0 : i32
    %dma_start3A_238 = tpu.memref_slice %arg8[%dma_start3A_233, %dma_start3A_236, %dma_start3A_237] : memref<2x80x128xf32, #tpu.memory_space<vmem>> -> memref<1x80x128xf32, #tpu.memory_space<vmem>>
    %dma_start3A_239 = tpu.memref_squeeze %dma_start3A_238 : memref<1x80x128xf32, #tpu.memory_space<vmem>> -> memref<80x128xf32, #tpu.memory_space<vmem>>
    %dma_start3A_240 = arith.constant 0 : i32
    %dma_start3A_241 = tpu.memref_slice %arg7[%dma_start3A_234, %dma_start3A_235, %dma_start3A_240] : memref<4x1x80xi32, #tpu.memory_space<vmem>> -> memref<1x1x80xi32, #tpu.memory_space<vmem>>
    %dma_start3A_242 = tpu.memref_squeeze %dma_start3A_241 : memref<1x1x80xi32, #tpu.memory_space<vmem>> -> memref<80xi32, #tpu.memory_space<vmem>>
    %dma_start3A_243 = arith.constant 0 : i32
    %dma_start3A_244 = arith.constant 0 : i32
    %dma_start3A_245 = tpu.memref_slice %arg10[%dma_start3A_243, %dma_start3A_244] : memref<10000x128xf32, #tpu.memory_space<vmem_shared>> -> memref<10000x128xf32, #tpu.memory_space<vmem_shared>>
    tpu.enqueue_indirect_dma source(%dma_start3A_239 : memref<80x128xf32, #tpu.memory_space<vmem>>) target(%dma_start3A_245 : memref<10000x128xf32, #tpu.memory_space<vmem_shared>>) offsets(%dma_start3A_242 : memref<80xi32, #tpu.memory_space<vmem>>) semaphore(%arg13 : memref<!tpu.dma_semaphore, #tpu.memory_space<semaphore_mem>>) {add = true}
    %scan3A_246 = arith.constant 0 : i32
    %scan3A_247 = arith.constant 0 : i32
    %scan3A_248 = arith.constant 30 : i32
    %scan3A_249 = arith.addi %scan3A_247, %scan3A_248 : i32
    %scan3A_250 = arith.constant 1 : i32
    scf.for %scan3A_863 = %scan3A_247 to %scan3A_249 step %scan3A_250  : i32 {
      %mul3A_864 = arith.constant 4 : i32
      %mul3A_865 = arith.muli %mul3A_864, %scan3A_863 : i32
      %add3A_866 = arith.constant 1 : i32
      %add3A_867 = arith.addi %add3A_866, %mul3A_865 : i32
      %add3A_868 = arith.constant 0 : i32
      %add3A_869 = arith.addi %add3A_867, %add3A_868 : i32
      %add3A_870 = arith.constant 1 : i32
      %add3A_871 = arith.addi %add3A_869, %add3A_870 : i32
      %mul3A_872 = arith.constant 125 : i32
      %mul3A_873 = arith.muli %add3A, %mul3A_872 : i32
      %add3A_874 = arith.addi %mul3A_873, %add3A_871 : i32
      %dma_start3A_875 = arith.constant 0 : i32
      %dma_start3A_876 = arith.constant 2 : i32
      %dma_start3A_877 = arith.constant 0 : i32
      %dma_start3A_878 = arith.constant 0 : i32
      %dma_start3A_879 = tpu.memref_slice %arg6[%dma_start3A_876, %dma_start3A_877, %dma_start3A_878] : memref<4x1x80xi32, #tpu.memory_space<vmem>> -> memref<1x1x80xi32, #tpu.memory_space<vmem>>
      %dma_start3A_880 = tpu.memref_squeeze %dma_start3A_879 : memref<1x1x80xi32, #tpu.memory_space<vmem>> -> memref<1x80xi32, #tpu.memory_space<vmem>>
      %dma_start3A_881 = arith.constant 0 : i32
      %dma_start3A_882 = arith.constant 0 : i32
      %dma_start3A_883 = tpu.memref_slice %arg4[%dma_start3A_875, %add3A_874, %dma_start3A_881, %dma_start3A_882] : memref<2x4000x1x80xi32, #tpu.memory_space<hbm>> -> memref<1x1x1x80xi32, #tpu.memory_space<hbm>>
      %dma_start3A_884 = tpu.memref_squeeze %dma_start3A_883 : memref<1x1x1x80xi32, #tpu.memory_space<hbm>> -> memref<1x80xi32, #tpu.memory_space<hbm>>
      %dma_start3A_885 = arith.constant 0 : i32
      %dma_start3A_886 = arith.constant 0 : i32
      %dma_start3A_887 = tpu.memref_slice %arg6[%dma_start3A_876, %dma_start3A_885, %dma_start3A_886] : memref<4x1x80xi32, #tpu.memory_space<vmem>> -> memref<1x1x80xi32, #tpu.memory_space<vmem>>
      %dma_start3A_888 = tpu.memref_squeeze %dma_start3A_887 : memref<1x1x80xi32, #tpu.memory_space<vmem>> -> memref<1x80xi32, #tpu.memory_space<vmem>>
      %dma_start3A_889 = arith.constant 0 : i32
      %dma_start3A_890 = arith.constant 0 : i32
      %dma_start3A_891 = tpu.memref_slice %arg4[%dma_start3A_875, %add3A_874, %dma_start3A_889, %dma_start3A_890] : memref<2x4000x1x80xi32, #tpu.memory_space<hbm>> -> memref<1x1x1x80xi32, #tpu.memory_space<hbm>>
      %dma_start3A_892 = tpu.memref_squeeze %dma_start3A_891 : memref<1x1x1x80xi32, #tpu.memory_space<hbm>> -> memref<1x80xi32, #tpu.memory_space<hbm>>
      tpu.enqueue_dma source(%dma_start3A_892 : memref<1x80xi32, #tpu.memory_space<hbm>>) target(%dma_start3A_888 : memref<1x80xi32, #tpu.memory_space<vmem>>) target_semaphore(%arg14 : memref<!tpu.dma_semaphore, #tpu.memory_space<semaphore_mem>>)
      %mul3A_893 = arith.constant 125 : i32
      %mul3A_894 = arith.muli %add3A, %mul3A_893 : i32
      %add3A_895 = arith.addi %mul3A_894, %add3A_871 : i32
      %dma_start3A_896 = arith.constant 1 : i32
      %dma_start3A_897 = arith.constant 2 : i32
      %dma_start3A_898 = arith.constant 0 : i32
      %dma_start3A_899 = arith.constant 0 : i32
      %dma_start3A_900 = tpu.memref_slice %arg7[%dma_start3A_897, %dma_start3A_898, %dma_start3A_899] : memref<4x1x80xi32, #tpu.memory_space<vmem>> -> memref<1x1x80xi32, #tpu.memory_space<vmem>>
      %dma_start3A_901 = tpu.memref_squeeze %dma_start3A_900 : memref<1x1x80xi32, #tpu.memory_space<vmem>> -> memref<1x80xi32, #tpu.memory_space<vmem>>
      %dma_start3A_902 = arith.constant 0 : i32
      %dma_start3A_903 = arith.constant 0 : i32
      %dma_start3A_904 = tpu.memref_slice %arg4[%dma_start3A_896, %add3A_895, %dma_start3A_902, %dma_start3A_903] : memref<2x4000x1x80xi32, #tpu.memory_space<hbm>> -> memref<1x1x1x80xi32, #tpu.memory_space<hbm>>
      %dma_start3A_905 = tpu.memref_squeeze %dma_start3A_904 : memref<1x1x1x80xi32, #tpu.memory_space<hbm>> -> memref<1x80xi32, #tpu.memory_space<hbm>>
      %dma_start3A_906 = arith.constant 0 : i32
      %dma_start3A_907 = arith.constant 0 : i32
      %dma_start3A_908 = tpu.memref_slice %arg7[%dma_start3A_897, %dma_start3A_906, %dma_start3A_907] : memref<4x1x80xi32, #tpu.memory_space<vmem>> -> memref<1x1x80xi32, #tpu.memory_space<vmem>>
      %dma_start3A_909 = tpu.memref_squeeze %dma_start3A_908 : memref<1x1x80xi32, #tpu.memory_space<vmem>> -> memref<1x80xi32, #tpu.memory_space<vmem>>
      %dma_start3A_910 = arith.constant 0 : i32
      %dma_start3A_911 = arith.constant 0 : i32
      %dma_start3A_912 = tpu.memref_slice %arg4[%dma_start3A_896, %add3A_895, %dma_start3A_910, %dma_start3A_911] : memref<2x4000x1x80xi32, #tpu.memory_space<hbm>> -> memref<1x1x1x80xi32, #tpu.memory_space<hbm>>
      %dma_start3A_913 = tpu.memref_squeeze %dma_start3A_912 : memref<1x1x1x80xi32, #tpu.memory_space<hbm>> -> memref<1x80xi32, #tpu.memory_space<hbm>>
      tpu.enqueue_dma source(%dma_start3A_913 : memref<1x80xi32, #tpu.memory_space<hbm>>) target(%dma_start3A_909 : memref<1x80xi32, #tpu.memory_space<vmem>>) target_semaphore(%arg15 : memref<!tpu.dma_semaphore, #tpu.memory_space<semaphore_mem>>)
      %dma_wait3A_914 = arith.constant 1 : i32
      %dma_wait3A_915 = arith.constant 0 : i32
      %dma_wait3A_916 = arith.constant 1 : i32
      %dma_wait3A_917 = arith.constant 0 : i32
      %dma_wait3A_918 = arith.constant 0 : i32
      %dma_wait3A_919 = tpu.memref_slice %arg8[%dma_wait3A_916, %dma_wait3A_917, %dma_wait3A_918] : memref<2x80x128xf32, #tpu.memory_space<vmem>> -> memref<1x80x128xf32, #tpu.memory_space<vmem>>
      %dma_wait3A_920 = tpu.memref_squeeze %dma_wait3A_919 : memref<1x80x128xf32, #tpu.memory_space<vmem>> -> memref<80x128xf32, #tpu.memory_space<vmem>>
      %dma_wait3A_921 = arith.constant 0 : i32
      %dma_wait3A_922 = tpu.memref_slice %arg6[%dma_wait3A_914, %dma_wait3A_915, %dma_wait3A_921] : memref<4x1x80xi32, #tpu.memory_space<vmem>> -> memref<1x1x80xi32, #tpu.memory_space<vmem>>
      %dma_wait3A_923 = tpu.memref_squeeze %dma_wait3A_922 : memref<1x1x80xi32, #tpu.memory_space<vmem>> -> memref<80xi32, #tpu.memory_space<vmem>>
      %dma_wait3A_924 = arith.constant 0 : i32
      %dma_wait3A_925 = arith.constant 0 : i32
      %dma_wait3A_926 = tpu.memref_slice %arg2[%dma_wait3A_924, %dma_wait3A_925] : memref<10000x128xf32, #tpu.memory_space<hbm>> -> memref<10000x128xf32, #tpu.memory_space<hbm>>
      tpu.wait_indirect_dma semaphore(%arg11 : memref<!tpu.dma_semaphore, #tpu.memory_space<semaphore_mem>>) src(%dma_wait3A_926 : memref<10000x128xf32, #tpu.memory_space<hbm>>) dst(%dma_wait3A_920 : memref<80x128xf32, #tpu.memory_space<vmem>>)
      %mul3A_927 = arith.constant 80 : i32
      %mul3A_928 = arith.muli %add3A_869, %mul3A_927 : i32
      %add3A_929 = arith.addi %mul3A_2, %mul3A_928 : i32
      %dma_wait3A_930 = arith.constant 1 : i32
      %dma_wait3A_931 = arith.constant 0 : i32
      %dma_wait3A_932 = arith.constant 0 : i32
      %dma_wait3A_933 = tpu.memref_slice %arg9[%dma_wait3A_930, %dma_wait3A_931, %dma_wait3A_932] : memref<2x80x128xf32, #tpu.memory_space<vmem>> -> memref<1x80x128xf32, #tpu.memory_space<vmem>>
      %dma_wait3A_934 = tpu.memref_squeeze %dma_wait3A_933 : memref<1x80x128xf32, #tpu.memory_space<vmem>> -> memref<80x128xf32, #tpu.memory_space<vmem>>
      %dma_wait3A_935 = arith.constant 0 : i32
      %dma_wait3A_936 = tpu.memref_slice %arg3[%add3A_929, %dma_wait3A_935] : memref<320000x128xf32, #tpu.memory_space<hbm>> -> memref<80x128xf32, #tpu.memory_space<hbm>>
      %dma_wait3A_937 = arith.constant 0 : i32
      %dma_wait3A_938 = arith.constant 0 : i32
      %dma_wait3A_939 = tpu.memref_slice %arg9[%dma_wait3A_930, %dma_wait3A_937, %dma_wait3A_938] : memref<2x80x128xf32, #tpu.memory_space<vmem>> -> memref<1x80x128xf32, #tpu.memory_space<vmem>>
      %dma_wait3A_940 = tpu.memref_squeeze %dma_wait3A_939 : memref<1x80x128xf32, #tpu.memory_space<vmem>> -> memref<80x128xf32, #tpu.memory_space<vmem>>
      %dma_wait3A_941 = arith.constant 0 : i32
      %dma_wait3A_942 = tpu.memref_slice %arg3[%add3A_929, %dma_wait3A_941] : memref<320000x128xf32, #tpu.memory_space<hbm>> -> memref<80x128xf32, #tpu.memory_space<hbm>>
      tpu.wait_dma2 semaphore(%arg12 : memref<!tpu.dma_semaphore, #tpu.memory_space<semaphore_mem>>) src(%dma_wait3A_942 : memref<80x128xf32, #tpu.memory_space<hbm>>) dst(%dma_wait3A_940 : memref<80x128xf32, #tpu.memory_space<vmem>>)
      %sub3A = arith.constant 1 : i32
      %sub3A_943 = arith.subi %add3A_869, %sub3A : i32
      %dma_wait3A_944 = arith.constant 0 : i32
      %dma_wait3A_945 = arith.constant 0 : i32
      %dma_wait3A_946 = arith.constant 0 : i32
      %dma_wait3A_947 = arith.constant 0 : i32
      %dma_wait3A_948 = arith.constant 0 : i32
      %dma_wait3A_949 = tpu.memref_slice %arg8[%dma_wait3A_944, %dma_wait3A_947, %dma_wait3A_948] : memref<2x80x128xf32, #tpu.memory_space<vmem>> -> memref<1x80x128xf32, #tpu.memory_space<vmem>>
      %dma_wait3A_950 = tpu.memref_squeeze %dma_wait3A_949 : memref<1x80x128xf32, #tpu.memory_space<vmem>> -> memref<80x128xf32, #tpu.memory_space<vmem>>
      %dma_wait3A_951 = arith.constant 0 : i32
      %dma_wait3A_952 = tpu.memref_slice %arg7[%dma_wait3A_945, %dma_wait3A_946, %dma_wait3A_951] : memref<4x1x80xi32, #tpu.memory_space<vmem>> -> memref<1x1x80xi32, #tpu.memory_space<vmem>>
      %dma_wait3A_953 = tpu.memref_squeeze %dma_wait3A_952 : memref<1x1x80xi32, #tpu.memory_space<vmem>> -> memref<80xi32, #tpu.memory_space<vmem>>
      %dma_wait3A_954 = arith.constant 0 : i32
      %dma_wait3A_955 = arith.constant 0 : i32
      %dma_wait3A_956 = tpu.memref_slice %arg10[%dma_wait3A_954, %dma_wait3A_955] : memref<10000x128xf32, #tpu.memory_space<vmem_shared>> -> memref<10000x128xf32, #tpu.memory_space<vmem_shared>>
      tpu.wait_indirect_dma semaphore(%arg13 : memref<!tpu.dma_semaphore, #tpu.memory_space<semaphore_mem>>) src(%dma_wait3A_950 : memref<80x128xf32, #tpu.memory_space<vmem>>) dst(%dma_wait3A_956 : memref<10000x128xf32, #tpu.memory_space<vmem_shared>>)
      %add3A_957 = arith.constant 1 : i32
      %add3A_958 = arith.addi %add3A_869, %add3A_957 : i32
      %mul3A_959 = arith.constant 125 : i32
      %mul3A_960 = arith.muli %add3A, %mul3A_959 : i32
      %add3A_961 = arith.addi %mul3A_960, %add3A_958 : i32
      %dma_wait3A_962 = arith.constant 0 : i32
      %dma_wait3A_963 = arith.constant 2 : i32
      %dma_wait3A_964 = arith.constant 0 : i32
      %dma_wait3A_965 = arith.constant 0 : i32
      %dma_wait3A_966 = tpu.memref_slice %arg6[%dma_wait3A_963, %dma_wait3A_964, %dma_wait3A_965] : memref<4x1x80xi32, #tpu.memory_space<vmem>> -> memref<1x1x80xi32, #tpu.memory_space<vmem>>
      %dma_wait3A_967 = tpu.memref_squeeze %dma_wait3A_966 : memref<1x1x80xi32, #tpu.memory_space<vmem>> -> memref<1x80xi32, #tpu.memory_space<vmem>>
      %dma_wait3A_968 = arith.constant 0 : i32
      %dma_wait3A_969 = arith.constant 0 : i32
      %dma_wait3A_970 = tpu.memref_slice %arg4[%dma_wait3A_962, %add3A_961, %dma_wait3A_968, %dma_wait3A_969] : memref<2x4000x1x80xi32, #tpu.memory_space<hbm>> -> memref<1x1x1x80xi32, #tpu.memory_space<hbm>>
      %dma_wait3A_971 = tpu.memref_squeeze %dma_wait3A_970 : memref<1x1x1x80xi32, #tpu.memory_space<hbm>> -> memref<1x80xi32, #tpu.memory_space<hbm>>
      %dma_wait3A_972 = arith.constant 0 : i32
      %dma_wait3A_973 = arith.constant 0 : i32
      %dma_wait3A_974 = tpu.memref_slice %arg6[%dma_wait3A_963, %dma_wait3A_972, %dma_wait3A_973] : memref<4x1x80xi32, #tpu.memory_space<vmem>> -> memref<1x1x80xi32, #tpu.memory_space<vmem>>
      %dma_wait3A_975 = tpu.memref_squeeze %dma_wait3A_974 : memref<1x1x80xi32, #tpu.memory_space<vmem>> -> memref<1x80xi32, #tpu.memory_space<vmem>>
      %dma_wait3A_976 = arith.constant 0 : i32
      %dma_wait3A_977 = arith.constant 0 : i32
      %dma_wait3A_978 = tpu.memref_slice %arg4[%dma_wait3A_962, %add3A_961, %dma_wait3A_976, %dma_wait3A_977] : memref<2x4000x1x80xi32, #tpu.memory_space<hbm>> -> memref<1x1x1x80xi32, #tpu.memory_space<hbm>>
      %dma_wait3A_979 = tpu.memref_squeeze %dma_wait3A_978 : memref<1x1x1x80xi32, #tpu.memory_space<hbm>> -> memref<1x80xi32, #tpu.memory_space<hbm>>
      tpu.wait_dma2 semaphore(%arg14 : memref<!tpu.dma_semaphore, #tpu.memory_space<semaphore_mem>>) src(%dma_wait3A_979 : memref<1x80xi32, #tpu.memory_space<hbm>>) dst(%dma_wait3A_975 : memref<1x80xi32, #tpu.memory_space<vmem>>)
      %mul3A_980 = arith.constant 125 : i32
      %mul3A_981 = arith.muli %add3A, %mul3A_980 : i32
      %add3A_982 = arith.addi %mul3A_981, %add3A_958 : i32
      %dma_wait3A_983 = arith.constant 1 : i32
      %dma_wait3A_984 = arith.constant 2 : i32
      %dma_wait3A_985 = arith.constant 0 : i32
      %dma_wait3A_986 = arith.constant 0 : i32
      %dma_wait3A_987 = tpu.memref_slice %arg7[%dma_wait3A_984, %dma_wait3A_985, %dma_wait3A_986] : memref<4x1x80xi32, #tpu.memory_space<vmem>> -> memref<1x1x80xi32, #tpu.memory_space<vmem>>
      %dma_wait3A_988 = tpu.memref_squeeze %dma_wait3A_987 : memref<1x1x80xi32, #tpu.memory_space<vmem>> -> memref<1x80xi32, #tpu.memory_space<vmem>>
      %dma_wait3A_989 = arith.constant 0 : i32
      %dma_wait3A_990 = arith.constant 0 : i32
      %dma_wait3A_991 = tpu.memref_slice %arg4[%dma_wait3A_983, %add3A_982, %dma_wait3A_989, %dma_wait3A_990] : memref<2x4000x1x80xi32, #tpu.memory_space<hbm>> -> memref<1x1x1x80xi32, #tpu.memory_space<hbm>>
      %dma_wait3A_992 = tpu.memref_squeeze %dma_wait3A_991 : memref<1x1x1x80xi32, #tpu.memory_space<hbm>> -> memref<1x80xi32, #tpu.memory_space<hbm>>
      %dma_wait3A_993 = arith.constant 0 : i32
      %dma_wait3A_994 = arith.constant 0 : i32
      %dma_wait3A_995 = tpu.memref_slice %arg7[%dma_wait3A_984, %dma_wait3A_993, %dma_wait3A_994] : memref<4x1x80xi32, #tpu.memory_space<vmem>> -> memref<1x1x80xi32, #tpu.memory_space<vmem>>
      %dma_wait3A_996 = tpu.memref_squeeze %dma_wait3A_995 : memref<1x1x80xi32, #tpu.memory_space<vmem>> -> memref<1x80xi32, #tpu.memory_space<vmem>>
      %dma_wait3A_997 = arith.constant 0 : i32
      %dma_wait3A_998 = arith.constant 0 : i32
      %dma_wait3A_999 = tpu.memref_slice %arg4[%dma_wait3A_983, %add3A_982, %dma_wait3A_997, %dma_wait3A_998] : memref<2x4000x1x80xi32, #tpu.memory_space<hbm>> -> memref<1x1x1x80xi32, #tpu.memory_space<hbm>>
      %dma_wait3A_1000 = tpu.memref_squeeze %dma_wait3A_999 : memref<1x1x1x80xi32, #tpu.memory_space<hbm>> -> memref<1x80xi32, #tpu.memory_space<hbm>>
      tpu.wait_dma2 semaphore(%arg15 : memref<!tpu.dma_semaphore, #tpu.memory_space<semaphore_mem>>) src(%dma_wait3A_1000 : memref<1x80xi32, #tpu.memory_space<hbm>>) dst(%dma_wait3A_996 : memref<1x80xi32, #tpu.memory_space<vmem>>)
      %add3A_1001 = arith.constant 1 : i32
      %add3A_1002 = arith.addi %add3A_869, %add3A_1001 : i32
      %dma_start3A_1003 = arith.constant 2 : i32
      %dma_start3A_1004 = arith.constant 0 : i32
      %dma_start3A_1005 = arith.constant 0 : i32
      %dma_start3A_1006 = arith.constant 0 : i32
      %dma_start3A_1007 = arith.constant 0 : i32
      %dma_start3A_1008 = tpu.memref_slice %arg8[%dma_start3A_1005, %dma_start3A_1006, %dma_start3A_1007] : memref<2x80x128xf32, #tpu.memory_space<vmem>> -> memref<1x80x128xf32, #tpu.memory_space<vmem>>
      %dma_start3A_1009 = tpu.memref_squeeze %dma_start3A_1008 : memref<1x80x128xf32, #tpu.memory_space<vmem>> -> memref<80x128xf32, #tpu.memory_space<vmem>>
      %dma_start3A_1010 = arith.constant 0 : i32
      %dma_start3A_1011 = tpu.memref_slice %arg6[%dma_start3A_1003, %dma_start3A_1004, %dma_start3A_1010] : memref<4x1x80xi32, #tpu.memory_space<vmem>> -> memref<1x1x80xi32, #tpu.memory_space<vmem>>
      %dma_start3A_1012 = tpu.memref_squeeze %dma_start3A_1011 : memref<1x1x80xi32, #tpu.memory_space<vmem>> -> memref<80xi32, #tpu.memory_space<vmem>>
      %dma_start3A_1013 = arith.constant 0 : i32
      %dma_start3A_1014 = arith.constant 0 : i32
      %dma_start3A_1015 = tpu.memref_slice %arg2[%dma_start3A_1013, %dma_start3A_1014] : memref<10000x128xf32, #tpu.memory_space<hbm>> -> memref<10000x128xf32, #tpu.memory_space<hbm>>
      tpu.enqueue_indirect_dma source(%dma_start3A_1015 : memref<10000x128xf32, #tpu.memory_space<hbm>>) target(%dma_start3A_1009 : memref<80x128xf32, #tpu.memory_space<vmem>>) offsets(%dma_start3A_1012 : memref<80xi32, #tpu.memory_space<vmem>>) semaphore(%arg11 : memref<!tpu.dma_semaphore, #tpu.memory_space<semaphore_mem>>)
      %add3A_1016 = arith.constant 1 : i32
      %add3A_1017 = arith.addi %add3A_869, %add3A_1016 : i32
      %mul3A_1018 = arith.constant 80 : i32
      %mul3A_1019 = arith.muli %add3A_1017, %mul3A_1018 : i32
      %add3A_1020 = arith.addi %mul3A_2, %mul3A_1019 : i32
      %dma_start3A_1021 = arith.constant 0 : i32
      %dma_start3A_1022 = arith.constant 0 : i32
      %dma_start3A_1023 = arith.constant 0 : i32
      %dma_start3A_1024 = tpu.memref_slice %arg9[%dma_start3A_1021, %dma_start3A_1022, %dma_start3A_1023] : memref<2x80x128xf32, #tpu.memory_space<vmem>> -> memref<1x80x128xf32, #tpu.memory_space<vmem>>
      %dma_start3A_1025 = tpu.memref_squeeze %dma_start3A_1024 : memref<1x80x128xf32, #tpu.memory_space<vmem>> -> memref<80x128xf32, #tpu.memory_space<vmem>>
      %dma_start3A_1026 = arith.constant 0 : i32
      %dma_start3A_1027 = tpu.memref_slice %arg3[%add3A_1020, %dma_start3A_1026] : memref<320000x128xf32, #tpu.memory_space<hbm>> -> memref<80x128xf32, #tpu.memory_space<hbm>>
      %dma_start3A_1028 = arith.constant 0 : i32
      %dma_start3A_1029 = arith.constant 0 : i32
      %dma_start3A_1030 = tpu.memref_slice %arg9[%dma_start3A_1021, %dma_start3A_1028, %dma_start3A_1029] : memref<2x80x128xf32, #tpu.memory_space<vmem>> -> memref<1x80x128xf32, #tpu.memory_space<vmem>>
      %dma_start3A_1031 = tpu.memref_squeeze %dma_start3A_1030 : memref<1x80x128xf32, #tpu.memory_space<vmem>> -> memref<80x128xf32, #tpu.memory_space<vmem>>
      %dma_start3A_1032 = arith.constant 0 : i32
      %dma_start3A_1033 = tpu.memref_slice %arg3[%add3A_1020, %dma_start3A_1032] : memref<320000x128xf32, #tpu.memory_space<hbm>> -> memref<80x128xf32, #tpu.memory_space<hbm>>
      tpu.enqueue_dma source(%dma_start3A_1033 : memref<80x128xf32, #tpu.memory_space<hbm>>) target(%dma_start3A_1031 : memref<80x128xf32, #tpu.memory_space<vmem>>) target_semaphore(%arg12 : memref<!tpu.dma_semaphore, #tpu.memory_space<semaphore_mem>>)
      %scan3A_1034 = arith.constant 0 : i32
      %scan3A_1035 = arith.constant 0 : i32
      %scan3A_1036 = arith.constant 80 : i32
      %scan3A_1037 = arith.addi %scan3A_1035, %scan3A_1036 : i32
      %scan3A_1038 = arith.constant 1 : i32
      scf.for %scan3A_1611 = %scan3A_1035 to %scan3A_1037 step %scan3A_1038  : i32 {
        %get3A = arith.constant 1 : i32
        %get3A_1612 = arith.index_cast %get3A : i32 to index
        %get3A_1613 = arith.index_cast %scan3A_1611 : i32 to index
        %get3A_1614 = arith.constant 0 : index
        %get3A_1615 = tpu.vector_load %arg8[%get3A_1612, %get3A_1613, %get3A_1614] {strides = array<i32>} : memref<2x80x128xf32, #tpu.memory_space<vmem>>, vector<1x1x16xf32>,
        %get3A_1616 = vector.shape_cast %get3A_1615 : vector<1x1x16xf32> to vector<16xf32>
        %get3A_1617 = arith.constant 1 : i32
        %get3A_1618 = arith.index_cast %get3A_1617 : i32 to index
        %get3A_1619 = arith.index_cast %scan3A_1611 : i32 to index
        %get3A_1620 = arith.constant 0 : index
        %get3A_1621 = tpu.vector_load %arg9[%get3A_1618, %get3A_1619, %get3A_1620] {strides = array<i32>} : memref<2x80x128xf32, #tpu.memory_space<vmem>>, vector<1x1x16xf32>,
        %get3A_1622 = vector.shape_cast %get3A_1621 : vector<1x1x16xf32> to vector<16xf32>
        %add3A_1623 = arith.addf %get3A_1616, %get3A_1622 : vector<16xf32>
        %swap3A = arith.constant 1 : i32
        %swap3A_1624 = arith.index_cast %swap3A : i32 to index
        %swap3A_1625 = arith.index_cast %scan3A_1611 : i32 to index
        %swap3A_1626 = arith.constant 0 : index
        %swap3A_1627 = tpu.vector_load %arg8[%swap3A_1624, %swap3A_1625, %swap3A_1626] {strides = array<i32>} : memref<2x80x128xf32, #tpu.memory_space<vmem>>, vector<1x1x16xf32>,
        %swap3A_1628 = vector.shape_cast %swap3A_1627 : vector<1x1x16xf32> to vector<16xf32>
        %swap3A_1629 = vector.shape_cast %add3A_1623 : vector<16xf32> to vector<1x1x16xf32>
        tpu.vector_store %arg8[%swap3A_1624, %swap3A_1625, %swap3A_1626], %swap3A_1629 {strides = array<i32>} : memref<2x80x128xf32, #tpu.memory_space<vmem>>, vector<1x1x16xf32>,
        %get3A_1630 = arith.constant 1 : i32
        %get3A_1631 = arith.index_cast %get3A_1630 : i32 to index
        %get3A_1632 = arith.index_cast %scan3A_1611 : i32 to index
        %get3A_1633 = arith.constant 16 : index
        %get3A_1634 = tpu.vector_load %arg8[%get3A_1631, %get3A_1632, %get3A_1633] {strides = array<i32>} : memref<2x80x128xf32, #tpu.memory_space<vmem>>, vector<1x1x16xf32>,
        %get3A_1635 = vector.shape_cast %get3A_1634 : vector<1x1x16xf32> to vector<16xf32>
        %get3A_1636 = arith.constant 1 : i32
        %get3A_1637 = arith.index_cast %get3A_1636 : i32 to index
        %get3A_1638 = arith.index_cast %scan3A_1611 : i32 to index
        %get3A_1639 = arith.constant 16 : index
        %get3A_1640 = tpu.vector_load %arg9[%get3A_1637, %get3A_1638, %get3A_1639] {strides = array<i32>} : memref<2x80x128xf32, #tpu.memory_space<vmem>>, vector<1x1x16xf32>,
        %get3A_1641 = vector.shape_cast %get3A_1640 : vector<1x1x16xf32> to vector<16xf32>
        %add3A_1642 = arith.addf %get3A_1635, %get3A_1641 : vector<16xf32>
        %swap3A_1643 = arith.constant 1 : i32
        %swap3A_1644 = arith.index_cast %swap3A_1643 : i32 to index
        %swap3A_1645 = arith.index_cast %scan3A_1611 : i32 to index
        %swap3A_1646 = arith.constant 16 : index
        %swap3A_1647 = tpu.vector_load %arg8[%swap3A_1644, %swap3A_1645, %swap3A_1646] {strides = array<i32>} : memref<2x80x128xf32, #tpu.memory_space<vmem>>, vector<1x1x16xf32>,
        %swap3A_1648 = vector.shape_cast %swap3A_1647 : vector<1x1x16xf32> to vector<16xf32>
        %swap3A_1649 = vector.shape_cast %add3A_1642 : vector<16xf32> to vector<1x1x16xf32>
        tpu.vector_store %arg8[%swap3A_1644, %swap3A_1645, %swap3A_1646], %swap3A_1649 {strides = array<i32>} : memref<2x80x128xf32, #tpu.memory_space<vmem>>, vector<1x1x16xf32>,
        %get3A_1650 = arith.constant 1 : i32
        %get3A_1651 = arith.index_cast %get3A_1650 : i32 to index
        %get3A_1652 = arith.index_cast %scan3A_1611 : i32 to index
        %get3A_1653 = arith.constant 32 : index
        %get3A_1654 = tpu.vector_load %arg8[%get3A_1651, %get3A_1652, %get3A_1653] {strides = array<i32>} : memref<2x80x128xf32, #tpu.memory_space<vmem>>, vector<1x1x16xf32>,
        %get3A_1655 = vector.shape_cast %get3A_1654 : vector<1x1x16xf32> to vector<16xf32>
        %get3A_1656 = arith.constant 1 : i32
        %get3A_1657 = arith.index_cast %get3A_1656 : i32 to index
        %get3A_1658 = arith.index_cast %scan3A_1611 : i32 to index
        %get3A_1659 = arith.constant 32 : index
        %get3A_1660 = tpu.vector_load %arg9[%get3A_1657, %get3A_1658, %get3A_1659] {strides = array<i32>} : memref<2x80x128xf32, #tpu.memory_space<vmem>>, vector<1x1x16xf32>,
        %get3A_1661 = vector.shape_cast %get3A_1660 : vector<1x1x16xf32> to vector<16xf32>
        %add3A_1662 = arith.addf %get3A_1655, %get3A_1661 : vector<16xf32>
        %swap3A_1663 = arith.constant 1 : i32
        %swap3A_1664 = arith.index_cast %swap3A_1663 : i32 to index
        %swap3A_1665 = arith.index_cast %scan3A_1611 : i32 to index
        %swap3A_1666 = arith.constant 32 : index
        %swap3A_1667 = tpu.vector_load %arg8[%swap3A_1664, %swap3A_1665, %swap3A_1666] {strides = array<i32>} : memref<2x80x128xf32, #tpu.memory_space<vmem>>, vector<1x1x16xf32>,
        %swap3A_1668 = vector.shape_cast %swap3A_1667 : vector<1x1x16xf32> to vector<16xf32>
        %swap3A_1669 = vector.shape_cast %add3A_1662 : vector<16xf32> to vector<1x1x16xf32>
        tpu.vector_store %arg8[%swap3A_1664, %swap3A_1665, %swap3A_1666], %swap3A_1669 {strides = array<i32>} : memref<2x80x128xf32, #tpu.memory_space<vmem>>, vector<1x1x16xf32>,
        %get3A_1670 = arith.constant 1 : i32
        %get3A_1671 = arith.index_cast %get3A_1670 : i32 to index
        %get3A_1672 = arith.index_cast %scan3A_1611 : i32 to index
        %get3A_1673 = arith.constant 48 : index
        %get3A_1674 = tpu.vector_load %arg8[%get3A_1671, %get3A_1672, %get3A_1673] {strides = array<i32>} : memref<2x80x128xf32, #tpu.memory_space<vmem>>, vector<1x1x16xf32>,
        %get3A_1675 = vector.shape_cast %get3A_1674 : vector<1x1x16xf32> to vector<16xf32>
        %get3A_1676 = arith.constant 1 : i32
        %get3A_1677 = arith.index_cast %get3A_1676 : i32 to index
        %get3A_1678 = arith.index_cast %scan3A_1611 : i32 to index
        %get3A_1679 = arith.constant 48 : index
        %get3A_1680 = tpu.vector_load %arg9[%get3A_1677, %get3A_1678, %get3A_1679] {strides = array<i32>} : memref<2x80x128xf32, #tpu.memory_space<vmem>>, vector<1x1x16xf32>,
        %get3A_1681 = vector.shape_cast %get3A_1680 : vector<1x1x16xf32> to vector<16xf32>
        %add3A_1682 = arith.addf %get3A_1675, %get3A_1681 : vector<16xf32>
        %swap3A_1683 = arith.constant 1 : i32
        %swap3A_1684 = arith.index_cast %swap3A_1683 : i32 to index
        %swap3A_1685 = arith.index_cast %scan3A_1611 : i32 to index
        %swap3A_1686 = arith.constant 48 : index
        %swap3A_1687 = tpu.vector_load %arg8[%swap3A_1684, %swap3A_1685, %swap3A_1686] {strides = array<i32>} : memref<2x80x128xf32, #tpu.memory_space<vmem>>, vector<1x1x16xf32>,
        %swap3A_1688 = vector.shape_cast %swap3A_1687 : vector<1x1x16xf32> to vector<16xf32>
        %swap3A_1689 = vector.shape_cast %add3A_1682 : vector<16xf32> to vector<1x1x16xf32>
        tpu.vector_store %arg8[%swap3A_1684, %swap3A_1685, %swap3A_1686], %swap3A_1689 {strides = array<i32>} : memref<2x80x128xf32, #tpu.memory_space<vmem>>, vector<1x1x16xf32>,
        %get3A_1690 = arith.constant 1 : i32
        %get3A_1691 = arith.index_cast %get3A_1690 : i32 to index
        %get3A_1692 = arith.index_cast %scan3A_1611 : i32 to index
        %get3A_1693 = arith.constant 64 : index
        %get3A_1694 = tpu.vector_load %arg8[%get3A_1691, %get3A_1692, %get3A_1693] {strides = array<i32>} : memref<2x80x128xf32, #tpu.memory_space<vmem>>, vector<1x1x16xf32>,
        %get3A_1695 = vector.shape_cast %get3A_1694 : vector<1x1x16xf32> to vector<16xf32>
        %get3A_1696 = arith.constant 1 : i32
        %get3A_1697 = arith.index_cast %get3A_1696 : i32 to index
        %get3A_1698 = arith.index_cast %scan3A_1611 : i32 to index
        %get3A_1699 = arith.constant 64 : index
        %get3A_1700 = tpu.vector_load %arg9[%get3A_1697, %get3A_1698, %get3A_1699] {strides = array<i32>} : memref<2x80x128xf32, #tpu.memory_space<vmem>>, vector<1x1x16xf32>,
        %get3A_1701 = vector.shape_cast %get3A_1700 : vector<1x1x16xf32> to vector<16xf32>
        %add3A_1702 = arith.addf %get3A_1695, %get3A_1701 : vector<16xf32>
        %swap3A_1703 = arith.constant 1 : i32
        %swap3A_1704 = arith.index_cast %swap3A_1703 : i32 to index
        %swap3A_1705 = arith.index_cast %scan3A_1611 : i32 to index
        %swap3A_1706 = arith.constant 64 : index
        %swap3A_1707 = tpu.vector_load %arg8[%swap3A_1704, %swap3A_1705, %swap3A_1706] {strides = array<i32>} : memref<2x80x128xf32, #tpu.memory_space<vmem>>, vector<1x1x16xf32>,
        %swap3A_1708 = vector.shape_cast %swap3A_1707 : vector<1x1x16xf32> to vector<16xf32>
        %swap3A_1709 = vector.shape_cast %add3A_1702 : vector<16xf32> to vector<1x1x16xf32>
        tpu.vector_store %arg8[%swap3A_1704, %swap3A_1705, %swap3A_1706], %swap3A_1709 {strides = array<i32>} : memref<2x80x128xf32, #tpu.memory_space<vmem>>, vector<1x1x16xf32>,
        %get3A_1710 = arith.constant 1 : i32
        %get3A_1711 = arith.index_cast %get3A_1710 : i32 to index
        %get3A_1712 = arith.index_cast %scan3A_1611 : i32 to index
        %get3A_1713 = arith.constant 80 : index
        %get3A_1714 = tpu.vector_load %arg8[%get3A_1711, %get3A_1712, %get3A_1713] {strides = array<i32>} : memref<2x80x128xf32, #tpu.memory_space<vmem>>, vector<1x1x16xf32>,
        %get3A_1715 = vector.shape_cast %get3A_1714 : vector<1x1x16xf32> to vector<16xf32>
        %get3A_1716 = arith.constant 1 : i32
        %get3A_1717 = arith.index_cast %get3A_1716 : i32 to index
        %get3A_1718 = arith.index_cast %scan3A_1611 : i32 to index
        %get3A_1719 = arith.constant 80 : index
        %get3A_1720 = tpu.vector_load %arg9[%get3A_1717, %get3A_1718, %get3A_1719] {strides = array<i32>} : memref<2x80x128xf32, #tpu.memory_space<vmem>>, vector<1x1x16xf32>,
        %get3A_1721 = vector.shape_cast %get3A_1720 : vector<1x1x16xf32> to vector<16xf32>
        %add3A_1722 = arith.addf %get3A_1715, %get3A_1721 : vector<16xf32>
        %swap3A_1723 = arith.constant 1 : i32
        %swap3A_1724 = arith.index_cast %swap3A_1723 : i32 to index
        %swap3A_1725 = arith.index_cast %scan3A_1611 : i32 to index
        %swap3A_1726 = arith.constant 80 : index
        %swap3A_1727 = tpu.vector_load %arg8[%swap3A_1724, %swap3A_1725, %swap3A_1726] {strides = array<i32>} : memref<2x80x128xf32, #tpu.memory_space<vmem>>, vector<1x1x16xf32>,
        %swap3A_1728 = vector.shape_cast %swap3A_1727 : vector<1x1x16xf32> to vector<16xf32>
        %swap3A_1729 = vector.shape_cast %add3A_1722 : vector<16xf32> to vector<1x1x16xf32>
        tpu.vector_store %arg8[%swap3A_1724, %swap3A_1725, %swap3A_1726], %swap3A_1729 {strides = array<i32>} : memref<2x80x128xf32, #tpu.memory_space<vmem>>, vector<1x1x16xf32>,
        %get3A_1730 = arith.constant 1 : i32
        %get3A_1731 = arith.index_cast %get3A_1730 : i32 to index
        %get3A_1732 = arith.index_cast %scan3A_1611 : i32 to index
        %get3A_1733 = arith.constant 96 : index
        %get3A_1734 = tpu.vector_load %arg8[%get3A_1731, %get3A_1732, %get3A_1733] {strides = array<i32>} : memref<2x80x128xf32, #tpu.memory_space<vmem>>, vector<1x1x16xf32>,
        %get3A_1735 = vector.shape_cast %get3A_1734 : vector<1x1x16xf32> to vector<16xf32>
        %get3A_1736 = arith.constant 1 : i32
        %get3A_1737 = arith.index_cast %get3A_1736 : i32 to index
        %get3A_1738 = arith.index_cast %scan3A_1611 : i32 to index
        %get3A_1739 = arith.constant 96 : index
        %get3A_1740 = tpu.vector_load %arg9[%get3A_1737, %get3A_1738, %get3A_1739] {strides = array<i32>} : memref<2x80x128xf32, #tpu.memory_space<vmem>>, vector<1x1x16xf32>,
        %get3A_1741 = vector.shape_cast %get3A_1740 : vector<1x1x16xf32> to vector<16xf32>
        %add3A_1742 = arith.addf %get3A_1735, %get3A_1741 : vector<16xf32>
        %swap3A_1743 = arith.constant 1 : i32
        %swap3A_1744 = arith.index_cast %swap3A_1743 : i32 to index
        %swap3A_1745 = arith.index_cast %scan3A_1611 : i32 to index
        %swap3A_1746 = arith.constant 96 : index
        %swap3A_1747 = tpu.vector_load %arg8[%swap3A_1744, %swap3A_1745, %swap3A_1746] {strides = array<i32>} : memref<2x80x128xf32, #tpu.memory_space<vmem>>, vector<1x1x16xf32>,
        %swap3A_1748 = vector.shape_cast %swap3A_1747 : vector<1x1x16xf32> to vector<16xf32>
        %swap3A_1749 = vector.shape_cast %add3A_1742 : vector<16xf32> to vector<1x1x16xf32>
        tpu.vector_store %arg8[%swap3A_1744, %swap3A_1745, %swap3A_1746], %swap3A_1749 {strides = array<i32>} : memref<2x80x128xf32, #tpu.memory_space<vmem>>, vector<1x1x16xf32>,
        %get3A_1750 = arith.constant 1 : i32
        %get3A_1751 = arith.index_cast %get3A_1750 : i32 to index
        %get3A_1752 = arith.index_cast %scan3A_1611 : i32 to index
        %get3A_1753 = arith.constant 112 : index
        %get3A_1754 = tpu.vector_load %arg8[%get3A_1751, %get3A_1752, %get3A_1753] {strides = array<i32>} : memref<2x80x128xf32, #tpu.memory_space<vmem>>, vector<1x1x16xf32>,
        %get3A_1755 = vector.shape_cast %get3A_1754 : vector<1x1x16xf32> to vector<16xf32>
        %get3A_1756 = arith.constant 1 : i32
        %get3A_1757 = arith.index_cast %get3A_1756 : i32 to index
        %get3A_1758 = arith.index_cast %scan3A_1611 : i32 to index
        %get3A_1759 = arith.constant 112 : index
        %get3A_1760 = tpu.vector_load %arg9[%get3A_1757, %get3A_1758, %get3A_1759] {strides = array<i32>} : memref<2x80x128xf32, #tpu.memory_space<vmem>>, vector<1x1x16xf32>,
        %get3A_1761 = vector.shape_cast %get3A_1760 : vector<1x1x16xf32> to vector<16xf32>
        %add3A_1762 = arith.addf %get3A_1755, %get3A_1761 : vector<16xf32>
        %swap3A_1763 = arith.constant 1 : i32
        %swap3A_1764 = arith.index_cast %swap3A_1763 : i32 to index
        %swap3A_1765 = arith.index_cast %scan3A_1611 : i32 to index
        %swap3A_1766 = arith.constant 112 : index
        %swap3A_1767 = tpu.vector_load %arg8[%swap3A_1764, %swap3A_1765, %swap3A_1766] {strides = array<i32>} : memref<2x80x128xf32, #tpu.memory_space<vmem>>, vector<1x1x16xf32>,
        %swap3A_1768 = vector.shape_cast %swap3A_1767 : vector<1x1x16xf32> to vector<16xf32>
        %swap3A_1769 = vector.shape_cast %add3A_1762 : vector<16xf32> to vector<1x1x16xf32>
        tpu.vector_store %arg8[%swap3A_1764, %swap3A_1765, %swap3A_1766], %swap3A_1769 {strides = array<i32>} : memref<2x80x128xf32, #tpu.memory_space<vmem>>, vector<1x1x16xf32>,
      }
      %scan3A_1039 = arith.constant 80 : i32
      %dma_start3A_1040 = arith.constant 1 : i32
      %dma_start3A_1041 = arith.constant 1 : i32
      %dma_start3A_1042 = arith.constant 0 : i32
      %dma_start3A_1043 = arith.constant 0 : i32
      %dma_start3A_1044 = arith.constant 0 : i32
      %dma_start3A_1045 = tpu.memref_slice %arg8[%dma_start3A_1040, %dma_start3A_1043, %dma_start3A_1044] : memref<2x80x128xf32, #tpu.memory_space<vmem>> -> memref<1x80x128xf32, #tpu.memory_space<vmem>>
      %dma_start3A_1046 = tpu.memref_squeeze %dma_start3A_1045 : memref<1x80x128xf32, #tpu.memory_space<vmem>> -> memref<80x128xf32, #tpu.memory_space<vmem>>
      %dma_start3A_1047 = arith.constant 0 : i32
      %dma_start3A_1048 = tpu.memref_slice %arg7[%dma_start3A_1041, %dma_start3A_1042, %dma_start3A_1047] : memref<4x1x80xi32, #tpu.memory_space<vmem>> -> memref<1x1x80xi32, #tpu.memory_space<vmem>>
      %dma_start3A_1049 = tpu.memref_squeeze %dma_start3A_1048 : memref<1x1x80xi32, #tpu.memory_space<vmem>> -> memref<80xi32, #tpu.memory_space<vmem>>
      %dma_start3A_1050 = arith.constant 0 : i32
      %dma_start3A_1051 = arith.constant 0 : i32
      %dma_start3A_1052 = tpu.memref_slice %arg10[%dma_start3A_1050, %dma_start3A_1051] : memref<10000x128xf32, #tpu.memory_space<vmem_shared>> -> memref<10000x128xf32, #tpu.memory_space<vmem_shared>>
      tpu.enqueue_indirect_dma source(%dma_start3A_1046 : memref<80x128xf32, #tpu.memory_space<vmem>>) target(%dma_start3A_1052 : memref<10000x128xf32, #tpu.memory_space<vmem_shared>>) offsets(%dma_start3A_1049 : memref<80xi32, #tpu.memory_space<vmem>>) semaphore(%arg13 : memref<!tpu.dma_semaphore, #tpu.memory_space<semaphore_mem>>) {add = true}
      %add3A_1053 = arith.constant 1 : i32
      %add3A_1054 = arith.addi %add3A_867, %add3A_1053 : i32
      %add3A_1055 = arith.constant 1 : i32
      %add3A_1056 = arith.addi %add3A_1054, %add3A_1055 : i32
      %mul3A_1057 = arith.constant 125 : i32
      %mul3A_1058 = arith.muli %add3A, %mul3A_1057 : i32
      %add3A_1059 = arith.addi %mul3A_1058, %add3A_1056 : i32
      %dma_start3A_1060 = arith.constant 0 : i32
      %dma_start3A_1061 = arith.constant 3 : i32
      %dma_start3A_1062 = arith.constant 0 : i32
      %dma_start3A_1063 = arith.constant 0 : i32
      %dma_start3A_1064 = tpu.memref_slice %arg6[%dma_start3A_1061, %dma_start3A_1062, %dma_start3A_1063] : memref<4x1x80xi32, #tpu.memory_space<vmem>> -> memref<1x1x80xi32, #tpu.memory_space<vmem>>
      %dma_start3A_1065 = tpu.memref_squeeze %dma_start3A_1064 : memref<1x1x80xi32, #tpu.memory_space<vmem>> -> memref<1x80xi32, #tpu.memory_space<vmem>>
      %dma_start3A_1066 = arith.constant 0 : i32
      %dma_start3A_1067 = arith.constant 0 : i32
      %dma_start3A_1068 = tpu.memref_slice %arg4[%dma_start3A_1060, %add3A_1059, %dma_start3A_1066, %dma_start3A_1067] : memref<2x4000x1x80xi32, #tpu.memory_space<hbm>> -> memref<1x1x1x80xi32, #tpu.memory_space<hbm>>
      %dma_start3A_1069 = tpu.memref_squeeze %dma_start3A_1068 : memref<1x1x1x80xi32, #tpu.memory_space<hbm>> -> memref<1x80xi32, #tpu.memory_space<hbm>>
      %dma_start3A_1070 = arith.constant 0 : i32
      %dma_start3A_1071 = arith.constant 0 : i32
      %dma_start3A_1072 = tpu.memref_slice %arg6[%dma_start3A_1061, %dma_start3A_1070, %dma_start3A_1071] : memref<4x1x80xi32, #tpu.memory_space<vmem>> -> memref<1x1x80xi32, #tpu.memory_space<vmem>>
      %dma_start3A_1073 = tpu.memref_squeeze %dma_start3A_1072 : memref<1x1x80xi32, #tpu.memory_space<vmem>> -> memref<1x80xi32, #tpu.memory_space<vmem>>
      %dma_start3A_1074 = arith.constant 0 : i32
      %dma_start3A_1075 = arith.constant 0 : i32
      %dma_start3A_1076 = tpu.memref_slice %arg4[%dma_start3A_1060, %add3A_1059, %dma_start3A_1074, %dma_start3A_1075] : memref<2x4000x1x80xi32, #tpu.memory_space<hbm>> -> memref<1x1x1x80xi32, #tpu.memory_space<hbm>>
      %dma_start3A_1077 = tpu.memref_squeeze %dma_start3A_1076 : memref<1x1x1x80xi32, #tpu.memory_space<hbm>> -> memref<1x80xi32, #tpu.memory_space<hbm>>
      tpu.enqueue_dma source(%dma_start3A_1077 : memref<1x80xi32, #tpu.memory_space<hbm>>) target(%dma_start3A_1073 : memref<1x80xi32, #tpu.memory_space<vmem>>) target_semaphore(%arg14 : memref<!tpu.dma_semaphore, #tpu.memory_space<semaphore_mem>>)
      %mul3A_1078 = arith.constant 125 : i32
      %mul3A_1079 = arith.muli %add3A, %mul3A_1078 : i32
      %add3A_1080 = arith.addi %mul3A_1079, %add3A_1056 : i32
      %dma_start3A_1081 = arith.constant 1 : i32
      %dma_start3A_1082 = arith.constant 3 : i32
      %dma_start3A_1083 = arith.constant 0 : i32
      %dma_start3A_1084 = arith.constant 0 : i32
      %dma_start3A_1085 = tpu.memref_slice %arg7[%dma_start3A_1082, %dma_start3A_1083, %dma_start3A_1084] : memref<4x1x80xi32, #tpu.memory_space<vmem>> -> memref<1x1x80xi32, #tpu.memory_space<vmem>>
      %dma_start3A_1086 = tpu.memref_squeeze %dma_start3A_1085 : memref<1x1x80xi32, #tpu.memory_space<vmem>> -> memref<1x80xi32, #tpu.memory_space<vmem>>
      %dma_start3A_1087 = arith.constant 0 : i32
      %dma_start3A_1088 = arith.constant 0 : i32
      %dma_start3A_1089 = tpu.memref_slice %arg4[%dma_start3A_1081, %add3A_1080, %dma_start3A_1087, %dma_start3A_1088] : memref<2x4000x1x80xi32, #tpu.memory_space<hbm>> -> memref<1x1x1x80xi32, #tpu.memory_space<hbm>>
      %dma_start3A_1090 = tpu.memref_squeeze %dma_start3A_1089 : memref<1x1x1x80xi32, #tpu.memory_space<hbm>> -> memref<1x80xi32, #tpu.memory_space<hbm>>
      %dma_start3A_1091 = arith.constant 0 : i32
      %dma_start3A_1092 = arith.constant 0 : i32
      %dma_start3A_1093 = tpu.memref_slice %arg7[%dma_start3A_1082, %dma_start3A_1091, %dma_start3A_1092] : memref<4x1x80xi32, #tpu.memory_space<vmem>> -> memref<1x1x80xi32, #tpu.memory_space<vmem>>
      %dma_start3A_1094 = tpu.memref_squeeze %dma_start3A_1093 : memref<1x1x80xi32, #tpu.memory_space<vmem>> -> memref<1x80xi32, #tpu.memory_space<vmem>>
      %dma_start3A_1095 = arith.constant 0 : i32
      %dma_start3A_1096 = arith.constant 0 : i32
      %dma_start3A_1097 = tpu.memref_slice %arg4[%dma_start3A_1081, %add3A_1080, %dma_start3A_1095, %dma_start3A_1096] : memref<2x4000x1x80xi32, #tpu.memory_space<hbm>> -> memref<1x1x1x80xi32, #tpu.memory_space<hbm>>
      %dma_start3A_1098 = tpu.memref_squeeze %dma_start3A_1097 : memref<1x1x1x80xi32, #tpu.memory_space<hbm>> -> memref<1x80xi32, #tpu.memory_space<hbm>>
      tpu.enqueue_dma source(%dma_start3A_1098 : memref<1x80xi32, #tpu.memory_space<hbm>>) target(%dma_start3A_1094 : memref<1x80xi32, #tpu.memory_space<vmem>>) target_semaphore(%arg15 : memref<!tpu.dma_semaphore, #tpu.memory_space<semaphore_mem>>)
      %dma_wait3A_1099 = arith.constant 2 : i32
      %dma_wait3A_1100 = arith.constant 0 : i32
      %dma_wait3A_1101 = arith.constant 0 : i32
      %dma_wait3A_1102 = arith.constant 0 : i32
      %dma_wait3A_1103 = arith.constant 0 : i32
      %dma_wait3A_1104 = tpu.memref_slice %arg8[%dma_wait3A_1101, %dma_wait3A_1102, %dma_wait3A_1103] : memref<2x80x128xf32, #tpu.memory_space<vmem>> -> memref<1x80x128xf32, #tpu.memory_space<vmem>>
      %dma_wait3A_1105 = tpu.memref_squeeze %dma_wait3A_1104 : memref<1x80x128xf32, #tpu.memory_space<vmem>> -> memref<80x128xf32, #tpu.memory_space<vmem>>
      %dma_wait3A_1106 = arith.constant 0 : i32
      %dma_wait3A_1107 = tpu.memref_slice %arg6[%dma_wait3A_1099, %dma_wait3A_1100, %dma_wait3A_1106] : memref<4x1x80xi32, #tpu.memory_space<vmem>> -> memref<1x1x80xi32, #tpu.memory_space<vmem>>
      %dma_wait3A_1108 = tpu.memref_squeeze %dma_wait3A_1107 : memref<1x1x80xi32, #tpu.memory_space<vmem>> -> memref<80xi32, #tpu.memory_space<vmem>>
      %dma_wait3A_1109 = arith.constant 0 : i32
      %dma_wait3A_1110 = arith.constant 0 : i32
      %dma_wait3A_1111 = tpu.memref_slice %arg2[%dma_wait3A_1109, %dma_wait3A_1110] : memref<10000x128xf32, #tpu.memory_space<hbm>> -> memref<10000x128xf32, #tpu.memory_space<hbm>>
      tpu.wait_indirect_dma semaphore(%arg11 : memref<!tpu.dma_semaphore, #tpu.memory_space<semaphore_mem>>) src(%dma_wait3A_1111 : memref<10000x128xf32, #tpu.memory_space<hbm>>) dst(%dma_wait3A_1105 : memref<80x128xf32, #tpu.memory_space<vmem>>)
      %mul3A_1112 = arith.constant 80 : i32
      %mul3A_1113 = arith.muli %add3A_1054, %mul3A_1112 : i32
      %add3A_1114 = arith.addi %mul3A_2, %mul3A_1113 : i32
      %dma_wait3A_1115 = arith.constant 0 : i32
      %dma_wait3A_1116 = arith.constant 0 : i32
      %dma_wait3A_1117 = arith.constant 0 : i32
      %dma_wait3A_1118 = tpu.memref_slice %arg9[%dma_wait3A_1115, %dma_wait3A_1116, %dma_wait3A_1117] : memref<2x80x128xf32, #tpu.memory_space<vmem>> -> memref<1x80x128xf32, #tpu.memory_space<vmem>>
      %dma_wait3A_1119 = tpu.memref_squeeze %dma_wait3A_1118 : memref<1x80x128xf32, #tpu.memory_space<vmem>> -> memref<80x128xf32, #tpu.memory_space<vmem>>
      %dma_wait3A_1120 = arith.constant 0 : i32
      %dma_wait3A_1121 = tpu.memref_slice %arg3[%add3A_1114, %dma_wait3A_1120] : memref<320000x128xf32, #tpu.memory_space<hbm>> -> memref<80x128xf32, #tpu.memory_space<hbm>>
      %dma_wait3A_1122 = arith.constant 0 : i32
      %dma_wait3A_1123 = arith.constant 0 : i32
      %dma_wait3A_1124 = tpu.memref_slice %arg9[%dma_wait3A_1115, %dma_wait3A_1122, %dma_wait3A_1123] : memref<2x80x128xf32, #tpu.memory_space<vmem>> -> memref<1x80x128xf32, #tpu.memory_space<vmem>>
      %dma_wait3A_1125 = tpu.memref_squeeze %dma_wait3A_1124 : memref<1x80x128xf32, #tpu.memory_space<vmem>> -> memref<80x128xf32, #tpu.memory_space<vmem>>
      %dma_wait3A_1126 = arith.constant 0 : i32
      %dma_wait3A_1127 = tpu.memref_slice %arg3[%add3A_1114, %dma_wait3A_1126] : memref<320000x128xf32, #tpu.memory_space<hbm>> -> memref<80x128xf32, #tpu.memory_space<hbm>>
      tpu.wait_dma2 semaphore(%arg12 : memref<!tpu.dma_semaphore, #tpu.memory_space<semaphore_mem>>) src(%dma_wait3A_1127 : memref<80x128xf32, #tpu.memory_space<hbm>>) dst(%dma_wait3A_1125 : memref<80x128xf32, #tpu.memory_space<vmem>>)
      %sub3A_1128 = arith.constant 1 : i32
      %sub3A_1129 = arith.subi %add3A_1054, %sub3A_1128 : i32
      %dma_wait3A_1130 = arith.constant 1 : i32
      %dma_wait3A_1131 = arith.constant 1 : i32
      %dma_wait3A_1132 = arith.constant 0 : i32
      %dma_wait3A_1133 = arith.constant 0 : i32
      %dma_wait3A_1134 = arith.constant 0 : i32
      %dma_wait3A_1135 = tpu.memref_slice %arg8[%dma_wait3A_1130, %dma_wait3A_1133, %dma_wait3A_1134] : memref<2x80x128xf32, #tpu.memory_space<vmem>> -> memref<1x80x128xf32, #tpu.memory_space<vmem>>
      %dma_wait3A_1136 = tpu.memref_squeeze %dma_wait3A_1135 : memref<1x80x128xf32, #tpu.memory_space<vmem>> -> memref<80x128xf32, #tpu.memory_space<vmem>>
      %dma_wait3A_1137 = arith.constant 0 : i32
      %dma_wait3A_1138 = tpu.memref_slice %arg7[%dma_wait3A_1131, %dma_wait3A_1132, %dma_wait3A_1137] : memref<4x1x80xi32, #tpu.memory_space<vmem>> -> memref<1x1x80xi32, #tpu.memory_space<vmem>>
      %dma_wait3A_1139 = tpu.memref_squeeze %dma_wait3A_1138 : memref<1x1x80xi32, #tpu.memory_space<vmem>> -> memref<80xi32, #tpu.memory_space<vmem>>
      %dma_wait3A_1140 = arith.constant 0 : i32
      %dma_wait3A_1141 = arith.constant 0 : i32
      %dma_wait3A_1142 = tpu.memref_slice %arg10[%dma_wait3A_1140, %dma_wait3A_1141] : memref<10000x128xf32, #tpu.memory_space<vmem_shared>> -> memref<10000x128xf32, #tpu.memory_space<vmem_shared>>
      tpu.wait_indirect_dma semaphore(%arg13 : memref<!tpu.dma_semaphore, #tpu.memory_space<semaphore_mem>>) src(%dma_wait3A_1136 : memref<80x128xf32, #tpu.memory_space<vmem>>) dst(%dma_wait3A_1142 : memref<10000x128xf32, #tpu.memory_space<vmem_shared>>)
      %add3A_1143 = arith.constant 1 : i32
      %add3A_1144 = arith.addi %add3A_1054, %add3A_1143 : i32
      %mul3A_1145 = arith.constant 125 : i32
      %mul3A_1146 = arith.muli %add3A, %mul3A_1145 : i32
      %add3A_1147 = arith.addi %mul3A_1146, %add3A_1144 : i32
      %dma_wait3A_1148 = arith.constant 0 : i32
      %dma_wait3A_1149 = arith.constant 3 : i32
      %dma_wait3A_1150 = arith.constant 0 : i32
      %dma_wait3A_1151 = arith.constant 0 : i32
      %dma_wait3A_1152 = tpu.memref_slice %arg6[%dma_wait3A_1149, %dma_wait3A_1150, %dma_wait3A_1151] : memref<4x1x80xi32, #tpu.memory_space<vmem>> -> memref<1x1x80xi32, #tpu.memory_space<vmem>>
      %dma_wait3A_1153 = tpu.memref_squeeze %dma_wait3A_1152 : memref<1x1x80xi32, #tpu.memory_space<vmem>> -> memref<1x80xi32, #tpu.memory_space<vmem>>
      %dma_wait3A_1154 = arith.constant 0 : i32
      %dma_wait3A_1155 = arith.constant 0 : i32
      %dma_wait3A_1156 = tpu.memref_slice %arg4[%dma_wait3A_1148, %add3A_1147, %dma_wait3A_1154, %dma_wait3A_1155] : memref<2x4000x1x80xi32, #tpu.memory_space<hbm>> -> memref<1x1x1x80xi32, #tpu.memory_space<hbm>>
      %dma_wait3A_1157 = tpu.memref_squeeze %dma_wait3A_1156 : memref<1x1x1x80xi32, #tpu.memory_space<hbm>> -> memref<1x80xi32, #tpu.memory_space<hbm>>
      %dma_wait3A_1158 = arith.constant 0 : i32
      %dma_wait3A_1159 = arith.constant 0 : i32
      %dma_wait3A_1160 = tpu.memref_slice %arg6[%dma_wait3A_1149, %dma_wait3A_1158, %dma_wait3A_1159] : memref<4x1x80xi32, #tpu.memory_space<vmem>> -> memref<1x1x80xi32, #tpu.memory_space<vmem>>
      %dma_wait3A_1161 = tpu.memref_squeeze %dma_wait3A_1160 : memref<1x1x80xi32, #tpu.memory_space<vmem>> -> memref<1x80xi32, #tpu.memory_space<vmem>>
      %dma_wait3A_1162 = arith.constant 0 : i32
      %dma_wait3A_1163 = arith.constant 0 : i32
      %dma_wait3A_1164 = tpu.memref_slice %arg4[%dma_wait3A_1148, %add3A_1147, %dma_wait3A_1162, %dma_wait3A_1163] : memref<2x4000x1x80xi32, #tpu.memory_space<hbm>> -> memref<1x1x1x80xi32, #tpu.memory_space<hbm>>
      %dma_wait3A_1165 = tpu.memref_squeeze %dma_wait3A_1164 : memref<1x1x1x80xi32, #tpu.memory_space<hbm>> -> memref<1x80xi32, #tpu.memory_space<hbm>>
      tpu.wait_dma2 semaphore(%arg14 : memref<!tpu.dma_semaphore, #tpu.memory_space<semaphore_mem>>) src(%dma_wait3A_1165 : memref<1x80xi32, #tpu.memory_space<hbm>>) dst(%dma_wait3A_1161 : memref<1x80xi32, #tpu.memory_space<vmem>>)
      %mul3A_1166 = arith.constant 125 : i32
      %mul3A_1167 = arith.muli %add3A, %mul3A_1166 : i32
      %add3A_1168 = arith.addi %mul3A_1167, %add3A_1144 : i32
      %dma_wait3A_1169 = arith.constant 1 : i32
      %dma_wait3A_1170 = arith.constant 3 : i32
      %dma_wait3A_1171 = arith.constant 0 : i32
      %dma_wait3A_1172 = arith.constant 0 : i32
      %dma_wait3A_1173 = tpu.memref_slice %arg7[%dma_wait3A_1170, %dma_wait3A_1171, %dma_wait3A_1172] : memref<4x1x80xi32, #tpu.memory_space<vmem>> -> memref<1x1x80xi32, #tpu.memory_space<vmem>>
      %dma_wait3A_1174 = tpu.memref_squeeze %dma_wait3A_1173 : memref<1x1x80xi32, #tpu.memory_space<vmem>> -> memref<1x80xi32, #tpu.memory_space<vmem>>
      %dma_wait3A_1175 = arith.constant 0 : i32
      %dma_wait3A_1176 = arith.constant 0 : i32
      %dma_wait3A_1177 = tpu.memref_slice %arg4[%dma_wait3A_1169, %add3A_1168, %dma_wait3A_1175, %dma_wait3A_1176] : memref<2x4000x1x80xi32, #tpu.memory_space<hbm>> -> memref<1x1x1x80xi32, #tpu.memory_space<hbm>>
      %dma_wait3A_1178 = tpu.memref_squeeze %dma_wait3A_1177 : memref<1x1x1x80xi32, #tpu.memory_space<hbm>> -> memref<1x80xi32, #tpu.memory_space<hbm>>
      %dma_wait3A_1179 = arith.constant 0 : i32
      %dma_wait3A_1180 = arith.constant 0 : i32
      %dma_wait3A_1181 = tpu.memref_slice %arg7[%dma_wait3A_1170, %dma_wait3A_1179, %dma_wait3A_1180] : memref<4x1x80xi32, #tpu.memory_space<vmem>> -> memref<1x1x80xi32, #tpu.memory_space<vmem>>
      %dma_wait3A_1182 = tpu.memref_squeeze %dma_wait3A_1181 : memref<1x1x80xi32, #tpu.memory_space<vmem>> -> memref<1x80xi32, #tpu.memory_space<vmem>>
      %dma_wait3A_1183 = arith.constant 0 : i32
      %dma_wait3A_1184 = arith.constant 0 : i32
      %dma_wait3A_1185 = tpu.memref_slice %arg4[%dma_wait3A_1169, %add3A_1168, %dma_wait3A_1183, %dma_wait3A_1184] : memref<2x4000x1x80xi32, #tpu.memory_space<hbm>> -> memref<1x1x1x80xi32, #tpu.memory_space<hbm>>
      %dma_wait3A_1186 = tpu.memref_squeeze %dma_wait3A_1185 : memref<1x1x1x80xi32, #tpu.memory_space<hbm>> -> memref<1x80xi32, #tpu.memory_space<hbm>>
      tpu.wait_dma2 semaphore(%arg15 : memref<!tpu.dma_semaphore, #tpu.memory_space<semaphore_mem>>) src(%dma_wait3A_1186 : memref<1x80xi32, #tpu.memory_space<hbm>>) dst(%dma_wait3A_1182 : memref<1x80xi32, #tpu.memory_space<vmem>>)
      %add3A_1187 = arith.constant 1 : i32
      %add3A_1188 = arith.addi %add3A_1054, %add3A_1187 : i32
      %dma_start3A_1189 = arith.constant 3 : i32
      %dma_start3A_1190 = arith.constant 0 : i32
      %dma_start3A_1191 = arith.constant 1 : i32
      %dma_start3A_1192 = arith.constant 0 : i32
      %dma_start3A_1193 = arith.constant 0 : i32
      %dma_start3A_1194 = tpu.memref_slice %arg8[%dma_start3A_1191, %dma_start3A_1192, %dma_start3A_1193] : memref<2x80x128xf32, #tpu.memory_space<vmem>> -> memref<1x80x128xf32, #tpu.memory_space<vmem>>
      %dma_start3A_1195 = tpu.memref_squeeze %dma_start3A_1194 : memref<1x80x128xf32, #tpu.memory_space<vmem>> -> memref<80x128xf32, #tpu.memory_space<vmem>>
      %dma_start3A_1196 = arith.constant 0 : i32
      %dma_start3A_1197 = tpu.memref_slice %arg6[%dma_start3A_1189, %dma_start3A_1190, %dma_start3A_1196] : memref<4x1x80xi32, #tpu.memory_space<vmem>> -> memref<1x1x80xi32, #tpu.memory_space<vmem>>
      %dma_start3A_1198 = tpu.memref_squeeze %dma_start3A_1197 : memref<1x1x80xi32, #tpu.memory_space<vmem>> -> memref<80xi32, #tpu.memory_space<vmem>>
      %dma_start3A_1199 = arith.constant 0 : i32
      %dma_start3A_1200 = arith.constant 0 : i32
      %dma_start3A_1201 = tpu.memref_slice %arg2[%dma_start3A_1199, %dma_start3A_1200] : memref<10000x128xf32, #tpu.memory_space<hbm>> -> memref<10000x128xf32, #tpu.memory_space<hbm>>
      tpu.enqueue_indirect_dma source(%dma_start3A_1201 : memref<10000x128xf32, #tpu.memory_space<hbm>>) target(%dma_start3A_1195 : memref<80x128xf32, #tpu.memory_space<vmem>>) offsets(%dma_start3A_1198 : memref<80xi32, #tpu.memory_space<vmem>>) semaphore(%arg11 : memref<!tpu.dma_semaphore, #tpu.memory_space<semaphore_mem>>)
      %add3A_1202 = arith.constant 1 : i32
      %add3A_1203 = arith.addi %add3A_1054, %add3A_1202 : i32
      %mul3A_1204 = arith.constant 80 : i32
      %mul3A_1205 = arith.muli %add3A_1203, %mul3A_1204 : i32
      %add3A_1206 = arith.addi %mul3A_2, %mul3A_1205 : i32
      %dma_start3A_1207 = arith.constant 1 : i32
      %dma_start3A_1208 = arith.constant 0 : i32
      %dma_start3A_1209 = arith.constant 0 : i32
      %dma_start3A_1210 = tpu.memref_slice %arg9[%dma_start3A_1207, %dma_start3A_1208, %dma_start3A_1209] : memref<2x80x128xf32, #tpu.memory_space<vmem>> -> memref<1x80x128xf32, #tpu.memory_space<vmem>>
      %dma_start3A_1211 = tpu.memref_squeeze %dma_start3A_1210 : memref<1x80x128xf32, #tpu.memory_space<vmem>> -> memref<80x128xf32, #tpu.memory_space<vmem>>
      %dma_start3A_1212 = arith.constant 0 : i32
      %dma_start3A_1213 = tpu.memref_slice %arg3[%add3A_1206, %dma_start3A_1212] : memref<320000x128xf32, #tpu.memory_space<hbm>> -> memref<80x128xf32, #tpu.memory_space<hbm>>
      %dma_start3A_1214 = arith.constant 0 : i32
      %dma_start3A_1215 = arith.constant 0 : i32
      %dma_start3A_1216 = tpu.memref_slice %arg9[%dma_start3A_1207, %dma_start3A_1214, %dma_start3A_1215] : memref<2x80x128xf32, #tpu.memory_space<vmem>> -> memref<1x80x128xf32, #tpu.memory_space<vmem>>
      %dma_start3A_1217 = tpu.memref_squeeze %dma_start3A_1216 : memref<1x80x128xf32, #tpu.memory_space<vmem>> -> memref<80x128xf32, #tpu.memory_space<vmem>>
      %dma_start3A_1218 = arith.constant 0 : i32
      %dma_start3A_1219 = tpu.memref_slice %arg3[%add3A_1206, %dma_start3A_1218] : memref<320000x128xf32, #tpu.memory_space<hbm>> -> memref<80x128xf32, #tpu.memory_space<hbm>>
      tpu.enqueue_dma source(%dma_start3A_1219 : memref<80x128xf32, #tpu.memory_space<hbm>>) target(%dma_start3A_1217 : memref<80x128xf32, #tpu.memory_space<vmem>>) target_semaphore(%arg12 : memref<!tpu.dma_semaphore, #tpu.memory_space<semaphore_mem>>)
      %scan3A_1220 = arith.constant 0 : i32
      %scan3A_1221 = arith.constant 0 : i32
      %scan3A_1222 = arith.constant 80 : i32
      %scan3A_1223 = arith.addi %scan3A_1221, %scan3A_1222 : i32
      %scan3A_1224 = arith.constant 1 : i32
      scf.for %scan3A_1611 = %scan3A_1221 to %scan3A_1223 step %scan3A_1224  : i32 {
        %get3A = arith.constant 0 : i32
        %get3A_1612 = arith.index_cast %get3A : i32 to index
        %get3A_1613 = arith.index_cast %scan3A_1611 : i32 to index
        %get3A_1614 = arith.constant 0 : index
        %get3A_1615 = tpu.vector_load %arg8[%get3A_1612, %get3A_1613, %get3A_1614] {strides = array<i32>} : memref<2x80x128xf32, #tpu.memory_space<vmem>>, vector<1x1x16xf32>,
        %get3A_1616 = vector.shape_cast %get3A_1615 : vector<1x1x16xf32> to vector<16xf32>
        %get3A_1617 = arith.constant 0 : i32
        %get3A_1618 = arith.index_cast %get3A_1617 : i32 to index
        %get3A_1619 = arith.index_cast %scan3A_1611 : i32 to index
        %get3A_1620 = arith.constant 0 : index
        %get3A_1621 = tpu.vector_load %arg9[%get3A_1618, %get3A_1619, %get3A_1620] {strides = array<i32>} : memref<2x80x128xf32, #tpu.memory_space<vmem>>, vector<1x1x16xf32>,
        %get3A_1622 = vector.shape_cast %get3A_1621 : vector<1x1x16xf32> to vector<16xf32>
        %add3A_1623 = arith.addf %get3A_1616, %get3A_1622 : vector<16xf32>
        %swap3A = arith.constant 0 : i32
        %swap3A_1624 = arith.index_cast %swap3A : i32 to index
        %swap3A_1625 = arith.index_cast %scan3A_1611 : i32 to index
        %swap3A_1626 = arith.constant 0 : index
        %swap3A_1627 = tpu.vector_load %arg8[%swap3A_1624, %swap3A_1625, %swap3A_1626] {strides = array<i32>} : memref<2x80x128xf32, #tpu.memory_space<vmem>>, vector<1x1x16xf32>,
        %swap3A_1628 = vector.shape_cast %swap3A_1627 : vector<1x1x16xf32> to vector<16xf32>
        %swap3A_1629 = vector.shape_cast %add3A_1623 : vector<16xf32> to vector<1x1x16xf32>
        tpu.vector_store %arg8[%swap3A_1624, %swap3A_1625, %swap3A_1626], %swap3A_1629 {strides = array<i32>} : memref<2x80x128xf32, #tpu.memory_space<vmem>>, vector<1x1x16xf32>,
        %get3A_1630 = arith.constant 0 : i32
        %get3A_1631 = arith.index_cast %get3A_1630 : i32 to index
        %get3A_1632 = arith.index_cast %scan3A_1611 : i32 to index
        %get3A_1633 = arith.constant 16 : index
        %get3A_1634 = tpu.vector_load %arg8[%get3A_1631, %get3A_1632, %get3A_1633] {strides = array<i32>} : memref<2x80x128xf32, #tpu.memory_space<vmem>>, vector<1x1x16xf32>,
        %get3A_1635 = vector.shape_cast %get3A_1634 : vector<1x1x16xf32> to vector<16xf32>
        %get3A_1636 = arith.constant 0 : i32
        %get3A_1637 = arith.index_cast %get3A_1636 : i32 to index
        %get3A_1638 = arith.index_cast %scan3A_1611 : i32 to index
        %get3A_1639 = arith.constant 16 : index
        %get3A_1640 = tpu.vector_load %arg9[%get3A_1637, %get3A_1638, %get3A_1639] {strides = array<i32>} : memref<2x80x128xf32, #tpu.memory_space<vmem>>, vector<1x1x16xf32>,
        %get3A_1641 = vector.shape_cast %get3A_1640 : vector<1x1x16xf32> to vector<16xf32>
        %add3A_1642 = arith.addf %get3A_1635, %get3A_1641 : vector<16xf32>
        %swap3A_1643 = arith.constant 0 : i32
        %swap3A_1644 = arith.index_cast %swap3A_1643 : i32 to index
        %swap3A_1645 = arith.index_cast %scan3A_1611 : i32 to index
        %swap3A_1646 = arith.constant 16 : index
        %swap3A_1647 = tpu.vector_load %arg8[%swap3A_1644, %swap3A_1645, %swap3A_1646] {strides = array<i32>} : memref<2x80x128xf32, #tpu.memory_space<vmem>>, vector<1x1x16xf32>,
        %swap3A_1648 = vector.shape_cast %swap3A_1647 : vector<1x1x16xf32> to vector<16xf32>
        %swap3A_1649 = vector.shape_cast %add3A_1642 : vector<16xf32> to vector<1x1x16xf32>
        tpu.vector_store %arg8[%swap3A_1644, %swap3A_1645, %swap3A_1646], %swap3A_1649 {strides = array<i32>} : memref<2x80x128xf32, #tpu.memory_space<vmem>>, vector<1x1x16xf32>,
        %get3A_1650 = arith.constant 0 : i32
        %get3A_1651 = arith.index_cast %get3A_1650 : i32 to index
        %get3A_1652 = arith.index_cast %scan3A_1611 : i32 to index
        %get3A_1653 = arith.constant 32 : index
        %get3A_1654 = tpu.vector_load %arg8[%get3A_1651, %get3A_1652, %get3A_1653] {strides = array<i32>} : memref<2x80x128xf32, #tpu.memory_space<vmem>>, vector<1x1x16xf32>,
        %get3A_1655 = vector.shape_cast %get3A_1654 : vector<1x1x16xf32> to vector<16xf32>
        %get3A_1656 = arith.constant 0 : i32
        %get3A_1657 = arith.index_cast %get3A_1656 : i32 to index
        %get3A_1658 = arith.index_cast %scan3A_1611 : i32 to index
        %get3A_1659 = arith.constant 32 : index
        %get3A_1660 = tpu.vector_load %arg9[%get3A_1657, %get3A_1658, %get3A_1659] {strides = array<i32>} : memref<2x80x128xf32, #tpu.memory_space<vmem>>, vector<1x1x16xf32>,
        %get3A_1661 = vector.shape_cast %get3A_1660 : vector<1x1x16xf32> to vector<16xf32>
        %add3A_1662 = arith.addf %get3A_1655, %get3A_1661 : vector<16xf32>
        %swap3A_1663 = arith.constant 0 : i32
        %swap3A_1664 = arith.index_cast %swap3A_1663 : i32 to index
        %swap3A_1665 = arith.index_cast %scan3A_1611 : i32 to index
        %swap3A_1666 = arith.constant 32 : index
        %swap3A_1667 = tpu.vector_load %arg8[%swap3A_1664, %swap3A_1665, %swap3A_1666] {strides = array<i32>} : memref<2x80x128xf32, #tpu.memory_space<vmem>>, vector<1x1x16xf32>,
        %swap3A_1668 = vector.shape_cast %swap3A_1667 : vector<1x1x16xf32> to vector<16xf32>
        %swap3A_1669 = vector.shape_cast %add3A_1662 : vector<16xf32> to vector<1x1x16xf32>
        tpu.vector_store %arg8[%swap3A_1664, %swap3A_1665, %swap3A_1666], %swap3A_1669 {strides = array<i32>} : memref<2x80x128xf32, #tpu.memory_space<vmem>>, vector<1x1x16xf32>,
        %get3A_1670 = arith.constant 0 : i32
        %get3A_1671 = arith.index_cast %get3A_1670 : i32 to index
        %get3A_1672 = arith.index_cast %scan3A_1611 : i32 to index
        %get3A_1673 = arith.constant 48 : index
        %get3A_1674 = tpu.vector_load %arg8[%get3A_1671, %get3A_1672, %get3A_1673] {strides = array<i32>} : memref<2x80x128xf32, #tpu.memory_space<vmem>>, vector<1x1x16xf32>,
        %get3A_1675 = vector.shape_cast %get3A_1674 : vector<1x1x16xf32> to vector<16xf32>
        %get3A_1676 = arith.constant 0 : i32
        %get3A_1677 = arith.index_cast %get3A_1676 : i32 to index
        %get3A_1678 = arith.index_cast %scan3A_1611 : i32 to index
        %get3A_1679 = arith.constant 48 : index
        %get3A_1680 = tpu.vector_load %arg9[%get3A_1677, %get3A_1678, %get3A_1679] {strides = array<i32>} : memref<2x80x128xf32, #tpu.memory_space<vmem>>, vector<1x1x16xf32>,
        %get3A_1681 = vector.shape_cast %get3A_1680 : vector<1x1x16xf32> to vector<16xf32>
        %add3A_1682 = arith.addf %get3A_1675, %get3A_1681 : vector<16xf32>
        %swap3A_1683 = arith.constant 0 : i32
        %swap3A_1684 = arith.index_cast %swap3A_1683 : i32 to index
        %swap3A_1685 = arith.index_cast %scan3A_1611 : i32 to index
        %swap3A_1686 = arith.constant 48 : index
        %swap3A_1687 = tpu.vector_load %arg8[%swap3A_1684, %swap3A_1685, %swap3A_1686] {strides = array<i32>} : memref<2x80x128xf32, #tpu.memory_space<vmem>>, vector<1x1x16xf32>,
        %swap3A_1688 = vector.shape_cast %swap3A_1687 : vector<1x1x16xf32> to vector<16xf32>
        %swap3A_1689 = vector.shape_cast %add3A_1682 : vector<16xf32> to vector<1x1x16xf32>
        tpu.vector_store %arg8[%swap3A_1684, %swap3A_1685, %swap3A_1686], %swap3A_1689 {strides = array<i32>} : memref<2x80x128xf32, #tpu.memory_space<vmem>>, vector<1x1x16xf32>,
        %get3A_1690 = arith.constant 0 : i32
        %get3A_1691 = arith.index_cast %get3A_1690 : i32 to index
        %get3A_1692 = arith.index_cast %scan3A_1611 : i32 to index
        %get3A_1693 = arith.constant 64 : index
        %get3A_1694 = tpu.vector_load %arg8[%get3A_1691, %get3A_1692, %get3A_1693] {strides = array<i32>} : memref<2x80x128xf32, #tpu.memory_space<vmem>>, vector<1x1x16xf32>,
        %get3A_1695 = vector.shape_cast %get3A_1694 : vector<1x1x16xf32> to vector<16xf32>
        %get3A_1696 = arith.constant 0 : i32
        %get3A_1697 = arith.index_cast %get3A_1696 : i32 to index
        %get3A_1698 = arith.index_cast %scan3A_1611 : i32 to index
        %get3A_1699 = arith.constant 64 : index
        %get3A_1700 = tpu.vector_load %arg9[%get3A_1697, %get3A_1698, %get3A_1699] {strides = array<i32>} : memref<2x80x128xf32, #tpu.memory_space<vmem>>, vector<1x1x16xf32>,
        %get3A_1701 = vector.shape_cast %get3A_1700 : vector<1x1x16xf32> to vector<16xf32>
        %add3A_1702 = arith.addf %get3A_1695, %get3A_1701 : vector<16xf32>
        %swap3A_1703 = arith.constant 0 : i32
        %swap3A_1704 = arith.index_cast %swap3A_1703 : i32 to index
        %swap3A_1705 = arith.index_cast %scan3A_1611 : i32 to index
        %swap3A_1706 = arith.constant 64 : index
        %swap3A_1707 = tpu.vector_load %arg8[%swap3A_1704, %swap3A_1705, %swap3A_1706] {strides = array<i32>} : memref<2x80x128xf32, #tpu.memory_space<vmem>>, vector<1x1x16xf32>,
        %swap3A_1708 = vector.shape_cast %swap3A_1707 : vector<1x1x16xf32> to vector<16xf32>
        %swap3A_1709 = vector.shape_cast %add3A_1702 : vector<16xf32> to vector<1x1x16xf32>
        tpu.vector_store %arg8[%swap3A_1704, %swap3A_1705, %swap3A_1706], %swap3A_1709 {strides = array<i32>} : memref<2x80x128xf32, #tpu.memory_space<vmem>>, vector<1x1x16xf32>,
        %get3A_1710 = arith.constant 0 : i32
        %get3A_1711 = arith.index_cast %get3A_1710 : i32 to index
        %get3A_1712 = arith.index_cast %scan3A_1611 : i32 to index
        %get3A_1713 = arith.constant 80 : index
        %get3A_1714 = tpu.vector_load %arg8[%get3A_1711, %get3A_1712, %get3A_1713] {strides = array<i32>} : memref<2x80x128xf32, #tpu.memory_space<vmem>>, vector<1x1x16xf32>,
        %get3A_1715 = vector.shape_cast %get3A_1714 : vector<1x1x16xf32> to vector<16xf32>
        %get3A_1716 = arith.constant 0 : i32
        %get3A_1717 = arith.index_cast %get3A_1716 : i32 to index
        %get3A_1718 = arith.index_cast %scan3A_1611 : i32 to index
        %get3A_1719 = arith.constant 80 : index
        %get3A_1720 = tpu.vector_load %arg9[%get3A_1717, %get3A_1718, %get3A_1719] {strides = array<i32>} : memref<2x80x128xf32, #tpu.memory_space<vmem>>, vector<1x1x16xf32>,
        %get3A_1721 = vector.shape_cast %get3A_1720 : vector<1x1x16xf32> to vector<16xf32>
        %add3A_1722 = arith.addf %get3A_1715, %get3A_1721 : vector<16xf32>
        %swap3A_1723 = arith.constant 0 : i32
        %swap3A_1724 = arith.index_cast %swap3A_1723 : i32 to index
        %swap3A_1725 = arith.index_cast %scan3A_1611 : i32 to index
        %swap3A_1726 = arith.constant 80 : index
        %swap3A_1727 = tpu.vector_load %arg8[%swap3A_1724, %swap3A_1725, %swap3A_1726] {strides = array<i32>} : memref<2x80x128xf32, #tpu.memory_space<vmem>>, vector<1x1x16xf32>,
        %swap3A_1728 = vector.shape_cast %swap3A_1727 : vector<1x1x16xf32> to vector<16xf32>
        %swap3A_1729 = vector.shape_cast %add3A_1722 : vector<16xf32> to vector<1x1x16xf32>
        tpu.vector_store %arg8[%swap3A_1724, %swap3A_1725, %swap3A_1726], %swap3A_1729 {strides = array<i32>} : memref<2x80x128xf32, #tpu.memory_space<vmem>>, vector<1x1x16xf32>,
        %get3A_1730 = arith.constant 0 : i32
        %get3A_1731 = arith.index_cast %get3A_1730 : i32 to index
        %get3A_1732 = arith.index_cast %scan3A_1611 : i32 to index
        %get3A_1733 = arith.constant 96 : index
        %get3A_1734 = tpu.vector_load %arg8[%get3A_1731, %get3A_1732, %get3A_1733] {strides = array<i32>} : memref<2x80x128xf32, #tpu.memory_space<vmem>>, vector<1x1x16xf32>,
        %get3A_1735 = vector.shape_cast %get3A_1734 : vector<1x1x16xf32> to vector<16xf32>
        %get3A_1736 = arith.constant 0 : i32
        %get3A_1737 = arith.index_cast %get3A_1736 : i32 to index
        %get3A_1738 = arith.index_cast %scan3A_1611 : i32 to index
        %get3A_1739 = arith.constant 96 : index
        %get3A_1740 = tpu.vector_load %arg9[%get3A_1737, %get3A_1738, %get3A_1739] {strides = array<i32>} : memref<2x80x128xf32, #tpu.memory_space<vmem>>, vector<1x1x16xf32>,
        %get3A_1741 = vector.shape_cast %get3A_1740 : vector<1x1x16xf32> to vector<16xf32>
        %add3A_1742 = arith.addf %get3A_1735, %get3A_1741 : vector<16xf32>
        %swap3A_1743 = arith.constant 0 : i32
        %swap3A_1744 = arith.index_cast %swap3A_1743 : i32 to index
        %swap3A_1745 = arith.index_cast %scan3A_1611 : i32 to index
        %swap3A_1746 = arith.constant 96 : index
        %swap3A_1747 = tpu.vector_load %arg8[%swap3A_1744, %swap3A_1745, %swap3A_1746] {strides = array<i32>} : memref<2x80x128xf32, #tpu.memory_space<vmem>>, vector<1x1x16xf32>,
        %swap3A_1748 = vector.shape_cast %swap3A_1747 : vector<1x1x16xf32> to vector<16xf32>
        %swap3A_1749 = vector.shape_cast %add3A_1742 : vector<16xf32> to vector<1x1x16xf32>
        tpu.vector_store %arg8[%swap3A_1744, %swap3A_1745, %swap3A_1746], %swap3A_1749 {strides = array<i32>} : memref<2x80x128xf32, #tpu.memory_space<vmem>>, vector<1x1x16xf32>,
        %get3A_1750 = arith.constant 0 : i32
        %get3A_1751 = arith.index_cast %get3A_1750 : i32 to index
        %get3A_1752 = arith.index_cast %scan3A_1611 : i32 to index
        %get3A_1753 = arith.constant 112 : index
        %get3A_1754 = tpu.vector_load %arg8[%get3A_1751, %get3A_1752, %get3A_1753] {strides = array<i32>} : memref<2x80x128xf32, #tpu.memory_space<vmem>>, vector<1x1x16xf32>,
        %get3A_1755 = vector.shape_cast %get3A_1754 : vector<1x1x16xf32> to vector<16xf32>
        %get3A_1756 = arith.constant 0 : i32
        %get3A_1757 = arith.index_cast %get3A_1756 : i32 to index
        %get3A_1758 = arith.index_cast %scan3A_1611 : i32 to index
        %get3A_1759 = arith.constant 112 : index
        %get3A_1760 = tpu.vector_load %arg9[%get3A_1757, %get3A_1758, %get3A_1759] {strides = array<i32>} : memref<2x80x128xf32, #tpu.memory_space<vmem>>, vector<1x1x16xf32>,
        %get3A_1761 = vector.shape_cast %get3A_1760 : vector<1x1x16xf32> to vector<16xf32>
        %add3A_1762 = arith.addf %get3A_1755, %get3A_1761 : vector<16xf32>
        %swap3A_1763 = arith.constant 0 : i32
        %swap3A_1764 = arith.index_cast %swap3A_1763 : i32 to index
        %swap3A_1765 = arith.index_cast %scan3A_1611 : i32 to index
        %swap3A_1766 = arith.constant 112 : index
        %swap3A_1767 = tpu.vector_load %arg8[%swap3A_1764, %swap3A_1765, %swap3A_1766] {strides = array<i32>} : memref<2x80x128xf32, #tpu.memory_space<vmem>>, vector<1x1x16xf32>,
        %swap3A_1768 = vector.shape_cast %swap3A_1767 : vector<1x1x16xf32> to vector<16xf32>
        %swap3A_1769 = vector.shape_cast %add3A_1762 : vector<16xf32> to vector<1x1x16xf32>
        tpu.vector_store %arg8[%swap3A_1764, %swap3A_1765, %swap3A_1766], %swap3A_1769 {strides = array<i32>} : memref<2x80x128xf32, #tpu.memory_space<vmem>>, vector<1x1x16xf32>,
      }
      %scan3A_1225 = arith.constant 80 : i32
      %dma_start3A_1226 = arith.constant 0 : i32
      %dma_start3A_1227 = arith.constant 2 : i32
      %dma_start3A_1228 = arith.constant 0 : i32
      %dma_start3A_1229 = arith.constant 0 : i32
      %dma_start3A_1230 = arith.constant 0 : i32
      %dma_start3A_1231 = tpu.memref_slice %arg8[%dma_start3A_1226, %dma_start3A_1229, %dma_start3A_1230] : memref<2x80x128xf32, #tpu.memory_space<vmem>> -> memref<1x80x128xf32, #tpu.memory_space<vmem>>
      %dma_start3A_1232 = tpu.memref_squeeze %dma_start3A_1231 : memref<1x80x128xf32, #tpu.memory_space<vmem>> -> memref<80x128xf32, #tpu.memory_space<vmem>>
      %dma_start3A_1233 = arith.constant 0 : i32
      %dma_start3A_1234 = tpu.memref_slice %arg7[%dma_start3A_1227, %dma_start3A_1228, %dma_start3A_1233] : memref<4x1x80xi32, #tpu.memory_space<vmem>> -> memref<1x1x80xi32, #tpu.memory_space<vmem>>
      %dma_start3A_1235 = tpu.memref_squeeze %dma_start3A_1234 : memref<1x1x80xi32, #tpu.memory_space<vmem>> -> memref<80xi32, #tpu.memory_space<vmem>>
      %dma_start3A_1236 = arith.constant 0 : i32
      %dma_start3A_1237 = arith.constant 0 : i32
      %dma_start3A_1238 = tpu.memref_slice %arg10[%dma_start3A_1236, %dma_start3A_1237] : memref<10000x128xf32, #tpu.memory_space<vmem_shared>> -> memref<10000x128xf32, #tpu.memory_space<vmem_shared>>
      tpu.enqueue_indirect_dma source(%dma_start3A_1232 : memref<80x128xf32, #tpu.memory_space<vmem>>) target(%dma_start3A_1238 : memref<10000x128xf32, #tpu.memory_space<vmem_shared>>) offsets(%dma_start3A_1235 : memref<80xi32, #tpu.memory_space<vmem>>) semaphore(%arg13 : memref<!tpu.dma_semaphore, #tpu.memory_space<semaphore_mem>>) {add = true}
      %add3A_1239 = arith.constant 2 : i32
      %add3A_1240 = arith.addi %add3A_867, %add3A_1239 : i32
      %add3A_1241 = arith.constant 1 : i32
      %add3A_1242 = arith.addi %add3A_1240, %add3A_1241 : i32
      %mul3A_1243 = arith.constant 125 : i32
      %mul3A_1244 = arith.muli %add3A, %mul3A_1243 : i32
      %add3A_1245 = arith.addi %mul3A_1244, %add3A_1242 : i32
      %dma_start3A_1246 = arith.constant 0 : i32
      %dma_start3A_1247 = arith.constant 0 : i32
      %dma_start3A_1248 = arith.constant 0 : i32
      %dma_start3A_1249 = arith.constant 0 : i32
      %dma_start3A_1250 = tpu.memref_slice %arg6[%dma_start3A_1247, %dma_start3A_1248, %dma_start3A_1249] : memref<4x1x80xi32, #tpu.memory_space<vmem>> -> memref<1x1x80xi32, #tpu.memory_space<vmem>>
      %dma_start3A_1251 = tpu.memref_squeeze %dma_start3A_1250 : memref<1x1x80xi32, #tpu.memory_space<vmem>> -> memref<1x80xi32, #tpu.memory_space<vmem>>
      %dma_start3A_1252 = arith.constant 0 : i32
      %dma_start3A_1253 = arith.constant 0 : i32
      %dma_start3A_1254 = tpu.memref_slice %arg4[%dma_start3A_1246, %add3A_1245, %dma_start3A_1252, %dma_start3A_1253] : memref<2x4000x1x80xi32, #tpu.memory_space<hbm>> -> memref<1x1x1x80xi32, #tpu.memory_space<hbm>>
      %dma_start3A_1255 = tpu.memref_squeeze %dma_start3A_1254 : memref<1x1x1x80xi32, #tpu.memory_space<hbm>> -> memref<1x80xi32, #tpu.memory_space<hbm>>
      %dma_start3A_1256 = arith.constant 0 : i32
      %dma_start3A_1257 = arith.constant 0 : i32
      %dma_start3A_1258 = tpu.memref_slice %arg6[%dma_start3A_1247, %dma_start3A_1256, %dma_start3A_1257] : memref<4x1x80xi32, #tpu.memory_space<vmem>> -> memref<1x1x80xi32, #tpu.memory_space<vmem>>
      %dma_start3A_1259 = tpu.memref_squeeze %dma_start3A_1258 : memref<1x1x80xi32, #tpu.memory_space<vmem>> -> memref<1x80xi32, #tpu.memory_space<vmem>>
      %dma_start3A_1260 = arith.constant 0 : i32
      %dma_start3A_1261 = arith.constant 0 : i32
      %dma_start3A_1262 = tpu.memref_slice %arg4[%dma_start3A_1246, %add3A_1245, %dma_start3A_1260, %dma_start3A_1261] : memref<2x4000x1x80xi32, #tpu.memory_space<hbm>> -> memref<1x1x1x80xi32, #tpu.memory_space<hbm>>
      %dma_start3A_1263 = tpu.memref_squeeze %dma_start3A_1262 : memref<1x1x1x80xi32, #tpu.memory_space<hbm>> -> memref<1x80xi32, #tpu.memory_space<hbm>>
      tpu.enqueue_dma source(%dma_start3A_1263 : memref<1x80xi32, #tpu.memory_space<hbm>>) target(%dma_start3A_1259 : memref<1x80xi32, #tpu.memory_space<vmem>>) target_semaphore(%arg14 : memref<!tpu.dma_semaphore, #tpu.memory_space<semaphore_mem>>)
      %mul3A_1264 = arith.constant 125 : i32
      %mul3A_1265 = arith.muli %add3A, %mul3A_1264 : i32
      %add3A_1266 = arith.addi %mul3A_1265, %add3A_1242 : i32
      %dma_start3A_1267 = arith.constant 1 : i32
      %dma_start3A_1268 = arith.constant 0 : i32
      %dma_start3A_1269 = arith.constant 0 : i32
      %dma_start3A_1270 = arith.constant 0 : i32
      %dma_start3A_1271 = tpu.memref_slice %arg7[%dma_start3A_1268, %dma_start3A_1269, %dma_start3A_1270] : memref<4x1x80xi32, #tpu.memory_space<vmem>> -> memref<1x1x80xi32, #tpu.memory_space<vmem>>
      %dma_start3A_1272 = tpu.memref_squeeze %dma_start3A_1271 : memref<1x1x80xi32, #tpu.memory_space<vmem>> -> memref<1x80xi32, #tpu.memory_space<vmem>>
      %dma_start3A_1273 = arith.constant 0 : i32
      %dma_start3A_1274 = arith.constant 0 : i32
      %dma_start3A_1275 = tpu.memref_slice %arg4[%dma_start3A_1267, %add3A_1266, %dma_start3A_1273, %dma_start3A_1274] : memref<2x4000x1x80xi32, #tpu.memory_space<hbm>> -> memref<1x1x1x80xi32, #tpu.memory_space<hbm>>
      %dma_start3A_1276 = tpu.memref_squeeze %dma_start3A_1275 : memref<1x1x1x80xi32, #tpu.memory_space<hbm>> -> memref<1x80xi32, #tpu.memory_space<hbm>>
      %dma_start3A_1277 = arith.constant 0 : i32
      %dma_start3A_1278 = arith.constant 0 : i32
      %dma_start3A_1279 = tpu.memref_slice %arg7[%dma_start3A_1268, %dma_start3A_1277, %dma_start3A_1278] : memref<4x1x80xi32, #tpu.memory_space<vmem>> -> memref<1x1x80xi32, #tpu.memory_space<vmem>>
      %dma_start3A_1280 = tpu.memref_squeeze %dma_start3A_1279 : memref<1x1x80xi32, #tpu.memory_space<vmem>> -> memref<1x80xi32, #tpu.memory_space<vmem>>
      %dma_start3A_1281 = arith.constant 0 : i32
      %dma_start3A_1282 = arith.constant 0 : i32
      %dma_start3A_1283 = tpu.memref_slice %arg4[%dma_start3A_1267, %add3A_1266, %dma_start3A_1281, %dma_start3A_1282] : memref<2x4000x1x80xi32, #tpu.memory_space<hbm>> -> memref<1x1x1x80xi32, #tpu.memory_space<hbm>>
      %dma_start3A_1284 = tpu.memref_squeeze %dma_start3A_1283 : memref<1x1x1x80xi32, #tpu.memory_space<hbm>> -> memref<1x80xi32, #tpu.memory_space<hbm>>
      tpu.enqueue_dma source(%dma_start3A_1284 : memref<1x80xi32, #tpu.memory_space<hbm>>) target(%dma_start3A_1280 : memref<1x80xi32, #tpu.memory_space<vmem>>) target_semaphore(%arg15 : memref<!tpu.dma_semaphore, #tpu.memory_space<semaphore_mem>>)
      %dma_wait3A_1285 = arith.constant 3 : i32
      %dma_wait3A_1286 = arith.constant 0 : i32
      %dma_wait3A_1287 = arith.constant 1 : i32
      %dma_wait3A_1288 = arith.constant 0 : i32
      %dma_wait3A_1289 = arith.constant 0 : i32
      %dma_wait3A_1290 = tpu.memref_slice %arg8[%dma_wait3A_1287, %dma_wait3A_1288, %dma_wait3A_1289] : memref<2x80x128xf32, #tpu.memory_space<vmem>> -> memref<1x80x128xf32, #tpu.memory_space<vmem>>
      %dma_wait3A_1291 = tpu.memref_squeeze %dma_wait3A_1290 : memref<1x80x128xf32, #tpu.memory_space<vmem>> -> memref<80x128xf32, #tpu.memory_space<vmem>>
      %dma_wait3A_1292 = arith.constant 0 : i32
      %dma_wait3A_1293 = tpu.memref_slice %arg6[%dma_wait3A_1285, %dma_wait3A_1286, %dma_wait3A_1292] : memref<4x1x80xi32, #tpu.memory_space<vmem>> -> memref<1x1x80xi32, #tpu.memory_space<vmem>>
      %dma_wait3A_1294 = tpu.memref_squeeze %dma_wait3A_1293 : memref<1x1x80xi32, #tpu.memory_space<vmem>> -> memref<80xi32, #tpu.memory_space<vmem>>
      %dma_wait3A_1295 = arith.constant 0 : i32
      %dma_wait3A_1296 = arith.constant 0 : i32
      %dma_wait3A_1297 = tpu.memref_slice %arg2[%dma_wait3A_1295, %dma_wait3A_1296] : memref<10000x128xf32, #tpu.memory_space<hbm>> -> memref<10000x128xf32, #tpu.memory_space<hbm>>
      tpu.wait_indirect_dma semaphore(%arg11 : memref<!tpu.dma_semaphore, #tpu.memory_space<semaphore_mem>>) src(%dma_wait3A_1297 : memref<10000x128xf32, #tpu.memory_space<hbm>>) dst(%dma_wait3A_1291 : memref<80x128xf32, #tpu.memory_space<vmem>>)
      %mul3A_1298 = arith.constant 80 : i32
      %mul3A_1299 = arith.muli %add3A_1240, %mul3A_1298 : i32
      %add3A_1300 = arith.addi %mul3A_2, %mul3A_1299 : i32
      %dma_wait3A_1301 = arith.constant 1 : i32
      %dma_wait3A_1302 = arith.constant 0 : i32
      %dma_wait3A_1303 = arith.constant 0 : i32
      %dma_wait3A_1304 = tpu.memref_slice %arg9[%dma_wait3A_1301, %dma_wait3A_1302, %dma_wait3A_1303] : memref<2x80x128xf32, #tpu.memory_space<vmem>> -> memref<1x80x128xf32, #tpu.memory_space<vmem>>
      %dma_wait3A_1305 = tpu.memref_squeeze %dma_wait3A_1304 : memref<1x80x128xf32, #tpu.memory_space<vmem>> -> memref<80x128xf32, #tpu.memory_space<vmem>>
      %dma_wait3A_1306 = arith.constant 0 : i32
      %dma_wait3A_1307 = tpu.memref_slice %arg3[%add3A_1300, %dma_wait3A_1306] : memref<320000x128xf32, #tpu.memory_space<hbm>> -> memref<80x128xf32, #tpu.memory_space<hbm>>
      %dma_wait3A_1308 = arith.constant 0 : i32
      %dma_wait3A_1309 = arith.constant 0 : i32
      %dma_wait3A_1310 = tpu.memref_slice %arg9[%dma_wait3A_1301, %dma_wait3A_1308, %dma_wait3A_1309] : memref<2x80x128xf32, #tpu.memory_space<vmem>> -> memref<1x80x128xf32, #tpu.memory_space<vmem>>
      %dma_wait3A_1311 = tpu.memref_squeeze %dma_wait3A_1310 : memref<1x80x128xf32, #tpu.memory_space<vmem>> -> memref<80x128xf32, #tpu.memory_space<vmem>>
      %dma_wait3A_1312 = arith.constant 0 : i32
      %dma_wait3A_1313 = tpu.memref_slice %arg3[%add3A_1300, %dma_wait3A_1312] : memref<320000x128xf32, #tpu.memory_space<hbm>> -> memref<80x128xf32, #tpu.memory_space<hbm>>
      tpu.wait_dma2 semaphore(%arg12 : memref<!tpu.dma_semaphore, #tpu.memory_space<semaphore_mem>>) src(%dma_wait3A_1313 : memref<80x128xf32, #tpu.memory_space<hbm>>) dst(%dma_wait3A_1311 : memref<80x128xf32, #tpu.memory_space<vmem>>)
      %sub3A_1314 = arith.constant 1 : i32
      %sub3A_1315 = arith.subi %add3A_1240, %sub3A_1314 : i32
      %dma_wait3A_1316 = arith.constant 0 : i32
      %dma_wait3A_1317 = arith.constant 2 : i32
      %dma_wait3A_1318 = arith.constant 0 : i32
      %dma_wait3A_1319 = arith.constant 0 : i32
      %dma_wait3A_1320 = arith.constant 0 : i32
      %dma_wait3A_1321 = tpu.memref_slice %arg8[%dma_wait3A_1316, %dma_wait3A_1319, %dma_wait3A_1320] : memref<2x80x128xf32, #tpu.memory_space<vmem>> -> memref<1x80x128xf32, #tpu.memory_space<vmem>>
      %dma_wait3A_1322 = tpu.memref_squeeze %dma_wait3A_1321 : memref<1x80x128xf32, #tpu.memory_space<vmem>> -> memref<80x128xf32, #tpu.memory_space<vmem>>
      %dma_wait3A_1323 = arith.constant 0 : i32
      %dma_wait3A_1324 = tpu.memref_slice %arg7[%dma_wait3A_1317, %dma_wait3A_1318, %dma_wait3A_1323] : memref<4x1x80xi32, #tpu.memory_space<vmem>> -> memref<1x1x80xi32, #tpu.memory_space<vmem>>
      %dma_wait3A_1325 = tpu.memref_squeeze %dma_wait3A_1324 : memref<1x1x80xi32, #tpu.memory_space<vmem>> -> memref<80xi32, #tpu.memory_space<vmem>>
      %dma_wait3A_1326 = arith.constant 0 : i32
      %dma_wait3A_1327 = arith.constant 0 : i32
      %dma_wait3A_1328 = tpu.memref_slice %arg10[%dma_wait3A_1326, %dma_wait3A_1327] : memref<10000x128xf32, #tpu.memory_space<vmem_shared>> -> memref<10000x128xf32, #tpu.memory_space<vmem_shared>>
      tpu.wait_indirect_dma semaphore(%arg13 : memref<!tpu.dma_semaphore, #tpu.memory_space<semaphore_mem>>) src(%dma_wait3A_1322 : memref<80x128xf32, #tpu.memory_space<vmem>>) dst(%dma_wait3A_1328 : memref<10000x128xf32, #tpu.memory_space<vmem_shared>>)
      %add3A_1329 = arith.constant 1 : i32
      %add3A_1330 = arith.addi %add3A_1240, %add3A_1329 : i32
      %mul3A_1331 = arith.constant 125 : i32
      %mul3A_1332 = arith.muli %add3A, %mul3A_1331 : i32
      %add3A_1333 = arith.addi %mul3A_1332, %add3A_1330 : i32
      %dma_wait3A_1334 = arith.constant 0 : i32
      %dma_wait3A_1335 = arith.constant 0 : i32
      %dma_wait3A_1336 = arith.constant 0 : i32
      %dma_wait3A_1337 = arith.constant 0 : i32
      %dma_wait3A_1338 = tpu.memref_slice %arg6[%dma_wait3A_1335, %dma_wait3A_1336, %dma_wait3A_1337] : memref<4x1x80xi32, #tpu.memory_space<vmem>> -> memref<1x1x80xi32, #tpu.memory_space<vmem>>
      %dma_wait3A_1339 = tpu.memref_squeeze %dma_wait3A_1338 : memref<1x1x80xi32, #tpu.memory_space<vmem>> -> memref<1x80xi32, #tpu.memory_space<vmem>>
      %dma_wait3A_1340 = arith.constant 0 : i32
      %dma_wait3A_1341 = arith.constant 0 : i32
      %dma_wait3A_1342 = tpu.memref_slice %arg4[%dma_wait3A_1334, %add3A_1333, %dma_wait3A_1340, %dma_wait3A_1341] : memref<2x4000x1x80xi32, #tpu.memory_space<hbm>> -> memref<1x1x1x80xi32, #tpu.memory_space<hbm>>
      %dma_wait3A_1343 = tpu.memref_squeeze %dma_wait3A_1342 : memref<1x1x1x80xi32, #tpu.memory_space<hbm>> -> memref<1x80xi32, #tpu.memory_space<hbm>>
      %dma_wait3A_1344 = arith.constant 0 : i32
      %dma_wait3A_1345 = arith.constant 0 : i32
      %dma_wait3A_1346 = tpu.memref_slice %arg6[%dma_wait3A_1335, %dma_wait3A_1344, %dma_wait3A_1345] : memref<4x1x80xi32, #tpu.memory_space<vmem>> -> memref<1x1x80xi32, #tpu.memory_space<vmem>>
      %dma_wait3A_1347 = tpu.memref_squeeze %dma_wait3A_1346 : memref<1x1x80xi32, #tpu.memory_space<vmem>> -> memref<1x80xi32, #tpu.memory_space<vmem>>
      %dma_wait3A_1348 = arith.constant 0 : i32
      %dma_wait3A_1349 = arith.constant 0 : i32
      %dma_wait3A_1350 = tpu.memref_slice %arg4[%dma_wait3A_1334, %add3A_1333, %dma_wait3A_1348, %dma_wait3A_1349] : memref<2x4000x1x80xi32, #tpu.memory_space<hbm>> -> memref<1x1x1x80xi32, #tpu.memory_space<hbm>>
      %dma_wait3A_1351 = tpu.memref_squeeze %dma_wait3A_1350 : memref<1x1x1x80xi32, #tpu.memory_space<hbm>> -> memref<1x80xi32, #tpu.memory_space<hbm>>
      tpu.wait_dma2 semaphore(%arg14 : memref<!tpu.dma_semaphore, #tpu.memory_space<semaphore_mem>>) src(%dma_wait3A_1351 : memref<1x80xi32, #tpu.memory_space<hbm>>) dst(%dma_wait3A_1347 : memref<1x80xi32, #tpu.memory_space<vmem>>)
      %mul3A_1352 = arith.constant 125 : i32
      %mul3A_1353 = arith.muli %add3A, %mul3A_1352 : i32
      %add3A_1354 = arith.addi %mul3A_1353, %add3A_1330 : i32
      %dma_wait3A_1355 = arith.constant 1 : i32
      %dma_wait3A_1356 = arith.constant 0 : i32
      %dma_wait3A_1357 = arith.constant 0 : i32
      %dma_wait3A_1358 = arith.constant 0 : i32
      %dma_wait3A_1359 = tpu.memref_slice %arg7[%dma_wait3A_1356, %dma_wait3A_1357, %dma_wait3A_1358] : memref<4x1x80xi32, #tpu.memory_space<vmem>> -> memref<1x1x80xi32, #tpu.memory_space<vmem>>
      %dma_wait3A_1360 = tpu.memref_squeeze %dma_wait3A_1359 : memref<1x1x80xi32, #tpu.memory_space<vmem>> -> memref<1x80xi32, #tpu.memory_space<vmem>>
      %dma_wait3A_1361 = arith.constant 0 : i32
      %dma_wait3A_1362 = arith.constant 0 : i32
      %dma_wait3A_1363 = tpu.memref_slice %arg4[%dma_wait3A_1355, %add3A_1354, %dma_wait3A_1361, %dma_wait3A_1362] : memref<2x4000x1x80xi32, #tpu.memory_space<hbm>> -> memref<1x1x1x80xi32, #tpu.memory_space<hbm>>
      %dma_wait3A_1364 = tpu.memref_squeeze %dma_wait3A_1363 : memref<1x1x1x80xi32, #tpu.memory_space<hbm>> -> memref<1x80xi32, #tpu.memory_space<hbm>>
      %dma_wait3A_1365 = arith.constant 0 : i32
      %dma_wait3A_1366 = arith.constant 0 : i32
      %dma_wait3A_1367 = tpu.memref_slice %arg7[%dma_wait3A_1356, %dma_wait3A_1365, %dma_wait3A_1366] : memref<4x1x80xi32, #tpu.memory_space<vmem>> -> memref<1x1x80xi32, #tpu.memory_space<vmem>>
      %dma_wait3A_1368 = tpu.memref_squeeze %dma_wait3A_1367 : memref<1x1x80xi32, #tpu.memory_space<vmem>> -> memref<1x80xi32, #tpu.memory_space<vmem>>
      %dma_wait3A_1369 = arith.constant 0 : i32
      %dma_wait3A_1370 = arith.constant 0 : i32
      %dma_wait3A_1371 = tpu.memref_slice %arg4[%dma_wait3A_1355, %add3A_1354, %dma_wait3A_1369, %dma_wait3A_1370] : memref<2x4000x1x80xi32, #tpu.memory_space<hbm>> -> memref<1x1x1x80xi32, #tpu.memory_space<hbm>>
      %dma_wait3A_1372 = tpu.memref_squeeze %dma_wait3A_1371 : memref<1x1x1x80xi32, #tpu.memory_space<hbm>> -> memref<1x80xi32, #tpu.memory_space<hbm>>
      tpu.wait_dma2 semaphore(%arg15 : memref<!tpu.dma_semaphore, #tpu.memory_space<semaphore_mem>>) src(%dma_wait3A_1372 : memref<1x80xi32, #tpu.memory_space<hbm>>) dst(%dma_wait3A_1368 : memref<1x80xi32, #tpu.memory_space<vmem>>)
      %add3A_1373 = arith.constant 1 : i32
      %add3A_1374 = arith.addi %add3A_1240, %add3A_1373 : i32
      %dma_start3A_1375 = arith.constant 0 : i32
      %dma_start3A_1376 = arith.constant 0 : i32
      %dma_start3A_1377 = arith.constant 0 : i32
      %dma_start3A_1378 = arith.constant 0 : i32
      %dma_start3A_1379 = arith.constant 0 : i32
      %dma_start3A_1380 = tpu.memref_slice %arg8[%dma_start3A_1377, %dma_start3A_1378, %dma_start3A_1379] : memref<2x80x128xf32, #tpu.memory_space<vmem>> -> memref<1x80x128xf32, #tpu.memory_space<vmem>>
      %dma_start3A_1381 = tpu.memref_squeeze %dma_start3A_1380 : memref<1x80x128xf32, #tpu.memory_space<vmem>> -> memref<80x128xf32, #tpu.memory_space<vmem>>
      %dma_start3A_1382 = arith.constant 0 : i32
      %dma_start3A_1383 = tpu.memref_slice %arg6[%dma_start3A_1375, %dma_start3A_1376, %dma_start3A_1382] : memref<4x1x80xi32, #tpu.memory_space<vmem>> -> memref<1x1x80xi32, #tpu.memory_space<vmem>>
      %dma_start3A_1384 = tpu.memref_squeeze %dma_start3A_1383 : memref<1x1x80xi32, #tpu.memory_space<vmem>> -> memref<80xi32, #tpu.memory_space<vmem>>
      %dma_start3A_1385 = arith.constant 0 : i32
      %dma_start3A_1386 = arith.constant 0 : i32
      %dma_start3A_1387 = tpu.memref_slice %arg2[%dma_start3A_1385, %dma_start3A_1386] : memref<10000x128xf32, #tpu.memory_space<hbm>> -> memref<10000x128xf32, #tpu.memory_space<hbm>>
      tpu.enqueue_indirect_dma source(%dma_start3A_1387 : memref<10000x128xf32, #tpu.memory_space<hbm>>) target(%dma_start3A_1381 : memref<80x128xf32, #tpu.memory_space<vmem>>) offsets(%dma_start3A_1384 : memref<80xi32, #tpu.memory_space<vmem>>) semaphore(%arg11 : memref<!tpu.dma_semaphore, #tpu.memory_space<semaphore_mem>>)
      %add3A_1388 = arith.constant 1 : i32
      %add3A_1389 = arith.addi %add3A_1240, %add3A_1388 : i32
      %mul3A_1390 = arith.constant 80 : i32
      %mul3A_1391 = arith.muli %add3A_1389, %mul3A_1390 : i32
      %add3A_1392 = arith.addi %mul3A_2, %mul3A_1391 : i32
      %dma_start3A_1393 = arith.constant 0 : i32
      %dma_start3A_1394 = arith.constant 0 : i32
      %dma_start3A_1395 = arith.constant 0 : i32
      %dma_start3A_1396 = tpu.memref_slice %arg9[%dma_start3A_1393, %dma_start3A_1394, %dma_start3A_1395] : memref<2x80x128xf32, #tpu.memory_space<vmem>> -> memref<1x80x128xf32, #tpu.memory_space<vmem>>
      %dma_start3A_1397 = tpu.memref_squeeze %dma_start3A_1396 : memref<1x80x128xf32, #tpu.memory_space<vmem>> -> memref<80x128xf32, #tpu.memory_space<vmem>>
      %dma_start3A_1398 = arith.constant 0 : i32
      %dma_start3A_1399 = tpu.memref_slice %arg3[%add3A_1392, %dma_start3A_1398] : memref<320000x128xf32, #tpu.memory_space<hbm>> -> memref<80x128xf32, #tpu.memory_space<hbm>>
      %dma_start3A_1400 = arith.constant 0 : i32
      %dma_start3A_1401 = arith.constant 0 : i32
      %dma_start3A_1402 = tpu.memref_slice %arg9[%dma_start3A_1393, %dma_start3A_1400, %dma_start3A_1401] : memref<2x80x128xf32, #tpu.memory_space<vmem>> -> memref<1x80x128xf32, #tpu.memory_space<vmem>>
      %dma_start3A_1403 = tpu.memref_squeeze %dma_start3A_1402 : memref<1x80x128xf32, #tpu.memory_space<vmem>> -> memref<80x128xf32, #tpu.memory_space<vmem>>
      %dma_start3A_1404 = arith.constant 0 : i32
      %dma_start3A_1405 = tpu.memref_slice %arg3[%add3A_1392, %dma_start3A_1404] : memref<320000x128xf32, #tpu.memory_space<hbm>> -> memref<80x128xf32, #tpu.memory_space<hbm>>
      tpu.enqueue_dma source(%dma_start3A_1405 : memref<80x128xf32, #tpu.memory_space<hbm>>) target(%dma_start3A_1403 : memref<80x128xf32, #tpu.memory_space<vmem>>) target_semaphore(%arg12 : memref<!tpu.dma_semaphore, #tpu.memory_space<semaphore_mem>>)
      %scan3A_1406 = arith.constant 0 : i32
      %scan3A_1407 = arith.constant 0 : i32
      %scan3A_1408 = arith.constant 80 : i32
      %scan3A_1409 = arith.addi %scan3A_1407, %scan3A_1408 : i32
      %scan3A_1410 = arith.constant 1 : i32
      scf.for %scan3A_1611 = %scan3A_1407 to %scan3A_1409 step %scan3A_1410  : i32 {
        %get3A = arith.constant 1 : i32
        %get3A_1612 = arith.index_cast %get3A : i32 to index
        %get3A_1613 = arith.index_cast %scan3A_1611 : i32 to index
        %get3A_1614 = arith.constant 0 : index
        %get3A_1615 = tpu.vector_load %arg8[%get3A_1612, %get3A_1613, %get3A_1614] {strides = array<i32>} : memref<2x80x128xf32, #tpu.memory_space<vmem>>, vector<1x1x16xf32>,
        %get3A_1616 = vector.shape_cast %get3A_1615 : vector<1x1x16xf32> to vector<16xf32>
        %get3A_1617 = arith.constant 1 : i32
        %get3A_1618 = arith.index_cast %get3A_1617 : i32 to index
        %get3A_1619 = arith.index_cast %scan3A_1611 : i32 to index
        %get3A_1620 = arith.constant 0 : index
        %get3A_1621 = tpu.vector_load %arg9[%get3A_1618, %get3A_1619, %get3A_1620] {strides = array<i32>} : memref<2x80x128xf32, #tpu.memory_space<vmem>>, vector<1x1x16xf32>,
        %get3A_1622 = vector.shape_cast %get3A_1621 : vector<1x1x16xf32> to vector<16xf32>
        %add3A_1623 = arith.addf %get3A_1616, %get3A_1622 : vector<16xf32>
        %swap3A = arith.constant 1 : i32
        %swap3A_1624 = arith.index_cast %swap3A : i32 to index
        %swap3A_1625 = arith.index_cast %scan3A_1611 : i32 to index
        %swap3A_1626 = arith.constant 0 : index
        %swap3A_1627 = tpu.vector_load %arg8[%swap3A_1624, %swap3A_1625, %swap3A_1626] {strides = array<i32>} : memref<2x80x128xf32, #tpu.memory_space<vmem>>, vector<1x1x16xf32>,
        %swap3A_1628 = vector.shape_cast %swap3A_1627 : vector<1x1x16xf32> to vector<16xf32>
        %swap3A_1629 = vector.shape_cast %add3A_1623 : vector<16xf32> to vector<1x1x16xf32>
        tpu.vector_store %arg8[%swap3A_1624, %swap3A_1625, %swap3A_1626], %swap3A_1629 {strides = array<i32>} : memref<2x80x128xf32, #tpu.memory_space<vmem>>, vector<1x1x16xf32>,
        %get3A_1630 = arith.constant 1 : i32
        %get3A_1631 = arith.index_cast %get3A_1630 : i32 to index
        %get3A_1632 = arith.index_cast %scan3A_1611 : i32 to index
        %get3A_1633 = arith.constant 16 : index
        %get3A_1634 = tpu.vector_load %arg8[%get3A_1631, %get3A_1632, %get3A_1633] {strides = array<i32>} : memref<2x80x128xf32, #tpu.memory_space<vmem>>, vector<1x1x16xf32>,
        %get3A_1635 = vector.shape_cast %get3A_1634 : vector<1x1x16xf32> to vector<16xf32>
        %get3A_1636 = arith.constant 1 : i32
        %get3A_1637 = arith.index_cast %get3A_1636 : i32 to index
        %get3A_1638 = arith.index_cast %scan3A_1611 : i32 to index
        %get3A_1639 = arith.constant 16 : index
        %get3A_1640 = tpu.vector_load %arg9[%get3A_1637, %get3A_1638, %get3A_1639] {strides = array<i32>} : memref<2x80x128xf32, #tpu.memory_space<vmem>>, vector<1x1x16xf32>,
        %get3A_1641 = vector.shape_cast %get3A_1640 : vector<1x1x16xf32> to vector<16xf32>
        %add3A_1642 = arith.addf %get3A_1635, %get3A_1641 : vector<16xf32>
        %swap3A_1643 = arith.constant 1 : i32
        %swap3A_1644 = arith.index_cast %swap3A_1643 : i32 to index
        %swap3A_1645 = arith.index_cast %scan3A_1611 : i32 to index
        %swap3A_1646 = arith.constant 16 : index
        %swap3A_1647 = tpu.vector_load %arg8[%swap3A_1644, %swap3A_1645, %swap3A_1646] {strides = array<i32>} : memref<2x80x128xf32, #tpu.memory_space<vmem>>, vector<1x1x16xf32>,
        %swap3A_1648 = vector.shape_cast %swap3A_1647 : vector<1x1x16xf32> to vector<16xf32>
        %swap3A_1649 = vector.shape_cast %add3A_1642 : vector<16xf32> to vector<1x1x16xf32>
        tpu.vector_store %arg8[%swap3A_1644, %swap3A_1645, %swap3A_1646], %swap3A_1649 {strides = array<i32>} : memref<2x80x128xf32, #tpu.memory_space<vmem>>, vector<1x1x16xf32>,
        %get3A_1650 = arith.constant 1 : i32
        %get3A_1651 = arith.index_cast %get3A_1650 : i32 to index
        %get3A_1652 = arith.index_cast %scan3A_1611 : i32 to index
        %get3A_1653 = arith.constant 32 : index
        %get3A_1654 = tpu.vector_load %arg8[%get3A_1651, %get3A_1652, %get3A_1653] {strides = array<i32>} : memref<2x80x128xf32, #tpu.memory_space<vmem>>, vector<1x1x16xf32>,
        %get3A_1655 = vector.shape_cast %get3A_1654 : vector<1x1x16xf32> to vector<16xf32>
        %get3A_1656 = arith.constant 1 : i32
        %get3A_1657 = arith.index_cast %get3A_1656 : i32 to index
        %get3A_1658 = arith.index_cast %scan3A_1611 : i32 to index
        %get3A_1659 = arith.constant 32 : index
        %get3A_1660 = tpu.vector_load %arg9[%get3A_1657, %get3A_1658, %get3A_1659] {strides = array<i32>} : memref<2x80x128xf32, #tpu.memory_space<vmem>>, vector<1x1x16xf32>,
        %get3A_1661 = vector.shape_cast %get3A_1660 : vector<1x1x16xf32> to vector<16xf32>
        %add3A_1662 = arith.addf %get3A_1655, %get3A_1661 : vector<16xf32>
        %swap3A_1663 = arith.constant 1 : i32
        %swap3A_1664 = arith.index_cast %swap3A_1663 : i32 to index
        %swap3A_1665 = arith.index_cast %scan3A_1611 : i32 to index
        %swap3A_1666 = arith.constant 32 : index
        %swap3A_1667 = tpu.vector_load %arg8[%swap3A_1664, %swap3A_1665, %swap3A_1666] {strides = array<i32>} : memref<2x80x128xf32, #tpu.memory_space<vmem>>, vector<1x1x16xf32>,
        %swap3A_1668 = vector.shape_cast %swap3A_1667 : vector<1x1x16xf32> to vector<16xf32>
        %swap3A_1669 = vector.shape_cast %add3A_1662 : vector<16xf32> to vector<1x1x16xf32>
        tpu.vector_store %arg8[%swap3A_1664, %swap3A_1665, %swap3A_1666], %swap3A_1669 {strides = array<i32>} : memref<2x80x128xf32, #tpu.memory_space<vmem>>, vector<1x1x16xf32>,
        %get3A_1670 = arith.constant 1 : i32
        %get3A_1671 = arith.index_cast %get3A_1670 : i32 to index
        %get3A_1672 = arith.index_cast %scan3A_1611 : i32 to index
        %get3A_1673 = arith.constant 48 : index
        %get3A_1674 = tpu.vector_load %arg8[%get3A_1671, %get3A_1672, %get3A_1673] {strides = array<i32>} : memref<2x80x128xf32, #tpu.memory_space<vmem>>, vector<1x1x16xf32>,
        %get3A_1675 = vector.shape_cast %get3A_1674 : vector<1x1x16xf32> to vector<16xf32>
        %get3A_1676 = arith.constant 1 : i32
        %get3A_1677 = arith.index_cast %get3A_1676 : i32 to index
        %get3A_1678 = arith.index_cast %scan3A_1611 : i32 to index
        %get3A_1679 = arith.constant 48 : index
        %get3A_1680 = tpu.vector_load %arg9[%get3A_1677, %get3A_1678, %get3A_1679] {strides = array<i32>} : memref<2x80x128xf32, #tpu.memory_space<vmem>>, vector<1x1x16xf32>,
        %get3A_1681 = vector.shape_cast %get3A_1680 : vector<1x1x16xf32> to vector<16xf32>
        %add3A_1682 = arith.addf %get3A_1675, %get3A_1681 : vector<16xf32>
        %swap3A_1683 = arith.constant 1 : i32
        %swap3A_1684 = arith.index_cast %swap3A_1683 : i32 to index
        %swap3A_1685 = arith.index_cast %scan3A_1611 : i32 to index
        %swap3A_1686 = arith.constant 48 : index
        %swap3A_1687 = tpu.vector_load %arg8[%swap3A_1684, %swap3A_1685, %swap3A_1686] {strides = array<i32>} : memref<2x80x128xf32, #tpu.memory_space<vmem>>, vector<1x1x16xf32>,
        %swap3A_1688 = vector.shape_cast %swap3A_1687 : vector<1x1x16xf32> to vector<16xf32>
        %swap3A_1689 = vector.shape_cast %add3A_1682 : vector<16xf32> to vector<1x1x16xf32>
        tpu.vector_store %arg8[%swap3A_1684, %swap3A_1685, %swap3A_1686], %swap3A_1689 {strides = array<i32>} : memref<2x80x128xf32, #tpu.memory_space<vmem>>, vector<1x1x16xf32>,
        %get3A_1690 = arith.constant 1 : i32
        %get3A_1691 = arith.index_cast %get3A_1690 : i32 to index
        %get3A_1692 = arith.index_cast %scan3A_1611 : i32 to index
        %get3A_1693 = arith.constant 64 : index
        %get3A_1694 = tpu.vector_load %arg8[%get3A_1691, %get3A_1692, %get3A_1693] {strides = array<i32>} : memref<2x80x128xf32, #tpu.memory_space<vmem>>, vector<1x1x16xf32>,
        %get3A_1695 = vector.shape_cast %get3A_1694 : vector<1x1x16xf32> to vector<16xf32>
        %get3A_1696 = arith.constant 1 : i32
        %get3A_1697 = arith.index_cast %get3A_1696 : i32 to index
        %get3A_1698 = arith.index_cast %scan3A_1611 : i32 to index
        %get3A_1699 = arith.constant 64 : index
        %get3A_1700 = tpu.vector_load %arg9[%get3A_1697, %get3A_1698, %get3A_1699] {strides = array<i32>} : memref<2x80x128xf32, #tpu.memory_space<vmem>>, vector<1x1x16xf32>,
        %get3A_1701 = vector.shape_cast %get3A_1700 : vector<1x1x16xf32> to vector<16xf32>
        %add3A_1702 = arith.addf %get3A_1695, %get3A_1701 : vector<16xf32>
        %swap3A_1703 = arith.constant 1 : i32
        %swap3A_1704 = arith.index_cast %swap3A_1703 : i32 to index
        %swap3A_1705 = arith.index_cast %scan3A_1611 : i32 to index
        %swap3A_1706 = arith.constant 64 : index
        %swap3A_1707 = tpu.vector_load %arg8[%swap3A_1704, %swap3A_1705, %swap3A_1706] {strides = array<i32>} : memref<2x80x128xf32, #tpu.memory_space<vmem>>, vector<1x1x16xf32>,
        %swap3A_1708 = vector.shape_cast %swap3A_1707 : vector<1x1x16xf32> to vector<16xf32>
        %swap3A_1709 = vector.shape_cast %add3A_1702 : vector<16xf32> to vector<1x1x16xf32>
        tpu.vector_store %arg8[%swap3A_1704, %swap3A_1705, %swap3A_1706], %swap3A_1709 {strides = array<i32>} : memref<2x80x128xf32, #tpu.memory_space<vmem>>, vector<1x1x16xf32>,
        %get3A_1710 = arith.constant 1 : i32
        %get3A_1711 = arith.index_cast %get3A_1710 : i32 to index
        %get3A_1712 = arith.index_cast %scan3A_1611 : i32 to index
        %get3A_1713 = arith.constant 80 : index
        %get3A_1714 = tpu.vector_load %arg8[%get3A_1711, %get3A_1712, %get3A_1713] {strides = array<i32>} : memref<2x80x128xf32, #tpu.memory_space<vmem>>, vector<1x1x16xf32>,
        %get3A_1715 = vector.shape_cast %get3A_1714 : vector<1x1x16xf32> to vector<16xf32>
        %get3A_1716 = arith.constant 1 : i32
        %get3A_1717 = arith.index_cast %get3A_1716 : i32 to index
        %get3A_1718 = arith.index_cast %scan3A_1611 : i32 to index
        %get3A_1719 = arith.constant 80 : index
        %get3A_1720 = tpu.vector_load %arg9[%get3A_1717, %get3A_1718, %get3A_1719] {strides = array<i32>} : memref<2x80x128xf32, #tpu.memory_space<vmem>>, vector<1x1x16xf32>,
        %get3A_1721 = vector.shape_cast %get3A_1720 : vector<1x1x16xf32> to vector<16xf32>
        %add3A_1722 = arith.addf %get3A_1715, %get3A_1721 : vector<16xf32>
        %swap3A_1723 = arith.constant 1 : i32
        %swap3A_1724 = arith.index_cast %swap3A_1723 : i32 to index
        %swap3A_1725 = arith.index_cast %scan3A_1611 : i32 to index
        %swap3A_1726 = arith.constant 80 : index
        %swap3A_1727 = tpu.vector_load %arg8[%swap3A_1724, %swap3A_1725, %swap3A_1726] {strides = array<i32>} : memref<2x80x128xf32, #tpu.memory_space<vmem>>, vector<1x1x16xf32>,
        %swap3A_1728 = vector.shape_cast %swap3A_1727 : vector<1x1x16xf32> to vector<16xf32>
        %swap3A_1729 = vector.shape_cast %add3A_1722 : vector<16xf32> to vector<1x1x16xf32>
        tpu.vector_store %arg8[%swap3A_1724, %swap3A_1725, %swap3A_1726], %swap3A_1729 {strides = array<i32>} : memref<2x80x128xf32, #tpu.memory_space<vmem>>, vector<1x1x16xf32>,
        %get3A_1730 = arith.constant 1 : i32
        %get3A_1731 = arith.index_cast %get3A_1730 : i32 to index
        %get3A_1732 = arith.index_cast %scan3A_1611 : i32 to index
        %get3A_1733 = arith.constant 96 : index
        %get3A_1734 = tpu.vector_load %arg8[%get3A_1731, %get3A_1732, %get3A_1733] {strides = array<i32>} : memref<2x80x128xf32, #tpu.memory_space<vmem>>, vector<1x1x16xf32>,
        %get3A_1735 = vector.shape_cast %get3A_1734 : vector<1x1x16xf32> to vector<16xf32>
        %get3A_1736 = arith.constant 1 : i32
        %get3A_1737 = arith.index_cast %get3A_1736 : i32 to index
        %get3A_1738 = arith.index_cast %scan3A_1611 : i32 to index
        %get3A_1739 = arith.constant 96 : index
        %get3A_1740 = tpu.vector_load %arg9[%get3A_1737, %get3A_1738, %get3A_1739] {strides = array<i32>} : memref<2x80x128xf32, #tpu.memory_space<vmem>>, vector<1x1x16xf32>,
        %get3A_1741 = vector.shape_cast %get3A_1740 : vector<1x1x16xf32> to vector<16xf32>
        %add3A_1742 = arith.addf %get3A_1735, %get3A_1741 : vector<16xf32>
        %swap3A_1743 = arith.constant 1 : i32
        %swap3A_1744 = arith.index_cast %swap3A_1743 : i32 to index
        %swap3A_1745 = arith.index_cast %scan3A_1611 : i32 to index
        %swap3A_1746 = arith.constant 96 : index
        %swap3A_1747 = tpu.vector_load %arg8[%swap3A_1744, %swap3A_1745, %swap3A_1746] {strides = array<i32>} : memref<2x80x128xf32, #tpu.memory_space<vmem>>, vector<1x1x16xf32>,
        %swap3A_1748 = vector.shape_cast %swap3A_1747 : vector<1x1x16xf32> to vector<16xf32>
        %swap3A_1749 = vector.shape_cast %add3A_1742 : vector<16xf32> to vector<1x1x16xf32>
        tpu.vector_store %arg8[%swap3A_1744, %swap3A_1745, %swap3A_1746], %swap3A_1749 {strides = array<i32>} : memref<2x80x128xf32, #tpu.memory_space<vmem>>, vector<1x1x16xf32>,
        %get3A_1750 = arith.constant 1 : i32
        %get3A_1751 = arith.index_cast %get3A_1750 : i32 to index
        %get3A_1752 = arith.index_cast %scan3A_1611 : i32 to index
        %get3A_1753 = arith.constant 112 : index
        %get3A_1754 = tpu.vector_load %arg8[%get3A_1751, %get3A_1752, %get3A_1753] {strides = array<i32>} : memref<2x80x128xf32, #tpu.memory_space<vmem>>, vector<1x1x16xf32>,
        %get3A_1755 = vector.shape_cast %get3A_1754 : vector<1x1x16xf32> to vector<16xf32>
        %get3A_1756 = arith.constant 1 : i32
        %get3A_1757 = arith.index_cast %get3A_1756 : i32 to index
        %get3A_1758 = arith.index_cast %scan3A_1611 : i32 to index
        %get3A_1759 = arith.constant 112 : index
        %get3A_1760 = tpu.vector_load %arg9[%get3A_1757, %get3A_1758, %get3A_1759] {strides = array<i32>} : memref<2x80x128xf32, #tpu.memory_space<vmem>>, vector<1x1x16xf32>,
        %get3A_1761 = vector.shape_cast %get3A_1760 : vector<1x1x16xf32> to vector<16xf32>
        %add3A_1762 = arith.addf %get3A_1755, %get3A_1761 : vector<16xf32>
        %swap3A_1763 = arith.constant 1 : i32
        %swap3A_1764 = arith.index_cast %swap3A_1763 : i32 to index
        %swap3A_1765 = arith.index_cast %scan3A_1611 : i32 to index
        %swap3A_1766 = arith.constant 112 : index
        %swap3A_1767 = tpu.vector_load %arg8[%swap3A_1764, %swap3A_1765, %swap3A_1766] {strides = array<i32>} : memref<2x80x128xf32, #tpu.memory_space<vmem>>, vector<1x1x16xf32>,
        %swap3A_1768 = vector.shape_cast %swap3A_1767 : vector<1x1x16xf32> to vector<16xf32>
        %swap3A_1769 = vector.shape_cast %add3A_1762 : vector<16xf32> to vector<1x1x16xf32>
        tpu.vector_store %arg8[%swap3A_1764, %swap3A_1765, %swap3A_1766], %swap3A_1769 {strides = array<i32>} : memref<2x80x128xf32, #tpu.memory_space<vmem>>, vector<1x1x16xf32>,
      }
      %scan3A_1411 = arith.constant 80 : i32
      %dma_start3A_1412 = arith.constant 1 : i32
      %dma_start3A_1413 = arith.constant 3 : i32
      %dma_start3A_1414 = arith.constant 0 : i32
      %dma_start3A_1415 = arith.constant 0 : i32
      %dma_start3A_1416 = arith.constant 0 : i32
      %dma_start3A_1417 = tpu.memref_slice %arg8[%dma_start3A_1412, %dma_start3A_1415, %dma_start3A_1416] : memref<2x80x128xf32, #tpu.memory_space<vmem>> -> memref<1x80x128xf32, #tpu.memory_space<vmem>>
      %dma_start3A_1418 = tpu.memref_squeeze %dma_start3A_1417 : memref<1x80x128xf32, #tpu.memory_space<vmem>> -> memref<80x128xf32, #tpu.memory_space<vmem>>
      %dma_start3A_1419 = arith.constant 0 : i32
      %dma_start3A_1420 = tpu.memref_slice %arg7[%dma_start3A_1413, %dma_start3A_1414, %dma_start3A_1419] : memref<4x1x80xi32, #tpu.memory_space<vmem>> -> memref<1x1x80xi32, #tpu.memory_space<vmem>>
      %dma_start3A_1421 = tpu.memref_squeeze %dma_start3A_1420 : memref<1x1x80xi32, #tpu.memory_space<vmem>> -> memref<80xi32, #tpu.memory_space<vmem>>
      %dma_start3A_1422 = arith.constant 0 : i32
      %dma_start3A_1423 = arith.constant 0 : i32
      %dma_start3A_1424 = tpu.memref_slice %arg10[%dma_start3A_1422, %dma_start3A_1423] : memref<10000x128xf32, #tpu.memory_space<vmem_shared>> -> memref<10000x128xf32, #tpu.memory_space<vmem_shared>>
      tpu.enqueue_indirect_dma source(%dma_start3A_1418 : memref<80x128xf32, #tpu.memory_space<vmem>>) target(%dma_start3A_1424 : memref<10000x128xf32, #tpu.memory_space<vmem_shared>>) offsets(%dma_start3A_1421 : memref<80xi32, #tpu.memory_space<vmem>>) semaphore(%arg13 : memref<!tpu.dma_semaphore, #tpu.memory_space<semaphore_mem>>) {add = true}
      %add3A_1425 = arith.constant 3 : i32
      %add3A_1426 = arith.addi %add3A_867, %add3A_1425 : i32
      %add3A_1427 = arith.constant 1 : i32
      %add3A_1428 = arith.addi %add3A_1426, %add3A_1427 : i32
      %mul3A_1429 = arith.constant 125 : i32
      %mul3A_1430 = arith.muli %add3A, %mul3A_1429 : i32
      %add3A_1431 = arith.addi %mul3A_1430, %add3A_1428 : i32
      %dma_start3A_1432 = arith.constant 0 : i32
      %dma_start3A_1433 = arith.constant 1 : i32
      %dma_start3A_1434 = arith.constant 0 : i32
      %dma_start3A_1435 = arith.constant 0 : i32
      %dma_start3A_1436 = tpu.memref_slice %arg6[%dma_start3A_1433, %dma_start3A_1434, %dma_start3A_1435] : memref<4x1x80xi32, #tpu.memory_space<vmem>> -> memref<1x1x80xi32, #tpu.memory_space<vmem>>
      %dma_start3A_1437 = tpu.memref_squeeze %dma_start3A_1436 : memref<1x1x80xi32, #tpu.memory_space<vmem>> -> memref<1x80xi32, #tpu.memory_space<vmem>>
      %dma_start3A_1438 = arith.constant 0 : i32
      %dma_start3A_1439 = arith.constant 0 : i32
      %dma_start3A_1440 = tpu.memref_slice %arg4[%dma_start3A_1432, %add3A_1431, %dma_start3A_1438, %dma_start3A_1439] : memref<2x4000x1x80xi32, #tpu.memory_space<hbm>> -> memref<1x1x1x80xi32, #tpu.memory_space<hbm>>
      %dma_start3A_1441 = tpu.memref_squeeze %dma_start3A_1440 : memref<1x1x1x80xi32, #tpu.memory_space<hbm>> -> memref<1x80xi32, #tpu.memory_space<hbm>>
      %dma_start3A_1442 = arith.constant 0 : i32
      %dma_start3A_1443 = arith.constant 0 : i32
      %dma_start3A_1444 = tpu.memref_slice %arg6[%dma_start3A_1433, %dma_start3A_1442, %dma_start3A_1443] : memref<4x1x80xi32, #tpu.memory_space<vmem>> -> memref<1x1x80xi32, #tpu.memory_space<vmem>>
      %dma_start3A_1445 = tpu.memref_squeeze %dma_start3A_1444 : memref<1x1x80xi32, #tpu.memory_space<vmem>> -> memref<1x80xi32, #tpu.memory_space<vmem>>
      %dma_start3A_1446 = arith.constant 0 : i32
      %dma_start3A_1447 = arith.constant 0 : i32
      %dma_start3A_1448 = tpu.memref_slice %arg4[%dma_start3A_1432, %add3A_1431, %dma_start3A_1446, %dma_start3A_1447] : memref<2x4000x1x80xi32, #tpu.memory_space<hbm>> -> memref<1x1x1x80xi32, #tpu.memory_space<hbm>>
      %dma_start3A_1449 = tpu.memref_squeeze %dma_start3A_1448 : memref<1x1x1x80xi32, #tpu.memory_space<hbm>> -> memref<1x80xi32, #tpu.memory_space<hbm>>
      tpu.enqueue_dma source(%dma_start3A_1449 : memref<1x80xi32, #tpu.memory_space<hbm>>) target(%dma_start3A_1445 : memref<1x80xi32, #tpu.memory_space<vmem>>) target_semaphore(%arg14 : memref<!tpu.dma_semaphore, #tpu.memory_space<semaphore_mem>>)
      %mul3A_1450 = arith.constant 125 : i32
      %mul3A_1451 = arith.muli %add3A, %mul3A_1450 : i32
      %add3A_1452 = arith.addi %mul3A_1451, %add3A_1428 : i32
      %dma_start3A_1453 = arith.constant 1 : i32
      %dma_start3A_1454 = arith.constant 1 : i32
      %dma_start3A_1455 = arith.constant 0 : i32
      %dma_start3A_1456 = arith.constant 0 : i32
      %dma_start3A_1457 = tpu.memref_slice %arg7[%dma_start3A_1454, %dma_start3A_1455, %dma_start3A_1456] : memref<4x1x80xi32, #tpu.memory_space<vmem>> -> memref<1x1x80xi32, #tpu.memory_space<vmem>>
      %dma_start3A_1458 = tpu.memref_squeeze %dma_start3A_1457 : memref<1x1x80xi32, #tpu.memory_space<vmem>> -> memref<1x80xi32, #tpu.memory_space<vmem>>
      %dma_start3A_1459 = arith.constant 0 : i32
      %dma_start3A_1460 = arith.constant 0 : i32
      %dma_start3A_1461 = tpu.memref_slice %arg4[%dma_start3A_1453, %add3A_1452, %dma_start3A_1459, %dma_start3A_1460] : memref<2x4000x1x80xi32, #tpu.memory_space<hbm>> -> memref<1x1x1x80xi32, #tpu.memory_space<hbm>>
      %dma_start3A_1462 = tpu.memref_squeeze %dma_start3A_1461 : memref<1x1x1x80xi32, #tpu.memory_space<hbm>> -> memref<1x80xi32, #tpu.memory_space<hbm>>
      %dma_start3A_1463 = arith.constant 0 : i32
      %dma_start3A_1464 = arith.constant 0 : i32
      %dma_start3A_1465 = tpu.memref_slice %arg7[%dma_start3A_1454, %dma_start3A_1463, %dma_start3A_1464] : memref<4x1x80xi32, #tpu.memory_space<vmem>> -> memref<1x1x80xi32, #tpu.memory_space<vmem>>
      %dma_start3A_1466 = tpu.memref_squeeze %dma_start3A_1465 : memref<1x1x80xi32, #tpu.memory_space<vmem>> -> memref<1x80xi32, #tpu.memory_space<vmem>>
      %dma_start3A_1467 = arith.constant 0 : i32
      %dma_start3A_1468 = arith.constant 0 : i32
      %dma_start3A_1469 = tpu.memref_slice %arg4[%dma_start3A_1453, %add3A_1452, %dma_start3A_1467, %dma_start3A_1468] : memref<2x4000x1x80xi32, #tpu.memory_space<hbm>> -> memref<1x1x1x80xi32, #tpu.memory_space<hbm>>
      %dma_start3A_1470 = tpu.memref_squeeze %dma_start3A_1469 : memref<1x1x1x80xi32, #tpu.memory_space<hbm>> -> memref<1x80xi32, #tpu.memory_space<hbm>>
      tpu.enqueue_dma source(%dma_start3A_1470 : memref<1x80xi32, #tpu.memory_space<hbm>>) target(%dma_start3A_1466 : memref<1x80xi32, #tpu.memory_space<vmem>>) target_semaphore(%arg15 : memref<!tpu.dma_semaphore, #tpu.memory_space<semaphore_mem>>)
      %dma_wait3A_1471 = arith.constant 0 : i32
      %dma_wait3A_1472 = arith.constant 0 : i32
      %dma_wait3A_1473 = arith.constant 0 : i32
      %dma_wait3A_1474 = arith.constant 0 : i32
      %dma_wait3A_1475 = arith.constant 0 : i32
      %dma_wait3A_1476 = tpu.memref_slice %arg8[%dma_wait3A_1473, %dma_wait3A_1474, %dma_wait3A_1475] : memref<2x80x128xf32, #tpu.memory_space<vmem>> -> memref<1x80x128xf32, #tpu.memory_space<vmem>>
      %dma_wait3A_1477 = tpu.memref_squeeze %dma_wait3A_1476 : memref<1x80x128xf32, #tpu.memory_space<vmem>> -> memref<80x128xf32, #tpu.memory_space<vmem>>
      %dma_wait3A_1478 = arith.constant 0 : i32
      %dma_wait3A_1479 = tpu.memref_slice %arg6[%dma_wait3A_1471, %dma_wait3A_1472, %dma_wait3A_1478] : memref<4x1x80xi32, #tpu.memory_space<vmem>> -> memref<1x1x80xi32, #tpu.memory_space<vmem>>
      %dma_wait3A_1480 = tpu.memref_squeeze %dma_wait3A_1479 : memref<1x1x80xi32, #tpu.memory_space<vmem>> -> memref<80xi32, #tpu.memory_space<vmem>>
      %dma_wait3A_1481 = arith.constant 0 : i32
      %dma_wait3A_1482 = arith.constant 0 : i32
      %dma_wait3A_1483 = tpu.memref_slice %arg2[%dma_wait3A_1481, %dma_wait3A_1482] : memref<10000x128xf32, #tpu.memory_space<hbm>> -> memref<10000x128xf32, #tpu.memory_space<hbm>>
      tpu.wait_indirect_dma semaphore(%arg11 : memref<!tpu.dma_semaphore, #tpu.memory_space<semaphore_mem>>) src(%dma_wait3A_1483 : memref<10000x128xf32, #tpu.memory_space<hbm>>) dst(%dma_wait3A_1477 : memref<80x128xf32, #tpu.memory_space<vmem>>)
      %mul3A_1484 = arith.constant 80 : i32
      %mul3A_1485 = arith.muli %add3A_1426, %mul3A_1484 : i32
      %add3A_1486 = arith.addi %mul3A_2, %mul3A_1485 : i32
      %dma_wait3A_1487 = arith.constant 0 : i32
      %dma_wait3A_1488 = arith.constant 0 : i32
      %dma_wait3A_1489 = arith.constant 0 : i32
      %dma_wait3A_1490 = tpu.memref_slice %arg9[%dma_wait3A_1487, %dma_wait3A_1488, %dma_wait3A_1489] : memref<2x80x128xf32, #tpu.memory_space<vmem>> -> memref<1x80x128xf32, #tpu.memory_space<vmem>>
      %dma_wait3A_1491 = tpu.memref_squeeze %dma_wait3A_1490 : memref<1x80x128xf32, #tpu.memory_space<vmem>> -> memref<80x128xf32, #tpu.memory_space<vmem>>
      %dma_wait3A_1492 = arith.constant 0 : i32
      %dma_wait3A_1493 = tpu.memref_slice %arg3[%add3A_1486, %dma_wait3A_1492] : memref<320000x128xf32, #tpu.memory_space<hbm>> -> memref<80x128xf32, #tpu.memory_space<hbm>>
      %dma_wait3A_1494 = arith.constant 0 : i32
      %dma_wait3A_1495 = arith.constant 0 : i32
      %dma_wait3A_1496 = tpu.memref_slice %arg9[%dma_wait3A_1487, %dma_wait3A_1494, %dma_wait3A_1495] : memref<2x80x128xf32, #tpu.memory_space<vmem>> -> memref<1x80x128xf32, #tpu.memory_space<vmem>>
      %dma_wait3A_1497 = tpu.memref_squeeze %dma_wait3A_1496 : memref<1x80x128xf32, #tpu.memory_space<vmem>> -> memref<80x128xf32, #tpu.memory_space<vmem>>
      %dma_wait3A_1498 = arith.constant 0 : i32
      %dma_wait3A_1499 = tpu.memref_slice %arg3[%add3A_1486, %dma_wait3A_1498] : memref<320000x128xf32, #tpu.memory_space<hbm>> -> memref<80x128xf32, #tpu.memory_space<hbm>>
      tpu.wait_dma2 semaphore(%arg12 : memref<!tpu.dma_semaphore, #tpu.memory_space<semaphore_mem>>) src(%dma_wait3A_1499 : memref<80x128xf32, #tpu.memory_space<hbm>>) dst(%dma_wait3A_1497 : memref<80x128xf32, #tpu.memory_space<vmem>>)
      %sub3A_1500 = arith.constant 1 : i32
      %sub3A_1501 = arith.subi %add3A_1426, %sub3A_1500 : i32
      %dma_wait3A_1502 = arith.constant 1 : i32
      %dma_wait3A_1503 = arith.constant 3 : i32
      %dma_wait3A_1504 = arith.constant 0 : i32
      %dma_wait3A_1505 = arith.constant 0 : i32
      %dma_wait3A_1506 = arith.constant 0 : i32
      %dma_wait3A_1507 = tpu.memref_slice %arg8[%dma_wait3A_1502, %dma_wait3A_1505, %dma_wait3A_1506] : memref<2x80x128xf32, #tpu.memory_space<vmem>> -> memref<1x80x128xf32, #tpu.memory_space<vmem>>
      %dma_wait3A_1508 = tpu.memref_squeeze %dma_wait3A_1507 : memref<1x80x128xf32, #tpu.memory_space<vmem>> -> memref<80x128xf32, #tpu.memory_space<vmem>>
      %dma_wait3A_1509 = arith.constant 0 : i32
      %dma_wait3A_1510 = tpu.memref_slice %arg7[%dma_wait3A_1503, %dma_wait3A_1504, %dma_wait3A_1509] : memref<4x1x80xi32, #tpu.memory_space<vmem>> -> memref<1x1x80xi32, #tpu.memory_space<vmem>>
      %dma_wait3A_1511 = tpu.memref_squeeze %dma_wait3A_1510 : memref<1x1x80xi32, #tpu.memory_space<vmem>> -> memref<80xi32, #tpu.memory_space<vmem>>
      %dma_wait3A_1512 = arith.constant 0 : i32
      %dma_wait3A_1513 = arith.constant 0 : i32
      %dma_wait3A_1514 = tpu.memref_slice %arg10[%dma_wait3A_1512, %dma_wait3A_1513] : memref<10000x128xf32, #tpu.memory_space<vmem_shared>> -> memref<10000x128xf32, #tpu.memory_space<vmem_shared>>
      tpu.wait_indirect_dma semaphore(%arg13 : memref<!tpu.dma_semaphore, #tpu.memory_space<semaphore_mem>>) src(%dma_wait3A_1508 : memref<80x128xf32, #tpu.memory_space<vmem>>) dst(%dma_wait3A_1514 : memref<10000x128xf32, #tpu.memory_space<vmem_shared>>)
      %add3A_1515 = arith.constant 1 : i32
      %add3A_1516 = arith.addi %add3A_1426, %add3A_1515 : i32
      %mul3A_1517 = arith.constant 125 : i32
      %mul3A_1518 = arith.muli %add3A, %mul3A_1517 : i32
      %add3A_1519 = arith.addi %mul3A_1518, %add3A_1516 : i32
      %dma_wait3A_1520 = arith.constant 0 : i32
      %dma_wait3A_1521 = arith.constant 1 : i32
      %dma_wait3A_1522 = arith.constant 0 : i32
      %dma_wait3A_1523 = arith.constant 0 : i32
      %dma_wait3A_1524 = tpu.memref_slice %arg6[%dma_wait3A_1521, %dma_wait3A_1522, %dma_wait3A_1523] : memref<4x1x80xi32, #tpu.memory_space<vmem>> -> memref<1x1x80xi32, #tpu.memory_space<vmem>>
      %dma_wait3A_1525 = tpu.memref_squeeze %dma_wait3A_1524 : memref<1x1x80xi32, #tpu.memory_space<vmem>> -> memref<1x80xi32, #tpu.memory_space<vmem>>
      %dma_wait3A_1526 = arith.constant 0 : i32
      %dma_wait3A_1527 = arith.constant 0 : i32
      %dma_wait3A_1528 = tpu.memref_slice %arg4[%dma_wait3A_1520, %add3A_1519, %dma_wait3A_1526, %dma_wait3A_1527] : memref<2x4000x1x80xi32, #tpu.memory_space<hbm>> -> memref<1x1x1x80xi32, #tpu.memory_space<hbm>>
      %dma_wait3A_1529 = tpu.memref_squeeze %dma_wait3A_1528 : memref<1x1x1x80xi32, #tpu.memory_space<hbm>> -> memref<1x80xi32, #tpu.memory_space<hbm>>
      %dma_wait3A_1530 = arith.constant 0 : i32
      %dma_wait3A_1531 = arith.constant 0 : i32
      %dma_wait3A_1532 = tpu.memref_slice %arg6[%dma_wait3A_1521, %dma_wait3A_1530, %dma_wait3A_1531] : memref<4x1x80xi32, #tpu.memory_space<vmem>> -> memref<1x1x80xi32, #tpu.memory_space<vmem>>
      %dma_wait3A_1533 = tpu.memref_squeeze %dma_wait3A_1532 : memref<1x1x80xi32, #tpu.memory_space<vmem>> -> memref<1x80xi32, #tpu.memory_space<vmem>>
      %dma_wait3A_1534 = arith.constant 0 : i32
      %dma_wait3A_1535 = arith.constant 0 : i32
      %dma_wait3A_1536 = tpu.memref_slice %arg4[%dma_wait3A_1520, %add3A_1519, %dma_wait3A_1534, %dma_wait3A_1535] : memref<2x4000x1x80xi32, #tpu.memory_space<hbm>> -> memref<1x1x1x80xi32, #tpu.memory_space<hbm>>
      %dma_wait3A_1537 = tpu.memref_squeeze %dma_wait3A_1536 : memref<1x1x1x80xi32, #tpu.memory_space<hbm>> -> memref<1x80xi32, #tpu.memory_space<hbm>>
      tpu.wait_dma2 semaphore(%arg14 : memref<!tpu.dma_semaphore, #tpu.memory_space<semaphore_mem>>) src(%dma_wait3A_1537 : memref<1x80xi32, #tpu.memory_space<hbm>>) dst(%dma_wait3A_1533 : memref<1x80xi32, #tpu.memory_space<vmem>>)
      %mul3A_1538 = arith.constant 125 : i32
      %mul3A_1539 = arith.muli %add3A, %mul3A_1538 : i32
      %add3A_1540 = arith.addi %mul3A_1539, %add3A_1516 : i32
      %dma_wait3A_1541 = arith.constant 1 : i32
      %dma_wait3A_1542 = arith.constant 1 : i32
      %dma_wait3A_1543 = arith.constant 0 : i32
      %dma_wait3A_1544 = arith.constant 0 : i32
      %dma_wait3A_1545 = tpu.memref_slice %arg7[%dma_wait3A_1542, %dma_wait3A_1543, %dma_wait3A_1544] : memref<4x1x80xi32, #tpu.memory_space<vmem>> -> memref<1x1x80xi32, #tpu.memory_space<vmem>>
      %dma_wait3A_1546 = tpu.memref_squeeze %dma_wait3A_1545 : memref<1x1x80xi32, #tpu.memory_space<vmem>> -> memref<1x80xi32, #tpu.memory_space<vmem>>
      %dma_wait3A_1547 = arith.constant 0 : i32
      %dma_wait3A_1548 = arith.constant 0 : i32
      %dma_wait3A_1549 = tpu.memref_slice %arg4[%dma_wait3A_1541, %add3A_1540, %dma_wait3A_1547, %dma_wait3A_1548] : memref<2x4000x1x80xi32, #tpu.memory_space<hbm>> -> memref<1x1x1x80xi32, #tpu.memory_space<hbm>>
      %dma_wait3A_1550 = tpu.memref_squeeze %dma_wait3A_1549 : memref<1x1x1x80xi32, #tpu.memory_space<hbm>> -> memref<1x80xi32, #tpu.memory_space<hbm>>
      %dma_wait3A_1551 = arith.constant 0 : i32
      %dma_wait3A_1552 = arith.constant 0 : i32
      %dma_wait3A_1553 = tpu.memref_slice %arg7[%dma_wait3A_1542, %dma_wait3A_1551, %dma_wait3A_1552] : memref<4x1x80xi32, #tpu.memory_space<vmem>> -> memref<1x1x80xi32, #tpu.memory_space<vmem>>
      %dma_wait3A_1554 = tpu.memref_squeeze %dma_wait3A_1553 : memref<1x1x80xi32, #tpu.memory_space<vmem>> -> memref<1x80xi32, #tpu.memory_space<vmem>>
      %dma_wait3A_1555 = arith.constant 0 : i32
      %dma_wait3A_1556 = arith.constant 0 : i32
      %dma_wait3A_1557 = tpu.memref_slice %arg4[%dma_wait3A_1541, %add3A_1540, %dma_wait3A_1555, %dma_wait3A_1556] : memref<2x4000x1x80xi32, #tpu.memory_space<hbm>> -> memref<1x1x1x80xi32, #tpu.memory_space<hbm>>
      %dma_wait3A_1558 = tpu.memref_squeeze %dma_wait3A_1557 : memref<1x1x1x80xi32, #tpu.memory_space<hbm>> -> memref<1x80xi32, #tpu.memory_space<hbm>>
      tpu.wait_dma2 semaphore(%arg15 : memref<!tpu.dma_semaphore, #tpu.memory_space<semaphore_mem>>) src(%dma_wait3A_1558 : memref<1x80xi32, #tpu.memory_space<hbm>>) dst(%dma_wait3A_1554 : memref<1x80xi32, #tpu.memory_space<vmem>>)
      %add3A_1559 = arith.constant 1 : i32
      %add3A_1560 = arith.addi %add3A_1426, %add3A_1559 : i32
      %dma_start3A_1561 = arith.constant 1 : i32
      %dma_start3A_1562 = arith.constant 0 : i32
      %dma_start3A_1563 = arith.constant 1 : i32
      %dma_start3A_1564 = arith.constant 0 : i32
      %dma_start3A_1565 = arith.constant 0 : i32
      %dma_start3A_1566 = tpu.memref_slice %arg8[%dma_start3A_1563, %dma_start3A_1564, %dma_start3A_1565] : memref<2x80x128xf32, #tpu.memory_space<vmem>> -> memref<1x80x128xf32, #tpu.memory_space<vmem>>
      %dma_start3A_1567 = tpu.memref_squeeze %dma_start3A_1566 : memref<1x80x128xf32, #tpu.memory_space<vmem>> -> memref<80x128xf32, #tpu.memory_space<vmem>>
      %dma_start3A_1568 = arith.constant 0 : i32
      %dma_start3A_1569 = tpu.memref_slice %arg6[%dma_start3A_1561, %dma_start3A_1562, %dma_start3A_1568] : memref<4x1x80xi32, #tpu.memory_space<vmem>> -> memref<1x1x80xi32, #tpu.memory_space<vmem>>
      %dma_start3A_1570 = tpu.memref_squeeze %dma_start3A_1569 : memref<1x1x80xi32, #tpu.memory_space<vmem>> -> memref<80xi32, #tpu.memory_space<vmem>>
      %dma_start3A_1571 = arith.constant 0 : i32
      %dma_start3A_1572 = arith.constant 0 : i32
      %dma_start3A_1573 = tpu.memref_slice %arg2[%dma_start3A_1571, %dma_start3A_1572] : memref<10000x128xf32, #tpu.memory_space<hbm>> -> memref<10000x128xf32, #tpu.memory_space<hbm>>
      tpu.enqueue_indirect_dma source(%dma_start3A_1573 : memref<10000x128xf32, #tpu.memory_space<hbm>>) target(%dma_start3A_1567 : memref<80x128xf32, #tpu.memory_space<vmem>>) offsets(%dma_start3A_1570 : memref<80xi32, #tpu.memory_space<vmem>>) semaphore(%arg11 : memref<!tpu.dma_semaphore, #tpu.memory_space<semaphore_mem>>)
      %add3A_1574 = arith.constant 1 : i32
      %add3A_1575 = arith.addi %add3A_1426, %add3A_1574 : i32
      %mul3A_1576 = arith.constant 80 : i32
      %mul3A_1577 = arith.muli %add3A_1575, %mul3A_1576 : i32
      %add3A_1578 = arith.addi %mul3A_2, %mul3A_1577 : i32
      %dma_start3A_1579 = arith.constant 1 : i32
      %dma_start3A_1580 = arith.constant 0 : i32
      %dma_start3A_1581 = arith.constant 0 : i32
      %dma_start3A_1582 = tpu.memref_slice %arg9[%dma_start3A_1579, %dma_start3A_1580, %dma_start3A_1581] : memref<2x80x128xf32, #tpu.memory_space<vmem>> -> memref<1x80x128xf32, #tpu.memory_space<vmem>>
      %dma_start3A_1583 = tpu.memref_squeeze %dma_start3A_1582 : memref<1x80x128xf32, #tpu.memory_space<vmem>> -> memref<80x128xf32, #tpu.memory_space<vmem>>
      %dma_start3A_1584 = arith.constant 0 : i32
      %dma_start3A_1585 = tpu.memref_slice %arg3[%add3A_1578, %dma_start3A_1584] : memref<320000x128xf32, #tpu.memory_space<hbm>> -> memref<80x128xf32, #tpu.memory_space<hbm>>
      %dma_start3A_1586 = arith.constant 0 : i32
      %dma_start3A_1587 = arith.constant 0 : i32
      %dma_start3A_1588 = tpu.memref_slice %arg9[%dma_start3A_1579, %dma_start3A_1586, %dma_start3A_1587] : memref<2x80x128xf32, #tpu.memory_space<vmem>> -> memref<1x80x128xf32, #tpu.memory_space<vmem>>
      %dma_start3A_1589 = tpu.memref_squeeze %dma_start3A_1588 : memref<1x80x128xf32, #tpu.memory_space<vmem>> -> memref<80x128xf32, #tpu.memory_space<vmem>>
      %dma_start3A_1590 = arith.constant 0 : i32
      %dma_start3A_1591 = tpu.memref_slice %arg3[%add3A_1578, %dma_start3A_1590] : memref<320000x128xf32, #tpu.memory_space<hbm>> -> memref<80x128xf32, #tpu.memory_space<hbm>>
      tpu.enqueue_dma source(%dma_start3A_1591 : memref<80x128xf32, #tpu.memory_space<hbm>>) target(%dma_start3A_1589 : memref<80x128xf32, #tpu.memory_space<vmem>>) target_semaphore(%arg12 : memref<!tpu.dma_semaphore, #tpu.memory_space<semaphore_mem>>)
      %scan3A_1592 = arith.constant 0 : i32
      %scan3A_1593 = arith.constant 0 : i32
      %scan3A_1594 = arith.constant 80 : i32
      %scan3A_1595 = arith.addi %scan3A_1593, %scan3A_1594 : i32
      %scan3A_1596 = arith.constant 1 : i32
      scf.for %scan3A_1611 = %scan3A_1593 to %scan3A_1595 step %scan3A_1596  : i32 {
        %get3A = arith.constant 0 : i32
        %get3A_1612 = arith.index_cast %get3A : i32 to index
        %get3A_1613 = arith.index_cast %scan3A_1611 : i32 to index
        %get3A_1614 = arith.constant 0 : index
        %get3A_1615 = tpu.vector_load %arg8[%get3A_1612, %get3A_1613, %get3A_1614] {strides = array<i32>} : memref<2x80x128xf32, #tpu.memory_space<vmem>>, vector<1x1x16xf32>,
        %get3A_1616 = vector.shape_cast %get3A_1615 : vector<1x1x16xf32> to vector<16xf32>
        %get3A_1617 = arith.constant 0 : i32
        %get3A_1618 = arith.index_cast %get3A_1617 : i32 to index
        %get3A_1619 = arith.index_cast %scan3A_1611 : i32 to index
        %get3A_1620 = arith.constant 0 : index
        %get3A_1621 = tpu.vector_load %arg9[%get3A_1618, %get3A_1619, %get3A_1620] {strides = array<i32>} : memref<2x80x128xf32, #tpu.memory_space<vmem>>, vector<1x1x16xf32>,
        %get3A_1622 = vector.shape_cast %get3A_1621 : vector<1x1x16xf32> to vector<16xf32>
        %add3A_1623 = arith.addf %get3A_1616, %get3A_1622 : vector<16xf32>
        %swap3A = arith.constant 0 : i32
        %swap3A_1624 = arith.index_cast %swap3A : i32 to index
        %swap3A_1625 = arith.index_cast %scan3A_1611 : i32 to index
        %swap3A_1626 = arith.constant 0 : index
        %swap3A_1627 = tpu.vector_load %arg8[%swap3A_1624, %swap3A_1625, %swap3A_1626] {strides = array<i32>} : memref<2x80x128xf32, #tpu.memory_space<vmem>>, vector<1x1x16xf32>,
        %swap3A_1628 = vector.shape_cast %swap3A_1627 : vector<1x1x16xf32> to vector<16xf32>
        %swap3A_1629 = vector.shape_cast %add3A_1623 : vector<16xf32> to vector<1x1x16xf32>
        tpu.vector_store %arg8[%swap3A_1624, %swap3A_1625, %swap3A_1626], %swap3A_1629 {strides = array<i32>} : memref<2x80x128xf32, #tpu.memory_space<vmem>>, vector<1x1x16xf32>,
        %get3A_1630 = arith.constant 0 : i32
        %get3A_1631 = arith.index_cast %get3A_1630 : i32 to index
        %get3A_1632 = arith.index_cast %scan3A_1611 : i32 to index
        %get3A_1633 = arith.constant 16 : index
        %get3A_1634 = tpu.vector_load %arg8[%get3A_1631, %get3A_1632, %get3A_1633] {strides = array<i32>} : memref<2x80x128xf32, #tpu.memory_space<vmem>>, vector<1x1x16xf32>,
        %get3A_1635 = vector.shape_cast %get3A_1634 : vector<1x1x16xf32> to vector<16xf32>
        %get3A_1636 = arith.constant 0 : i32
        %get3A_1637 = arith.index_cast %get3A_1636 : i32 to index
        %get3A_1638 = arith.index_cast %scan3A_1611 : i32 to index
        %get3A_1639 = arith.constant 16 : index
        %get3A_1640 = tpu.vector_load %arg9[%get3A_1637, %get3A_1638, %get3A_1639] {strides = array<i32>} : memref<2x80x128xf32, #tpu.memory_space<vmem>>, vector<1x1x16xf32>,
        %get3A_1641 = vector.shape_cast %get3A_1640 : vector<1x1x16xf32> to vector<16xf32>
        %add3A_1642 = arith.addf %get3A_1635, %get3A_1641 : vector<16xf32>
        %swap3A_1643 = arith.constant 0 : i32
        %swap3A_1644 = arith.index_cast %swap3A_1643 : i32 to index
        %swap3A_1645 = arith.index_cast %scan3A_1611 : i32 to index
        %swap3A_1646 = arith.constant 16 : index
        %swap3A_1647 = tpu.vector_load %arg8[%swap3A_1644, %swap3A_1645, %swap3A_1646] {strides = array<i32>} : memref<2x80x128xf32, #tpu.memory_space<vmem>>, vector<1x1x16xf32>,
        %swap3A_1648 = vector.shape_cast %swap3A_1647 : vector<1x1x16xf32> to vector<16xf32>
        %swap3A_1649 = vector.shape_cast %add3A_1642 : vector<16xf32> to vector<1x1x16xf32>
        tpu.vector_store %arg8[%swap3A_1644, %swap3A_1645, %swap3A_1646], %swap3A_1649 {strides = array<i32>} : memref<2x80x128xf32, #tpu.memory_space<vmem>>, vector<1x1x16xf32>,
        %get3A_1650 = arith.constant 0 : i32
        %get3A_1651 = arith.index_cast %get3A_1650 : i32 to index
        %get3A_1652 = arith.index_cast %scan3A_1611 : i32 to index
        %get3A_1653 = arith.constant 32 : index
        %get3A_1654 = tpu.vector_load %arg8[%get3A_1651, %get3A_1652, %get3A_1653] {strides = array<i32>} : memref<2x80x128xf32, #tpu.memory_space<vmem>>, vector<1x1x16xf32>,
        %get3A_1655 = vector.shape_cast %get3A_1654 : vector<1x1x16xf32> to vector<16xf32>
        %get3A_1656 = arith.constant 0 : i32
        %get3A_1657 = arith.index_cast %get3A_1656 : i32 to index
        %get3A_1658 = arith.index_cast %scan3A_1611 : i32 to index
        %get3A_1659 = arith.constant 32 : index
        %get3A_1660 = tpu.vector_load %arg9[%get3A_1657, %get3A_1658, %get3A_1659] {strides = array<i32>} : memref<2x80x128xf32, #tpu.memory_space<vmem>>, vector<1x1x16xf32>,
        %get3A_1661 = vector.shape_cast %get3A_1660 : vector<1x1x16xf32> to vector<16xf32>
        %add3A_1662 = arith.addf %get3A_1655, %get3A_1661 : vector<16xf32>
        %swap3A_1663 = arith.constant 0 : i32
        %swap3A_1664 = arith.index_cast %swap3A_1663 : i32 to index
        %swap3A_1665 = arith.index_cast %scan3A_1611 : i32 to index
        %swap3A_1666 = arith.constant 32 : index
        %swap3A_1667 = tpu.vector_load %arg8[%swap3A_1664, %swap3A_1665, %swap3A_1666] {strides = array<i32>} : memref<2x80x128xf32, #tpu.memory_space<vmem>>, vector<1x1x16xf32>,
        %swap3A_1668 = vector.shape_cast %swap3A_1667 : vector<1x1x16xf32> to vector<16xf32>
        %swap3A_1669 = vector.shape_cast %add3A_1662 : vector<16xf32> to vector<1x1x16xf32>
        tpu.vector_store %arg8[%swap3A_1664, %swap3A_1665, %swap3A_1666], %swap3A_1669 {strides = array<i32>} : memref<2x80x128xf32, #tpu.memory_space<vmem>>, vector<1x1x16xf32>,
        %get3A_1670 = arith.constant 0 : i32
        %get3A_1671 = arith.index_cast %get3A_1670 : i32 to index
        %get3A_1672 = arith.index_cast %scan3A_1611 : i32 to index
        %get3A_1673 = arith.constant 48 : index
        %get3A_1674 = tpu.vector_load %arg8[%get3A_1671, %get3A_1672, %get3A_1673] {strides = array<i32>} : memref<2x80x128xf32, #tpu.memory_space<vmem>>, vector<1x1x16xf32>,
        %get3A_1675 = vector.shape_cast %get3A_1674 : vector<1x1x16xf32> to vector<16xf32>
        %get3A_1676 = arith.constant 0 : i32
        %get3A_1677 = arith.index_cast %get3A_1676 : i32 to index
        %get3A_1678 = arith.index_cast %scan3A_1611 : i32 to index
        %get3A_1679 = arith.constant 48 : index
        %get3A_1680 = tpu.vector_load %arg9[%get3A_1677, %get3A_1678, %get3A_1679] {strides = array<i32>} : memref<2x80x128xf32, #tpu.memory_space<vmem>>, vector<1x1x16xf32>,
        %get3A_1681 = vector.shape_cast %get3A_1680 : vector<1x1x16xf32> to vector<16xf32>
        %add3A_1682 = arith.addf %get3A_1675, %get3A_1681 : vector<16xf32>
        %swap3A_1683 = arith.constant 0 : i32
        %swap3A_1684 = arith.index_cast %swap3A_1683 : i32 to index
        %swap3A_1685 = arith.index_cast %scan3A_1611 : i32 to index
        %swap3A_1686 = arith.constant 48 : index
        %swap3A_1687 = tpu.vector_load %arg8[%swap3A_1684, %swap3A_1685, %swap3A_1686] {strides = array<i32>} : memref<2x80x128xf32, #tpu.memory_space<vmem>>, vector<1x1x16xf32>,
        %swap3A_1688 = vector.shape_cast %swap3A_1687 : vector<1x1x16xf32> to vector<16xf32>
        %swap3A_1689 = vector.shape_cast %add3A_1682 : vector<16xf32> to vector<1x1x16xf32>
        tpu.vector_store %arg8[%swap3A_1684, %swap3A_1685, %swap3A_1686], %swap3A_1689 {strides = array<i32>} : memref<2x80x128xf32, #tpu.memory_space<vmem>>, vector<1x1x16xf32>,
        %get3A_1690 = arith.constant 0 : i32
        %get3A_1691 = arith.index_cast %get3A_1690 : i32 to index
        %get3A_1692 = arith.index_cast %scan3A_1611 : i32 to index
        %get3A_1693 = arith.constant 64 : index
        %get3A_1694 = tpu.vector_load %arg8[%get3A_1691, %get3A_1692, %get3A_1693] {strides = array<i32>} : memref<2x80x128xf32, #tpu.memory_space<vmem>>, vector<1x1x16xf32>,
        %get3A_1695 = vector.shape_cast %get3A_1694 : vector<1x1x16xf32> to vector<16xf32>
        %get3A_1696 = arith.constant 0 : i32
        %get3A_1697 = arith.index_cast %get3A_1696 : i32 to index
        %get3A_1698 = arith.index_cast %scan3A_1611 : i32 to index
        %get3A_1699 = arith.constant 64 : index
        %get3A_1700 = tpu.vector_load %arg9[%get3A_1697, %get3A_1698, %get3A_1699] {strides = array<i32>} : memref<2x80x128xf32, #tpu.memory_space<vmem>>, vector<1x1x16xf32>,
        %get3A_1701 = vector.shape_cast %get3A_1700 : vector<1x1x16xf32> to vector<16xf32>
        %add3A_1702 = arith.addf %get3A_1695, %get3A_1701 : vector<16xf32>
        %swap3A_1703 = arith.constant 0 : i32
        %swap3A_1704 = arith.index_cast %swap3A_1703 : i32 to index
        %swap3A_1705 = arith.index_cast %scan3A_1611 : i32 to index
        %swap3A_1706 = arith.constant 64 : index
        %swap3A_1707 = tpu.vector_load %arg8[%swap3A_1704, %swap3A_1705, %swap3A_1706] {strides = array<i32>} : memref<2x80x128xf32, #tpu.memory_space<vmem>>, vector<1x1x16xf32>,
        %swap3A_1708 = vector.shape_cast %swap3A_1707 : vector<1x1x16xf32> to vector<16xf32>
        %swap3A_1709 = vector.shape_cast %add3A_1702 : vector<16xf32> to vector<1x1x16xf32>
        tpu.vector_store %arg8[%swap3A_1704, %swap3A_1705, %swap3A_1706], %swap3A_1709 {strides = array<i32>} : memref<2x80x128xf32, #tpu.memory_space<vmem>>, vector<1x1x16xf32>,
        %get3A_1710 = arith.constant 0 : i32
        %get3A_1711 = arith.index_cast %get3A_1710 : i32 to index
        %get3A_1712 = arith.index_cast %scan3A_1611 : i32 to index
        %get3A_1713 = arith.constant 80 : index
        %get3A_1714 = tpu.vector_load %arg8[%get3A_1711, %get3A_1712, %get3A_1713] {strides = array<i32>} : memref<2x80x128xf32, #tpu.memory_space<vmem>>, vector<1x1x16xf32>,
        %get3A_1715 = vector.shape_cast %get3A_1714 : vector<1x1x16xf32> to vector<16xf32>
        %get3A_1716 = arith.constant 0 : i32
        %get3A_1717 = arith.index_cast %get3A_1716 : i32 to index
        %get3A_1718 = arith.index_cast %scan3A_1611 : i32 to index
        %get3A_1719 = arith.constant 80 : index
        %get3A_1720 = tpu.vector_load %arg9[%get3A_1717, %get3A_1718, %get3A_1719] {strides = array<i32>} : memref<2x80x128xf32, #tpu.memory_space<vmem>>, vector<1x1x16xf32>,
        %get3A_1721 = vector.shape_cast %get3A_1720 : vector<1x1x16xf32> to vector<16xf32>
        %add3A_1722 = arith.addf %get3A_1715, %get3A_1721 : vector<16xf32>
        %swap3A_1723 = arith.constant 0 : i32
        %swap3A_1724 = arith.index_cast %swap3A_1723 : i32 to index
        %swap3A_1725 = arith.index_cast %scan3A_1611 : i32 to index
        %swap3A_1726 = arith.constant 80 : index
        %swap3A_1727 = tpu.vector_load %arg8[%swap3A_1724, %swap3A_1725, %swap3A_1726] {strides = array<i32>} : memref<2x80x128xf32, #tpu.memory_space<vmem>>, vector<1x1x16xf32>,
        %swap3A_1728 = vector.shape_cast %swap3A_1727 : vector<1x1x16xf32> to vector<16xf32>
        %swap3A_1729 = vector.shape_cast %add3A_1722 : vector<16xf32> to vector<1x1x16xf32>
        tpu.vector_store %arg8[%swap3A_1724, %swap3A_1725, %swap3A_1726], %swap3A_1729 {strides = array<i32>} : memref<2x80x128xf32, #tpu.memory_space<vmem>>, vector<1x1x16xf32>,
        %get3A_1730 = arith.constant 0 : i32
        %get3A_1731 = arith.index_cast %get3A_1730 : i32 to index
        %get3A_1732 = arith.index_cast %scan3A_1611 : i32 to index
        %get3A_1733 = arith.constant 96 : index
        %get3A_1734 = tpu.vector_load %arg8[%get3A_1731, %get3A_1732, %get3A_1733] {strides = array<i32>} : memref<2x80x128xf32, #tpu.memory_space<vmem>>, vector<1x1x16xf32>,
        %get3A_1735 = vector.shape_cast %get3A_1734 : vector<1x1x16xf32> to vector<16xf32>
        %get3A_1736 = arith.constant 0 : i32
        %get3A_1737 = arith.index_cast %get3A_1736 : i32 to index
        %get3A_1738 = arith.index_cast %scan3A_1611 : i32 to index
        %get3A_1739 = arith.constant 96 : index
        %get3A_1740 = tpu.vector_load %arg9[%get3A_1737, %get3A_1738, %get3A_1739] {strides = array<i32>} : memref<2x80x128xf32, #tpu.memory_space<vmem>>, vector<1x1x16xf32>,
        %get3A_1741 = vector.shape_cast %get3A_1740 : vector<1x1x16xf32> to vector<16xf32>
        %add3A_1742 = arith.addf %get3A_1735, %get3A_1741 : vector<16xf32>
        %swap3A_1743 = arith.constant 0 : i32
        %swap3A_1744 = arith.index_cast %swap3A_1743 : i32 to index
        %swap3A_1745 = arith.index_cast %scan3A_1611 : i32 to index
        %swap3A_1746 = arith.constant 96 : index
        %swap3A_1747 = tpu.vector_load %arg8[%swap3A_1744, %swap3A_1745, %swap3A_1746] {strides = array<i32>} : memref<2x80x128xf32, #tpu.memory_space<vmem>>, vector<1x1x16xf32>,
        %swap3A_1748 = vector.shape_cast %swap3A_1747 : vector<1x1x16xf32> to vector<16xf32>
        %swap3A_1749 = vector.shape_cast %add3A_1742 : vector<16xf32> to vector<1x1x16xf32>
        tpu.vector_store %arg8[%swap3A_1744, %swap3A_1745, %swap3A_1746], %swap3A_1749 {strides = array<i32>} : memref<2x80x128xf32, #tpu.memory_space<vmem>>, vector<1x1x16xf32>,
        %get3A_1750 = arith.constant 0 : i32
        %get3A_1751 = arith.index_cast %get3A_1750 : i32 to index
        %get3A_1752 = arith.index_cast %scan3A_1611 : i32 to index
        %get3A_1753 = arith.constant 112 : index
        %get3A_1754 = tpu.vector_load %arg8[%get3A_1751, %get3A_1752, %get3A_1753] {strides = array<i32>} : memref<2x80x128xf32, #tpu.memory_space<vmem>>, vector<1x1x16xf32>,
        %get3A_1755 = vector.shape_cast %get3A_1754 : vector<1x1x16xf32> to vector<16xf32>
        %get3A_1756 = arith.constant 0 : i32
        %get3A_1757 = arith.index_cast %get3A_1756 : i32 to index
        %get3A_1758 = arith.index_cast %scan3A_1611 : i32 to index
        %get3A_1759 = arith.constant 112 : index
        %get3A_1760 = tpu.vector_load %arg9[%get3A_1757, %get3A_1758, %get3A_1759] {strides = array<i32>} : memref<2x80x128xf32, #tpu.memory_space<vmem>>, vector<1x1x16xf32>,
        %get3A_1761 = vector.shape_cast %get3A_1760 : vector<1x1x16xf32> to vector<16xf32>
        %add3A_1762 = arith.addf %get3A_1755, %get3A_1761 : vector<16xf32>
        %swap3A_1763 = arith.constant 0 : i32
        %swap3A_1764 = arith.index_cast %swap3A_1763 : i32 to index
        %swap3A_1765 = arith.index_cast %scan3A_1611 : i32 to index
        %swap3A_1766 = arith.constant 112 : index
        %swap3A_1767 = tpu.vector_load %arg8[%swap3A_1764, %swap3A_1765, %swap3A_1766] {strides = array<i32>} : memref<2x80x128xf32, #tpu.memory_space<vmem>>, vector<1x1x16xf32>,
        %swap3A_1768 = vector.shape_cast %swap3A_1767 : vector<1x1x16xf32> to vector<16xf32>
        %swap3A_1769 = vector.shape_cast %add3A_1762 : vector<16xf32> to vector<1x1x16xf32>
        tpu.vector_store %arg8[%swap3A_1764, %swap3A_1765, %swap3A_1766], %swap3A_1769 {strides = array<i32>} : memref<2x80x128xf32, #tpu.memory_space<vmem>>, vector<1x1x16xf32>,
      }
      %scan3A_1597 = arith.constant 80 : i32
      %dma_start3A_1598 = arith.constant 0 : i32
      %dma_start3A_1599 = arith.constant 0 : i32
      %dma_start3A_1600 = arith.constant 0 : i32
      %dma_start3A_1601 = arith.constant 0 : i32
      %dma_start3A_1602 = arith.constant 0 : i32
      %dma_start3A_1603 = tpu.memref_slice %arg8[%dma_start3A_1598, %dma_start3A_1601, %dma_start3A_1602] : memref<2x80x128xf32, #tpu.memory_space<vmem>> -> memref<1x80x128xf32, #tpu.memory_space<vmem>>
      %dma_start3A_1604 = tpu.memref_squeeze %dma_start3A_1603 : memref<1x80x128xf32, #tpu.memory_space<vmem>> -> memref<80x128xf32, #tpu.memory_space<vmem>>
      %dma_start3A_1605 = arith.constant 0 : i32
      %dma_start3A_1606 = tpu.memref_slice %arg7[%dma_start3A_1599, %dma_start3A_1600, %dma_start3A_1605] : memref<4x1x80xi32, #tpu.memory_space<vmem>> -> memref<1x1x80xi32, #tpu.memory_space<vmem>>
      %dma_start3A_1607 = tpu.memref_squeeze %dma_start3A_1606 : memref<1x1x80xi32, #tpu.memory_space<vmem>> -> memref<80xi32, #tpu.memory_space<vmem>>
      %dma_start3A_1608 = arith.constant 0 : i32
      %dma_start3A_1609 = arith.constant 0 : i32
      %dma_start3A_1610 = tpu.memref_slice %arg10[%dma_start3A_1608, %dma_start3A_1609] : memref<10000x128xf32, #tpu.memory_space<vmem_shared>> -> memref<10000x128xf32, #tpu.memory_space<vmem_shared>>
      tpu.enqueue_indirect_dma source(%dma_start3A_1604 : memref<80x128xf32, #tpu.memory_space<vmem>>) target(%dma_start3A_1610 : memref<10000x128xf32, #tpu.memory_space<vmem_shared>>) offsets(%dma_start3A_1607 : memref<80xi32, #tpu.memory_space<vmem>>) semaphore(%arg13 : memref<!tpu.dma_semaphore, #tpu.memory_space<semaphore_mem>>) {add = true}
    }
    %scan3A_251 = arith.constant 30 : i32
    %mul3A_252 = arith.constant 125 : i32
    %mul3A_253 = arith.muli %add3A, %mul3A_252 : i32
    %add3A_254 = arith.constant 122 : i32
    %add3A_255 = arith.addi %mul3A_253, %add3A_254 : i32
    %dma_start3A_256 = arith.constant 0 : i32
    %dma_start3A_257 = arith.constant 2 : i32
    %dma_start3A_258 = arith.constant 0 : i32
    %dma_start3A_259 = arith.constant 0 : i32
    %dma_start3A_260 = tpu.memref_slice %arg6[%dma_start3A_257, %dma_start3A_258, %dma_start3A_259] : memref<4x1x80xi32, #tpu.memory_space<vmem>> -> memref<1x1x80xi32, #tpu.memory_space<vmem>>
    %dma_start3A_261 = tpu.memref_squeeze %dma_start3A_260 : memref<1x1x80xi32, #tpu.memory_space<vmem>> -> memref<1x80xi32, #tpu.memory_space<vmem>>
    %dma_start3A_262 = arith.constant 0 : i32
    %dma_start3A_263 = arith.constant 0 : i32
    %dma_start3A_264 = tpu.memref_slice %arg4[%dma_start3A_256, %add3A_255, %dma_start3A_262, %dma_start3A_263] : memref<2x4000x1x80xi32, #tpu.memory_space<hbm>> -> memref<1x1x1x80xi32, #tpu.memory_space<hbm>>
    %dma_start3A_265 = tpu.memref_squeeze %dma_start3A_264 : memref<1x1x1x80xi32, #tpu.memory_space<hbm>> -> memref<1x80xi32, #tpu.memory_space<hbm>>
    %dma_start3A_266 = arith.constant 0 : i32
    %dma_start3A_267 = arith.constant 0 : i32
    %dma_start3A_268 = tpu.memref_slice %arg6[%dma_start3A_257, %dma_start3A_266, %dma_start3A_267] : memref<4x1x80xi32, #tpu.memory_space<vmem>> -> memref<1x1x80xi32, #tpu.memory_space<vmem>>
    %dma_start3A_269 = tpu.memref_squeeze %dma_start3A_268 : memref<1x1x80xi32, #tpu.memory_space<vmem>> -> memref<1x80xi32, #tpu.memory_space<vmem>>
    %dma_start3A_270 = arith.constant 0 : i32
    %dma_start3A_271 = arith.constant 0 : i32
    %dma_start3A_272 = tpu.memref_slice %arg4[%dma_start3A_256, %add3A_255, %dma_start3A_270, %dma_start3A_271] : memref<2x4000x1x80xi32, #tpu.memory_space<hbm>> -> memref<1x1x1x80xi32, #tpu.memory_space<hbm>>
    %dma_start3A_273 = tpu.memref_squeeze %dma_start3A_272 : memref<1x1x1x80xi32, #tpu.memory_space<hbm>> -> memref<1x80xi32, #tpu.memory_space<hbm>>
    tpu.enqueue_dma source(%dma_start3A_273 : memref<1x80xi32, #tpu.memory_space<hbm>>) target(%dma_start3A_269 : memref<1x80xi32, #tpu.memory_space<vmem>>) target_semaphore(%arg14 : memref<!tpu.dma_semaphore, #tpu.memory_space<semaphore_mem>>)
    %mul3A_274 = arith.constant 125 : i32
    %mul3A_275 = arith.muli %add3A, %mul3A_274 : i32
    %add3A_276 = arith.constant 122 : i32
    %add3A_277 = arith.addi %mul3A_275, %add3A_276 : i32
    %dma_start3A_278 = arith.constant 1 : i32
    %dma_start3A_279 = arith.constant 2 : i32
    %dma_start3A_280 = arith.constant 0 : i32
    %dma_start3A_281 = arith.constant 0 : i32
    %dma_start3A_282 = tpu.memref_slice %arg7[%dma_start3A_279, %dma_start3A_280, %dma_start3A_281] : memref<4x1x80xi32, #tpu.memory_space<vmem>> -> memref<1x1x80xi32, #tpu.memory_space<vmem>>
    %dma_start3A_283 = tpu.memref_squeeze %dma_start3A_282 : memref<1x1x80xi32, #tpu.memory_space<vmem>> -> memref<1x80xi32, #tpu.memory_space<vmem>>
    %dma_start3A_284 = arith.constant 0 : i32
    %dma_start3A_285 = arith.constant 0 : i32
    %dma_start3A_286 = tpu.memref_slice %arg4[%dma_start3A_278, %add3A_277, %dma_start3A_284, %dma_start3A_285] : memref<2x4000x1x80xi32, #tpu.memory_space<hbm>> -> memref<1x1x1x80xi32, #tpu.memory_space<hbm>>
    %dma_start3A_287 = tpu.memref_squeeze %dma_start3A_286 : memref<1x1x1x80xi32, #tpu.memory_space<hbm>> -> memref<1x80xi32, #tpu.memory_space<hbm>>
    %dma_start3A_288 = arith.constant 0 : i32
    %dma_start3A_289 = arith.constant 0 : i32
    %dma_start3A_290 = tpu.memref_slice %arg7[%dma_start3A_279, %dma_start3A_288, %dma_start3A_289] : memref<4x1x80xi32, #tpu.memory_space<vmem>> -> memref<1x1x80xi32, #tpu.memory_space<vmem>>
    %dma_start3A_291 = tpu.memref_squeeze %dma_start3A_290 : memref<1x1x80xi32, #tpu.memory_space<vmem>> -> memref<1x80xi32, #tpu.memory_space<vmem>>
    %dma_start3A_292 = arith.constant 0 : i32
    %dma_start3A_293 = arith.constant 0 : i32
    %dma_start3A_294 = tpu.memref_slice %arg4[%dma_start3A_278, %add3A_277, %dma_start3A_292, %dma_start3A_293] : memref<2x4000x1x80xi32, #tpu.memory_space<hbm>> -> memref<1x1x1x80xi32, #tpu.memory_space<hbm>>
    %dma_start3A_295 = tpu.memref_squeeze %dma_start3A_294 : memref<1x1x1x80xi32, #tpu.memory_space<hbm>> -> memref<1x80xi32, #tpu.memory_space<hbm>>
    tpu.enqueue_dma source(%dma_start3A_295 : memref<1x80xi32, #tpu.memory_space<hbm>>) target(%dma_start3A_291 : memref<1x80xi32, #tpu.memory_space<vmem>>) target_semaphore(%arg15 : memref<!tpu.dma_semaphore, #tpu.memory_space<semaphore_mem>>)
    %dma_wait3A_296 = arith.constant 1 : i32
    %dma_wait3A_297 = arith.constant 0 : i32
    %dma_wait3A_298 = arith.constant 1 : i32
    %dma_wait3A_299 = arith.constant 0 : i32
    %dma_wait3A_300 = arith.constant 0 : i32
    %dma_wait3A_301 = tpu.memref_slice %arg8[%dma_wait3A_298, %dma_wait3A_299, %dma_wait3A_300] : memref<2x80x128xf32, #tpu.memory_space<vmem>> -> memref<1x80x128xf32, #tpu.memory_space<vmem>>
    %dma_wait3A_302 = tpu.memref_squeeze %dma_wait3A_301 : memref<1x80x128xf32, #tpu.memory_space<vmem>> -> memref<80x128xf32, #tpu.memory_space<vmem>>
    %dma_wait3A_303 = arith.constant 0 : i32
    %dma_wait3A_304 = tpu.memref_slice %arg6[%dma_wait3A_296, %dma_wait3A_297, %dma_wait3A_303] : memref<4x1x80xi32, #tpu.memory_space<vmem>> -> memref<1x1x80xi32, #tpu.memory_space<vmem>>
    %dma_wait3A_305 = tpu.memref_squeeze %dma_wait3A_304 : memref<1x1x80xi32, #tpu.memory_space<vmem>> -> memref<80xi32, #tpu.memory_space<vmem>>
    %dma_wait3A_306 = arith.constant 0 : i32
    %dma_wait3A_307 = arith.constant 0 : i32
    %dma_wait3A_308 = tpu.memref_slice %arg2[%dma_wait3A_306, %dma_wait3A_307] : memref<10000x128xf32, #tpu.memory_space<hbm>> -> memref<10000x128xf32, #tpu.memory_space<hbm>>
    tpu.wait_indirect_dma semaphore(%arg11 : memref<!tpu.dma_semaphore, #tpu.memory_space<semaphore_mem>>) src(%dma_wait3A_308 : memref<10000x128xf32, #tpu.memory_space<hbm>>) dst(%dma_wait3A_302 : memref<80x128xf32, #tpu.memory_space<vmem>>)
    %add3A_309 = arith.constant 9680 : i32
    %add3A_310 = arith.addi %mul3A_2, %add3A_309 : i32
    %dma_wait3A_311 = arith.constant 1 : i32
    %dma_wait3A_312 = arith.constant 0 : i32
    %dma_wait3A_313 = arith.constant 0 : i32
    %dma_wait3A_314 = tpu.memref_slice %arg9[%dma_wait3A_311, %dma_wait3A_312, %dma_wait3A_313] : memref<2x80x128xf32, #tpu.memory_space<vmem>> -> memref<1x80x128xf32, #tpu.memory_space<vmem>>
    %dma_wait3A_315 = tpu.memref_squeeze %dma_wait3A_314 : memref<1x80x128xf32, #tpu.memory_space<vmem>> -> memref<80x128xf32, #tpu.memory_space<vmem>>
    %dma_wait3A_316 = arith.constant 0 : i32
    %dma_wait3A_317 = tpu.memref_slice %arg3[%add3A_310, %dma_wait3A_316] : memref<320000x128xf32, #tpu.memory_space<hbm>> -> memref<80x128xf32, #tpu.memory_space<hbm>>
    %dma_wait3A_318 = arith.constant 0 : i32
    %dma_wait3A_319 = arith.constant 0 : i32
    %dma_wait3A_320 = tpu.memref_slice %arg9[%dma_wait3A_311, %dma_wait3A_318, %dma_wait3A_319] : memref<2x80x128xf32, #tpu.memory_space<vmem>> -> memref<1x80x128xf32, #tpu.memory_space<vmem>>
    %dma_wait3A_321 = tpu.memref_squeeze %dma_wait3A_320 : memref<1x80x128xf32, #tpu.memory_space<vmem>> -> memref<80x128xf32, #tpu.memory_space<vmem>>
    %dma_wait3A_322 = arith.constant 0 : i32
    %dma_wait3A_323 = tpu.memref_slice %arg3[%add3A_310, %dma_wait3A_322] : memref<320000x128xf32, #tpu.memory_space<hbm>> -> memref<80x128xf32, #tpu.memory_space<hbm>>
    tpu.wait_dma2 semaphore(%arg12 : memref<!tpu.dma_semaphore, #tpu.memory_space<semaphore_mem>>) src(%dma_wait3A_323 : memref<80x128xf32, #tpu.memory_space<hbm>>) dst(%dma_wait3A_321 : memref<80x128xf32, #tpu.memory_space<vmem>>)
    %dma_wait3A_324 = arith.constant 0 : i32
    %dma_wait3A_325 = arith.constant 0 : i32
    %dma_wait3A_326 = arith.constant 0 : i32
    %dma_wait3A_327 = arith.constant 0 : i32
    %dma_wait3A_328 = arith.constant 0 : i32
    %dma_wait3A_329 = tpu.memref_slice %arg8[%dma_wait3A_324, %dma_wait3A_327, %dma_wait3A_328] : memref<2x80x128xf32, #tpu.memory_space<vmem>> -> memref<1x80x128xf32, #tpu.memory_space<vmem>>
    %dma_wait3A_330 = tpu.memref_squeeze %dma_wait3A_329 : memref<1x80x128xf32, #tpu.memory_space<vmem>> -> memref<80x128xf32, #tpu.memory_space<vmem>>
    %dma_wait3A_331 = arith.constant 0 : i32
    %dma_wait3A_332 = tpu.memref_slice %arg7[%dma_wait3A_325, %dma_wait3A_326, %dma_wait3A_331] : memref<4x1x80xi32, #tpu.memory_space<vmem>> -> memref<1x1x80xi32, #tpu.memory_space<vmem>>
    %dma_wait3A_333 = tpu.memref_squeeze %dma_wait3A_332 : memref<1x1x80xi32, #tpu.memory_space<vmem>> -> memref<80xi32, #tpu.memory_space<vmem>>
    %dma_wait3A_334 = arith.constant 0 : i32
    %dma_wait3A_335 = arith.constant 0 : i32
    %dma_wait3A_336 = tpu.memref_slice %arg10[%dma_wait3A_334, %dma_wait3A_335] : memref<10000x128xf32, #tpu.memory_space<vmem_shared>> -> memref<10000x128xf32, #tpu.memory_space<vmem_shared>>
    tpu.wait_indirect_dma semaphore(%arg13 : memref<!tpu.dma_semaphore, #tpu.memory_space<semaphore_mem>>) src(%dma_wait3A_330 : memref<80x128xf32, #tpu.memory_space<vmem>>) dst(%dma_wait3A_336 : memref<10000x128xf32, #tpu.memory_space<vmem_shared>>)
    %mul3A_337 = arith.constant 125 : i32
    %mul3A_338 = arith.muli %add3A, %mul3A_337 : i32
    %add3A_339 = arith.constant 122 : i32
    %add3A_340 = arith.addi %mul3A_338, %add3A_339 : i32
    %dma_wait3A_341 = arith.constant 0 : i32
    %dma_wait3A_342 = arith.constant 2 : i32
    %dma_wait3A_343 = arith.constant 0 : i32
    %dma_wait3A_344 = arith.constant 0 : i32
    %dma_wait3A_345 = tpu.memref_slice %arg6[%dma_wait3A_342, %dma_wait3A_343, %dma_wait3A_344] : memref<4x1x80xi32, #tpu.memory_space<vmem>> -> memref<1x1x80xi32, #tpu.memory_space<vmem>>
    %dma_wait3A_346 = tpu.memref_squeeze %dma_wait3A_345 : memref<1x1x80xi32, #tpu.memory_space<vmem>> -> memref<1x80xi32, #tpu.memory_space<vmem>>
    %dma_wait3A_347 = arith.constant 0 : i32
    %dma_wait3A_348 = arith.constant 0 : i32
    %dma_wait3A_349 = tpu.memref_slice %arg4[%dma_wait3A_341, %add3A_340, %dma_wait3A_347, %dma_wait3A_348] : memref<2x4000x1x80xi32, #tpu.memory_space<hbm>> -> memref<1x1x1x80xi32, #tpu.memory_space<hbm>>
    %dma_wait3A_350 = tpu.memref_squeeze %dma_wait3A_349 : memref<1x1x1x80xi32, #tpu.memory_space<hbm>> -> memref<1x80xi32, #tpu.memory_space<hbm>>
    %dma_wait3A_351 = arith.constant 0 : i32
    %dma_wait3A_352 = arith.constant 0 : i32
    %dma_wait3A_353 = tpu.memref_slice %arg6[%dma_wait3A_342, %dma_wait3A_351, %dma_wait3A_352] : memref<4x1x80xi32, #tpu.memory_space<vmem>> -> memref<1x1x80xi32, #tpu.memory_space<vmem>>
    %dma_wait3A_354 = tpu.memref_squeeze %dma_wait3A_353 : memref<1x1x80xi32, #tpu.memory_space<vmem>> -> memref<1x80xi32, #tpu.memory_space<vmem>>
    %dma_wait3A_355 = arith.constant 0 : i32
    %dma_wait3A_356 = arith.constant 0 : i32
    %dma_wait3A_357 = tpu.memref_slice %arg4[%dma_wait3A_341, %add3A_340, %dma_wait3A_355, %dma_wait3A_356] : memref<2x4000x1x80xi32, #tpu.memory_space<hbm>> -> memref<1x1x1x80xi32, #tpu.memory_space<hbm>>
    %dma_wait3A_358 = tpu.memref_squeeze %dma_wait3A_357 : memref<1x1x1x80xi32, #tpu.memory_space<hbm>> -> memref<1x80xi32, #tpu.memory_space<hbm>>
    tpu.wait_dma2 semaphore(%arg14 : memref<!tpu.dma_semaphore, #tpu.memory_space<semaphore_mem>>) src(%dma_wait3A_358 : memref<1x80xi32, #tpu.memory_space<hbm>>) dst(%dma_wait3A_354 : memref<1x80xi32, #tpu.memory_space<vmem>>)
    %mul3A_359 = arith.constant 125 : i32
    %mul3A_360 = arith.muli %add3A, %mul3A_359 : i32
    %add3A_361 = arith.constant 122 : i32
    %add3A_362 = arith.addi %mul3A_360, %add3A_361 : i32
    %dma_wait3A_363 = arith.constant 1 : i32
    %dma_wait3A_364 = arith.constant 2 : i32
    %dma_wait3A_365 = arith.constant 0 : i32
    %dma_wait3A_366 = arith.constant 0 : i32
    %dma_wait3A_367 = tpu.memref_slice %arg7[%dma_wait3A_364, %dma_wait3A_365, %dma_wait3A_366] : memref<4x1x80xi32, #tpu.memory_space<vmem>> -> memref<1x1x80xi32, #tpu.memory_space<vmem>>
    %dma_wait3A_368 = tpu.memref_squeeze %dma_wait3A_367 : memref<1x1x80xi32, #tpu.memory_space<vmem>> -> memref<1x80xi32, #tpu.memory_space<vmem>>
    %dma_wait3A_369 = arith.constant 0 : i32
    %dma_wait3A_370 = arith.constant 0 : i32
    %dma_wait3A_371 = tpu.memref_slice %arg4[%dma_wait3A_363, %add3A_362, %dma_wait3A_369, %dma_wait3A_370] : memref<2x4000x1x80xi32, #tpu.memory_space<hbm>> -> memref<1x1x1x80xi32, #tpu.memory_space<hbm>>
    %dma_wait3A_372 = tpu.memref_squeeze %dma_wait3A_371 : memref<1x1x1x80xi32, #tpu.memory_space<hbm>> -> memref<1x80xi32, #tpu.memory_space<hbm>>
    %dma_wait3A_373 = arith.constant 0 : i32
    %dma_wait3A_374 = arith.constant 0 : i32
    %dma_wait3A_375 = tpu.memref_slice %arg7[%dma_wait3A_364, %dma_wait3A_373, %dma_wait3A_374] : memref<4x1x80xi32, #tpu.memory_space<vmem>> -> memref<1x1x80xi32, #tpu.memory_space<vmem>>
    %dma_wait3A_376 = tpu.memref_squeeze %dma_wait3A_375 : memref<1x1x80xi32, #tpu.memory_space<vmem>> -> memref<1x80xi32, #tpu.memory_space<vmem>>
    %dma_wait3A_377 = arith.constant 0 : i32
    %dma_wait3A_378 = arith.constant 0 : i32
    %dma_wait3A_379 = tpu.memref_slice %arg4[%dma_wait3A_363, %add3A_362, %dma_wait3A_377, %dma_wait3A_378] : memref<2x4000x1x80xi32, #tpu.memory_space<hbm>> -> memref<1x1x1x80xi32, #tpu.memory_space<hbm>>
    %dma_wait3A_380 = tpu.memref_squeeze %dma_wait3A_379 : memref<1x1x1x80xi32, #tpu.memory_space<hbm>> -> memref<1x80xi32, #tpu.memory_space<hbm>>
    tpu.wait_dma2 semaphore(%arg15 : memref<!tpu.dma_semaphore, #tpu.memory_space<semaphore_mem>>) src(%dma_wait3A_380 : memref<1x80xi32, #tpu.memory_space<hbm>>) dst(%dma_wait3A_376 : memref<1x80xi32, #tpu.memory_space<vmem>>)
    %dma_start3A_381 = arith.constant 2 : i32
    %dma_start3A_382 = arith.constant 0 : i32
    %dma_start3A_383 = arith.constant 0 : i32
    %dma_start3A_384 = arith.constant 0 : i32
    %dma_start3A_385 = arith.constant 0 : i32
    %dma_start3A_386 = tpu.memref_slice %arg8[%dma_start3A_383, %dma_start3A_384, %dma_start3A_385] : memref<2x80x128xf32, #tpu.memory_space<vmem>> -> memref<1x80x128xf32, #tpu.memory_space<vmem>>
    %dma_start3A_387 = tpu.memref_squeeze %dma_start3A_386 : memref<1x80x128xf32, #tpu.memory_space<vmem>> -> memref<80x128xf32, #tpu.memory_space<vmem>>
    %dma_start3A_388 = arith.constant 0 : i32
    %dma_start3A_389 = tpu.memref_slice %arg6[%dma_start3A_381, %dma_start3A_382, %dma_start3A_388] : memref<4x1x80xi32, #tpu.memory_space<vmem>> -> memref<1x1x80xi32, #tpu.memory_space<vmem>>
    %dma_start3A_390 = tpu.memref_squeeze %dma_start3A_389 : memref<1x1x80xi32, #tpu.memory_space<vmem>> -> memref<80xi32, #tpu.memory_space<vmem>>
    %dma_start3A_391 = arith.constant 0 : i32
    %dma_start3A_392 = arith.constant 0 : i32
    %dma_start3A_393 = tpu.memref_slice %arg2[%dma_start3A_391, %dma_start3A_392] : memref<10000x128xf32, #tpu.memory_space<hbm>> -> memref<10000x128xf32, #tpu.memory_space<hbm>>
    tpu.enqueue_indirect_dma source(%dma_start3A_393 : memref<10000x128xf32, #tpu.memory_space<hbm>>) target(%dma_start3A_387 : memref<80x128xf32, #tpu.memory_space<vmem>>) offsets(%dma_start3A_390 : memref<80xi32, #tpu.memory_space<vmem>>) semaphore(%arg11 : memref<!tpu.dma_semaphore, #tpu.memory_space<semaphore_mem>>)
    %add3A_394 = arith.constant 9760 : i32
    %add3A_395 = arith.addi %mul3A_2, %add3A_394 : i32
    %dma_start3A_396 = arith.constant 0 : i32
    %dma_start3A_397 = arith.constant 0 : i32
    %dma_start3A_398 = arith.constant 0 : i32
    %dma_start3A_399 = tpu.memref_slice %arg9[%dma_start3A_396, %dma_start3A_397, %dma_start3A_398] : memref<2x80x128xf32, #tpu.memory_space<vmem>> -> memref<1x80x128xf32, #tpu.memory_space<vmem>>
    %dma_start3A_400 = tpu.memref_squeeze %dma_start3A_399 : memref<1x80x128xf32, #tpu.memory_space<vmem>> -> memref<80x128xf32, #tpu.memory_space<vmem>>
    %dma_start3A_401 = arith.constant 0 : i32
    %dma_start3A_402 = tpu.memref_slice %arg3[%add3A_395, %dma_start3A_401] : memref<320000x128xf32, #tpu.memory_space<hbm>> -> memref<80x128xf32, #tpu.memory_space<hbm>>
    %dma_start3A_403 = arith.constant 0 : i32
    %dma_start3A_404 = arith.constant 0 : i32
    %dma_start3A_405 = tpu.memref_slice %arg9[%dma_start3A_396, %dma_start3A_403, %dma_start3A_404] : memref<2x80x128xf32, #tpu.memory_space<vmem>> -> memref<1x80x128xf32, #tpu.memory_space<vmem>>
    %dma_start3A_406 = tpu.memref_squeeze %dma_start3A_405 : memref<1x80x128xf32, #tpu.memory_space<vmem>> -> memref<80x128xf32, #tpu.memory_space<vmem>>
    %dma_start3A_407 = arith.constant 0 : i32
    %dma_start3A_408 = tpu.memref_slice %arg3[%add3A_395, %dma_start3A_407] : memref<320000x128xf32, #tpu.memory_space<hbm>> -> memref<80x128xf32, #tpu.memory_space<hbm>>
    tpu.enqueue_dma source(%dma_start3A_408 : memref<80x128xf32, #tpu.memory_space<hbm>>) target(%dma_start3A_406 : memref<80x128xf32, #tpu.memory_space<vmem>>) target_semaphore(%arg12 : memref<!tpu.dma_semaphore, #tpu.memory_space<semaphore_mem>>)
    %scan3A_409 = arith.constant 0 : i32
    %scan3A_410 = arith.constant 0 : i32
    %scan3A_411 = arith.constant 80 : i32
    %scan3A_412 = arith.addi %scan3A_410, %scan3A_411 : i32
    %scan3A_413 = arith.constant 1 : i32
    scf.for %scan3A_863 = %scan3A_410 to %scan3A_412 step %scan3A_413  : i32 {
      %get3A = arith.constant 1 : i32
      %get3A_864 = arith.index_cast %get3A : i32 to index
      %get3A_865 = arith.index_cast %scan3A_863 : i32 to index
      %get3A_866 = arith.constant 0 : index
      %get3A_867 = tpu.vector_load %arg8[%get3A_864, %get3A_865, %get3A_866] {strides = array<i32>} : memref<2x80x128xf32, #tpu.memory_space<vmem>>, vector<1x1x16xf32>,
      %get3A_868 = vector.shape_cast %get3A_867 : vector<1x1x16xf32> to vector<16xf32>
      %get3A_869 = arith.constant 1 : i32
      %get3A_870 = arith.index_cast %get3A_869 : i32 to index
      %get3A_871 = arith.index_cast %scan3A_863 : i32 to index
      %get3A_872 = arith.constant 0 : index
      %get3A_873 = tpu.vector_load %arg9[%get3A_870, %get3A_871, %get3A_872] {strides = array<i32>} : memref<2x80x128xf32, #tpu.memory_space<vmem>>, vector<1x1x16xf32>,
      %get3A_874 = vector.shape_cast %get3A_873 : vector<1x1x16xf32> to vector<16xf32>
      %add3A_875 = arith.addf %get3A_868, %get3A_874 : vector<16xf32>
      %swap3A = arith.constant 1 : i32
      %swap3A_876 = arith.index_cast %swap3A : i32 to index
      %swap3A_877 = arith.index_cast %scan3A_863 : i32 to index
      %swap3A_878 = arith.constant 0 : index
      %swap3A_879 = tpu.vector_load %arg8[%swap3A_876, %swap3A_877, %swap3A_878] {strides = array<i32>} : memref<2x80x128xf32, #tpu.memory_space<vmem>>, vector<1x1x16xf32>,
      %swap3A_880 = vector.shape_cast %swap3A_879 : vector<1x1x16xf32> to vector<16xf32>
      %swap3A_881 = vector.shape_cast %add3A_875 : vector<16xf32> to vector<1x1x16xf32>
      tpu.vector_store %arg8[%swap3A_876, %swap3A_877, %swap3A_878], %swap3A_881 {strides = array<i32>} : memref<2x80x128xf32, #tpu.memory_space<vmem>>, vector<1x1x16xf32>,
      %get3A_882 = arith.constant 1 : i32
      %get3A_883 = arith.index_cast %get3A_882 : i32 to index
      %get3A_884 = arith.index_cast %scan3A_863 : i32 to index
      %get3A_885 = arith.constant 16 : index
      %get3A_886 = tpu.vector_load %arg8[%get3A_883, %get3A_884, %get3A_885] {strides = array<i32>} : memref<2x80x128xf32, #tpu.memory_space<vmem>>, vector<1x1x16xf32>,
      %get3A_887 = vector.shape_cast %get3A_886 : vector<1x1x16xf32> to vector<16xf32>
      %get3A_888 = arith.constant 1 : i32
      %get3A_889 = arith.index_cast %get3A_888 : i32 to index
      %get3A_890 = arith.index_cast %scan3A_863 : i32 to index
      %get3A_891 = arith.constant 16 : index
      %get3A_892 = tpu.vector_load %arg9[%get3A_889, %get3A_890, %get3A_891] {strides = array<i32>} : memref<2x80x128xf32, #tpu.memory_space<vmem>>, vector<1x1x16xf32>,
      %get3A_893 = vector.shape_cast %get3A_892 : vector<1x1x16xf32> to vector<16xf32>
      %add3A_894 = arith.addf %get3A_887, %get3A_893 : vector<16xf32>
      %swap3A_895 = arith.constant 1 : i32
      %swap3A_896 = arith.index_cast %swap3A_895 : i32 to index
      %swap3A_897 = arith.index_cast %scan3A_863 : i32 to index
      %swap3A_898 = arith.constant 16 : index
      %swap3A_899 = tpu.vector_load %arg8[%swap3A_896, %swap3A_897, %swap3A_898] {strides = array<i32>} : memref<2x80x128xf32, #tpu.memory_space<vmem>>, vector<1x1x16xf32>,
      %swap3A_900 = vector.shape_cast %swap3A_899 : vector<1x1x16xf32> to vector<16xf32>
      %swap3A_901 = vector.shape_cast %add3A_894 : vector<16xf32> to vector<1x1x16xf32>
      tpu.vector_store %arg8[%swap3A_896, %swap3A_897, %swap3A_898], %swap3A_901 {strides = array<i32>} : memref<2x80x128xf32, #tpu.memory_space<vmem>>, vector<1x1x16xf32>,
      %get3A_902 = arith.constant 1 : i32
      %get3A_903 = arith.index_cast %get3A_902 : i32 to index
      %get3A_904 = arith.index_cast %scan3A_863 : i32 to index
      %get3A_905 = arith.constant 32 : index
      %get3A_906 = tpu.vector_load %arg8[%get3A_903, %get3A_904, %get3A_905] {strides = array<i32>} : memref<2x80x128xf32, #tpu.memory_space<vmem>>, vector<1x1x16xf32>,
      %get3A_907 = vector.shape_cast %get3A_906 : vector<1x1x16xf32> to vector<16xf32>
      %get3A_908 = arith.constant 1 : i32
      %get3A_909 = arith.index_cast %get3A_908 : i32 to index
      %get3A_910 = arith.index_cast %scan3A_863 : i32 to index
      %get3A_911 = arith.constant 32 : index
      %get3A_912 = tpu.vector_load %arg9[%get3A_909, %get3A_910, %get3A_911] {strides = array<i32>} : memref<2x80x128xf32, #tpu.memory_space<vmem>>, vector<1x1x16xf32>,
      %get3A_913 = vector.shape_cast %get3A_912 : vector<1x1x16xf32> to vector<16xf32>
      %add3A_914 = arith.addf %get3A_907, %get3A_913 : vector<16xf32>
      %swap3A_915 = arith.constant 1 : i32
      %swap3A_916 = arith.index_cast %swap3A_915 : i32 to index
      %swap3A_917 = arith.index_cast %scan3A_863 : i32 to index
      %swap3A_918 = arith.constant 32 : index
      %swap3A_919 = tpu.vector_load %arg8[%swap3A_916, %swap3A_917, %swap3A_918] {strides = array<i32>} : memref<2x80x128xf32, #tpu.memory_space<vmem>>, vector<1x1x16xf32>,
      %swap3A_920 = vector.shape_cast %swap3A_919 : vector<1x1x16xf32> to vector<16xf32>
      %swap3A_921 = vector.shape_cast %add3A_914 : vector<16xf32> to vector<1x1x16xf32>
      tpu.vector_store %arg8[%swap3A_916, %swap3A_917, %swap3A_918], %swap3A_921 {strides = array<i32>} : memref<2x80x128xf32, #tpu.memory_space<vmem>>, vector<1x1x16xf32>,
      %get3A_922 = arith.constant 1 : i32
      %get3A_923 = arith.index_cast %get3A_922 : i32 to index
      %get3A_924 = arith.index_cast %scan3A_863 : i32 to index
      %get3A_925 = arith.constant 48 : index
      %get3A_926 = tpu.vector_load %arg8[%get3A_923, %get3A_924, %get3A_925] {strides = array<i32>} : memref<2x80x128xf32, #tpu.memory_space<vmem>>, vector<1x1x16xf32>,
      %get3A_927 = vector.shape_cast %get3A_926 : vector<1x1x16xf32> to vector<16xf32>
      %get3A_928 = arith.constant 1 : i32
      %get3A_929 = arith.index_cast %get3A_928 : i32 to index
      %get3A_930 = arith.index_cast %scan3A_863 : i32 to index
      %get3A_931 = arith.constant 48 : index
      %get3A_932 = tpu.vector_load %arg9[%get3A_929, %get3A_930, %get3A_931] {strides = array<i32>} : memref<2x80x128xf32, #tpu.memory_space<vmem>>, vector<1x1x16xf32>,
      %get3A_933 = vector.shape_cast %get3A_932 : vector<1x1x16xf32> to vector<16xf32>
      %add3A_934 = arith.addf %get3A_927, %get3A_933 : vector<16xf32>
      %swap3A_935 = arith.constant 1 : i32
      %swap3A_936 = arith.index_cast %swap3A_935 : i32 to index
      %swap3A_937 = arith.index_cast %scan3A_863 : i32 to index
      %swap3A_938 = arith.constant 48 : index
      %swap3A_939 = tpu.vector_load %arg8[%swap3A_936, %swap3A_937, %swap3A_938] {strides = array<i32>} : memref<2x80x128xf32, #tpu.memory_space<vmem>>, vector<1x1x16xf32>,
      %swap3A_940 = vector.shape_cast %swap3A_939 : vector<1x1x16xf32> to vector<16xf32>
      %swap3A_941 = vector.shape_cast %add3A_934 : vector<16xf32> to vector<1x1x16xf32>
      tpu.vector_store %arg8[%swap3A_936, %swap3A_937, %swap3A_938], %swap3A_941 {strides = array<i32>} : memref<2x80x128xf32, #tpu.memory_space<vmem>>, vector<1x1x16xf32>,
      %get3A_942 = arith.constant 1 : i32
      %get3A_943 = arith.index_cast %get3A_942 : i32 to index
      %get3A_944 = arith.index_cast %scan3A_863 : i32 to index
      %get3A_945 = arith.constant 64 : index
      %get3A_946 = tpu.vector_load %arg8[%get3A_943, %get3A_944, %get3A_945] {strides = array<i32>} : memref<2x80x128xf32, #tpu.memory_space<vmem>>, vector<1x1x16xf32>,
      %get3A_947 = vector.shape_cast %get3A_946 : vector<1x1x16xf32> to vector<16xf32>
      %get3A_948 = arith.constant 1 : i32
      %get3A_949 = arith.index_cast %get3A_948 : i32 to index
      %get3A_950 = arith.index_cast %scan3A_863 : i32 to index
      %get3A_951 = arith.constant 64 : index
      %get3A_952 = tpu.vector_load %arg9[%get3A_949, %get3A_950, %get3A_951] {strides = array<i32>} : memref<2x80x128xf32, #tpu.memory_space<vmem>>, vector<1x1x16xf32>,
      %get3A_953 = vector.shape_cast %get3A_952 : vector<1x1x16xf32> to vector<16xf32>
      %add3A_954 = arith.addf %get3A_947, %get3A_953 : vector<16xf32>
      %swap3A_955 = arith.constant 1 : i32
      %swap3A_956 = arith.index_cast %swap3A_955 : i32 to index
      %swap3A_957 = arith.index_cast %scan3A_863 : i32 to index
      %swap3A_958 = arith.constant 64 : index
      %swap3A_959 = tpu.vector_load %arg8[%swap3A_956, %swap3A_957, %swap3A_958] {strides = array<i32>} : memref<2x80x128xf32, #tpu.memory_space<vmem>>, vector<1x1x16xf32>,
      %swap3A_960 = vector.shape_cast %swap3A_959 : vector<1x1x16xf32> to vector<16xf32>
      %swap3A_961 = vector.shape_cast %add3A_954 : vector<16xf32> to vector<1x1x16xf32>
      tpu.vector_store %arg8[%swap3A_956, %swap3A_957, %swap3A_958], %swap3A_961 {strides = array<i32>} : memref<2x80x128xf32, #tpu.memory_space<vmem>>, vector<1x1x16xf32>,
      %get3A_962 = arith.constant 1 : i32
      %get3A_963 = arith.index_cast %get3A_962 : i32 to index
      %get3A_964 = arith.index_cast %scan3A_863 : i32 to index
      %get3A_965 = arith.constant 80 : index
      %get3A_966 = tpu.vector_load %arg8[%get3A_963, %get3A_964, %get3A_965] {strides = array<i32>} : memref<2x80x128xf32, #tpu.memory_space<vmem>>, vector<1x1x16xf32>,
      %get3A_967 = vector.shape_cast %get3A_966 : vector<1x1x16xf32> to vector<16xf32>
      %get3A_968 = arith.constant 1 : i32
      %get3A_969 = arith.index_cast %get3A_968 : i32 to index
      %get3A_970 = arith.index_cast %scan3A_863 : i32 to index
      %get3A_971 = arith.constant 80 : index
      %get3A_972 = tpu.vector_load %arg9[%get3A_969, %get3A_970, %get3A_971] {strides = array<i32>} : memref<2x80x128xf32, #tpu.memory_space<vmem>>, vector<1x1x16xf32>,
      %get3A_973 = vector.shape_cast %get3A_972 : vector<1x1x16xf32> to vector<16xf32>
      %add3A_974 = arith.addf %get3A_967, %get3A_973 : vector<16xf32>
      %swap3A_975 = arith.constant 1 : i32
      %swap3A_976 = arith.index_cast %swap3A_975 : i32 to index
      %swap3A_977 = arith.index_cast %scan3A_863 : i32 to index
      %swap3A_978 = arith.constant 80 : index
      %swap3A_979 = tpu.vector_load %arg8[%swap3A_976, %swap3A_977, %swap3A_978] {strides = array<i32>} : memref<2x80x128xf32, #tpu.memory_space<vmem>>, vector<1x1x16xf32>,
      %swap3A_980 = vector.shape_cast %swap3A_979 : vector<1x1x16xf32> to vector<16xf32>
      %swap3A_981 = vector.shape_cast %add3A_974 : vector<16xf32> to vector<1x1x16xf32>
      tpu.vector_store %arg8[%swap3A_976, %swap3A_977, %swap3A_978], %swap3A_981 {strides = array<i32>} : memref<2x80x128xf32, #tpu.memory_space<vmem>>, vector<1x1x16xf32>,
      %get3A_982 = arith.constant 1 : i32
      %get3A_983 = arith.index_cast %get3A_982 : i32 to index
      %get3A_984 = arith.index_cast %scan3A_863 : i32 to index
      %get3A_985 = arith.constant 96 : index
      %get3A_986 = tpu.vector_load %arg8[%get3A_983, %get3A_984, %get3A_985] {strides = array<i32>} : memref<2x80x128xf32, #tpu.memory_space<vmem>>, vector<1x1x16xf32>,
      %get3A_987 = vector.shape_cast %get3A_986 : vector<1x1x16xf32> to vector<16xf32>
      %get3A_988 = arith.constant 1 : i32
      %get3A_989 = arith.index_cast %get3A_988 : i32 to index
      %get3A_990 = arith.index_cast %scan3A_863 : i32 to index
      %get3A_991 = arith.constant 96 : index
      %get3A_992 = tpu.vector_load %arg9[%get3A_989, %get3A_990, %get3A_991] {strides = array<i32>} : memref<2x80x128xf32, #tpu.memory_space<vmem>>, vector<1x1x16xf32>,
      %get3A_993 = vector.shape_cast %get3A_992 : vector<1x1x16xf32> to vector<16xf32>
      %add3A_994 = arith.addf %get3A_987, %get3A_993 : vector<16xf32>
      %swap3A_995 = arith.constant 1 : i32
      %swap3A_996 = arith.index_cast %swap3A_995 : i32 to index
      %swap3A_997 = arith.index_cast %scan3A_863 : i32 to index
      %swap3A_998 = arith.constant 96 : index
      %swap3A_999 = tpu.vector_load %arg8[%swap3A_996, %swap3A_997, %swap3A_998] {strides = array<i32>} : memref<2x80x128xf32, #tpu.memory_space<vmem>>, vector<1x1x16xf32>,
      %swap3A_1000 = vector.shape_cast %swap3A_999 : vector<1x1x16xf32> to vector<16xf32>
      %swap3A_1001 = vector.shape_cast %add3A_994 : vector<16xf32> to vector<1x1x16xf32>
      tpu.vector_store %arg8[%swap3A_996, %swap3A_997, %swap3A_998], %swap3A_1001 {strides = array<i32>} : memref<2x80x128xf32, #tpu.memory_space<vmem>>, vector<1x1x16xf32>,
      %get3A_1002 = arith.constant 1 : i32
      %get3A_1003 = arith.index_cast %get3A_1002 : i32 to index
      %get3A_1004 = arith.index_cast %scan3A_863 : i32 to index
      %get3A_1005 = arith.constant 112 : index
      %get3A_1006 = tpu.vector_load %arg8[%get3A_1003, %get3A_1004, %get3A_1005] {strides = array<i32>} : memref<2x80x128xf32, #tpu.memory_space<vmem>>, vector<1x1x16xf32>,
      %get3A_1007 = vector.shape_cast %get3A_1006 : vector<1x1x16xf32> to vector<16xf32>
      %get3A_1008 = arith.constant 1 : i32
      %get3A_1009 = arith.index_cast %get3A_1008 : i32 to index
      %get3A_1010 = arith.index_cast %scan3A_863 : i32 to index
      %get3A_1011 = arith.constant 112 : index
      %get3A_1012 = tpu.vector_load %arg9[%get3A_1009, %get3A_1010, %get3A_1011] {strides = array<i32>} : memref<2x80x128xf32, #tpu.memory_space<vmem>>, vector<1x1x16xf32>,
      %get3A_1013 = vector.shape_cast %get3A_1012 : vector<1x1x16xf32> to vector<16xf32>
      %add3A_1014 = arith.addf %get3A_1007, %get3A_1013 : vector<16xf32>
      %swap3A_1015 = arith.constant 1 : i32
      %swap3A_1016 = arith.index_cast %swap3A_1015 : i32 to index
      %swap3A_1017 = arith.index_cast %scan3A_863 : i32 to index
      %swap3A_1018 = arith.constant 112 : index
      %swap3A_1019 = tpu.vector_load %arg8[%swap3A_1016, %swap3A_1017, %swap3A_1018] {strides = array<i32>} : memref<2x80x128xf32, #tpu.memory_space<vmem>>, vector<1x1x16xf32>,
      %swap3A_1020 = vector.shape_cast %swap3A_1019 : vector<1x1x16xf32> to vector<16xf32>
      %swap3A_1021 = vector.shape_cast %add3A_1014 : vector<16xf32> to vector<1x1x16xf32>
      tpu.vector_store %arg8[%swap3A_1016, %swap3A_1017, %swap3A_1018], %swap3A_1021 {strides = array<i32>} : memref<2x80x128xf32, #tpu.memory_space<vmem>>, vector<1x1x16xf32>,
    }
    %scan3A_414 = arith.constant 80 : i32
    %dma_start3A_415 = arith.constant 1 : i32
    %dma_start3A_416 = arith.constant 1 : i32
    %dma_start3A_417 = arith.constant 0 : i32
    %dma_start3A_418 = arith.constant 0 : i32
    %dma_start3A_419 = arith.constant 0 : i32
    %dma_start3A_420 = tpu.memref_slice %arg8[%dma_start3A_415, %dma_start3A_418, %dma_start3A_419] : memref<2x80x128xf32, #tpu.memory_space<vmem>> -> memref<1x80x128xf32, #tpu.memory_space<vmem>>
    %dma_start3A_421 = tpu.memref_squeeze %dma_start3A_420 : memref<1x80x128xf32, #tpu.memory_space<vmem>> -> memref<80x128xf32, #tpu.memory_space<vmem>>
    %dma_start3A_422 = arith.constant 0 : i32
    %dma_start3A_423 = tpu.memref_slice %arg7[%dma_start3A_416, %dma_start3A_417, %dma_start3A_422] : memref<4x1x80xi32, #tpu.memory_space<vmem>> -> memref<1x1x80xi32, #tpu.memory_space<vmem>>
    %dma_start3A_424 = tpu.memref_squeeze %dma_start3A_423 : memref<1x1x80xi32, #tpu.memory_space<vmem>> -> memref<80xi32, #tpu.memory_space<vmem>>
    %dma_start3A_425 = arith.constant 0 : i32
    %dma_start3A_426 = arith.constant 0 : i32
    %dma_start3A_427 = tpu.memref_slice %arg10[%dma_start3A_425, %dma_start3A_426] : memref<10000x128xf32, #tpu.memory_space<vmem_shared>> -> memref<10000x128xf32, #tpu.memory_space<vmem_shared>>
    tpu.enqueue_indirect_dma source(%dma_start3A_421 : memref<80x128xf32, #tpu.memory_space<vmem>>) target(%dma_start3A_427 : memref<10000x128xf32, #tpu.memory_space<vmem_shared>>) offsets(%dma_start3A_424 : memref<80xi32, #tpu.memory_space<vmem>>) semaphore(%arg13 : memref<!tpu.dma_semaphore, #tpu.memory_space<semaphore_mem>>) {add = true}
    %mul3A_428 = arith.constant 125 : i32
    %mul3A_429 = arith.muli %add3A, %mul3A_428 : i32
    %add3A_430 = arith.constant 123 : i32
    %add3A_431 = arith.addi %mul3A_429, %add3A_430 : i32
    %dma_start3A_432 = arith.constant 0 : i32
    %dma_start3A_433 = arith.constant 3 : i32
    %dma_start3A_434 = arith.constant 0 : i32
    %dma_start3A_435 = arith.constant 0 : i32
    %dma_start3A_436 = tpu.memref_slice %arg6[%dma_start3A_433, %dma_start3A_434, %dma_start3A_435] : memref<4x1x80xi32, #tpu.memory_space<vmem>> -> memref<1x1x80xi32, #tpu.memory_space<vmem>>
    %dma_start3A_437 = tpu.memref_squeeze %dma_start3A_436 : memref<1x1x80xi32, #tpu.memory_space<vmem>> -> memref<1x80xi32, #tpu.memory_space<vmem>>
    %dma_start3A_438 = arith.constant 0 : i32
    %dma_start3A_439 = arith.constant 0 : i32
    %dma_start3A_440 = tpu.memref_slice %arg4[%dma_start3A_432, %add3A_431, %dma_start3A_438, %dma_start3A_439] : memref<2x4000x1x80xi32, #tpu.memory_space<hbm>> -> memref<1x1x1x80xi32, #tpu.memory_space<hbm>>
    %dma_start3A_441 = tpu.memref_squeeze %dma_start3A_440 : memref<1x1x1x80xi32, #tpu.memory_space<hbm>> -> memref<1x80xi32, #tpu.memory_space<hbm>>
    %dma_start3A_442 = arith.constant 0 : i32
    %dma_start3A_443 = arith.constant 0 : i32
    %dma_start3A_444 = tpu.memref_slice %arg6[%dma_start3A_433, %dma_start3A_442, %dma_start3A_443] : memref<4x1x80xi32, #tpu.memory_space<vmem>> -> memref<1x1x80xi32, #tpu.memory_space<vmem>>
    %dma_start3A_445 = tpu.memref_squeeze %dma_start3A_444 : memref<1x1x80xi32, #tpu.memory_space<vmem>> -> memref<1x80xi32, #tpu.memory_space<vmem>>
    %dma_start3A_446 = arith.constant 0 : i32
    %dma_start3A_447 = arith.constant 0 : i32
    %dma_start3A_448 = tpu.memref_slice %arg4[%dma_start3A_432, %add3A_431, %dma_start3A_446, %dma_start3A_447] : memref<2x4000x1x80xi32, #tpu.memory_space<hbm>> -> memref<1x1x1x80xi32, #tpu.memory_space<hbm>>
    %dma_start3A_449 = tpu.memref_squeeze %dma_start3A_448 : memref<1x1x1x80xi32, #tpu.memory_space<hbm>> -> memref<1x80xi32, #tpu.memory_space<hbm>>
    tpu.enqueue_dma source(%dma_start3A_449 : memref<1x80xi32, #tpu.memory_space<hbm>>) target(%dma_start3A_445 : memref<1x80xi32, #tpu.memory_space<vmem>>) target_semaphore(%arg14 : memref<!tpu.dma_semaphore, #tpu.memory_space<semaphore_mem>>)
    %mul3A_450 = arith.constant 125 : i32
    %mul3A_451 = arith.muli %add3A, %mul3A_450 : i32
    %add3A_452 = arith.constant 123 : i32
    %add3A_453 = arith.addi %mul3A_451, %add3A_452 : i32
    %dma_start3A_454 = arith.constant 1 : i32
    %dma_start3A_455 = arith.constant 3 : i32
    %dma_start3A_456 = arith.constant 0 : i32
    %dma_start3A_457 = arith.constant 0 : i32
    %dma_start3A_458 = tpu.memref_slice %arg7[%dma_start3A_455, %dma_start3A_456, %dma_start3A_457] : memref<4x1x80xi32, #tpu.memory_space<vmem>> -> memref<1x1x80xi32, #tpu.memory_space<vmem>>
    %dma_start3A_459 = tpu.memref_squeeze %dma_start3A_458 : memref<1x1x80xi32, #tpu.memory_space<vmem>> -> memref<1x80xi32, #tpu.memory_space<vmem>>
    %dma_start3A_460 = arith.constant 0 : i32
    %dma_start3A_461 = arith.constant 0 : i32
    %dma_start3A_462 = tpu.memref_slice %arg4[%dma_start3A_454, %add3A_453, %dma_start3A_460, %dma_start3A_461] : memref<2x4000x1x80xi32, #tpu.memory_space<hbm>> -> memref<1x1x1x80xi32, #tpu.memory_space<hbm>>
    %dma_start3A_463 = tpu.memref_squeeze %dma_start3A_462 : memref<1x1x1x80xi32, #tpu.memory_space<hbm>> -> memref<1x80xi32, #tpu.memory_space<hbm>>
    %dma_start3A_464 = arith.constant 0 : i32
    %dma_start3A_465 = arith.constant 0 : i32
    %dma_start3A_466 = tpu.memref_slice %arg7[%dma_start3A_455, %dma_start3A_464, %dma_start3A_465] : memref<4x1x80xi32, #tpu.memory_space<vmem>> -> memref<1x1x80xi32, #tpu.memory_space<vmem>>
    %dma_start3A_467 = tpu.memref_squeeze %dma_start3A_466 : memref<1x1x80xi32, #tpu.memory_space<vmem>> -> memref<1x80xi32, #tpu.memory_space<vmem>>
    %dma_start3A_468 = arith.constant 0 : i32
    %dma_start3A_469 = arith.constant 0 : i32
    %dma_start3A_470 = tpu.memref_slice %arg4[%dma_start3A_454, %add3A_453, %dma_start3A_468, %dma_start3A_469] : memref<2x4000x1x80xi32, #tpu.memory_space<hbm>> -> memref<1x1x1x80xi32, #tpu.memory_space<hbm>>
    %dma_start3A_471 = tpu.memref_squeeze %dma_start3A_470 : memref<1x1x1x80xi32, #tpu.memory_space<hbm>> -> memref<1x80xi32, #tpu.memory_space<hbm>>
    tpu.enqueue_dma source(%dma_start3A_471 : memref<1x80xi32, #tpu.memory_space<hbm>>) target(%dma_start3A_467 : memref<1x80xi32, #tpu.memory_space<vmem>>) target_semaphore(%arg15 : memref<!tpu.dma_semaphore, #tpu.memory_space<semaphore_mem>>)
    %dma_wait3A_472 = arith.constant 2 : i32
    %dma_wait3A_473 = arith.constant 0 : i32
    %dma_wait3A_474 = arith.constant 0 : i32
    %dma_wait3A_475 = arith.constant 0 : i32
    %dma_wait3A_476 = arith.constant 0 : i32
    %dma_wait3A_477 = tpu.memref_slice %arg8[%dma_wait3A_474, %dma_wait3A_475, %dma_wait3A_476] : memref<2x80x128xf32, #tpu.memory_space<vmem>> -> memref<1x80x128xf32, #tpu.memory_space<vmem>>
    %dma_wait3A_478 = tpu.memref_squeeze %dma_wait3A_477 : memref<1x80x128xf32, #tpu.memory_space<vmem>> -> memref<80x128xf32, #tpu.memory_space<vmem>>
    %dma_wait3A_479 = arith.constant 0 : i32
    %dma_wait3A_480 = tpu.memref_slice %arg6[%dma_wait3A_472, %dma_wait3A_473, %dma_wait3A_479] : memref<4x1x80xi32, #tpu.memory_space<vmem>> -> memref<1x1x80xi32, #tpu.memory_space<vmem>>
    %dma_wait3A_481 = tpu.memref_squeeze %dma_wait3A_480 : memref<1x1x80xi32, #tpu.memory_space<vmem>> -> memref<80xi32, #tpu.memory_space<vmem>>
    %dma_wait3A_482 = arith.constant 0 : i32
    %dma_wait3A_483 = arith.constant 0 : i32
    %dma_wait3A_484 = tpu.memref_slice %arg2[%dma_wait3A_482, %dma_wait3A_483] : memref<10000x128xf32, #tpu.memory_space<hbm>> -> memref<10000x128xf32, #tpu.memory_space<hbm>>
    tpu.wait_indirect_dma semaphore(%arg11 : memref<!tpu.dma_semaphore, #tpu.memory_space<semaphore_mem>>) src(%dma_wait3A_484 : memref<10000x128xf32, #tpu.memory_space<hbm>>) dst(%dma_wait3A_478 : memref<80x128xf32, #tpu.memory_space<vmem>>)
    %add3A_485 = arith.constant 9760 : i32
    %add3A_486 = arith.addi %mul3A_2, %add3A_485 : i32
    %dma_wait3A_487 = arith.constant 0 : i32
    %dma_wait3A_488 = arith.constant 0 : i32
    %dma_wait3A_489 = arith.constant 0 : i32
    %dma_wait3A_490 = tpu.memref_slice %arg9[%dma_wait3A_487, %dma_wait3A_488, %dma_wait3A_489] : memref<2x80x128xf32, #tpu.memory_space<vmem>> -> memref<1x80x128xf32, #tpu.memory_space<vmem>>
    %dma_wait3A_491 = tpu.memref_squeeze %dma_wait3A_490 : memref<1x80x128xf32, #tpu.memory_space<vmem>> -> memref<80x128xf32, #tpu.memory_space<vmem>>
    %dma_wait3A_492 = arith.constant 0 : i32
    %dma_wait3A_493 = tpu.memref_slice %arg3[%add3A_486, %dma_wait3A_492] : memref<320000x128xf32, #tpu.memory_space<hbm>> -> memref<80x128xf32, #tpu.memory_space<hbm>>
    %dma_wait3A_494 = arith.constant 0 : i32
    %dma_wait3A_495 = arith.constant 0 : i32
    %dma_wait3A_496 = tpu.memref_slice %arg9[%dma_wait3A_487, %dma_wait3A_494, %dma_wait3A_495] : memref<2x80x128xf32, #tpu.memory_space<vmem>> -> memref<1x80x128xf32, #tpu.memory_space<vmem>>
    %dma_wait3A_497 = tpu.memref_squeeze %dma_wait3A_496 : memref<1x80x128xf32, #tpu.memory_space<vmem>> -> memref<80x128xf32, #tpu.memory_space<vmem>>
    %dma_wait3A_498 = arith.constant 0 : i32
    %dma_wait3A_499 = tpu.memref_slice %arg3[%add3A_486, %dma_wait3A_498] : memref<320000x128xf32, #tpu.memory_space<hbm>> -> memref<80x128xf32, #tpu.memory_space<hbm>>
    tpu.wait_dma2 semaphore(%arg12 : memref<!tpu.dma_semaphore, #tpu.memory_space<semaphore_mem>>) src(%dma_wait3A_499 : memref<80x128xf32, #tpu.memory_space<hbm>>) dst(%dma_wait3A_497 : memref<80x128xf32, #tpu.memory_space<vmem>>)
    %dma_wait3A_500 = arith.constant 1 : i32
    %dma_wait3A_501 = arith.constant 1 : i32
    %dma_wait3A_502 = arith.constant 0 : i32
    %dma_wait3A_503 = arith.constant 0 : i32
    %dma_wait3A_504 = arith.constant 0 : i32
    %dma_wait3A_505 = tpu.memref_slice %arg8[%dma_wait3A_500, %dma_wait3A_503, %dma_wait3A_504] : memref<2x80x128xf32, #tpu.memory_space<vmem>> -> memref<1x80x128xf32, #tpu.memory_space<vmem>>
    %dma_wait3A_506 = tpu.memref_squeeze %dma_wait3A_505 : memref<1x80x128xf32, #tpu.memory_space<vmem>> -> memref<80x128xf32, #tpu.memory_space<vmem>>
    %dma_wait3A_507 = arith.constant 0 : i32
    %dma_wait3A_508 = tpu.memref_slice %arg7[%dma_wait3A_501, %dma_wait3A_502, %dma_wait3A_507] : memref<4x1x80xi32, #tpu.memory_space<vmem>> -> memref<1x1x80xi32, #tpu.memory_space<vmem>>
    %dma_wait3A_509 = tpu.memref_squeeze %dma_wait3A_508 : memref<1x1x80xi32, #tpu.memory_space<vmem>> -> memref<80xi32, #tpu.memory_space<vmem>>
    %dma_wait3A_510 = arith.constant 0 : i32
    %dma_wait3A_511 = arith.constant 0 : i32
    %dma_wait3A_512 = tpu.memref_slice %arg10[%dma_wait3A_510, %dma_wait3A_511] : memref<10000x128xf32, #tpu.memory_space<vmem_shared>> -> memref<10000x128xf32, #tpu.memory_space<vmem_shared>>
    tpu.wait_indirect_dma semaphore(%arg13 : memref<!tpu.dma_semaphore, #tpu.memory_space<semaphore_mem>>) src(%dma_wait3A_506 : memref<80x128xf32, #tpu.memory_space<vmem>>) dst(%dma_wait3A_512 : memref<10000x128xf32, #tpu.memory_space<vmem_shared>>)
    %mul3A_513 = arith.constant 125 : i32
    %mul3A_514 = arith.muli %add3A, %mul3A_513 : i32
    %add3A_515 = arith.constant 123 : i32
    %add3A_516 = arith.addi %mul3A_514, %add3A_515 : i32
    %dma_wait3A_517 = arith.constant 0 : i32
    %dma_wait3A_518 = arith.constant 3 : i32
    %dma_wait3A_519 = arith.constant 0 : i32
    %dma_wait3A_520 = arith.constant 0 : i32
    %dma_wait3A_521 = tpu.memref_slice %arg6[%dma_wait3A_518, %dma_wait3A_519, %dma_wait3A_520] : memref<4x1x80xi32, #tpu.memory_space<vmem>> -> memref<1x1x80xi32, #tpu.memory_space<vmem>>
    %dma_wait3A_522 = tpu.memref_squeeze %dma_wait3A_521 : memref<1x1x80xi32, #tpu.memory_space<vmem>> -> memref<1x80xi32, #tpu.memory_space<vmem>>
    %dma_wait3A_523 = arith.constant 0 : i32
    %dma_wait3A_524 = arith.constant 0 : i32
    %dma_wait3A_525 = tpu.memref_slice %arg4[%dma_wait3A_517, %add3A_516, %dma_wait3A_523, %dma_wait3A_524] : memref<2x4000x1x80xi32, #tpu.memory_space<hbm>> -> memref<1x1x1x80xi32, #tpu.memory_space<hbm>>
    %dma_wait3A_526 = tpu.memref_squeeze %dma_wait3A_525 : memref<1x1x1x80xi32, #tpu.memory_space<hbm>> -> memref<1x80xi32, #tpu.memory_space<hbm>>
    %dma_wait3A_527 = arith.constant 0 : i32
    %dma_wait3A_528 = arith.constant 0 : i32
    %dma_wait3A_529 = tpu.memref_slice %arg6[%dma_wait3A_518, %dma_wait3A_527, %dma_wait3A_528] : memref<4x1x80xi32, #tpu.memory_space<vmem>> -> memref<1x1x80xi32, #tpu.memory_space<vmem>>
    %dma_wait3A_530 = tpu.memref_squeeze %dma_wait3A_529 : memref<1x1x80xi32, #tpu.memory_space<vmem>> -> memref<1x80xi32, #tpu.memory_space<vmem>>
    %dma_wait3A_531 = arith.constant 0 : i32
    %dma_wait3A_532 = arith.constant 0 : i32
    %dma_wait3A_533 = tpu.memref_slice %arg4[%dma_wait3A_517, %add3A_516, %dma_wait3A_531, %dma_wait3A_532] : memref<2x4000x1x80xi32, #tpu.memory_space<hbm>> -> memref<1x1x1x80xi32, #tpu.memory_space<hbm>>
    %dma_wait3A_534 = tpu.memref_squeeze %dma_wait3A_533 : memref<1x1x1x80xi32, #tpu.memory_space<hbm>> -> memref<1x80xi32, #tpu.memory_space<hbm>>
    tpu.wait_dma2 semaphore(%arg14 : memref<!tpu.dma_semaphore, #tpu.memory_space<semaphore_mem>>) src(%dma_wait3A_534 : memref<1x80xi32, #tpu.memory_space<hbm>>) dst(%dma_wait3A_530 : memref<1x80xi32, #tpu.memory_space<vmem>>)
    %mul3A_535 = arith.constant 125 : i32
    %mul3A_536 = arith.muli %add3A, %mul3A_535 : i32
    %add3A_537 = arith.constant 123 : i32
    %add3A_538 = arith.addi %mul3A_536, %add3A_537 : i32
    %dma_wait3A_539 = arith.constant 1 : i32
    %dma_wait3A_540 = arith.constant 3 : i32
    %dma_wait3A_541 = arith.constant 0 : i32
    %dma_wait3A_542 = arith.constant 0 : i32
    %dma_wait3A_543 = tpu.memref_slice %arg7[%dma_wait3A_540, %dma_wait3A_541, %dma_wait3A_542] : memref<4x1x80xi32, #tpu.memory_space<vmem>> -> memref<1x1x80xi32, #tpu.memory_space<vmem>>
    %dma_wait3A_544 = tpu.memref_squeeze %dma_wait3A_543 : memref<1x1x80xi32, #tpu.memory_space<vmem>> -> memref<1x80xi32, #tpu.memory_space<vmem>>
    %dma_wait3A_545 = arith.constant 0 : i32
    %dma_wait3A_546 = arith.constant 0 : i32
    %dma_wait3A_547 = tpu.memref_slice %arg4[%dma_wait3A_539, %add3A_538, %dma_wait3A_545, %dma_wait3A_546] : memref<2x4000x1x80xi32, #tpu.memory_space<hbm>> -> memref<1x1x1x80xi32, #tpu.memory_space<hbm>>
    %dma_wait3A_548 = tpu.memref_squeeze %dma_wait3A_547 : memref<1x1x1x80xi32, #tpu.memory_space<hbm>> -> memref<1x80xi32, #tpu.memory_space<hbm>>
    %dma_wait3A_549 = arith.constant 0 : i32
    %dma_wait3A_550 = arith.constant 0 : i32
    %dma_wait3A_551 = tpu.memref_slice %arg7[%dma_wait3A_540, %dma_wait3A_549, %dma_wait3A_550] : memref<4x1x80xi32, #tpu.memory_space<vmem>> -> memref<1x1x80xi32, #tpu.memory_space<vmem>>
    %dma_wait3A_552 = tpu.memref_squeeze %dma_wait3A_551 : memref<1x1x80xi32, #tpu.memory_space<vmem>> -> memref<1x80xi32, #tpu.memory_space<vmem>>
    %dma_wait3A_553 = arith.constant 0 : i32
    %dma_wait3A_554 = arith.constant 0 : i32
    %dma_wait3A_555 = tpu.memref_slice %arg4[%dma_wait3A_539, %add3A_538, %dma_wait3A_553, %dma_wait3A_554] : memref<2x4000x1x80xi32, #tpu.memory_space<hbm>> -> memref<1x1x1x80xi32, #tpu.memory_space<hbm>>
    %dma_wait3A_556 = tpu.memref_squeeze %dma_wait3A_555 : memref<1x1x1x80xi32, #tpu.memory_space<hbm>> -> memref<1x80xi32, #tpu.memory_space<hbm>>
    tpu.wait_dma2 semaphore(%arg15 : memref<!tpu.dma_semaphore, #tpu.memory_space<semaphore_mem>>) src(%dma_wait3A_556 : memref<1x80xi32, #tpu.memory_space<hbm>>) dst(%dma_wait3A_552 : memref<1x80xi32, #tpu.memory_space<vmem>>)
    %dma_start3A_557 = arith.constant 3 : i32
    %dma_start3A_558 = arith.constant 0 : i32
    %dma_start3A_559 = arith.constant 1 : i32
    %dma_start3A_560 = arith.constant 0 : i32
    %dma_start3A_561 = arith.constant 0 : i32
    %dma_start3A_562 = tpu.memref_slice %arg8[%dma_start3A_559, %dma_start3A_560, %dma_start3A_561] : memref<2x80x128xf32, #tpu.memory_space<vmem>> -> memref<1x80x128xf32, #tpu.memory_space<vmem>>
    %dma_start3A_563 = tpu.memref_squeeze %dma_start3A_562 : memref<1x80x128xf32, #tpu.memory_space<vmem>> -> memref<80x128xf32, #tpu.memory_space<vmem>>
    %dma_start3A_564 = arith.constant 0 : i32
    %dma_start3A_565 = tpu.memref_slice %arg6[%dma_start3A_557, %dma_start3A_558, %dma_start3A_564] : memref<4x1x80xi32, #tpu.memory_space<vmem>> -> memref<1x1x80xi32, #tpu.memory_space<vmem>>
    %dma_start3A_566 = tpu.memref_squeeze %dma_start3A_565 : memref<1x1x80xi32, #tpu.memory_space<vmem>> -> memref<80xi32, #tpu.memory_space<vmem>>
    %dma_start3A_567 = arith.constant 0 : i32
    %dma_start3A_568 = arith.constant 0 : i32
    %dma_start3A_569 = tpu.memref_slice %arg2[%dma_start3A_567, %dma_start3A_568] : memref<10000x128xf32, #tpu.memory_space<hbm>> -> memref<10000x128xf32, #tpu.memory_space<hbm>>
    tpu.enqueue_indirect_dma source(%dma_start3A_569 : memref<10000x128xf32, #tpu.memory_space<hbm>>) target(%dma_start3A_563 : memref<80x128xf32, #tpu.memory_space<vmem>>) offsets(%dma_start3A_566 : memref<80xi32, #tpu.memory_space<vmem>>) semaphore(%arg11 : memref<!tpu.dma_semaphore, #tpu.memory_space<semaphore_mem>>)
    %add3A_570 = arith.constant 9840 : i32
    %add3A_571 = arith.addi %mul3A_2, %add3A_570 : i32
    %dma_start3A_572 = arith.constant 1 : i32
    %dma_start3A_573 = arith.constant 0 : i32
    %dma_start3A_574 = arith.constant 0 : i32
    %dma_start3A_575 = tpu.memref_slice %arg9[%dma_start3A_572, %dma_start3A_573, %dma_start3A_574] : memref<2x80x128xf32, #tpu.memory_space<vmem>> -> memref<1x80x128xf32, #tpu.memory_space<vmem>>
    %dma_start3A_576 = tpu.memref_squeeze %dma_start3A_575 : memref<1x80x128xf32, #tpu.memory_space<vmem>> -> memref<80x128xf32, #tpu.memory_space<vmem>>
    %dma_start3A_577 = arith.constant 0 : i32
    %dma_start3A_578 = tpu.memref_slice %arg3[%add3A_571, %dma_start3A_577] : memref<320000x128xf32, #tpu.memory_space<hbm>> -> memref<80x128xf32, #tpu.memory_space<hbm>>
    %dma_start3A_579 = arith.constant 0 : i32
    %dma_start3A_580 = arith.constant 0 : i32
    %dma_start3A_581 = tpu.memref_slice %arg9[%dma_start3A_572, %dma_start3A_579, %dma_start3A_580] : memref<2x80x128xf32, #tpu.memory_space<vmem>> -> memref<1x80x128xf32, #tpu.memory_space<vmem>>
    %dma_start3A_582 = tpu.memref_squeeze %dma_start3A_581 : memref<1x80x128xf32, #tpu.memory_space<vmem>> -> memref<80x128xf32, #tpu.memory_space<vmem>>
    %dma_start3A_583 = arith.constant 0 : i32
    %dma_start3A_584 = tpu.memref_slice %arg3[%add3A_571, %dma_start3A_583] : memref<320000x128xf32, #tpu.memory_space<hbm>> -> memref<80x128xf32, #tpu.memory_space<hbm>>
    tpu.enqueue_dma source(%dma_start3A_584 : memref<80x128xf32, #tpu.memory_space<hbm>>) target(%dma_start3A_582 : memref<80x128xf32, #tpu.memory_space<vmem>>) target_semaphore(%arg12 : memref<!tpu.dma_semaphore, #tpu.memory_space<semaphore_mem>>)
    %scan3A_585 = arith.constant 0 : i32
    %scan3A_586 = arith.constant 0 : i32
    %scan3A_587 = arith.constant 80 : i32
    %scan3A_588 = arith.addi %scan3A_586, %scan3A_587 : i32
    %scan3A_589 = arith.constant 1 : i32
    scf.for %scan3A_863 = %scan3A_586 to %scan3A_588 step %scan3A_589  : i32 {
      %get3A = arith.constant 0 : i32
      %get3A_864 = arith.index_cast %get3A : i32 to index
      %get3A_865 = arith.index_cast %scan3A_863 : i32 to index
      %get3A_866 = arith.constant 0 : index
      %get3A_867 = tpu.vector_load %arg8[%get3A_864, %get3A_865, %get3A_866] {strides = array<i32>} : memref<2x80x128xf32, #tpu.memory_space<vmem>>, vector<1x1x16xf32>,
      %get3A_868 = vector.shape_cast %get3A_867 : vector<1x1x16xf32> to vector<16xf32>
      %get3A_869 = arith.constant 0 : i32
      %get3A_870 = arith.index_cast %get3A_869 : i32 to index
      %get3A_871 = arith.index_cast %scan3A_863 : i32 to index
      %get3A_872 = arith.constant 0 : index
      %get3A_873 = tpu.vector_load %arg9[%get3A_870, %get3A_871, %get3A_872] {strides = array<i32>} : memref<2x80x128xf32, #tpu.memory_space<vmem>>, vector<1x1x16xf32>,
      %get3A_874 = vector.shape_cast %get3A_873 : vector<1x1x16xf32> to vector<16xf32>
      %add3A_875 = arith.addf %get3A_868, %get3A_874 : vector<16xf32>
      %swap3A = arith.constant 0 : i32
      %swap3A_876 = arith.index_cast %swap3A : i32 to index
      %swap3A_877 = arith.index_cast %scan3A_863 : i32 to index
      %swap3A_878 = arith.constant 0 : index
      %swap3A_879 = tpu.vector_load %arg8[%swap3A_876, %swap3A_877, %swap3A_878] {strides = array<i32>} : memref<2x80x128xf32, #tpu.memory_space<vmem>>, vector<1x1x16xf32>,
      %swap3A_880 = vector.shape_cast %swap3A_879 : vector<1x1x16xf32> to vector<16xf32>
      %swap3A_881 = vector.shape_cast %add3A_875 : vector<16xf32> to vector<1x1x16xf32>
      tpu.vector_store %arg8[%swap3A_876, %swap3A_877, %swap3A_878], %swap3A_881 {strides = array<i32>} : memref<2x80x128xf32, #tpu.memory_space<vmem>>, vector<1x1x16xf32>,
      %get3A_882 = arith.constant 0 : i32
      %get3A_883 = arith.index_cast %get3A_882 : i32 to index
      %get3A_884 = arith.index_cast %scan3A_863 : i32 to index
      %get3A_885 = arith.constant 16 : index
      %get3A_886 = tpu.vector_load %arg8[%get3A_883, %get3A_884, %get3A_885] {strides = array<i32>} : memref<2x80x128xf32, #tpu.memory_space<vmem>>, vector<1x1x16xf32>,
      %get3A_887 = vector.shape_cast %get3A_886 : vector<1x1x16xf32> to vector<16xf32>
      %get3A_888 = arith.constant 0 : i32
      %get3A_889 = arith.index_cast %get3A_888 : i32 to index
      %get3A_890 = arith.index_cast %scan3A_863 : i32 to index
      %get3A_891 = arith.constant 16 : index
      %get3A_892 = tpu.vector_load %arg9[%get3A_889, %get3A_890, %get3A_891] {strides = array<i32>} : memref<2x80x128xf32, #tpu.memory_space<vmem>>, vector<1x1x16xf32>,
      %get3A_893 = vector.shape_cast %get3A_892 : vector<1x1x16xf32> to vector<16xf32>
      %add3A_894 = arith.addf %get3A_887, %get3A_893 : vector<16xf32>
      %swap3A_895 = arith.constant 0 : i32
      %swap3A_896 = arith.index_cast %swap3A_895 : i32 to index
      %swap3A_897 = arith.index_cast %scan3A_863 : i32 to index
      %swap3A_898 = arith.constant 16 : index
      %swap3A_899 = tpu.vector_load %arg8[%swap3A_896, %swap3A_897, %swap3A_898] {strides = array<i32>} : memref<2x80x128xf32, #tpu.memory_space<vmem>>, vector<1x1x16xf32>,
      %swap3A_900 = vector.shape_cast %swap3A_899 : vector<1x1x16xf32> to vector<16xf32>
      %swap3A_901 = vector.shape_cast %add3A_894 : vector<16xf32> to vector<1x1x16xf32>
      tpu.vector_store %arg8[%swap3A_896, %swap3A_897, %swap3A_898], %swap3A_901 {strides = array<i32>} : memref<2x80x128xf32, #tpu.memory_space<vmem>>, vector<1x1x16xf32>,
      %get3A_902 = arith.constant 0 : i32
      %get3A_903 = arith.index_cast %get3A_902 : i32 to index
      %get3A_904 = arith.index_cast %scan3A_863 : i32 to index
      %get3A_905 = arith.constant 32 : index
      %get3A_906 = tpu.vector_load %arg8[%get3A_903, %get3A_904, %get3A_905] {strides = array<i32>} : memref<2x80x128xf32, #tpu.memory_space<vmem>>, vector<1x1x16xf32>,
      %get3A_907 = vector.shape_cast %get3A_906 : vector<1x1x16xf32> to vector<16xf32>
      %get3A_908 = arith.constant 0 : i32
      %get3A_909 = arith.index_cast %get3A_908 : i32 to index
      %get3A_910 = arith.index_cast %scan3A_863 : i32 to index
      %get3A_911 = arith.constant 32 : index
      %get3A_912 = tpu.vector_load %arg9[%get3A_909, %get3A_910, %get3A_911] {strides = array<i32>} : memref<2x80x128xf32, #tpu.memory_space<vmem>>, vector<1x1x16xf32>,
      %get3A_913 = vector.shape_cast %get3A_912 : vector<1x1x16xf32> to vector<16xf32>
      %add3A_914 = arith.addf %get3A_907, %get3A_913 : vector<16xf32>
      %swap3A_915 = arith.constant 0 : i32
      %swap3A_916 = arith.index_cast %swap3A_915 : i32 to index
      %swap3A_917 = arith.index_cast %scan3A_863 : i32 to index
      %swap3A_918 = arith.constant 32 : index
      %swap3A_919 = tpu.vector_load %arg8[%swap3A_916, %swap3A_917, %swap3A_918] {strides = array<i32>} : memref<2x80x128xf32, #tpu.memory_space<vmem>>, vector<1x1x16xf32>,
      %swap3A_920 = vector.shape_cast %swap3A_919 : vector<1x1x16xf32> to vector<16xf32>
      %swap3A_921 = vector.shape_cast %add3A_914 : vector<16xf32> to vector<1x1x16xf32>
      tpu.vector_store %arg8[%swap3A_916, %swap3A_917, %swap3A_918], %swap3A_921 {strides = array<i32>} : memref<2x80x128xf32, #tpu.memory_space<vmem>>, vector<1x1x16xf32>,
      %get3A_922 = arith.constant 0 : i32
      %get3A_923 = arith.index_cast %get3A_922 : i32 to index
      %get3A_924 = arith.index_cast %scan3A_863 : i32 to index
      %get3A_925 = arith.constant 48 : index
      %get3A_926 = tpu.vector_load %arg8[%get3A_923, %get3A_924, %get3A_925] {strides = array<i32>} : memref<2x80x128xf32, #tpu.memory_space<vmem>>, vector<1x1x16xf32>,
      %get3A_927 = vector.shape_cast %get3A_926 : vector<1x1x16xf32> to vector<16xf32>
      %get3A_928 = arith.constant 0 : i32
      %get3A_929 = arith.index_cast %get3A_928 : i32 to index
      %get3A_930 = arith.index_cast %scan3A_863 : i32 to index
      %get3A_931 = arith.constant 48 : index
      %get3A_932 = tpu.vector_load %arg9[%get3A_929, %get3A_930, %get3A_931] {strides = array<i32>} : memref<2x80x128xf32, #tpu.memory_space<vmem>>, vector<1x1x16xf32>,
      %get3A_933 = vector.shape_cast %get3A_932 : vector<1x1x16xf32> to vector<16xf32>
      %add3A_934 = arith.addf %get3A_927, %get3A_933 : vector<16xf32>
      %swap3A_935 = arith.constant 0 : i32
      %swap3A_936 = arith.index_cast %swap3A_935 : i32 to index
      %swap3A_937 = arith.index_cast %scan3A_863 : i32 to index
      %swap3A_938 = arith.constant 48 : index
      %swap3A_939 = tpu.vector_load %arg8[%swap3A_936, %swap3A_937, %swap3A_938] {strides = array<i32>} : memref<2x80x128xf32, #tpu.memory_space<vmem>>, vector<1x1x16xf32>,
      %swap3A_940 = vector.shape_cast %swap3A_939 : vector<1x1x16xf32> to vector<16xf32>
      %swap3A_941 = vector.shape_cast %add3A_934 : vector<16xf32> to vector<1x1x16xf32>
      tpu.vector_store %arg8[%swap3A_936, %swap3A_937, %swap3A_938], %swap3A_941 {strides = array<i32>} : memref<2x80x128xf32, #tpu.memory_space<vmem>>, vector<1x1x16xf32>,
      %get3A_942 = arith.constant 0 : i32
      %get3A_943 = arith.index_cast %get3A_942 : i32 to index
      %get3A_944 = arith.index_cast %scan3A_863 : i32 to index
      %get3A_945 = arith.constant 64 : index
      %get3A_946 = tpu.vector_load %arg8[%get3A_943, %get3A_944, %get3A_945] {strides = array<i32>} : memref<2x80x128xf32, #tpu.memory_space<vmem>>, vector<1x1x16xf32>,
      %get3A_947 = vector.shape_cast %get3A_946 : vector<1x1x16xf32> to vector<16xf32>
      %get3A_948 = arith.constant 0 : i32
      %get3A_949 = arith.index_cast %get3A_948 : i32 to index
      %get3A_950 = arith.index_cast %scan3A_863 : i32 to index
      %get3A_951 = arith.constant 64 : index
      %get3A_952 = tpu.vector_load %arg9[%get3A_949, %get3A_950, %get3A_951] {strides = array<i32>} : memref<2x80x128xf32, #tpu.memory_space<vmem>>, vector<1x1x16xf32>,
      %get3A_953 = vector.shape_cast %get3A_952 : vector<1x1x16xf32> to vector<16xf32>
      %add3A_954 = arith.addf %get3A_947, %get3A_953 : vector<16xf32>
      %swap3A_955 = arith.constant 0 : i32
      %swap3A_956 = arith.index_cast %swap3A_955 : i32 to index
      %swap3A_957 = arith.index_cast %scan3A_863 : i32 to index
      %swap3A_958 = arith.constant 64 : index
      %swap3A_959 = tpu.vector_load %arg8[%swap3A_956, %swap3A_957, %swap3A_958] {strides = array<i32>} : memref<2x80x128xf32, #tpu.memory_space<vmem>>, vector<1x1x16xf32>,
      %swap3A_960 = vector.shape_cast %swap3A_959 : vector<1x1x16xf32> to vector<16xf32>
      %swap3A_961 = vector.shape_cast %add3A_954 : vector<16xf32> to vector<1x1x16xf32>
      tpu.vector_store %arg8[%swap3A_956, %swap3A_957, %swap3A_958], %swap3A_961 {strides = array<i32>} : memref<2x80x128xf32, #tpu.memory_space<vmem>>, vector<1x1x16xf32>,
      %get3A_962 = arith.constant 0 : i32
      %get3A_963 = arith.index_cast %get3A_962 : i32 to index
      %get3A_964 = arith.index_cast %scan3A_863 : i32 to index
      %get3A_965 = arith.constant 80 : index
      %get3A_966 = tpu.vector_load %arg8[%get3A_963, %get3A_964, %get3A_965] {strides = array<i32>} : memref<2x80x128xf32, #tpu.memory_space<vmem>>, vector<1x1x16xf32>,
      %get3A_967 = vector.shape_cast %get3A_966 : vector<1x1x16xf32> to vector<16xf32>
      %get3A_968 = arith.constant 0 : i32
      %get3A_969 = arith.index_cast %get3A_968 : i32 to index
      %get3A_970 = arith.index_cast %scan3A_863 : i32 to index
      %get3A_971 = arith.constant 80 : index
      %get3A_972 = tpu.vector_load %arg9[%get3A_969, %get3A_970, %get3A_971] {strides = array<i32>} : memref<2x80x128xf32, #tpu.memory_space<vmem>>, vector<1x1x16xf32>,
      %get3A_973 = vector.shape_cast %get3A_972 : vector<1x1x16xf32> to vector<16xf32>
      %add3A_974 = arith.addf %get3A_967, %get3A_973 : vector<16xf32>
      %swap3A_975 = arith.constant 0 : i32
      %swap3A_976 = arith.index_cast %swap3A_975 : i32 to index
      %swap3A_977 = arith.index_cast %scan3A_863 : i32 to index
      %swap3A_978 = arith.constant 80 : index
      %swap3A_979 = tpu.vector_load %arg8[%swap3A_976, %swap3A_977, %swap3A_978] {strides = array<i32>} : memref<2x80x128xf32, #tpu.memory_space<vmem>>, vector<1x1x16xf32>,
      %swap3A_980 = vector.shape_cast %swap3A_979 : vector<1x1x16xf32> to vector<16xf32>
      %swap3A_981 = vector.shape_cast %add3A_974 : vector<16xf32> to vector<1x1x16xf32>
      tpu.vector_store %arg8[%swap3A_976, %swap3A_977, %swap3A_978], %swap3A_981 {strides = array<i32>} : memref<2x80x128xf32, #tpu.memory_space<vmem>>, vector<1x1x16xf32>,
      %get3A_982 = arith.constant 0 : i32
      %get3A_983 = arith.index_cast %get3A_982 : i32 to index
      %get3A_984 = arith.index_cast %scan3A_863 : i32 to index
      %get3A_985 = arith.constant 96 : index
      %get3A_986 = tpu.vector_load %arg8[%get3A_983, %get3A_984, %get3A_985] {strides = array<i32>} : memref<2x80x128xf32, #tpu.memory_space<vmem>>, vector<1x1x16xf32>,
      %get3A_987 = vector.shape_cast %get3A_986 : vector<1x1x16xf32> to vector<16xf32>
      %get3A_988 = arith.constant 0 : i32
      %get3A_989 = arith.index_cast %get3A_988 : i32 to index
      %get3A_990 = arith.index_cast %scan3A_863 : i32 to index
      %get3A_991 = arith.constant 96 : index
      %get3A_992 = tpu.vector_load %arg9[%get3A_989, %get3A_990, %get3A_991] {strides = array<i32>} : memref<2x80x128xf32, #tpu.memory_space<vmem>>, vector<1x1x16xf32>,
      %get3A_993 = vector.shape_cast %get3A_992 : vector<1x1x16xf32> to vector<16xf32>
      %add3A_994 = arith.addf %get3A_987, %get3A_993 : vector<16xf32>
      %swap3A_995 = arith.constant 0 : i32
      %swap3A_996 = arith.index_cast %swap3A_995 : i32 to index
      %swap3A_997 = arith.index_cast %scan3A_863 : i32 to index
      %swap3A_998 = arith.constant 96 : index
      %swap3A_999 = tpu.vector_load %arg8[%swap3A_996, %swap3A_997, %swap3A_998] {strides = array<i32>} : memref<2x80x128xf32, #tpu.memory_space<vmem>>, vector<1x1x16xf32>,
      %swap3A_1000 = vector.shape_cast %swap3A_999 : vector<1x1x16xf32> to vector<16xf32>
      %swap3A_1001 = vector.shape_cast %add3A_994 : vector<16xf32> to vector<1x1x16xf32>
      tpu.vector_store %arg8[%swap3A_996, %swap3A_997, %swap3A_998], %swap3A_1001 {strides = array<i32>} : memref<2x80x128xf32, #tpu.memory_space<vmem>>, vector<1x1x16xf32>,
      %get3A_1002 = arith.constant 0 : i32
      %get3A_1003 = arith.index_cast %get3A_1002 : i32 to index
      %get3A_1004 = arith.index_cast %scan3A_863 : i32 to index
      %get3A_1005 = arith.constant 112 : index
      %get3A_1006 = tpu.vector_load %arg8[%get3A_1003, %get3A_1004, %get3A_1005] {strides = array<i32>} : memref<2x80x128xf32, #tpu.memory_space<vmem>>, vector<1x1x16xf32>,
      %get3A_1007 = vector.shape_cast %get3A_1006 : vector<1x1x16xf32> to vector<16xf32>
      %get3A_1008 = arith.constant 0 : i32
      %get3A_1009 = arith.index_cast %get3A_1008 : i32 to index
      %get3A_1010 = arith.index_cast %scan3A_863 : i32 to index
      %get3A_1011 = arith.constant 112 : index
      %get3A_1012 = tpu.vector_load %arg9[%get3A_1009, %get3A_1010, %get3A_1011] {strides = array<i32>} : memref<2x80x128xf32, #tpu.memory_space<vmem>>, vector<1x1x16xf32>,
      %get3A_1013 = vector.shape_cast %get3A_1012 : vector<1x1x16xf32> to vector<16xf32>
      %add3A_1014 = arith.addf %get3A_1007, %get3A_1013 : vector<16xf32>
      %swap3A_1015 = arith.constant 0 : i32
      %swap3A_1016 = arith.index_cast %swap3A_1015 : i32 to index
      %swap3A_1017 = arith.index_cast %scan3A_863 : i32 to index
      %swap3A_1018 = arith.constant 112 : index
      %swap3A_1019 = tpu.vector_load %arg8[%swap3A_1016, %swap3A_1017, %swap3A_1018] {strides = array<i32>} : memref<2x80x128xf32, #tpu.memory_space<vmem>>, vector<1x1x16xf32>,
      %swap3A_1020 = vector.shape_cast %swap3A_1019 : vector<1x1x16xf32> to vector<16xf32>
      %swap3A_1021 = vector.shape_cast %add3A_1014 : vector<16xf32> to vector<1x1x16xf32>
      tpu.vector_store %arg8[%swap3A_1016, %swap3A_1017, %swap3A_1018], %swap3A_1021 {strides = array<i32>} : memref<2x80x128xf32, #tpu.memory_space<vmem>>, vector<1x1x16xf32>,
    }
    %scan3A_590 = arith.constant 80 : i32
    %dma_start3A_591 = arith.constant 0 : i32
    %dma_start3A_592 = arith.constant 2 : i32
    %dma_start3A_593 = arith.constant 0 : i32
    %dma_start3A_594 = arith.constant 0 : i32
    %dma_start3A_595 = arith.constant 0 : i32
    %dma_start3A_596 = tpu.memref_slice %arg8[%dma_start3A_591, %dma_start3A_594, %dma_start3A_595] : memref<2x80x128xf32, #tpu.memory_space<vmem>> -> memref<1x80x128xf32, #tpu.memory_space<vmem>>
    %dma_start3A_597 = tpu.memref_squeeze %dma_start3A_596 : memref<1x80x128xf32, #tpu.memory_space<vmem>> -> memref<80x128xf32, #tpu.memory_space<vmem>>
    %dma_start3A_598 = arith.constant 0 : i32
    %dma_start3A_599 = tpu.memref_slice %arg7[%dma_start3A_592, %dma_start3A_593, %dma_start3A_598] : memref<4x1x80xi32, #tpu.memory_space<vmem>> -> memref<1x1x80xi32, #tpu.memory_space<vmem>>
    %dma_start3A_600 = tpu.memref_squeeze %dma_start3A_599 : memref<1x1x80xi32, #tpu.memory_space<vmem>> -> memref<80xi32, #tpu.memory_space<vmem>>
    %dma_start3A_601 = arith.constant 0 : i32
    %dma_start3A_602 = arith.constant 0 : i32
    %dma_start3A_603 = tpu.memref_slice %arg10[%dma_start3A_601, %dma_start3A_602] : memref<10000x128xf32, #tpu.memory_space<vmem_shared>> -> memref<10000x128xf32, #tpu.memory_space<vmem_shared>>
    tpu.enqueue_indirect_dma source(%dma_start3A_597 : memref<80x128xf32, #tpu.memory_space<vmem>>) target(%dma_start3A_603 : memref<10000x128xf32, #tpu.memory_space<vmem_shared>>) offsets(%dma_start3A_600 : memref<80xi32, #tpu.memory_space<vmem>>) semaphore(%arg13 : memref<!tpu.dma_semaphore, #tpu.memory_space<semaphore_mem>>) {add = true}
    %mul3A_604 = arith.constant 125 : i32
    %mul3A_605 = arith.muli %add3A, %mul3A_604 : i32
    %add3A_606 = arith.constant 124 : i32
    %add3A_607 = arith.addi %mul3A_605, %add3A_606 : i32
    %dma_start3A_608 = arith.constant 0 : i32
    %dma_start3A_609 = arith.constant 0 : i32
    %dma_start3A_610 = arith.constant 0 : i32
    %dma_start3A_611 = arith.constant 0 : i32
    %dma_start3A_612 = tpu.memref_slice %arg6[%dma_start3A_609, %dma_start3A_610, %dma_start3A_611] : memref<4x1x80xi32, #tpu.memory_space<vmem>> -> memref<1x1x80xi32, #tpu.memory_space<vmem>>
    %dma_start3A_613 = tpu.memref_squeeze %dma_start3A_612 : memref<1x1x80xi32, #tpu.memory_space<vmem>> -> memref<1x80xi32, #tpu.memory_space<vmem>>
    %dma_start3A_614 = arith.constant 0 : i32
    %dma_start3A_615 = arith.constant 0 : i32
    %dma_start3A_616 = tpu.memref_slice %arg4[%dma_start3A_608, %add3A_607, %dma_start3A_614, %dma_start3A_615] : memref<2x4000x1x80xi32, #tpu.memory_space<hbm>> -> memref<1x1x1x80xi32, #tpu.memory_space<hbm>>
    %dma_start3A_617 = tpu.memref_squeeze %dma_start3A_616 : memref<1x1x1x80xi32, #tpu.memory_space<hbm>> -> memref<1x80xi32, #tpu.memory_space<hbm>>
    %dma_start3A_618 = arith.constant 0 : i32
    %dma_start3A_619 = arith.constant 0 : i32
    %dma_start3A_620 = tpu.memref_slice %arg6[%dma_start3A_609, %dma_start3A_618, %dma_start3A_619] : memref<4x1x80xi32, #tpu.memory_space<vmem>> -> memref<1x1x80xi32, #tpu.memory_space<vmem>>
    %dma_start3A_621 = tpu.memref_squeeze %dma_start3A_620 : memref<1x1x80xi32, #tpu.memory_space<vmem>> -> memref<1x80xi32, #tpu.memory_space<vmem>>
    %dma_start3A_622 = arith.constant 0 : i32
    %dma_start3A_623 = arith.constant 0 : i32
    %dma_start3A_624 = tpu.memref_slice %arg4[%dma_start3A_608, %add3A_607, %dma_start3A_622, %dma_start3A_623] : memref<2x4000x1x80xi32, #tpu.memory_space<hbm>> -> memref<1x1x1x80xi32, #tpu.memory_space<hbm>>
    %dma_start3A_625 = tpu.memref_squeeze %dma_start3A_624 : memref<1x1x1x80xi32, #tpu.memory_space<hbm>> -> memref<1x80xi32, #tpu.memory_space<hbm>>
    tpu.enqueue_dma source(%dma_start3A_625 : memref<1x80xi32, #tpu.memory_space<hbm>>) target(%dma_start3A_621 : memref<1x80xi32, #tpu.memory_space<vmem>>) target_semaphore(%arg14 : memref<!tpu.dma_semaphore, #tpu.memory_space<semaphore_mem>>)
    %mul3A_626 = arith.constant 125 : i32
    %mul3A_627 = arith.muli %add3A, %mul3A_626 : i32
    %add3A_628 = arith.constant 124 : i32
    %add3A_629 = arith.addi %mul3A_627, %add3A_628 : i32
    %dma_start3A_630 = arith.constant 1 : i32
    %dma_start3A_631 = arith.constant 0 : i32
    %dma_start3A_632 = arith.constant 0 : i32
    %dma_start3A_633 = arith.constant 0 : i32
    %dma_start3A_634 = tpu.memref_slice %arg7[%dma_start3A_631, %dma_start3A_632, %dma_start3A_633] : memref<4x1x80xi32, #tpu.memory_space<vmem>> -> memref<1x1x80xi32, #tpu.memory_space<vmem>>
    %dma_start3A_635 = tpu.memref_squeeze %dma_start3A_634 : memref<1x1x80xi32, #tpu.memory_space<vmem>> -> memref<1x80xi32, #tpu.memory_space<vmem>>
    %dma_start3A_636 = arith.constant 0 : i32
    %dma_start3A_637 = arith.constant 0 : i32
    %dma_start3A_638 = tpu.memref_slice %arg4[%dma_start3A_630, %add3A_629, %dma_start3A_636, %dma_start3A_637] : memref<2x4000x1x80xi32, #tpu.memory_space<hbm>> -> memref<1x1x1x80xi32, #tpu.memory_space<hbm>>
    %dma_start3A_639 = tpu.memref_squeeze %dma_start3A_638 : memref<1x1x1x80xi32, #tpu.memory_space<hbm>> -> memref<1x80xi32, #tpu.memory_space<hbm>>
    %dma_start3A_640 = arith.constant 0 : i32
    %dma_start3A_641 = arith.constant 0 : i32
    %dma_start3A_642 = tpu.memref_slice %arg7[%dma_start3A_631, %dma_start3A_640, %dma_start3A_641] : memref<4x1x80xi32, #tpu.memory_space<vmem>> -> memref<1x1x80xi32, #tpu.memory_space<vmem>>
    %dma_start3A_643 = tpu.memref_squeeze %dma_start3A_642 : memref<1x1x80xi32, #tpu.memory_space<vmem>> -> memref<1x80xi32, #tpu.memory_space<vmem>>
    %dma_start3A_644 = arith.constant 0 : i32
    %dma_start3A_645 = arith.constant 0 : i32
    %dma_start3A_646 = tpu.memref_slice %arg4[%dma_start3A_630, %add3A_629, %dma_start3A_644, %dma_start3A_645] : memref<2x4000x1x80xi32, #tpu.memory_space<hbm>> -> memref<1x1x1x80xi32, #tpu.memory_space<hbm>>
    %dma_start3A_647 = tpu.memref_squeeze %dma_start3A_646 : memref<1x1x1x80xi32, #tpu.memory_space<hbm>> -> memref<1x80xi32, #tpu.memory_space<hbm>>
    tpu.enqueue_dma source(%dma_start3A_647 : memref<1x80xi32, #tpu.memory_space<hbm>>) target(%dma_start3A_643 : memref<1x80xi32, #tpu.memory_space<vmem>>) target_semaphore(%arg15 : memref<!tpu.dma_semaphore, #tpu.memory_space<semaphore_mem>>)
    %dma_wait3A_648 = arith.constant 3 : i32
    %dma_wait3A_649 = arith.constant 0 : i32
    %dma_wait3A_650 = arith.constant 1 : i32
    %dma_wait3A_651 = arith.constant 0 : i32
    %dma_wait3A_652 = arith.constant 0 : i32
    %dma_wait3A_653 = tpu.memref_slice %arg8[%dma_wait3A_650, %dma_wait3A_651, %dma_wait3A_652] : memref<2x80x128xf32, #tpu.memory_space<vmem>> -> memref<1x80x128xf32, #tpu.memory_space<vmem>>
    %dma_wait3A_654 = tpu.memref_squeeze %dma_wait3A_653 : memref<1x80x128xf32, #tpu.memory_space<vmem>> -> memref<80x128xf32, #tpu.memory_space<vmem>>
    %dma_wait3A_655 = arith.constant 0 : i32
    %dma_wait3A_656 = tpu.memref_slice %arg6[%dma_wait3A_648, %dma_wait3A_649, %dma_wait3A_655] : memref<4x1x80xi32, #tpu.memory_space<vmem>> -> memref<1x1x80xi32, #tpu.memory_space<vmem>>
    %dma_wait3A_657 = tpu.memref_squeeze %dma_wait3A_656 : memref<1x1x80xi32, #tpu.memory_space<vmem>> -> memref<80xi32, #tpu.memory_space<vmem>>
    %dma_wait3A_658 = arith.constant 0 : i32
    %dma_wait3A_659 = arith.constant 0 : i32
    %dma_wait3A_660 = tpu.memref_slice %arg2[%dma_wait3A_658, %dma_wait3A_659] : memref<10000x128xf32, #tpu.memory_space<hbm>> -> memref<10000x128xf32, #tpu.memory_space<hbm>>
    tpu.wait_indirect_dma semaphore(%arg11 : memref<!tpu.dma_semaphore, #tpu.memory_space<semaphore_mem>>) src(%dma_wait3A_660 : memref<10000x128xf32, #tpu.memory_space<hbm>>) dst(%dma_wait3A_654 : memref<80x128xf32, #tpu.memory_space<vmem>>)
    %add3A_661 = arith.constant 9840 : i32
    %add3A_662 = arith.addi %mul3A_2, %add3A_661 : i32
    %dma_wait3A_663 = arith.constant 1 : i32
    %dma_wait3A_664 = arith.constant 0 : i32
    %dma_wait3A_665 = arith.constant 0 : i32
    %dma_wait3A_666 = tpu.memref_slice %arg9[%dma_wait3A_663, %dma_wait3A_664, %dma_wait3A_665] : memref<2x80x128xf32, #tpu.memory_space<vmem>> -> memref<1x80x128xf32, #tpu.memory_space<vmem>>
    %dma_wait3A_667 = tpu.memref_squeeze %dma_wait3A_666 : memref<1x80x128xf32, #tpu.memory_space<vmem>> -> memref<80x128xf32, #tpu.memory_space<vmem>>
    %dma_wait3A_668 = arith.constant 0 : i32
    %dma_wait3A_669 = tpu.memref_slice %arg3[%add3A_662, %dma_wait3A_668] : memref<320000x128xf32, #tpu.memory_space<hbm>> -> memref<80x128xf32, #tpu.memory_space<hbm>>
    %dma_wait3A_670 = arith.constant 0 : i32
    %dma_wait3A_671 = arith.constant 0 : i32
    %dma_wait3A_672 = tpu.memref_slice %arg9[%dma_wait3A_663, %dma_wait3A_670, %dma_wait3A_671] : memref<2x80x128xf32, #tpu.memory_space<vmem>> -> memref<1x80x128xf32, #tpu.memory_space<vmem>>
    %dma_wait3A_673 = tpu.memref_squeeze %dma_wait3A_672 : memref<1x80x128xf32, #tpu.memory_space<vmem>> -> memref<80x128xf32, #tpu.memory_space<vmem>>
    %dma_wait3A_674 = arith.constant 0 : i32
    %dma_wait3A_675 = tpu.memref_slice %arg3[%add3A_662, %dma_wait3A_674] : memref<320000x128xf32, #tpu.memory_space<hbm>> -> memref<80x128xf32, #tpu.memory_space<hbm>>
    tpu.wait_dma2 semaphore(%arg12 : memref<!tpu.dma_semaphore, #tpu.memory_space<semaphore_mem>>) src(%dma_wait3A_675 : memref<80x128xf32, #tpu.memory_space<hbm>>) dst(%dma_wait3A_673 : memref<80x128xf32, #tpu.memory_space<vmem>>)
    %dma_wait3A_676 = arith.constant 0 : i32
    %dma_wait3A_677 = arith.constant 2 : i32
    %dma_wait3A_678 = arith.constant 0 : i32
    %dma_wait3A_679 = arith.constant 0 : i32
    %dma_wait3A_680 = arith.constant 0 : i32
    %dma_wait3A_681 = tpu.memref_slice %arg8[%dma_wait3A_676, %dma_wait3A_679, %dma_wait3A_680] : memref<2x80x128xf32, #tpu.memory_space<vmem>> -> memref<1x80x128xf32, #tpu.memory_space<vmem>>
    %dma_wait3A_682 = tpu.memref_squeeze %dma_wait3A_681 : memref<1x80x128xf32, #tpu.memory_space<vmem>> -> memref<80x128xf32, #tpu.memory_space<vmem>>
    %dma_wait3A_683 = arith.constant 0 : i32
    %dma_wait3A_684 = tpu.memref_slice %arg7[%dma_wait3A_677, %dma_wait3A_678, %dma_wait3A_683] : memref<4x1x80xi32, #tpu.memory_space<vmem>> -> memref<1x1x80xi32, #tpu.memory_space<vmem>>
    %dma_wait3A_685 = tpu.memref_squeeze %dma_wait3A_684 : memref<1x1x80xi32, #tpu.memory_space<vmem>> -> memref<80xi32, #tpu.memory_space<vmem>>
    %dma_wait3A_686 = arith.constant 0 : i32
    %dma_wait3A_687 = arith.constant 0 : i32
    %dma_wait3A_688 = tpu.memref_slice %arg10[%dma_wait3A_686, %dma_wait3A_687] : memref<10000x128xf32, #tpu.memory_space<vmem_shared>> -> memref<10000x128xf32, #tpu.memory_space<vmem_shared>>
    tpu.wait_indirect_dma semaphore(%arg13 : memref<!tpu.dma_semaphore, #tpu.memory_space<semaphore_mem>>) src(%dma_wait3A_682 : memref<80x128xf32, #tpu.memory_space<vmem>>) dst(%dma_wait3A_688 : memref<10000x128xf32, #tpu.memory_space<vmem_shared>>)
    %mul3A_689 = arith.constant 125 : i32
    %mul3A_690 = arith.muli %add3A, %mul3A_689 : i32
    %add3A_691 = arith.constant 124 : i32
    %add3A_692 = arith.addi %mul3A_690, %add3A_691 : i32
    %dma_wait3A_693 = arith.constant 0 : i32
    %dma_wait3A_694 = arith.constant 0 : i32
    %dma_wait3A_695 = arith.constant 0 : i32
    %dma_wait3A_696 = arith.constant 0 : i32
    %dma_wait3A_697 = tpu.memref_slice %arg6[%dma_wait3A_694, %dma_wait3A_695, %dma_wait3A_696] : memref<4x1x80xi32, #tpu.memory_space<vmem>> -> memref<1x1x80xi32, #tpu.memory_space<vmem>>
    %dma_wait3A_698 = tpu.memref_squeeze %dma_wait3A_697 : memref<1x1x80xi32, #tpu.memory_space<vmem>> -> memref<1x80xi32, #tpu.memory_space<vmem>>
    %dma_wait3A_699 = arith.constant 0 : i32
    %dma_wait3A_700 = arith.constant 0 : i32
    %dma_wait3A_701 = tpu.memref_slice %arg4[%dma_wait3A_693, %add3A_692, %dma_wait3A_699, %dma_wait3A_700] : memref<2x4000x1x80xi32, #tpu.memory_space<hbm>> -> memref<1x1x1x80xi32, #tpu.memory_space<hbm>>
    %dma_wait3A_702 = tpu.memref_squeeze %dma_wait3A_701 : memref<1x1x1x80xi32, #tpu.memory_space<hbm>> -> memref<1x80xi32, #tpu.memory_space<hbm>>
    %dma_wait3A_703 = arith.constant 0 : i32
    %dma_wait3A_704 = arith.constant 0 : i32
    %dma_wait3A_705 = tpu.memref_slice %arg6[%dma_wait3A_694, %dma_wait3A_703, %dma_wait3A_704] : memref<4x1x80xi32, #tpu.memory_space<vmem>> -> memref<1x1x80xi32, #tpu.memory_space<vmem>>
    %dma_wait3A_706 = tpu.memref_squeeze %dma_wait3A_705 : memref<1x1x80xi32, #tpu.memory_space<vmem>> -> memref<1x80xi32, #tpu.memory_space<vmem>>
    %dma_wait3A_707 = arith.constant 0 : i32
    %dma_wait3A_708 = arith.constant 0 : i32
    %dma_wait3A_709 = tpu.memref_slice %arg4[%dma_wait3A_693, %add3A_692, %dma_wait3A_707, %dma_wait3A_708] : memref<2x4000x1x80xi32, #tpu.memory_space<hbm>> -> memref<1x1x1x80xi32, #tpu.memory_space<hbm>>
    %dma_wait3A_710 = tpu.memref_squeeze %dma_wait3A_709 : memref<1x1x1x80xi32, #tpu.memory_space<hbm>> -> memref<1x80xi32, #tpu.memory_space<hbm>>
    tpu.wait_dma2 semaphore(%arg14 : memref<!tpu.dma_semaphore, #tpu.memory_space<semaphore_mem>>) src(%dma_wait3A_710 : memref<1x80xi32, #tpu.memory_space<hbm>>) dst(%dma_wait3A_706 : memref<1x80xi32, #tpu.memory_space<vmem>>)
    %mul3A_711 = arith.constant 125 : i32
    %mul3A_712 = arith.muli %add3A, %mul3A_711 : i32
    %add3A_713 = arith.constant 124 : i32
    %add3A_714 = arith.addi %mul3A_712, %add3A_713 : i32
    %dma_wait3A_715 = arith.constant 1 : i32
    %dma_wait3A_716 = arith.constant 0 : i32
    %dma_wait3A_717 = arith.constant 0 : i32
    %dma_wait3A_718 = arith.constant 0 : i32
    %dma_wait3A_719 = tpu.memref_slice %arg7[%dma_wait3A_716, %dma_wait3A_717, %dma_wait3A_718] : memref<4x1x80xi32, #tpu.memory_space<vmem>> -> memref<1x1x80xi32, #tpu.memory_space<vmem>>
    %dma_wait3A_720 = tpu.memref_squeeze %dma_wait3A_719 : memref<1x1x80xi32, #tpu.memory_space<vmem>> -> memref<1x80xi32, #tpu.memory_space<vmem>>
    %dma_wait3A_721 = arith.constant 0 : i32
    %dma_wait3A_722 = arith.constant 0 : i32
    %dma_wait3A_723 = tpu.memref_slice %arg4[%dma_wait3A_715, %add3A_714, %dma_wait3A_721, %dma_wait3A_722] : memref<2x4000x1x80xi32, #tpu.memory_space<hbm>> -> memref<1x1x1x80xi32, #tpu.memory_space<hbm>>
    %dma_wait3A_724 = tpu.memref_squeeze %dma_wait3A_723 : memref<1x1x1x80xi32, #tpu.memory_space<hbm>> -> memref<1x80xi32, #tpu.memory_space<hbm>>
    %dma_wait3A_725 = arith.constant 0 : i32
    %dma_wait3A_726 = arith.constant 0 : i32
    %dma_wait3A_727 = tpu.memref_slice %arg7[%dma_wait3A_716, %dma_wait3A_725, %dma_wait3A_726] : memref<4x1x80xi32, #tpu.memory_space<vmem>> -> memref<1x1x80xi32, #tpu.memory_space<vmem>>
    %dma_wait3A_728 = tpu.memref_squeeze %dma_wait3A_727 : memref<1x1x80xi32, #tpu.memory_space<vmem>> -> memref<1x80xi32, #tpu.memory_space<vmem>>
    %dma_wait3A_729 = arith.constant 0 : i32
    %dma_wait3A_730 = arith.constant 0 : i32
    %dma_wait3A_731 = tpu.memref_slice %arg4[%dma_wait3A_715, %add3A_714, %dma_wait3A_729, %dma_wait3A_730] : memref<2x4000x1x80xi32, #tpu.memory_space<hbm>> -> memref<1x1x1x80xi32, #tpu.memory_space<hbm>>
    %dma_wait3A_732 = tpu.memref_squeeze %dma_wait3A_731 : memref<1x1x1x80xi32, #tpu.memory_space<hbm>> -> memref<1x80xi32, #tpu.memory_space<hbm>>
    tpu.wait_dma2 semaphore(%arg15 : memref<!tpu.dma_semaphore, #tpu.memory_space<semaphore_mem>>) src(%dma_wait3A_732 : memref<1x80xi32, #tpu.memory_space<hbm>>) dst(%dma_wait3A_728 : memref<1x80xi32, #tpu.memory_space<vmem>>)
    %dma_start3A_733 = arith.constant 0 : i32
    %dma_start3A_734 = arith.constant 0 : i32
    %dma_start3A_735 = arith.constant 0 : i32
    %dma_start3A_736 = arith.constant 0 : i32
    %dma_start3A_737 = arith.constant 0 : i32
    %dma_start3A_738 = tpu.memref_slice %arg8[%dma_start3A_735, %dma_start3A_736, %dma_start3A_737] : memref<2x80x128xf32, #tpu.memory_space<vmem>> -> memref<1x80x128xf32, #tpu.memory_space<vmem>>
    %dma_start3A_739 = tpu.memref_squeeze %dma_start3A_738 : memref<1x80x128xf32, #tpu.memory_space<vmem>> -> memref<80x128xf32, #tpu.memory_space<vmem>>
    %dma_start3A_740 = arith.constant 0 : i32
    %dma_start3A_741 = tpu.memref_slice %arg6[%dma_start3A_733, %dma_start3A_734, %dma_start3A_740] : memref<4x1x80xi32, #tpu.memory_space<vmem>> -> memref<1x1x80xi32, #tpu.memory_space<vmem>>
    %dma_start3A_742 = tpu.memref_squeeze %dma_start3A_741 : memref<1x1x80xi32, #tpu.memory_space<vmem>> -> memref<80xi32, #tpu.memory_space<vmem>>
    %dma_start3A_743 = arith.constant 0 : i32
    %dma_start3A_744 = arith.constant 0 : i32
    %dma_start3A_745 = tpu.memref_slice %arg2[%dma_start3A_743, %dma_start3A_744] : memref<10000x128xf32, #tpu.memory_space<hbm>> -> memref<10000x128xf32, #tpu.memory_space<hbm>>
    tpu.enqueue_indirect_dma source(%dma_start3A_745 : memref<10000x128xf32, #tpu.memory_space<hbm>>) target(%dma_start3A_739 : memref<80x128xf32, #tpu.memory_space<vmem>>) offsets(%dma_start3A_742 : memref<80xi32, #tpu.memory_space<vmem>>) semaphore(%arg11 : memref<!tpu.dma_semaphore, #tpu.memory_space<semaphore_mem>>)
    %add3A_746 = arith.constant 9920 : i32
    %add3A_747 = arith.addi %mul3A_2, %add3A_746 : i32
    %dma_start3A_748 = arith.constant 0 : i32
    %dma_start3A_749 = arith.constant 0 : i32
    %dma_start3A_750 = arith.constant 0 : i32
    %dma_start3A_751 = tpu.memref_slice %arg9[%dma_start3A_748, %dma_start3A_749, %dma_start3A_750] : memref<2x80x128xf32, #tpu.memory_space<vmem>> -> memref<1x80x128xf32, #tpu.memory_space<vmem>>
    %dma_start3A_752 = tpu.memref_squeeze %dma_start3A_751 : memref<1x80x128xf32, #tpu.memory_space<vmem>> -> memref<80x128xf32, #tpu.memory_space<vmem>>
    %dma_start3A_753 = arith.constant 0 : i32
    %dma_start3A_754 = tpu.memref_slice %arg3[%add3A_747, %dma_start3A_753] : memref<320000x128xf32, #tpu.memory_space<hbm>> -> memref<80x128xf32, #tpu.memory_space<hbm>>
    %dma_start3A_755 = arith.constant 0 : i32
    %dma_start3A_756 = arith.constant 0 : i32
    %dma_start3A_757 = tpu.memref_slice %arg9[%dma_start3A_748, %dma_start3A_755, %dma_start3A_756] : memref<2x80x128xf32, #tpu.memory_space<vmem>> -> memref<1x80x128xf32, #tpu.memory_space<vmem>>
    %dma_start3A_758 = tpu.memref_squeeze %dma_start3A_757 : memref<1x80x128xf32, #tpu.memory_space<vmem>> -> memref<80x128xf32, #tpu.memory_space<vmem>>
    %dma_start3A_759 = arith.constant 0 : i32
    %dma_start3A_760 = tpu.memref_slice %arg3[%add3A_747, %dma_start3A_759] : memref<320000x128xf32, #tpu.memory_space<hbm>> -> memref<80x128xf32, #tpu.memory_space<hbm>>
    tpu.enqueue_dma source(%dma_start3A_760 : memref<80x128xf32, #tpu.memory_space<hbm>>) target(%dma_start3A_758 : memref<80x128xf32, #tpu.memory_space<vmem>>) target_semaphore(%arg12 : memref<!tpu.dma_semaphore, #tpu.memory_space<semaphore_mem>>)
    %scan3A_761 = arith.constant 0 : i32
    %scan3A_762 = arith.constant 0 : i32
    %scan3A_763 = arith.constant 80 : i32
    %scan3A_764 = arith.addi %scan3A_762, %scan3A_763 : i32
    %scan3A_765 = arith.constant 1 : i32
    scf.for %scan3A_863 = %scan3A_762 to %scan3A_764 step %scan3A_765  : i32 {
      %get3A = arith.constant 1 : i32
      %get3A_864 = arith.index_cast %get3A : i32 to index
      %get3A_865 = arith.index_cast %scan3A_863 : i32 to index
      %get3A_866 = arith.constant 0 : index
      %get3A_867 = tpu.vector_load %arg8[%get3A_864, %get3A_865, %get3A_866] {strides = array<i32>} : memref<2x80x128xf32, #tpu.memory_space<vmem>>, vector<1x1x16xf32>,
      %get3A_868 = vector.shape_cast %get3A_867 : vector<1x1x16xf32> to vector<16xf32>
      %get3A_869 = arith.constant 1 : i32
      %get3A_870 = arith.index_cast %get3A_869 : i32 to index
      %get3A_871 = arith.index_cast %scan3A_863 : i32 to index
      %get3A_872 = arith.constant 0 : index
      %get3A_873 = tpu.vector_load %arg9[%get3A_870, %get3A_871, %get3A_872] {strides = array<i32>} : memref<2x80x128xf32, #tpu.memory_space<vmem>>, vector<1x1x16xf32>,
      %get3A_874 = vector.shape_cast %get3A_873 : vector<1x1x16xf32> to vector<16xf32>
      %add3A_875 = arith.addf %get3A_868, %get3A_874 : vector<16xf32>
      %swap3A = arith.constant 1 : i32
      %swap3A_876 = arith.index_cast %swap3A : i32 to index
      %swap3A_877 = arith.index_cast %scan3A_863 : i32 to index
      %swap3A_878 = arith.constant 0 : index
      %swap3A_879 = tpu.vector_load %arg8[%swap3A_876, %swap3A_877, %swap3A_878] {strides = array<i32>} : memref<2x80x128xf32, #tpu.memory_space<vmem>>, vector<1x1x16xf32>,
      %swap3A_880 = vector.shape_cast %swap3A_879 : vector<1x1x16xf32> to vector<16xf32>
      %swap3A_881 = vector.shape_cast %add3A_875 : vector<16xf32> to vector<1x1x16xf32>
      tpu.vector_store %arg8[%swap3A_876, %swap3A_877, %swap3A_878], %swap3A_881 {strides = array<i32>} : memref<2x80x128xf32, #tpu.memory_space<vmem>>, vector<1x1x16xf32>,
      %get3A_882 = arith.constant 1 : i32
      %get3A_883 = arith.index_cast %get3A_882 : i32 to index
      %get3A_884 = arith.index_cast %scan3A_863 : i32 to index
      %get3A_885 = arith.constant 16 : index
      %get3A_886 = tpu.vector_load %arg8[%get3A_883, %get3A_884, %get3A_885] {strides = array<i32>} : memref<2x80x128xf32, #tpu.memory_space<vmem>>, vector<1x1x16xf32>,
      %get3A_887 = vector.shape_cast %get3A_886 : vector<1x1x16xf32> to vector<16xf32>
      %get3A_888 = arith.constant 1 : i32
      %get3A_889 = arith.index_cast %get3A_888 : i32 to index
      %get3A_890 = arith.index_cast %scan3A_863 : i32 to index
      %get3A_891 = arith.constant 16 : index
      %get3A_892 = tpu.vector_load %arg9[%get3A_889, %get3A_890, %get3A_891] {strides = array<i32>} : memref<2x80x128xf32, #tpu.memory_space<vmem>>, vector<1x1x16xf32>,
      %get3A_893 = vector.shape_cast %get3A_892 : vector<1x1x16xf32> to vector<16xf32>
      %add3A_894 = arith.addf %get3A_887, %get3A_893 : vector<16xf32>
      %swap3A_895 = arith.constant 1 : i32
      %swap3A_896 = arith.index_cast %swap3A_895 : i32 to index
      %swap3A_897 = arith.index_cast %scan3A_863 : i32 to index
      %swap3A_898 = arith.constant 16 : index
      %swap3A_899 = tpu.vector_load %arg8[%swap3A_896, %swap3A_897, %swap3A_898] {strides = array<i32>} : memref<2x80x128xf32, #tpu.memory_space<vmem>>, vector<1x1x16xf32>,
      %swap3A_900 = vector.shape_cast %swap3A_899 : vector<1x1x16xf32> to vector<16xf32>
      %swap3A_901 = vector.shape_cast %add3A_894 : vector<16xf32> to vector<1x1x16xf32>
      tpu.vector_store %arg8[%swap3A_896, %swap3A_897, %swap3A_898], %swap3A_901 {strides = array<i32>} : memref<2x80x128xf32, #tpu.memory_space<vmem>>, vector<1x1x16xf32>,
      %get3A_902 = arith.constant 1 : i32
      %get3A_903 = arith.index_cast %get3A_902 : i32 to index
      %get3A_904 = arith.index_cast %scan3A_863 : i32 to index
      %get3A_905 = arith.constant 32 : index
      %get3A_906 = tpu.vector_load %arg8[%get3A_903, %get3A_904, %get3A_905] {strides = array<i32>} : memref<2x80x128xf32, #tpu.memory_space<vmem>>, vector<1x1x16xf32>,
      %get3A_907 = vector.shape_cast %get3A_906 : vector<1x1x16xf32> to vector<16xf32>
      %get3A_908 = arith.constant 1 : i32
      %get3A_909 = arith.index_cast %get3A_908 : i32 to index
      %get3A_910 = arith.index_cast %scan3A_863 : i32 to index
      %get3A_911 = arith.constant 32 : index
      %get3A_912 = tpu.vector_load %arg9[%get3A_909, %get3A_910, %get3A_911] {strides = array<i32>} : memref<2x80x128xf32, #tpu.memory_space<vmem>>, vector<1x1x16xf32>,
      %get3A_913 = vector.shape_cast %get3A_912 : vector<1x1x16xf32> to vector<16xf32>
      %add3A_914 = arith.addf %get3A_907, %get3A_913 : vector<16xf32>
      %swap3A_915 = arith.constant 1 : i32
      %swap3A_916 = arith.index_cast %swap3A_915 : i32 to index
      %swap3A_917 = arith.index_cast %scan3A_863 : i32 to index
      %swap3A_918 = arith.constant 32 : index
      %swap3A_919 = tpu.vector_load %arg8[%swap3A_916, %swap3A_917, %swap3A_918] {strides = array<i32>} : memref<2x80x128xf32, #tpu.memory_space<vmem>>, vector<1x1x16xf32>,
      %swap3A_920 = vector.shape_cast %swap3A_919 : vector<1x1x16xf32> to vector<16xf32>
      %swap3A_921 = vector.shape_cast %add3A_914 : vector<16xf32> to vector<1x1x16xf32>
      tpu.vector_store %arg8[%swap3A_916, %swap3A_917, %swap3A_918], %swap3A_921 {strides = array<i32>} : memref<2x80x128xf32, #tpu.memory_space<vmem>>, vector<1x1x16xf32>,
      %get3A_922 = arith.constant 1 : i32
      %get3A_923 = arith.index_cast %get3A_922 : i32 to index
      %get3A_924 = arith.index_cast %scan3A_863 : i32 to index
      %get3A_925 = arith.constant 48 : index
      %get3A_926 = tpu.vector_load %arg8[%get3A_923, %get3A_924, %get3A_925] {strides = array<i32>} : memref<2x80x128xf32, #tpu.memory_space<vmem>>, vector<1x1x16xf32>,
      %get3A_927 = vector.shape_cast %get3A_926 : vector<1x1x16xf32> to vector<16xf32>
      %get3A_928 = arith.constant 1 : i32
      %get3A_929 = arith.index_cast %get3A_928 : i32 to index
      %get3A_930 = arith.index_cast %scan3A_863 : i32 to index
      %get3A_931 = arith.constant 48 : index
      %get3A_932 = tpu.vector_load %arg9[%get3A_929, %get3A_930, %get3A_931] {strides = array<i32>} : memref<2x80x128xf32, #tpu.memory_space<vmem>>, vector<1x1x16xf32>,
      %get3A_933 = vector.shape_cast %get3A_932 : vector<1x1x16xf32> to vector<16xf32>
      %add3A_934 = arith.addf %get3A_927, %get3A_933 : vector<16xf32>
      %swap3A_935 = arith.constant 1 : i32
      %swap3A_936 = arith.index_cast %swap3A_935 : i32 to index
      %swap3A_937 = arith.index_cast %scan3A_863 : i32 to index
      %swap3A_938 = arith.constant 48 : index
      %swap3A_939 = tpu.vector_load %arg8[%swap3A_936, %swap3A_937, %swap3A_938] {strides = array<i32>} : memref<2x80x128xf32, #tpu.memory_space<vmem>>, vector<1x1x16xf32>,
      %swap3A_940 = vector.shape_cast %swap3A_939 : vector<1x1x16xf32> to vector<16xf32>
      %swap3A_941 = vector.shape_cast %add3A_934 : vector<16xf32> to vector<1x1x16xf32>
      tpu.vector_store %arg8[%swap3A_936, %swap3A_937, %swap3A_938], %swap3A_941 {strides = array<i32>} : memref<2x80x128xf32, #tpu.memory_space<vmem>>, vector<1x1x16xf32>,
      %get3A_942 = arith.constant 1 : i32
      %get3A_943 = arith.index_cast %get3A_942 : i32 to index
      %get3A_944 = arith.index_cast %scan3A_863 : i32 to index
      %get3A_945 = arith.constant 64 : index
      %get3A_946 = tpu.vector_load %arg8[%get3A_943, %get3A_944, %get3A_945] {strides = array<i32>} : memref<2x80x128xf32, #tpu.memory_space<vmem>>, vector<1x1x16xf32>,
      %get3A_947 = vector.shape_cast %get3A_946 : vector<1x1x16xf32> to vector<16xf32>
      %get3A_948 = arith.constant 1 : i32
      %get3A_949 = arith.index_cast %get3A_948 : i32 to index
      %get3A_950 = arith.index_cast %scan3A_863 : i32 to index
      %get3A_951 = arith.constant 64 : index
      %get3A_952 = tpu.vector_load %arg9[%get3A_949, %get3A_950, %get3A_951] {strides = array<i32>} : memref<2x80x128xf32, #tpu.memory_space<vmem>>, vector<1x1x16xf32>,
      %get3A_953 = vector.shape_cast %get3A_952 : vector<1x1x16xf32> to vector<16xf32>
      %add3A_954 = arith.addf %get3A_947, %get3A_953 : vector<16xf32>
      %swap3A_955 = arith.constant 1 : i32
      %swap3A_956 = arith.index_cast %swap3A_955 : i32 to index
      %swap3A_957 = arith.index_cast %scan3A_863 : i32 to index
      %swap3A_958 = arith.constant 64 : index
      %swap3A_959 = tpu.vector_load %arg8[%swap3A_956, %swap3A_957, %swap3A_958] {strides = array<i32>} : memref<2x80x128xf32, #tpu.memory_space<vmem>>, vector<1x1x16xf32>,
      %swap3A_960 = vector.shape_cast %swap3A_959 : vector<1x1x16xf32> to vector<16xf32>
      %swap3A_961 = vector.shape_cast %add3A_954 : vector<16xf32> to vector<1x1x16xf32>
      tpu.vector_store %arg8[%swap3A_956, %swap3A_957, %swap3A_958], %swap3A_961 {strides = array<i32>} : memref<2x80x128xf32, #tpu.memory_space<vmem>>, vector<1x1x16xf32>,
      %get3A_962 = arith.constant 1 : i32
      %get3A_963 = arith.index_cast %get3A_962 : i32 to index
      %get3A_964 = arith.index_cast %scan3A_863 : i32 to index
      %get3A_965 = arith.constant 80 : index
      %get3A_966 = tpu.vector_load %arg8[%get3A_963, %get3A_964, %get3A_965] {strides = array<i32>} : memref<2x80x128xf32, #tpu.memory_space<vmem>>, vector<1x1x16xf32>,
      %get3A_967 = vector.shape_cast %get3A_966 : vector<1x1x16xf32> to vector<16xf32>
      %get3A_968 = arith.constant 1 : i32
      %get3A_969 = arith.index_cast %get3A_968 : i32 to index
      %get3A_970 = arith.index_cast %scan3A_863 : i32 to index
      %get3A_971 = arith.constant 80 : index
      %get3A_972 = tpu.vector_load %arg9[%get3A_969, %get3A_970, %get3A_971] {strides = array<i32>} : memref<2x80x128xf32, #tpu.memory_space<vmem>>, vector<1x1x16xf32>,
      %get3A_973 = vector.shape_cast %get3A_972 : vector<1x1x16xf32> to vector<16xf32>
      %add3A_974 = arith.addf %get3A_967, %get3A_973 : vector<16xf32>
      %swap3A_975 = arith.constant 1 : i32
      %swap3A_976 = arith.index_cast %swap3A_975 : i32 to index
      %swap3A_977 = arith.index_cast %scan3A_863 : i32 to index
      %swap3A_978 = arith.constant 80 : index
      %swap3A_979 = tpu.vector_load %arg8[%swap3A_976, %swap3A_977, %swap3A_978] {strides = array<i32>} : memref<2x80x128xf32, #tpu.memory_space<vmem>>, vector<1x1x16xf32>,
      %swap3A_980 = vector.shape_cast %swap3A_979 : vector<1x1x16xf32> to vector<16xf32>
      %swap3A_981 = vector.shape_cast %add3A_974 : vector<16xf32> to vector<1x1x16xf32>
      tpu.vector_store %arg8[%swap3A_976, %swap3A_977, %swap3A_978], %swap3A_981 {strides = array<i32>} : memref<2x80x128xf32, #tpu.memory_space<vmem>>, vector<1x1x16xf32>,
      %get3A_982 = arith.constant 1 : i32
      %get3A_983 = arith.index_cast %get3A_982 : i32 to index
      %get3A_984 = arith.index_cast %scan3A_863 : i32 to index
      %get3A_985 = arith.constant 96 : index
      %get3A_986 = tpu.vector_load %arg8[%get3A_983, %get3A_984, %get3A_985] {strides = array<i32>} : memref<2x80x128xf32, #tpu.memory_space<vmem>>, vector<1x1x16xf32>,
      %get3A_987 = vector.shape_cast %get3A_986 : vector<1x1x16xf32> to vector<16xf32>
      %get3A_988 = arith.constant 1 : i32
      %get3A_989 = arith.index_cast %get3A_988 : i32 to index
      %get3A_990 = arith.index_cast %scan3A_863 : i32 to index
      %get3A_991 = arith.constant 96 : index
      %get3A_992 = tpu.vector_load %arg9[%get3A_989, %get3A_990, %get3A_991] {strides = array<i32>} : memref<2x80x128xf32, #tpu.memory_space<vmem>>, vector<1x1x16xf32>,
      %get3A_993 = vector.shape_cast %get3A_992 : vector<1x1x16xf32> to vector<16xf32>
      %add3A_994 = arith.addf %get3A_987, %get3A_993 : vector<16xf32>
      %swap3A_995 = arith.constant 1 : i32
      %swap3A_996 = arith.index_cast %swap3A_995 : i32 to index
      %swap3A_997 = arith.index_cast %scan3A_863 : i32 to index
      %swap3A_998 = arith.constant 96 : index
      %swap3A_999 = tpu.vector_load %arg8[%swap3A_996, %swap3A_997, %swap3A_998] {strides = array<i32>} : memref<2x80x128xf32, #tpu.memory_space<vmem>>, vector<1x1x16xf32>,
      %swap3A_1000 = vector.shape_cast %swap3A_999 : vector<1x1x16xf32> to vector<16xf32>
      %swap3A_1001 = vector.shape_cast %add3A_994 : vector<16xf32> to vector<1x1x16xf32>
      tpu.vector_store %arg8[%swap3A_996, %swap3A_997, %swap3A_998], %swap3A_1001 {strides = array<i32>} : memref<2x80x128xf32, #tpu.memory_space<vmem>>, vector<1x1x16xf32>,
      %get3A_1002 = arith.constant 1 : i32
      %get3A_1003 = arith.index_cast %get3A_1002 : i32 to index
      %get3A_1004 = arith.index_cast %scan3A_863 : i32 to index
      %get3A_1005 = arith.constant 112 : index
      %get3A_1006 = tpu.vector_load %arg8[%get3A_1003, %get3A_1004, %get3A_1005] {strides = array<i32>} : memref<2x80x128xf32, #tpu.memory_space<vmem>>, vector<1x1x16xf32>,
      %get3A_1007 = vector.shape_cast %get3A_1006 : vector<1x1x16xf32> to vector<16xf32>
      %get3A_1008 = arith.constant 1 : i32
      %get3A_1009 = arith.index_cast %get3A_1008 : i32 to index
      %get3A_1010 = arith.index_cast %scan3A_863 : i32 to index
      %get3A_1011 = arith.constant 112 : index
      %get3A_1012 = tpu.vector_load %arg9[%get3A_1009, %get3A_1010, %get3A_1011] {strides = array<i32>} : memref<2x80x128xf32, #tpu.memory_space<vmem>>, vector<1x1x16xf32>,
      %get3A_1013 = vector.shape_cast %get3A_1012 : vector<1x1x16xf32> to vector<16xf32>
      %add3A_1014 = arith.addf %get3A_1007, %get3A_1013 : vector<16xf32>
      %swap3A_1015 = arith.constant 1 : i32
      %swap3A_1016 = arith.index_cast %swap3A_1015 : i32 to index
      %swap3A_1017 = arith.index_cast %scan3A_863 : i32 to index
      %swap3A_1018 = arith.constant 112 : index
      %swap3A_1019 = tpu.vector_load %arg8[%swap3A_1016, %swap3A_1017, %swap3A_1018] {strides = array<i32>} : memref<2x80x128xf32, #tpu.memory_space<vmem>>, vector<1x1x16xf32>,
      %swap3A_1020 = vector.shape_cast %swap3A_1019 : vector<1x1x16xf32> to vector<16xf32>
      %swap3A_1021 = vector.shape_cast %add3A_1014 : vector<16xf32> to vector<1x1x16xf32>
      tpu.vector_store %arg8[%swap3A_1016, %swap3A_1017, %swap3A_1018], %swap3A_1021 {strides = array<i32>} : memref<2x80x128xf32, #tpu.memory_space<vmem>>, vector<1x1x16xf32>,
    }
    %scan3A_766 = arith.constant 80 : i32
    %dma_start3A_767 = arith.constant 1 : i32
    %dma_start3A_768 = arith.constant 3 : i32
    %dma_start3A_769 = arith.constant 0 : i32
    %dma_start3A_770 = arith.constant 0 : i32
    %dma_start3A_771 = arith.constant 0 : i32
    %dma_start3A_772 = tpu.memref_slice %arg8[%dma_start3A_767, %dma_start3A_770, %dma_start3A_771] : memref<2x80x128xf32, #tpu.memory_space<vmem>> -> memref<1x80x128xf32, #tpu.memory_space<vmem>>
    %dma_start3A_773 = tpu.memref_squeeze %dma_start3A_772 : memref<1x80x128xf32, #tpu.memory_space<vmem>> -> memref<80x128xf32, #tpu.memory_space<vmem>>
    %dma_start3A_774 = arith.constant 0 : i32
    %dma_start3A_775 = tpu.memref_slice %arg7[%dma_start3A_768, %dma_start3A_769, %dma_start3A_774] : memref<4x1x80xi32, #tpu.memory_space<vmem>> -> memref<1x1x80xi32, #tpu.memory_space<vmem>>
    %dma_start3A_776 = tpu.memref_squeeze %dma_start3A_775 : memref<1x1x80xi32, #tpu.memory_space<vmem>> -> memref<80xi32, #tpu.memory_space<vmem>>
    %dma_start3A_777 = arith.constant 0 : i32
    %dma_start3A_778 = arith.constant 0 : i32
    %dma_start3A_779 = tpu.memref_slice %arg10[%dma_start3A_777, %dma_start3A_778] : memref<10000x128xf32, #tpu.memory_space<vmem_shared>> -> memref<10000x128xf32, #tpu.memory_space<vmem_shared>>
    tpu.enqueue_indirect_dma source(%dma_start3A_773 : memref<80x128xf32, #tpu.memory_space<vmem>>) target(%dma_start3A_779 : memref<10000x128xf32, #tpu.memory_space<vmem_shared>>) offsets(%dma_start3A_776 : memref<80xi32, #tpu.memory_space<vmem>>) semaphore(%arg13 : memref<!tpu.dma_semaphore, #tpu.memory_space<semaphore_mem>>) {add = true}
    %dma_wait3A_780 = arith.constant 0 : i32
    %dma_wait3A_781 = arith.constant 0 : i32
    %dma_wait3A_782 = arith.constant 0 : i32
    %dma_wait3A_783 = arith.constant 0 : i32
    %dma_wait3A_784 = arith.constant 0 : i32
    %dma_wait3A_785 = tpu.memref_slice %arg8[%dma_wait3A_782, %dma_wait3A_783, %dma_wait3A_784] : memref<2x80x128xf32, #tpu.memory_space<vmem>> -> memref<1x80x128xf32, #tpu.memory_space<vmem>>
    %dma_wait3A_786 = tpu.memref_squeeze %dma_wait3A_785 : memref<1x80x128xf32, #tpu.memory_space<vmem>> -> memref<80x128xf32, #tpu.memory_space<vmem>>
    %dma_wait3A_787 = arith.constant 0 : i32
    %dma_wait3A_788 = tpu.memref_slice %arg6[%dma_wait3A_780, %dma_wait3A_781, %dma_wait3A_787] : memref<4x1x80xi32, #tpu.memory_space<vmem>> -> memref<1x1x80xi32, #tpu.memory_space<vmem>>
    %dma_wait3A_789 = tpu.memref_squeeze %dma_wait3A_788 : memref<1x1x80xi32, #tpu.memory_space<vmem>> -> memref<80xi32, #tpu.memory_space<vmem>>
    %dma_wait3A_790 = arith.constant 0 : i32
    %dma_wait3A_791 = arith.constant 0 : i32
    %dma_wait3A_792 = tpu.memref_slice %arg2[%dma_wait3A_790, %dma_wait3A_791] : memref<10000x128xf32, #tpu.memory_space<hbm>> -> memref<10000x128xf32, #tpu.memory_space<hbm>>
    tpu.wait_indirect_dma semaphore(%arg11 : memref<!tpu.dma_semaphore, #tpu.memory_space<semaphore_mem>>) src(%dma_wait3A_792 : memref<10000x128xf32, #tpu.memory_space<hbm>>) dst(%dma_wait3A_786 : memref<80x128xf32, #tpu.memory_space<vmem>>)
    %add3A_793 = arith.constant 9920 : i32
    %add3A_794 = arith.addi %mul3A_2, %add3A_793 : i32
    %dma_wait3A_795 = arith.constant 0 : i32
    %dma_wait3A_796 = arith.constant 0 : i32
    %dma_wait3A_797 = arith.constant 0 : i32
    %dma_wait3A_798 = tpu.memref_slice %arg9[%dma_wait3A_795, %dma_wait3A_796, %dma_wait3A_797] : memref<2x80x128xf32, #tpu.memory_space<vmem>> -> memref<1x80x128xf32, #tpu.memory_space<vmem>>
    %dma_wait3A_799 = tpu.memref_squeeze %dma_wait3A_798 : memref<1x80x128xf32, #tpu.memory_space<vmem>> -> memref<80x128xf32, #tpu.memory_space<vmem>>
    %dma_wait3A_800 = arith.constant 0 : i32
    %dma_wait3A_801 = tpu.memref_slice %arg3[%add3A_794, %dma_wait3A_800] : memref<320000x128xf32, #tpu.memory_space<hbm>> -> memref<80x128xf32, #tpu.memory_space<hbm>>
    %dma_wait3A_802 = arith.constant 0 : i32
    %dma_wait3A_803 = arith.constant 0 : i32
    %dma_wait3A_804 = tpu.memref_slice %arg9[%dma_wait3A_795, %dma_wait3A_802, %dma_wait3A_803] : memref<2x80x128xf32, #tpu.memory_space<vmem>> -> memref<1x80x128xf32, #tpu.memory_space<vmem>>
    %dma_wait3A_805 = tpu.memref_squeeze %dma_wait3A_804 : memref<1x80x128xf32, #tpu.memory_space<vmem>> -> memref<80x128xf32, #tpu.memory_space<vmem>>
    %dma_wait3A_806 = arith.constant 0 : i32
    %dma_wait3A_807 = tpu.memref_slice %arg3[%add3A_794, %dma_wait3A_806] : memref<320000x128xf32, #tpu.memory_space<hbm>> -> memref<80x128xf32, #tpu.memory_space<hbm>>
    tpu.wait_dma2 semaphore(%arg12 : memref<!tpu.dma_semaphore, #tpu.memory_space<semaphore_mem>>) src(%dma_wait3A_807 : memref<80x128xf32, #tpu.memory_space<hbm>>) dst(%dma_wait3A_805 : memref<80x128xf32, #tpu.memory_space<vmem>>)
    %dma_wait3A_808 = arith.constant 1 : i32
    %dma_wait3A_809 = arith.constant 3 : i32
    %dma_wait3A_810 = arith.constant 0 : i32
    %dma_wait3A_811 = arith.constant 0 : i32
    %dma_wait3A_812 = arith.constant 0 : i32
    %dma_wait3A_813 = tpu.memref_slice %arg8[%dma_wait3A_808, %dma_wait3A_811, %dma_wait3A_812] : memref<2x80x128xf32, #tpu.memory_space<vmem>> -> memref<1x80x128xf32, #tpu.memory_space<vmem>>
    %dma_wait3A_814 = tpu.memref_squeeze %dma_wait3A_813 : memref<1x80x128xf32, #tpu.memory_space<vmem>> -> memref<80x128xf32, #tpu.memory_space<vmem>>
    %dma_wait3A_815 = arith.constant 0 : i32
    %dma_wait3A_816 = tpu.memref_slice %arg7[%dma_wait3A_809, %dma_wait3A_810, %dma_wait3A_815] : memref<4x1x80xi32, #tpu.memory_space<vmem>> -> memref<1x1x80xi32, #tpu.memory_space<vmem>>
    %dma_wait3A_817 = tpu.memref_squeeze %dma_wait3A_816 : memref<1x1x80xi32, #tpu.memory_space<vmem>> -> memref<80xi32, #tpu.memory_space<vmem>>
    %dma_wait3A_818 = arith.constant 0 : i32
    %dma_wait3A_819 = arith.constant 0 : i32
    %dma_wait3A_820 = tpu.memref_slice %arg10[%dma_wait3A_818, %dma_wait3A_819] : memref<10000x128xf32, #tpu.memory_space<vmem_shared>> -> memref<10000x128xf32, #tpu.memory_space<vmem_shared>>
    tpu.wait_indirect_dma semaphore(%arg13 : memref<!tpu.dma_semaphore, #tpu.memory_space<semaphore_mem>>) src(%dma_wait3A_814 : memref<80x128xf32, #tpu.memory_space<vmem>>) dst(%dma_wait3A_820 : memref<10000x128xf32, #tpu.memory_space<vmem_shared>>)
    %scan3A_821 = arith.constant 0 : i32
    %scan3A_822 = arith.constant 0 : i32
    %scan3A_823 = arith.constant 80 : i32
    %scan3A_824 = arith.addi %scan3A_822, %scan3A_823 : i32
    %scan3A_825 = arith.constant 1 : i32
    scf.for %scan3A_863 = %scan3A_822 to %scan3A_824 step %scan3A_825  : i32 {
      %get3A = arith.constant 0 : i32
      %get3A_864 = arith.index_cast %get3A : i32 to index
      %get3A_865 = arith.index_cast %scan3A_863 : i32 to index
      %get3A_866 = arith.constant 0 : index
      %get3A_867 = tpu.vector_load %arg8[%get3A_864, %get3A_865, %get3A_866] {strides = array<i32>} : memref<2x80x128xf32, #tpu.memory_space<vmem>>, vector<1x1x16xf32>,
      %get3A_868 = vector.shape_cast %get3A_867 : vector<1x1x16xf32> to vector<16xf32>
      %get3A_869 = arith.constant 0 : i32
      %get3A_870 = arith.index_cast %get3A_869 : i32 to index
      %get3A_871 = arith.index_cast %scan3A_863 : i32 to index
      %get3A_872 = arith.constant 0 : index
      %get3A_873 = tpu.vector_load %arg9[%get3A_870, %get3A_871, %get3A_872] {strides = array<i32>} : memref<2x80x128xf32, #tpu.memory_space<vmem>>, vector<1x1x16xf32>,
      %get3A_874 = vector.shape_cast %get3A_873 : vector<1x1x16xf32> to vector<16xf32>
      %add3A_875 = arith.addf %get3A_868, %get3A_874 : vector<16xf32>
      %swap3A = arith.constant 0 : i32
      %swap3A_876 = arith.index_cast %swap3A : i32 to index
      %swap3A_877 = arith.index_cast %scan3A_863 : i32 to index
      %swap3A_878 = arith.constant 0 : index
      %swap3A_879 = tpu.vector_load %arg8[%swap3A_876, %swap3A_877, %swap3A_878] {strides = array<i32>} : memref<2x80x128xf32, #tpu.memory_space<vmem>>, vector<1x1x16xf32>,
      %swap3A_880 = vector.shape_cast %swap3A_879 : vector<1x1x16xf32> to vector<16xf32>
      %swap3A_881 = vector.shape_cast %add3A_875 : vector<16xf32> to vector<1x1x16xf32>
      tpu.vector_store %arg8[%swap3A_876, %swap3A_877, %swap3A_878], %swap3A_881 {strides = array<i32>} : memref<2x80x128xf32, #tpu.memory_space<vmem>>, vector<1x1x16xf32>,
      %get3A_882 = arith.constant 0 : i32
      %get3A_883 = arith.index_cast %get3A_882 : i32 to index
      %get3A_884 = arith.index_cast %scan3A_863 : i32 to index
      %get3A_885 = arith.constant 16 : index
      %get3A_886 = tpu.vector_load %arg8[%get3A_883, %get3A_884, %get3A_885] {strides = array<i32>} : memref<2x80x128xf32, #tpu.memory_space<vmem>>, vector<1x1x16xf32>,
      %get3A_887 = vector.shape_cast %get3A_886 : vector<1x1x16xf32> to vector<16xf32>
      %get3A_888 = arith.constant 0 : i32
      %get3A_889 = arith.index_cast %get3A_888 : i32 to index
      %get3A_890 = arith.index_cast %scan3A_863 : i32 to index
      %get3A_891 = arith.constant 16 : index
      %get3A_892 = tpu.vector_load %arg9[%get3A_889, %get3A_890, %get3A_891] {strides = array<i32>} : memref<2x80x128xf32, #tpu.memory_space<vmem>>, vector<1x1x16xf32>,
      %get3A_893 = vector.shape_cast %get3A_892 : vector<1x1x16xf32> to vector<16xf32>
      %add3A_894 = arith.addf %get3A_887, %get3A_893 : vector<16xf32>
      %swap3A_895 = arith.constant 0 : i32
      %swap3A_896 = arith.index_cast %swap3A_895 : i32 to index
      %swap3A_897 = arith.index_cast %scan3A_863 : i32 to index
      %swap3A_898 = arith.constant 16 : index
      %swap3A_899 = tpu.vector_load %arg8[%swap3A_896, %swap3A_897, %swap3A_898] {strides = array<i32>} : memref<2x80x128xf32, #tpu.memory_space<vmem>>, vector<1x1x16xf32>,
      %swap3A_900 = vector.shape_cast %swap3A_899 : vector<1x1x16xf32> to vector<16xf32>
      %swap3A_901 = vector.shape_cast %add3A_894 : vector<16xf32> to vector<1x1x16xf32>
      tpu.vector_store %arg8[%swap3A_896, %swap3A_897, %swap3A_898], %swap3A_901 {strides = array<i32>} : memref<2x80x128xf32, #tpu.memory_space<vmem>>, vector<1x1x16xf32>,
      %get3A_902 = arith.constant 0 : i32
      %get3A_903 = arith.index_cast %get3A_902 : i32 to index
      %get3A_904 = arith.index_cast %scan3A_863 : i32 to index
      %get3A_905 = arith.constant 32 : index
      %get3A_906 = tpu.vector_load %arg8[%get3A_903, %get3A_904, %get3A_905] {strides = array<i32>} : memref<2x80x128xf32, #tpu.memory_space<vmem>>, vector<1x1x16xf32>,
      %get3A_907 = vector.shape_cast %get3A_906 : vector<1x1x16xf32> to vector<16xf32>
      %get3A_908 = arith.constant 0 : i32
      %get3A_909 = arith.index_cast %get3A_908 : i32 to index
      %get3A_910 = arith.index_cast %scan3A_863 : i32 to index
      %get3A_911 = arith.constant 32 : index
      %get3A_912 = tpu.vector_load %arg9[%get3A_909, %get3A_910, %get3A_911] {strides = array<i32>} : memref<2x80x128xf32, #tpu.memory_space<vmem>>, vector<1x1x16xf32>,
      %get3A_913 = vector.shape_cast %get3A_912 : vector<1x1x16xf32> to vector<16xf32>
      %add3A_914 = arith.addf %get3A_907, %get3A_913 : vector<16xf32>
      %swap3A_915 = arith.constant 0 : i32
      %swap3A_916 = arith.index_cast %swap3A_915 : i32 to index
      %swap3A_917 = arith.index_cast %scan3A_863 : i32 to index
      %swap3A_918 = arith.constant 32 : index
      %swap3A_919 = tpu.vector_load %arg8[%swap3A_916, %swap3A_917, %swap3A_918] {strides = array<i32>} : memref<2x80x128xf32, #tpu.memory_space<vmem>>, vector<1x1x16xf32>,
      %swap3A_920 = vector.shape_cast %swap3A_919 : vector<1x1x16xf32> to vector<16xf32>
      %swap3A_921 = vector.shape_cast %add3A_914 : vector<16xf32> to vector<1x1x16xf32>
      tpu.vector_store %arg8[%swap3A_916, %swap3A_917, %swap3A_918], %swap3A_921 {strides = array<i32>} : memref<2x80x128xf32, #tpu.memory_space<vmem>>, vector<1x1x16xf32>,
      %get3A_922 = arith.constant 0 : i32
      %get3A_923 = arith.index_cast %get3A_922 : i32 to index
      %get3A_924 = arith.index_cast %scan3A_863 : i32 to index
      %get3A_925 = arith.constant 48 : index
      %get3A_926 = tpu.vector_load %arg8[%get3A_923, %get3A_924, %get3A_925] {strides = array<i32>} : memref<2x80x128xf32, #tpu.memory_space<vmem>>, vector<1x1x16xf32>,
      %get3A_927 = vector.shape_cast %get3A_926 : vector<1x1x16xf32> to vector<16xf32>
      %get3A_928 = arith.constant 0 : i32
      %get3A_929 = arith.index_cast %get3A_928 : i32 to index
      %get3A_930 = arith.index_cast %scan3A_863 : i32 to index
      %get3A_931 = arith.constant 48 : index
      %get3A_932 = tpu.vector_load %arg9[%get3A_929, %get3A_930, %get3A_931] {strides = array<i32>} : memref<2x80x128xf32, #tpu.memory_space<vmem>>, vector<1x1x16xf32>,
      %get3A_933 = vector.shape_cast %get3A_932 : vector<1x1x16xf32> to vector<16xf32>
      %add3A_934 = arith.addf %get3A_927, %get3A_933 : vector<16xf32>
      %swap3A_935 = arith.constant 0 : i32
      %swap3A_936 = arith.index_cast %swap3A_935 : i32 to index
      %swap3A_937 = arith.index_cast %scan3A_863 : i32 to index
      %swap3A_938 = arith.constant 48 : index
      %swap3A_939 = tpu.vector_load %arg8[%swap3A_936, %swap3A_937, %swap3A_938] {strides = array<i32>} : memref<2x80x128xf32, #tpu.memory_space<vmem>>, vector<1x1x16xf32>,
      %swap3A_940 = vector.shape_cast %swap3A_939 : vector<1x1x16xf32> to vector<16xf32>
      %swap3A_941 = vector.shape_cast %add3A_934 : vector<16xf32> to vector<1x1x16xf32>
      tpu.vector_store %arg8[%swap3A_936, %swap3A_937, %swap3A_938], %swap3A_941 {strides = array<i32>} : memref<2x80x128xf32, #tpu.memory_space<vmem>>, vector<1x1x16xf32>,
      %get3A_942 = arith.constant 0 : i32
      %get3A_943 = arith.index_cast %get3A_942 : i32 to index
      %get3A_944 = arith.index_cast %scan3A_863 : i32 to index
      %get3A_945 = arith.constant 64 : index
      %get3A_946 = tpu.vector_load %arg8[%get3A_943, %get3A_944, %get3A_945] {strides = array<i32>} : memref<2x80x128xf32, #tpu.memory_space<vmem>>, vector<1x1x16xf32>,
      %get3A_947 = vector.shape_cast %get3A_946 : vector<1x1x16xf32> to vector<16xf32>
      %get3A_948 = arith.constant 0 : i32
      %get3A_949 = arith.index_cast %get3A_948 : i32 to index
      %get3A_950 = arith.index_cast %scan3A_863 : i32 to index
      %get3A_951 = arith.constant 64 : index
      %get3A_952 = tpu.vector_load %arg9[%get3A_949, %get3A_950, %get3A_951] {strides = array<i32>} : memref<2x80x128xf32, #tpu.memory_space<vmem>>, vector<1x1x16xf32>,
      %get3A_953 = vector.shape_cast %get3A_952 : vector<1x1x16xf32> to vector<16xf32>
      %add3A_954 = arith.addf %get3A_947, %get3A_953 : vector<16xf32>
      %swap3A_955 = arith.constant 0 : i32
      %swap3A_956 = arith.index_cast %swap3A_955 : i32 to index
      %swap3A_957 = arith.index_cast %scan3A_863 : i32 to index
      %swap3A_958 = arith.constant 64 : index
      %swap3A_959 = tpu.vector_load %arg8[%swap3A_956, %swap3A_957, %swap3A_958] {strides = array<i32>} : memref<2x80x128xf32, #tpu.memory_space<vmem>>, vector<1x1x16xf32>,
      %swap3A_960 = vector.shape_cast %swap3A_959 : vector<1x1x16xf32> to vector<16xf32>
      %swap3A_961 = vector.shape_cast %add3A_954 : vector<16xf32> to vector<1x1x16xf32>
      tpu.vector_store %arg8[%swap3A_956, %swap3A_957, %swap3A_958], %swap3A_961 {strides = array<i32>} : memref<2x80x128xf32, #tpu.memory_space<vmem>>, vector<1x1x16xf32>,
      %get3A_962 = arith.constant 0 : i32
      %get3A_963 = arith.index_cast %get3A_962 : i32 to index
      %get3A_964 = arith.index_cast %scan3A_863 : i32 to index
      %get3A_965 = arith.constant 80 : index
      %get3A_966 = tpu.vector_load %arg8[%get3A_963, %get3A_964, %get3A_965] {strides = array<i32>} : memref<2x80x128xf32, #tpu.memory_space<vmem>>, vector<1x1x16xf32>,
      %get3A_967 = vector.shape_cast %get3A_966 : vector<1x1x16xf32> to vector<16xf32>
      %get3A_968 = arith.constant 0 : i32
      %get3A_969 = arith.index_cast %get3A_968 : i32 to index
      %get3A_970 = arith.index_cast %scan3A_863 : i32 to index
      %get3A_971 = arith.constant 80 : index
      %get3A_972 = tpu.vector_load %arg9[%get3A_969, %get3A_970, %get3A_971] {strides = array<i32>} : memref<2x80x128xf32, #tpu.memory_space<vmem>>, vector<1x1x16xf32>,
      %get3A_973 = vector.shape_cast %get3A_972 : vector<1x1x16xf32> to vector<16xf32>
      %add3A_974 = arith.addf %get3A_967, %get3A_973 : vector<16xf32>
      %swap3A_975 = arith.constant 0 : i32
      %swap3A_976 = arith.index_cast %swap3A_975 : i32 to index
      %swap3A_977 = arith.index_cast %scan3A_863 : i32 to index
      %swap3A_978 = arith.constant 80 : index
      %swap3A_979 = tpu.vector_load %arg8[%swap3A_976, %swap3A_977, %swap3A_978] {strides = array<i32>} : memref<2x80x128xf32, #tpu.memory_space<vmem>>, vector<1x1x16xf32>,
      %swap3A_980 = vector.shape_cast %swap3A_979 : vector<1x1x16xf32> to vector<16xf32>
      %swap3A_981 = vector.shape_cast %add3A_974 : vector<16xf32> to vector<1x1x16xf32>
      tpu.vector_store %arg8[%swap3A_976, %swap3A_977, %swap3A_978], %swap3A_981 {strides = array<i32>} : memref<2x80x128xf32, #tpu.memory_space<vmem>>, vector<1x1x16xf32>,
      %get3A_982 = arith.constant 0 : i32
      %get3A_983 = arith.index_cast %get3A_982 : i32 to index
      %get3A_984 = arith.index_cast %scan3A_863 : i32 to index
      %get3A_985 = arith.constant 96 : index
      %get3A_986 = tpu.vector_load %arg8[%get3A_983, %get3A_984, %get3A_985] {strides = array<i32>} : memref<2x80x128xf32, #tpu.memory_space<vmem>>, vector<1x1x16xf32>,
      %get3A_987 = vector.shape_cast %get3A_986 : vector<1x1x16xf32> to vector<16xf32>
      %get3A_988 = arith.constant 0 : i32
      %get3A_989 = arith.index_cast %get3A_988 : i32 to index
      %get3A_990 = arith.index_cast %scan3A_863 : i32 to index
      %get3A_991 = arith.constant 96 : index
      %get3A_992 = tpu.vector_load %arg9[%get3A_989, %get3A_990, %get3A_991] {strides = array<i32>} : memref<2x80x128xf32, #tpu.memory_space<vmem>>, vector<1x1x16xf32>,
      %get3A_993 = vector.shape_cast %get3A_992 : vector<1x1x16xf32> to vector<16xf32>
      %add3A_994 = arith.addf %get3A_987, %get3A_993 : vector<16xf32>
      %swap3A_995 = arith.constant 0 : i32
      %swap3A_996 = arith.index_cast %swap3A_995 : i32 to index
      %swap3A_997 = arith.index_cast %scan3A_863 : i32 to index
      %swap3A_998 = arith.constant 96 : index
      %swap3A_999 = tpu.vector_load %arg8[%swap3A_996, %swap3A_997, %swap3A_998] {strides = array<i32>} : memref<2x80x128xf32, #tpu.memory_space<vmem>>, vector<1x1x16xf32>,
      %swap3A_1000 = vector.shape_cast %swap3A_999 : vector<1x1x16xf32> to vector<16xf32>
      %swap3A_1001 = vector.shape_cast %add3A_994 : vector<16xf32> to vector<1x1x16xf32>
      tpu.vector_store %arg8[%swap3A_996, %swap3A_997, %swap3A_998], %swap3A_1001 {strides = array<i32>} : memref<2x80x128xf32, #tpu.memory_space<vmem>>, vector<1x1x16xf32>,
      %get3A_1002 = arith.constant 0 : i32
      %get3A_1003 = arith.index_cast %get3A_1002 : i32 to index
      %get3A_1004 = arith.index_cast %scan3A_863 : i32 to index
      %get3A_1005 = arith.constant 112 : index
      %get3A_1006 = tpu.vector_load %arg8[%get3A_1003, %get3A_1004, %get3A_1005] {strides = array<i32>} : memref<2x80x128xf32, #tpu.memory_space<vmem>>, vector<1x1x16xf32>,
      %get3A_1007 = vector.shape_cast %get3A_1006 : vector<1x1x16xf32> to vector<16xf32>
      %get3A_1008 = arith.constant 0 : i32
      %get3A_1009 = arith.index_cast %get3A_1008 : i32 to index
      %get3A_1010 = arith.index_cast %scan3A_863 : i32 to index
      %get3A_1011 = arith.constant 112 : index
      %get3A_1012 = tpu.vector_load %arg9[%get3A_1009, %get3A_1010, %get3A_1011] {strides = array<i32>} : memref<2x80x128xf32, #tpu.memory_space<vmem>>, vector<1x1x16xf32>,
      %get3A_1013 = vector.shape_cast %get3A_1012 : vector<1x1x16xf32> to vector<16xf32>
      %add3A_1014 = arith.addf %get3A_1007, %get3A_1013 : vector<16xf32>
      %swap3A_1015 = arith.constant 0 : i32
      %swap3A_1016 = arith.index_cast %swap3A_1015 : i32 to index
      %swap3A_1017 = arith.index_cast %scan3A_863 : i32 to index
      %swap3A_1018 = arith.constant 112 : index
      %swap3A_1019 = tpu.vector_load %arg8[%swap3A_1016, %swap3A_1017, %swap3A_1018] {strides = array<i32>} : memref<2x80x128xf32, #tpu.memory_space<vmem>>, vector<1x1x16xf32>,
      %swap3A_1020 = vector.shape_cast %swap3A_1019 : vector<1x1x16xf32> to vector<16xf32>
      %swap3A_1021 = vector.shape_cast %add3A_1014 : vector<16xf32> to vector<1x1x16xf32>
      tpu.vector_store %arg8[%swap3A_1016, %swap3A_1017, %swap3A_1018], %swap3A_1021 {strides = array<i32>} : memref<2x80x128xf32, #tpu.memory_space<vmem>>, vector<1x1x16xf32>,
    }
    %scan3A_826 = arith.constant 80 : i32
    %dma_start3A_827 = arith.constant 0 : i32
    %dma_start3A_828 = arith.constant 0 : i32
    %dma_start3A_829 = arith.constant 0 : i32
    %dma_start3A_830 = arith.constant 0 : i32
    %dma_start3A_831 = arith.constant 0 : i32
    %dma_start3A_832 = tpu.memref_slice %arg8[%dma_start3A_827, %dma_start3A_830, %dma_start3A_831] : memref<2x80x128xf32, #tpu.memory_space<vmem>> -> memref<1x80x128xf32, #tpu.memory_space<vmem>>
    %dma_start3A_833 = tpu.memref_squeeze %dma_start3A_832 : memref<1x80x128xf32, #tpu.memory_space<vmem>> -> memref<80x128xf32, #tpu.memory_space<vmem>>
    %dma_start3A_834 = arith.constant 0 : i32
    %dma_start3A_835 = tpu.memref_slice %arg7[%dma_start3A_828, %dma_start3A_829, %dma_start3A_834] : memref<4x1x80xi32, #tpu.memory_space<vmem>> -> memref<1x1x80xi32, #tpu.memory_space<vmem>>
    %dma_start3A_836 = tpu.memref_squeeze %dma_start3A_835 : memref<1x1x80xi32, #tpu.memory_space<vmem>> -> memref<80xi32, #tpu.memory_space<vmem>>
    %dma_start3A_837 = arith.constant 0 : i32
    %dma_start3A_838 = arith.constant 0 : i32
    %dma_start3A_839 = tpu.memref_slice %arg10[%dma_start3A_837, %dma_start3A_838] : memref<10000x128xf32, #tpu.memory_space<vmem_shared>> -> memref<10000x128xf32, #tpu.memory_space<vmem_shared>>
    tpu.enqueue_indirect_dma source(%dma_start3A_833 : memref<80x128xf32, #tpu.memory_space<vmem>>) target(%dma_start3A_839 : memref<10000x128xf32, #tpu.memory_space<vmem_shared>>) offsets(%dma_start3A_836 : memref<80xi32, #tpu.memory_space<vmem>>) semaphore(%arg13 : memref<!tpu.dma_semaphore, #tpu.memory_space<semaphore_mem>>) {add = true}
    %dma_wait3A_840 = arith.constant 0 : i32
    %dma_wait3A_841 = arith.constant 0 : i32
    %dma_wait3A_842 = arith.constant 0 : i32
    %dma_wait3A_843 = arith.constant 0 : i32
    %dma_wait3A_844 = arith.constant 0 : i32
    %dma_wait3A_845 = tpu.memref_slice %arg8[%dma_wait3A_840, %dma_wait3A_843, %dma_wait3A_844] : memref<2x80x128xf32, #tpu.memory_space<vmem>> -> memref<1x80x128xf32, #tpu.memory_space<vmem>>
    %dma_wait3A_846 = tpu.memref_squeeze %dma_wait3A_845 : memref<1x80x128xf32, #tpu.memory_space<vmem>> -> memref<80x128xf32, #tpu.memory_space<vmem>>
    %dma_wait3A_847 = arith.constant 0 : i32
    %dma_wait3A_848 = tpu.memref_slice %arg7[%dma_wait3A_841, %dma_wait3A_842, %dma_wait3A_847] : memref<4x1x80xi32, #tpu.memory_space<vmem>> -> memref<1x1x80xi32, #tpu.memory_space<vmem>>
    %dma_wait3A_849 = tpu.memref_squeeze %dma_wait3A_848 : memref<1x1x80xi32, #tpu.memory_space<vmem>> -> memref<80xi32, #tpu.memory_space<vmem>>
    %dma_wait3A_850 = arith.constant 0 : i32
    %dma_wait3A_851 = arith.constant 0 : i32
    %dma_wait3A_852 = tpu.memref_slice %arg10[%dma_wait3A_850, %dma_wait3A_851] : memref<10000x128xf32, #tpu.memory_space<vmem_shared>> -> memref<10000x128xf32, #tpu.memory_space<vmem_shared>>
    tpu.wait_indirect_dma semaphore(%arg13 : memref<!tpu.dma_semaphore, #tpu.memory_space<semaphore_mem>>) src(%dma_wait3A_846 : memref<80x128xf32, #tpu.memory_space<vmem>>) dst(%dma_wait3A_852 : memref<10000x128xf32, #tpu.memory_space<vmem_shared>>)
    %barrier3A_853 = arith.constant 0 : index
    tpu.barrier barrier_id(%barrier3A_853)
    %mul3A_854 = arith.constant 624 : i32
    %mul3A_855 = arith.muli %arg1, %mul3A_854 : i32
    %mul3A_856 = arith.constant 624 : i32
    %mul3A_857 = arith.muli %arg1, %mul3A_856 : i32
    "tpu.region"() ({
      %run_scoped3A_863 = tpu.sem_alloc : memref<!tpu.dma_semaphore, #tpu.memory_space<semaphore_mem>>
      %dma_start3A_864 = arith.constant 0 : i32
      %dma_start3A_865 = tpu.memref_slice %arg5[%arg0, %mul3A_857, %dma_start3A_864] : memref<2x10000x128xf32, #tpu.memory_space<hbm>> -> memref<1x624x128xf32, #tpu.memory_space<hbm>>
      %dma_start3A_866 = tpu.memref_squeeze %dma_start3A_865 : memref<1x624x128xf32, #tpu.memory_space<hbm>> -> memref<624x128xf32, #tpu.memory_space<hbm>>
      %dma_start3A_867 = arith.constant 0 : i32
      %dma_start3A_868 = tpu.memref_slice %arg10[%mul3A_855, %dma_start3A_867] : memref<10000x128xf32, #tpu.memory_space<vmem_shared>> -> memref<624x128xf32, #tpu.memory_space<vmem_shared>>
      tpu.enqueue_dma source(%dma_start3A_868 : memref<624x128xf32, #tpu.memory_space<vmem_shared>>) target(%dma_start3A_866 : memref<624x128xf32, #tpu.memory_space<hbm>>) target_semaphore(%run_scoped3A_863 : memref<!tpu.dma_semaphore, #tpu.memory_space<semaphore_mem>>)
      %dma_wait3A_869 = arith.constant 0 : i32
      %dma_wait3A_870 = tpu.memref_slice %arg5[%arg0, %mul3A_857, %dma_wait3A_869] : memref<2x10000x128xf32, #tpu.memory_space<hbm>> -> memref<1x624x128xf32, #tpu.memory_space<hbm>>
      %dma_wait3A_871 = tpu.memref_squeeze %dma_wait3A_870 : memref<1x624x128xf32, #tpu.memory_space<hbm>> -> memref<624x128xf32, #tpu.memory_space<hbm>>
      %dma_wait3A_872 = arith.constant 0 : i32
      %dma_wait3A_873 = tpu.memref_slice %arg10[%mul3A_855, %dma_wait3A_872] : memref<10000x128xf32, #tpu.memory_space<vmem_shared>> -> memref<624x128xf32, #tpu.memory_space<vmem_shared>>
      tpu.wait_dma2 semaphore(%run_scoped3A_863 : memref<!tpu.dma_semaphore, #tpu.memory_space<semaphore_mem>>) src(%dma_wait3A_873 : memref<624x128xf32, #tpu.memory_space<vmem_shared>>) dst(%dma_wait3A_871 : memref<624x128xf32, #tpu.memory_space<hbm>>)
      tpu.yield
    }) : () -> ()
    %eq3A_858 = arith.constant 15 : i32
    %eq3A_859 = arith.cmpi eq, %arg1, %eq3A_858 : i32
    %convert_element_type3A_860 = arith.extui %eq3A_859 : i1 to i32
    %cond3A_861 = arith.constant 0 : i32
    %cond3A_862 = arith.cmpi ne, %convert_element_type3A_860, %cond3A_861 : i32
    scf.if %cond3A_862 {
      "tpu.region"() ({
        %run_scoped3A_863 = tpu.sem_alloc : memref<!tpu.dma_semaphore, #tpu.memory_space<semaphore_mem>>
        %dma_start3A_864 = arith.constant 9984 : i32
        %dma_start3A_865 = arith.constant 0 : i32
        %dma_start3A_866 = tpu.memref_slice %arg5[%arg0, %dma_start3A_864, %dma_start3A_865] : memref<2x10000x128xf32, #tpu.memory_space<hbm>> -> memref<1x16x128xf32, #tpu.memory_space<hbm>>
        %dma_start3A_867 = tpu.memref_squeeze %dma_start3A_866 : memref<1x16x128xf32, #tpu.memory_space<hbm>> -> memref<16x128xf32, #tpu.memory_space<hbm>>
        %dma_start3A_868 = arith.constant 9984 : i32
        %dma_start3A_869 = arith.constant 0 : i32
        %dma_start3A_870 = tpu.memref_slice %arg10[%dma_start3A_868, %dma_start3A_869] : memref<10000x128xf32, #tpu.memory_space<vmem_shared>> -> memref<16x128xf32, #tpu.memory_space<vmem_shared>>
        tpu.enqueue_dma source(%dma_start3A_870 : memref<16x128xf32, #tpu.memory_space<vmem_shared>>) target(%dma_start3A_867 : memref<16x128xf32, #tpu.memory_space<hbm>>) target_semaphore(%run_scoped3A_863 : memref<!tpu.dma_semaphore, #tpu.memory_space<semaphore_mem>>)
        %dma_wait3A_871 = arith.constant 9984 : i32
        %dma_wait3A_872 = arith.constant 0 : i32
        %dma_wait3A_873 = tpu.memref_slice %arg5[%arg0, %dma_wait3A_871, %dma_wait3A_872] : memref<2x10000x128xf32, #tpu.memory_space<hbm>> -> memref<1x16x128xf32, #tpu.memory_space<hbm>>
        %dma_wait3A_874 = tpu.memref_squeeze %dma_wait3A_873 : memref<1x16x128xf32, #tpu.memory_space<hbm>> -> memref<16x128xf32, #tpu.memory_space<hbm>>
        %dma_wait3A_875 = arith.constant 9984 : i32
        %dma_wait3A_876 = arith.constant 0 : i32
        %dma_wait3A_877 = tpu.memref_slice %arg10[%dma_wait3A_875, %dma_wait3A_876] : memref<10000x128xf32, #tpu.memory_space<vmem_shared>> -> memref<16x128xf32, #tpu.memory_space<vmem_shared>>
        tpu.wait_dma2 semaphore(%run_scoped3A_863 : memref<!tpu.dma_semaphore, #tpu.memory_space<semaphore_mem>>) src(%dma_wait3A_877 : memref<16x128xf32, #tpu.memory_space<vmem_shared>>) dst(%dma_wait3A_874 : memref<16x128xf32, #tpu.memory_space<hbm>>)
        tpu.yield
      }) : () -> ()
    } else {
    }
    return
  }
}

module attributes {stable_mosaic.version = 14 : i64} {
  func.func @_mlp_body(%arg0: i32, %arg1: memref<1x2000x128xf32, #tpu.memory_space<vmem>>, %arg2: memref<1x2000x128xf32, #tpu.memory_space<vmem>>, %arg3: memref<128x128xf32, #tpu.memory_space<vmem>>, %arg4: memref<1x128xf32, #tpu.memory_space<vmem>>, %arg5: memref<128x128xf32, #tpu.memory_space<vmem>>, %arg6: memref<1x128xf32, #tpu.memory_space<vmem>>, %arg7: memref<2000x128xf32, #tpu.memory_space<vmem>>) attributes {dimension_semantics = [#tpu.dimension_semantics<arbitrary>], iteration_bounds = array<i64: 5>, scalar_prefetch = 0 : i64, scratch_operands = 0 : i64, tpu.core_type = #tpu.core_type<tc>, window_params = [{transform_indices = @transform_0, window_bounds = array<i64: 1, 2000, 128>}, {transform_indices = @transform_1, window_bounds = array<i64: 1, 2000, 128>}, {pipeline_mode = #tpu.pipeline_mode<synchronous>, transform_indices = @transform_2, window_bounds = array<i64: 128, 128>}, {pipeline_mode = #tpu.pipeline_mode<synchronous>, transform_indices = @transform_3, window_bounds = array<i64: 1, 128>}, {pipeline_mode = #tpu.pipeline_mode<synchronous>, transform_indices = @transform_4, window_bounds = array<i64: 128, 128>}, {pipeline_mode = #tpu.pipeline_mode<synchronous>, transform_indices = @transform_5, window_bounds = array<i64: 1, 128>}, {transform_indices = @transform_6, window_bounds = array<i64: 2000, 128>}]} {
    %get3A = arith.constant 0 : index
    %get3A_0 = arith.constant 0 : index
    %get3A_1 = arith.constant 0 : index
    %get3A_2 = vector.load %arg1[%get3A, %get3A_0, %get3A_1] : memref<1x2000x128xf32, #tpu.memory_space<vmem>>, vector<1x2000x128xf32>
    %get3A_3 = vector.shape_cast %get3A_2 : vector<1x2000x128xf32> to vector<2000x128xf32>
    %get3A_4 = arith.constant 0 : index
    %get3A_5 = arith.constant 0 : index
    %get3A_6 = arith.constant 0 : index
    %get3A_7 = vector.load %arg2[%get3A_4, %get3A_5, %get3A_6] : memref<1x2000x128xf32, #tpu.memory_space<vmem>>, vector<1x2000x128xf32>
    %get3A_8 = vector.shape_cast %get3A_7 : vector<1x2000x128xf32> to vector<2000x128xf32>
    %add3A = arith.addf %get3A_3, %get3A_8 : vector<2000x128xf32>
    %get3A_9 = arith.constant 0 : index
    %get3A_10 = arith.constant 0 : index
    %get3A_11 = vector.load %arg3[%get3A_9, %get3A_10] : memref<128x128xf32, #tpu.memory_space<vmem>>, vector<128x128xf32>
    %dot_general3A = arith.constant dense<0.000000e+00> : vector<2000x128xf32>
    %dot_general3A_12 = tpu.matmul %add3A, %get3A_11, %dot_general3A {dimension_numbers = #tpu.dot_dimension_numbers<[1], [0], [0], [1], [0, 0, 1, 1], [], []>, transpose_lhs_hint = false} : vector<2000x128xf32>, vector<128x128xf32>, vector<2000x128xf32> -> vector<2000x128xf32>
    %get3A_13 = arith.constant 0 : index
    %get3A_14 = arith.constant 0 : index
    %get3A_15 = vector.load %arg4[%get3A_13, %get3A_14] : memref<1x128xf32, #tpu.memory_space<vmem>>, vector<1x128xf32>
    %add3A_16 = vector.broadcast %get3A_15 : vector<1x128xf32> to vector<2000x128xf32>
    %add3A_17 = arith.addf %dot_general3A_12, %add3A_16 : vector<2000x128xf32>
    %max3A = arith.constant 0.000000e+00 : f32
    %max3A_18 = vector.broadcast %max3A : f32 to vector<2000x128xf32>
    %max3A_19 = arith.maximumf %add3A_17, %max3A_18 : vector<2000x128xf32>
    %get3A_20 = arith.constant 0 : index
    %get3A_21 = arith.constant 0 : index
    %get3A_22 = vector.load %arg5[%get3A_20, %get3A_21] : memref<128x128xf32, #tpu.memory_space<vmem>>, vector<128x128xf32>
    %dot_general3A_23 = arith.constant dense<0.000000e+00> : vector<2000x128xf32>
    %dot_general3A_24 = tpu.matmul %max3A_19, %get3A_22, %dot_general3A_23 {dimension_numbers = #tpu.dot_dimension_numbers<[1], [0], [0], [1], [0, 0, 1, 1], [], []>, transpose_lhs_hint = false} : vector<2000x128xf32>, vector<128x128xf32>, vector<2000x128xf32> -> vector<2000x128xf32>
    %get3A_25 = arith.constant 0 : index
    %get3A_26 = arith.constant 0 : index
    %get3A_27 = vector.load %arg6[%get3A_25, %get3A_26] : memref<1x128xf32, #tpu.memory_space<vmem>>, vector<1x128xf32>
    %add3A_28 = vector.broadcast %get3A_27 : vector<1x128xf32> to vector<2000x128xf32>
    %add3A_29 = arith.addf %dot_general3A_24, %add3A_28 : vector<2000x128xf32>
    %swap3A = arith.constant 0 : index
    %swap3A_30 = arith.constant 0 : index
    %swap3A_31 = vector.load %arg7[%swap3A, %swap3A_30] : memref<2000x128xf32, #tpu.memory_space<vmem>>, vector<2000x128xf32>
    tpu.vector_store %arg7[%swap3A, %swap3A_30], %add3A_29 {strides = array<i32>} : memref<2000x128xf32, #tpu.memory_space<vmem>>, vector<2000x128xf32>,
    return
  }
  func.func @transform_0(%arg0: i32) -> (i32, i32, i32) {
    %c0_i32 = arith.constant 0 : i32
    %c0_i32_0 = arith.constant 0 : i32
    %c0_i32_1 = arith.constant 0 : i32
    return %c0_i32, %arg0, %c0_i32_0 : i32, i32, i32
  }
  func.func @transform_1(%arg0: i32) -> (i32, i32, i32) {
    %c1_i32 = arith.constant 1 : i32
    %c0_i32 = arith.constant 0 : i32
    %c0_i32_0 = arith.constant 0 : i32
    return %c1_i32, %arg0, %c0_i32 : i32, i32, i32
  }
  func.func @transform_2(%arg0: i32) -> (i32, i32) {
    %c0_i32 = arith.constant 0 : i32
    %c0_i32_0 = arith.constant 0 : i32
    %c0_i32_1 = arith.constant 0 : i32
    return %c0_i32, %c0_i32_0 : i32, i32
  }
  func.func @transform_3(%arg0: i32) -> (i32, i32) {
    %c0_i32 = arith.constant 0 : i32
    %c0_i32_0 = arith.constant 0 : i32
    %c0_i32_1 = arith.constant 0 : i32
    return %c0_i32, %c0_i32_0 : i32, i32
  }
  func.func @transform_4(%arg0: i32) -> (i32, i32) {
    %c0_i32 = arith.constant 0 : i32
    %c0_i32_0 = arith.constant 0 : i32
    %c0_i32_1 = arith.constant 0 : i32
    return %c0_i32, %c0_i32_0 : i32, i32
  }
  func.func @transform_5(%arg0: i32) -> (i32, i32) {
    %c0_i32 = arith.constant 0 : i32
    %c0_i32_0 = arith.constant 0 : i32
    %c0_i32_1 = arith.constant 0 : i32
    return %c0_i32, %c0_i32_0 : i32, i32
  }
  func.func @transform_6(%arg0: i32) -> (i32, i32) {
    %c0_i32 = arith.constant 0 : i32
    %c0_i32_0 = arith.constant 0 : i32
    return %arg0, %c0_i32 : i32, i32
  }
}

</mosaic_0001>

<sc_bundles>
// kernel: kernel.4.cloned.1.call-start
scs
__scs_entry_jumppad:
0x0: {  	(pc) =	sbr.rel $0x88, $3  }
0x1: {  	(tag) =	ssettag $0x0;
	lr =	simm.s32 $0x1  }
0x2: {  	[smem:$0x3F9A] =	sst lr;
	_ =	strace $0xD0000000  }
0x3: {  	_ = 	snop  }
0x4: {  	_ = 	snop  }
0x5: {  	_ = 	snop  }
0x6: {  	_ = 	snop  }
0x7: {  	_ = 	snop  }
__scs_overlays_trampoline_lowered:
0x8: {  	[smem:$0x3FA9] =	sst s0  }
0x9: {  	[smem:$0x3FAA] =	sst s1  }
0xa: {  	[smem:$0x3FAB] =	sst s2  }
0xb: {  	[smem:$0x3FAC] =	sst s3  }
0xc: {  	[smem:$0x3FAD] =	sst s4  }
0xd: {  	[smem:$0x3FAE] =	sst s5  }
0xe: {  	[smem:$0x3FAF] =	sst s6  }
0xf: {  	[smem:$0x3FB0] =	sst s7  }
0x10: {  	[smem:$0x3FB1] =	sst s8  }
0x11: {  	[smem:$0x3FB2] =	sst s9;
	s0 =	simm.s32 @!p0 $0x0  }
0x12: {  	s1 =	sld [smem:$0x3F98];
	s0 =	simm.s32 @p0 $0x1  }
0x13: {  	[smem:$0x3FB3] =	sst s0;
	s0 =	simm.s32 @!p1 $0x0  }
0x14: {  	s2 =	sld [smem:$0x3F97];
	s0 =	simm.s32 @p1 $0x1  }
0x15: {  	[smem:$0x3FB4] =	sst s0;
	s0 =	simm.s32 @!p2 $0x0  }
0x16: {  	s3 =	sld [smem:$0x3FDB];
	s0 =	simm.s32 @p2 $0x1  }
0x17: {  	s4 =	simm.s32 $0x1BF5;
	[smem:$0x3FB6] =	sst s0  }
0x18: {  	s0 =	sld [smem:$0x3F99];
	_ =	swait.ge [sflag:s4], $0x0  }
0x19: {  	s7 =	sld [smem:$0x3F9A]  }
0x1a: {  	s8 =	sadd.s32 $0xFFFFE003, lr  }
0x1b: {  	s9 =	sadd.s32 $0xFFFFFEF7, lr;
	s5 =	simm.s32 $0xFFFFFFFF;
	p2 =	slt.u32 s8, $0xFFFFF086  }
0x1c: {  	p1 =	slt.u32 s9, $0xF7A;
	s5 =	simm.s32 @!p2 $0x0  }
0x1d: {  	s5 =	simm.s32 @p1 $0x1;
	p0 =	seq.s32 s7, s2  }
0x1e: {  	s7 =	smul.u32 @!p0 $0xF7A, s2;
	p2 =	seq.s32 @!p0 s5, $0x0  }
0x1f: {  	s9 =	smul.u32 $0xF7A, s1;
	s8 =	simm.s32 @!p0 $0x1BF5;
	p2 =	por !p2, p0  }
0x20: {  	[sflag:s8] =	ssyncset.s32 @!p0 $0xFFFFF086;
	s6 =	sadd.s32 @!p0 s3, s7;
	s7 =	simm.s32 @!p0 $0x108  }
0x21: {  	s3 =	sadd.s32 s3, s9;
	s6 =	sadd.s32 @!p0 $0x88, s6;
	s7 =	simm.s32 @p2 $0x1082  }
0x22: {  	[simem:s7], [sflag:s8] =	dma.local @!p0 [hbm:s6], $0xF7A  }
0x23: {  	s9 =	sor.u32 $0xD0000000, s2;
	s6 =	simm.s32 $0x108;
	_ =	swait.ge @!p0 [sflag:s8], $0x0  }
0x24: {  	s3 =	sadd.s32 $0x88, s3;
	s6 =	simm.s32 @!p1 $0x1082;
	[sflag:s4] =	ssyncset.s32 $0xFFFFF086  }
0x25: {  	[simem:s6], [sflag:s4] =	dma.local [hbm:s3], $0xF7A  }
0x26: {  	[smem:$0x3F9A] =	sst s1;
	(tag) =	ssettag s2;
	_ =	strace s9  }
0x27: {  	s1 =	sld [smem:$0x3FAA]  }
0x28: {  	s2 =	sld [smem:$0x3FAB]  }
0x29: {  	s4 =	sld [smem:$0x3FAD]  }
0x2a: {  	p0 =	seq.s32 s5, $0x0;
	s5 =	sld [smem:$0x3FAE]  }
0x2b: {  	s6 =	sld [smem:$0x3FAF]  }
0x2c: {  	s7 =	sld [smem:$0x3FB0]  }
0x2d: {  	s3 =	simm.s32 $0x108;
	s8 =	sld [smem:$0x3FB1]  }
0x2e: {  	s3 =	simm.s32 @!p0 $0x1082;
	s9 =	sld [smem:$0x3FB2]  }
0x2f: {  	lr =	sadd.s32 s0, s3;
	s0 =	sld [smem:$0x3FA9]  }
0x30: {  	s3 =	sld [smem:$0x3FAC]  }
0x31: {  	[smem:$0x3FB5] =	sst s10  }
0x32: {  	s10 =	sld [smem:$0x3FB3];
	_ =	sdelay $0x3  }
0x33: {  	p0 =	seq.s32 s10, $0x1;
	s10 =	sld [smem:$0x3FB5];
	_ =	sdelay $0x3  }
0x34: {  	[smem:$0x3FB5] =	sst s10  }
0x35: {  	s10 =	sld [smem:$0x3FB4];
	_ =	sdelay $0x3  }
0x36: {  	p1 =	seq.s32 s10, $0x1;
	s10 =	sld [smem:$0x3FB5];
	_ =	sdelay $0x3  }
0x37: {  	[smem:$0x3FB5] =	sst s10  }
0x38: {  	s10 =	sld [smem:$0x3FB6]  }
0x39: {  	_ = 	snop;
	(pc) =	sbr.ind lr, $3  }
0x3a: {  	_ = 	snop  }
0x3b: {  	_ = 	snop  }
0x3c: {  	p2 =	seq.s32 s10, $0x1;
	s10 =	sld [smem:$0x3FB5]  }
0x3d: {  	_ =	shalt  }
0x3e: {  	_ =	shalt  }
0x3f: {  	_ =	shalt  }
0x40: {  	_ =	shalt  }
0x41: {  	_ =	shalt  }
0x42: {  	_ =	shalt  }
0x43: {  	_ =	shalt  }
0x44: {  	_ =	shalt  }
0x45: {  	_ =	shalt  }
0x46: {  	_ =	shalt  }
0x47: {  	_ =	shalt  }
0x48: {  	_ =	shalt  }
0x49: {  	_ =	shalt  }
0x4a: {  	_ =	shalt  }
0x4b: {  	_ =	shalt  }
0x4c: {  	_ =	shalt  }
0x4d: {  	_ =	shalt  }
0x4e: {  	_ =	shalt  }
0x4f: {  	_ =	shalt  }
0x50: {  	_ =	shalt  }
0x51: {  	_ =	shalt  }
0x52: {  	_ =	shalt  }
0x53: {  	_ =	shalt  }
0x54: {  	_ =	shalt  }
0x55: {  	_ =	shalt  }
0x56: {  	_ =	shalt  }
0x57: {  	_ =	shalt  }
0x58: {  	_ =	shalt  }
0x59: {  	_ =	shalt  }
0x5a: {  	_ =	shalt  }
0x5b: {  	_ =	shalt  }
0x5c: {  	_ =	shalt  }
0x5d: {  	_ =	shalt  }
0x5e: {  	_ =	shalt  }
0x5f: {  	_ =	shalt  }
0x60: {  	_ =	shalt  }
0x61: {  	_ =	shalt  }
0x62: {  	_ =	shalt  }
0x63: {  	_ =	shalt  }
0x64: {  	_ =	shalt  }
0x65: {  	_ =	shalt  }
0x66: {  	_ =	shalt  }
0x67: {  	_ =	shalt  }
0x68: {  	_ =	shalt  }
0x69: {  	_ =	shalt  }
0x6a: {  	_ =	shalt  }
0x6b: {  	_ =	shalt  }
0x6c: {  	_ =	shalt  }
0x6d: {  	_ =	shalt  }
0x6e: {  	_ =	shalt  }
0x6f: {  	_ =	shalt  }
0x70: {  	_ =	shalt  }
0x71: {  	_ =	shalt  }
0x72: {  	_ =	shalt  }
0x73: {  	_ =	shalt  }
0x74: {  	_ =	shalt  }
0x75: {  	_ =	shalt  }
0x76: {  	_ =	shalt  }
0x77: {  	_ =	shalt  }
0x78: {  	_ =	shalt  }
0x79: {  	_ =	shalt  }
0x7a: {  	_ =	shalt  }
0x7b: {  	_ =	shalt  }
0x7c: {  	_ =	shalt  }
0x7d: {  	_ =	shalt  }
0x7e: {  	_ =	shalt  }
0x7f: {  	_ =	shalt  }
0x80: {  	_ =	shalt  }
0x81: {  	_ =	shalt  }
0x82: {  	_ =	shalt  }
0x83: {  	_ =	shalt  }
0x84: {  	_ =	shalt  }
0x85: {  	_ =	shalt  }
0x86: {  	_ =	shalt  }
0x87: {  	_ =	shalt  }
.Lfunc_end0:
.L_simem_size_0:
called_computation_lowered:
.L_overlay_start_0:
0x88: {  	s2 =	sld [smem:$0x3FD9]  }
0x89: {  	s3 =	sld [smem:$0x3FFE];
	_ =	sdelay $0x1  }
0x8a: {  	s1 =	srdreg.scid  }
0x8b: {  	s0 =	sand.u32 $0x1, s1  }
0x8c: {  	s17 =	sshll.u32 s0, $0xA;
	s2 =	sadd.s32 s3, s2  }
0x8d: {  	s2 =	sadd.s32 s2, s17  }
0x8e: {  	[smem:$0x3FC1] =	sst s2  }
0x8f: {  	_ = 	snop  }
0x90: {  	s2 =	sld [smem:$0x3FC9]  }
0x91: {  	s18 =	sld [smem:$0x3FC8]  }
0x92: {  	s4 =	sld [smem:$0x3FD0];
	(tm) =	ssettm $0x1  }
0x93: {  	s5 =	sld [smem:$0x3FFB];
	_ =	sdelay $0x3  }
0x94: {  	_ =	strace s5  }
0x95: {  	s5 =	sld [smem:$0x3FFC];
	_ =	sdelay $0x3  }
0x96: {  	_ =	strace s5  }
0x97: {  	s5 =	sld [smem:$0x3FFD];
	_ =	sdelay $0x3  }
0x98: {  	_ =	strace s5  }
0x99: {  	_ =	strace $0x8FFFFFFF  }
0x9a: {  	s19 =	sld [smem:$0x3FDB];
	_ =	sdelay $0x1  }
0x9b: {  	s6 =	simm.s32 $_scs_section_size  }
0x9c: {  	s7 =	simm.s32 $_size__tile_overlayer_lowered;
	s8 =	simm.s32 $_tile_overlayer_lowered  }
0x9d: {  	s22 =	simm.s32 $0x1BFF;
	s21 =	sshll.u32 s8, $0x1;
	s5 =	sadd.s32 s6, s19  }
0x9e: {  	s9 =	simm.s32 $0x0;
	s20 =	sshll.u32 s7, $0x1;
	s7 =	sadd.s32 s21, s5  }
0x9f: {  	[timem:s9], [sflag:s22] =	dma.local [hbm:s7], s20  }
0xa0: {  	_ =	swait.ge [sflag:s22], s20  }
0xa1: {  	s6 =	ssub.s32 $0x0, s20;
	[sflag:s22] =	ssyncset.done $0x0  }
0xa2: {  	[sflag:s22] =	ssyncadd.s32 s6;
	_ =	sdelay $0x1  }
0xa3: {  	s23 =	simm.s32 $0x1B8B  }
0xa4: {  	_ =	swait.ge [sflag:s23], $0x1  }
0xa5: {  	[sflag:s23] =	ssyncset.done $0x0  }
0xa6: {  	s25 =	simm.s32 $0x1B8E;
	s24 =	sld [smem:$0x3FFE];
	[sflag:s23] =	ssyncadd.s32 $0xFFFFFFFF  }
0xa7: {  	s26 =	simm.s32 $execute0_lowered;
	[smem:$0x3FD2] =	sst s25  }
0xa8: {  	s7 =	sshll.u32 s26, $0x1;
	_ =	strace $0x80000046;
	[dreg:$0x1] =	wrdreg $0xFFFFFFFF  }
0xa9: {  	s28 =	simm.s32 $_size_execute0_lowered;
	s5 =	sadd.s32 s5, s7;
	[dreg:$0x0] =	wrdreg $0x0  }
0xaa: {  	s7 =	sshll.u32 s28, $0x1;
	[dreg:$0x2] =	wrdreg s5  }
0xab: {  	[dreg:$0x3] =	wrdreg s7  }
0xac: {  	[dreg:$0x4] =	wrdreg $0xC0  }
0xad: {  	_ =	task [dreg:s9], $0x5FFFF  }
0xae: {  	[dreg:$0x1] =	wrdreg $0xFFFFFFFF  }
0xaf: {  	[dreg:$0x0] =	wrdreg $0x60  }
0xb0: {  	[dreg:$0x2] =	wrdreg s2  }
0xb1: {  	[dreg:$0x3] =	wrdreg s18  }
0xb2: {  	[dreg:$0x4] =	wrdreg s4  }
0xb3: {  	[dreg:$0x5] =	wrdreg s24  }
0xb4: {  	[dreg:$0x6] =	wrdreg $0xA4000  }
0xb5: {  	[dreg:$0x7] =	wrdreg $0x9  }
0xb6: {  	_ =	task.clear_ibuf [dreg:s9], $0x8FFFF;
	_ =	strace $0x90000046  }
0xb7: {  	s29 =	simm.s32 $0x9;
	_ =	strace $0x80000048  }
0xb8: {  	_ =	swait.ge [sflag:s29], $0x1  }
0xb9: {  	[sflag:s29] =	ssyncadd.s32 $0xFFFFFFFF  }
0xba: {  	_ =	strace $0x90000048  }
0xbb: {  	_ =	sfence  }
0xbc: {  	s30 =	sld [smem:$0x0];
	_ =	sdelay $0x2  }
0xbd: {  	s31 =	sshll.u32 s1, $0xD;
	s1 =	sshrl.u32 s1, $0x2  }
0xbe: {  	s3 =	sand.u32 $0x4000, s31;
	s1 =	sadd.s32 s1, s30  }
0xbf: {  	s0 =	sor.u32 s3, s0;
	s1 =	sshll.u32 s1, $0x11  }
0xc0: {  	s0 =	sor.u32 s1, s0  }
0xc1: {  	s0 =	sadd.s32 $0x8F2B, s0  }
0xc2: {  	[sflag:s0] =	ssyncadd.remote.s32 $0x1  }
0xc3: {  	_ =	sfence.sel $0xFFFF  }
0xc4: {  	[dreg:$0x0] =	wrdreg $0xFFFFFFFF;
	(pc) =	sbr.abs _section_cstart, $3  }
0xc5: {  	[dreg:$0x1] =	wrdreg $0xFFFFFFFF  }
0xc6: {  	_ =	task.clear_ibuf [dreg:s9], $0x2FFFF;
	_ =	strace $0x9FFFFFFF  }
0xc7: {  	(tm) =	ssettm $0x7FFFFFFF  }
tec
execute0_lowered:
.L_overlay_start_1:
0x0: {  	(tag) =	ssettag $0x1  }
0x1: {  	s1 =	rddreg [dreg:$0x0]  }
0x2: {  	s2 =	rddreg [dreg:$0x1]  }
0x3: {  	s3 =	rddreg [dreg:$0x2]  }
0x4: {  	s0 =	rddreg [dreg:$0x3]  }
0x5: {  	s5 =	rddreg [dreg:$0x4]  }
0x6: {  	s14 =	simm.s32 $0x0;
	s4 =	srdreg.scid;
	s6 =	stileid.u32  }
0x7: {  	s28 =	simm.s32 $0x5;
	s29 =	simm.s32 $0x7C00;
	s30 =	simm.s32 $0x100  }
0x8: {  	[smem:$0x7FF] =	sst s14;
	s4 =	sand.u32 $0x1, s4;
	s7 =	smul.u32 $0x4E000, s6  }
0x9: {  	s0 =	sadd.s32 $0xE00, s0;
	s21 =	smul.u32 $0x13800, s6;
	p0 =	sne.s32 s6, $0xF  }
0xa: {  	s31 =	sadd.s32 $0xFA00, s3;
	_ =	strace $0x80000047;
	s10 =	sshrl.u32 s7, $0x2  }
0xb: {  	s8 =	sshll.u32 s4, $0x4;
	s9 =	ssub.s32 $0x2, s4;
	s17 =	sadd.s32 s10, s5  }
0xc: {  	s4 =	smul.u32 $0x138800, s4;
	s10 =	sadd.s32 $0x2800, s17;
	[dreg:$0x7] =	wrdreg s17  }
0xd: {  	s8 =	sor.u32 s6, s8;
	s24 =	sadd.s32 $0x5000, s17;
	[dreg:$0x8] =	wrdreg s10  }
0xe: {  	s11 =	sshrl.u32 s9, $0x1;
	s25 =	sadd.s32 $0x7800, s17;
	[dreg:$0x9] =	wrdreg s24  }
0xf: {  	s9 =	ssub.s32 s9, s11;
	s12 =	sadd.s32 $0xA000, s17;
	[dreg:$0xa] =	wrdreg s25  }
0x10: {  	s23 =	smul.u32 $0x3E80, s8;
	s18 =	sadd.s32 $0xC800, s17;
	[dreg:$0xb] =	wrdreg s12  }
0x11: {  	s26 =	smul.u32 $0x27100, s8;
	s13 =	sadd.s32 $0xF000, s17;
	[dreg:$0xc] =	wrdreg s18  }
0x12: {  	s19 =	smul.u32 $0x138800, s8;
	s20 =	sadd.s32 $0x11800, s17;
	[dreg:$0xd] =	wrdreg s13  }
0x13: {  	[dreg:$0xe] =	wrdreg s20;
	s10 =	sshrl.u32 s23, $0x3;
	s23 =	sadd.s32 s2, s26  }
0x14: {  	s12 =	sshrl.u32 s19, $0x3;
	s13 =	smax.u32 s9, $0x1;
	[dreg:$0x10] =	wrdreg s23  }
0x15: {  	s15 =	sadd.s32 s3, s10;
	s22 =	sadd.s32 s2, s12;
	[dreg:$0x17] =	wrdreg s13  }
0x16: {  	s25 =	sadd.s32 s21, s4;
	s24 =	sadd.s32 $0x500, s22;
	[dreg:$0xf] =	wrdreg s15  }
0x17: {  	s10 =	sshrl.u32 s25, $0x3;
	s26 =	sadd.s32 $0x26200, s22;
	[dreg:$0x11] =	wrdreg s24  }
0x18: {  	s7 =	smul.u32 $0x2710, s8;
	s10 =	sadd.s32 s0, s10;
	[dreg:$0x12] =	wrdreg s26  }
0x19: {  	s16 =	smul.u32 $0x7D, s8;
	s11 =	sadd.s32 $0x26700, s22;
	[dreg:$0x13] =	wrdreg s10  }
0x1a: {  	s4 =	sshrl.u32 s4, $0x3;
	s12 =	sadd.s32 $0x26C00, s22;
	[dreg:$0x14] =	wrdreg s11  }
0x1b: {  	s9 =	simm.s32 $0x180;
	s18 =	sadd.s32 $0xFA00, s15;
	[dreg:$0x15] =	wrdreg s12  }
0x1c: {  	s13 =	simm.s32 $0x2C00;
	s19 =	sadd.s32 $0x10, s15;
	[dreg:$0x19] =	wrdreg s18  }
0x1d: {  	s0 =	sadd.s32 s0, s4;
	s20 =	sadd.s32 $0xFA10, s15;
	[dreg:$0x1a] =	wrdreg s19  }
0x1e: {  	s21 =	sadd.s32 $0x7A0, s15;
	s22 =	sadd.s32 $0x101A0, s15;
	[dreg:$0x1b] =	wrdreg s20  }
0x1f: {  	s23 =	sadd.s32 $0x7B0, s15;
	s25 =	sadd.s32 $0x7C0, s15;
	[dreg:$0x1c] =	wrdreg s21  }
0x20: {  	s4 =	simm.s32 $0x3;
	s0 =	sadd.s32 $0x27000, s0;
	[dreg:$0x1d] =	wrdreg s22  }
0x21: {  	s12 =	sadd.s32 $0x138000, s5;
	[dreg:$0x1e] =	wrdreg s23;
	s24 =	sadd.s32 $0x101B0, s15  }
0x22: {  	[smem:$0x7FC] =	sst s25;
	s26 =	sadd.s32 $0x101C0, s15;
	s15 =	simm.s32 $0x200  }
0x23: {  	s18 =	simm.s32 $0x50;
	s19 =	simm.s32 $0x400;
	s20 =	simm.s32 $0x5400  }
0x24: {  	s21 =	simm.s32 $0x80;
	s22 =	simm.s32 $0x280;
	[dreg:$0x16] =	wrdreg s0  }
0x25: {  	s23 =	simm.s32 $0x1;
	s25 =	simm.s32 $0x4;
	[dreg:$0x1f] =	wrdreg s24  }
0x26: {  	s10 =	simm.s32 $0x380;
	[smem:$0x7FD] =	sst s26;
	s26 =	simm.s32 $0x6  }
0x27: {  	v0 =	vimm.f32 $0.0e+00;
	s24 =	simm.s32 $0x2;
	s0 =	simm.s32 $0x300;
	[dreg:$0x18] =	wrdreg s12  }
.LBB2_1:
0x28: {  	s8 =	simm.s32 $0x0;
	s11 =	simm.s32 $0x200  }
.LBB2_2:
0x29: {  	p1 =	sne.s32 s11, $0x9E00;
	[tilespmem:s8+$0x2C70] =	vst v0  }
0x2a: {  	[tilespmem:s8+$0x2C00] =	vst v0  }
0x2b: {  	[tilespmem:s8+$0x2C10] =	vst v0  }
.Ltmp0:
0x2c: {  	[tilespmem:s8+$0x2C20] =	vst v0;
	(pc) =	sbr.rel @p1 .LBB2_2-.Ltmp0, $4  }
0x2d: {  	[tilespmem:s8+$0x2C30] =	vst v0  }
0x2e: {  	[tilespmem:s8+$0x2C40] =	vst v0  }
0x2f: {  	[tilespmem:s8+$0x2C50] =	vst v0  }
0x30: {  	[tilespmem:s8+$0x2C60] =	vst v0;
	s8 =	sshra.s32 s11, $0x2;
	s11 =	sadd.s32 $0x200, s11  }
0x31: {  	[tilespmem:s8+$0x2C70] =	vst v0  }
0x32: {  	[tilespmem:s8+$0x2C00] =	vst v0  }
0x33: {  	[tilespmem:s8+$0x2C10] =	vst v0  }
0x34: {  	[tilespmem:s8+$0x2C20] =	vst v0  }
0x35: {  	[tilespmem:s8+$0x2C30] =	vst v0  }
0x36: {  	[tilespmem:s8+$0x2C40] =	vst v0  }
0x37: {  	[tilespmem:s8+$0x2C50] =	vst v0  }
0x38: {  	[dreg:$0x6] =	wrdreg s14;
	[tilespmem:s8+$0x2C60] =	vst v0  }
0x39: {  	[spmem:s17] =	stream.linear.scatter [tilespmem:s13], [sflag:$0x6], $0x2800, $0x38;
	[tilespmem:$0x1DC80] =	vst v63  }
0x3a: {  	_ =	swait.ge [sflag:s26], $0x2800  }
0x3b: {  	[sflag:s26] =	ssyncset.done $0x0  }
0x3c: {  	s6 =	rddreg [dreg:$0x8];
	[sflag:s26] =	ssyncadd.s32 $0xFFFFD800  }
0x3d: {  	[spmem:s6] =	stream.linear.scatter [tilespmem:s13], [sflag:$0x6], $0x2800, $0x38;
	[tilespmem:$0x1DC80] =	vst v63  }
0x3e: {  	_ =	swait.ge [sflag:s26], $0x2800  }
0x3f: {  	[sflag:s26] =	ssyncset.done $0x0  }
0x40: {  	s11 =	rddreg [dreg:$0x9];
	[sflag:s26] =	ssyncadd.s32 $0xFFFFD800  }
0x41: {  	[spmem:s11] =	stream.linear.scatter [tilespmem:s13], [sflag:$0x6], $0x2800, $0x38;
	[tilespmem:$0x1DC80] =	vst v63  }
0x42: {  	_ =	swait.ge [sflag:s26], $0x2800  }
0x43: {  	[sflag:s26] =	ssyncset.done $0x0  }
0x44: {  	s14 =	rddreg [dreg:$0xa];
	[sflag:s26] =	ssyncadd.s32 $0xFFFFD800  }
0x45: {  	[spmem:s14] =	stream.linear.scatter [tilespmem:s13], [sflag:$0x6], $0x2800, $0x38;
	[tilespmem:$0x1DC80] =	vst v63  }
0x46: {  	_ =	swait.ge [sflag:s26], $0x2800  }
0x47: {  	[sflag:s26] =	ssyncset.done $0x0  }
0x48: {  	s17 =	rddreg [dreg:$0xb];
	[sflag:s26] =	ssyncadd.s32 $0xFFFFD800  }
0x49: {  	[spmem:s17] =	stream.linear.scatter [tilespmem:s13], [sflag:$0x6], $0x2800, $0x38;
	[tilespmem:$0x1DC80] =	vst v63  }
0x4a: {  	_ =	swait.ge [sflag:s26], $0x2800  }
0x4b: {  	[sflag:s26] =	ssyncset.done $0x0  }
0x4c: {  	s8 =	rddreg [dreg:$0xc];
	[sflag:s26] =	ssyncadd.s32 $0xFFFFD800  }
0x4d: {  	[spmem:s8] =	stream.linear.scatter [tilespmem:s13], [sflag:$0x6], $0x2800, $0x38;
	[tilespmem:$0x1DC80] =	vst v63  }
0x4e: {  	_ =	swait.ge [sflag:s26], $0x2800  }
0x4f: {  	[sflag:s26] =	ssyncset.done $0x0  }
0x50: {  	s11 =	rddreg [dreg:$0xd];
	[sflag:s26] =	ssyncadd.s32 $0xFFFFD800  }
0x51: {  	[spmem:s11] =	stream.linear.scatter [tilespmem:s13], [sflag:$0x6], $0x2800, $0x38;
	[tilespmem:$0x1DC80] =	vst v63  }
0x52: {  	_ =	swait.ge [sflag:s26], $0x2800  }
0x53: {  	[sflag:s26] =	ssyncset.done $0x0  }
0x54: {  	s14 =	rddreg [dreg:$0xe];
	[sflag:s26] =	ssyncadd.s32 $0xFFFFD800  }
0x55: {  	[spmem:s14] =	stream.linear.scatter [tilespmem:s13], [sflag:$0x6], $0x2000, $0x38;
	[tilespmem:$0x1DC80] =	vst v63  }
0x56: {  	_ =	swait.ge [sflag:s26], $0x2000  }
0x57: {  	[sflag:s26] =	ssyncset.done $0x0  }
0x58: {  	s8 =	simm.s32 @!p0 $0x2C00;
	[sflag:s26] =	ssyncadd.s32 $0xFFFFE000  }
0x59: {  	[spmem:s12] =	stream.linear.scatter @!p0 [tilespmem:s8], [sflag:$0x6], $0x800, $0x38;
	[tilespmem:$0x1DC80] =	vst v63  }
0x5a: {  	s8 =	simm.s32 @!p0 $0x6  }
0x5b: {  	_ =	swait.ge @!p0 [sflag:s8], $0x800  }
0x5c: {  	[sflag:s8] =	ssyncset.done @!p0 $0x0  }
0x5d: {  	[sflag:s8] =	ssyncadd.s32 @!p0 $0xFFFFF800  }
0x5e: {  	[bflag:$0x0] =	sbarrier.arrive $0xFFFF  }
0x5f: {  	s8 =	simm.s32 $0x0;
	s17 =	rddreg [dreg:$0xf]  }
0x60: {  	[tilespmem:s8], [sflag:$0x6] =	stream.linear.gather [hbm4b:s17+s8], $0x80, $0x38;
	[tilespmem:$0x1DC80] =	vst v63  }
0x61: {  	_ =	swait.ge [sflag:s26], $0x80  }
0x62: {  	[sflag:s26] =	ssyncset.done $0x0  }
0x63: {  	s11 =	rddreg [dreg:$0x19];
	[sflag:s26] =	ssyncadd.s32 $0xFFFFFF80  }
0x64: {  	[tilespmem:s15], [sflag:$0x6] =	stream.linear.gather [hbm4b:s11+s8], $0x80, $0x38;
	[tilespmem:$0x1DC80] =	vst v63  }
0x65: {  	_ =	swait.ge [sflag:s26], $0x80  }
0x66: {  	[sflag:s26] =	ssyncset.done $0x0  }
0x67: {  	[sflag:s26] =	ssyncadd.s32 $0xFFFFFF80  }
0x68: {  	[tilespmem:s19], [sflag:$0x1] =	stream.indirect.gather [hbm4b:s1+s18], $0x80, s8, s18, $0xb8;
	[tilespmem:$0x1DC80] =	vst v63  }
0x69: {  	s12 =	rddreg [dreg:$0x10]  }
0x6a: {  	[tilespmem:s20], [sflag:$0x2] =	stream.linear.gather [hbm4b:s12+s8], $0x2800, $0x38;
	[tilespmem:$0x1DC80] =	vst v63  }
0x6b: {  	s14 =	rddreg [dreg:$0x1a]  }
0x6c: {  	[tilespmem:s21], [sflag:$0x4] =	stream.linear.gather [hbm4b:s14+s8], $0x80, $0x38;
	[tilespmem:$0x1DC80] =	vst v63  }
0x6d: {  	s17 =	rddreg [dreg:$0x1b]  }
0x6e: {  	[tilespmem:s22], [sflag:$0x5] =	stream.linear.gather [hbm4b:s17+s8], $0x80, $0x38;
	[tilespmem:$0x1DC80] =	vst v63  }
0x6f: {  	_ =	swait.ge [sflag:s23], $0x2800  }
0x70: {  	[sflag:s23] =	ssyncset.done $0x0  }
0x71: {  	[sflag:s23] =	ssyncadd.s32 $0xFFFFD800  }
0x72: {  	_ =	swait.ge [sflag:s24], $0x2800  }
0x73: {  	[sflag:s24] =	ssyncset.done $0x0  }
0x74: {  	[sflag:s24] =	ssyncadd.s32 $0xFFFFD800  }
0x75: {  	_ =	swait.ge [sflag:s25], $0x80  }
0x76: {  	[sflag:s25] =	ssyncset.done $0x0  }
0x77: {  	[sflag:s25] =	ssyncadd.s32 $0xFFFFFF80  }
0x78: {  	_ =	swait.ge [sflag:s28], $0x80  }
0x79: {  	[sflag:s28] =	ssyncset.done $0x0  }
0x7a: {  	[sflag:s28] =	ssyncadd.s32 $0xFFFFFF80  }
0x7b: {  	[tilespmem:s13], [sflag:$0x1] =	stream.indirect.gather [hbm4b:s1+s18], $0x80, s21, s18, $0xb8;
	[tilespmem:$0x1DC80] =	vst v63  }
0x7c: {  	s11 =	simm.s32 $0x0;
	s26 =	rddreg [dreg:$0x11]  }
0x7d: {  	[tilespmem:s29], [sflag:$0x2] =	stream.linear.gather [hbm4b:s26+s8], $0x2800, $0x38;
	[tilespmem:$0x1DC80] =	vst v63  }
0x7e: {  	v8 =	vld [tilespmem:s11+$0x5400]  }
0x7f: {  	v12 =	vld [tilespmem:s11+$0x5410]  }
0x80: {  	v6 =	vld [tilespmem:s11+$0x5420]  }
0x81: {  	v5 =	vld [tilespmem:s11+$0x5430]  }
0x82: {  	v4 =	vld [tilespmem:s11+$0x5440]  }
0x83: {  	v3 =	vld [tilespmem:s11+$0x5450]  }
0x84: {  	v2 =	vld [tilespmem:s11+$0x5460]  }
0x85: {  	v1 =	vld [tilespmem:s11+$0x5470]  }
0x86: {  	v13 =	vld [tilespmem:s11+$0x400]  }
0x87: {  	v14 =	vld [tilespmem:s11+$0x410]  }
0x88: {  	v11 =	vld [tilespmem:s11+$0x420]  }
0x89: {  	v10 =	vld [tilespmem:s11+$0x430]  }
0x8a: {  	v9 =	vld [tilespmem:s11+$0x440]  }
0x8b: {  	v7 =	vld [tilespmem:s11+$0x450];
	v13 =	vadd.f32 v8, v13  }
0x8c: {  	s12 =	simm.s32 $0x200;
	v12 =	vadd.f32 v12, v14;
	v8 =	vld [tilespmem:s11+$0x460]  }
.LBB2_4:
0x8d: {  	s8 =	sshra.s32 s12, $0x2;
	p1 =	sne.s32 s12, $0x9E00;
	[tilespmem:s11+$0x400] =	vst v13;
	v6 =	vadd.f32 v6, v11;
	v11 =	vld [tilespmem:s11+$0x470]  }
0x8e: {  	v13 =	vld [tilespmem:s8+$0x5400];
	[tilespmem:s11+$0x410] =	vst v12;
	v5 =	vadd.f32 v5, v10  }
0x8f: {  	v12 =	vld [tilespmem:s8+$0x5410];
	[tilespmem:s11+$0x420] =	vst v6;
	v4 =	vadd.f32 v4, v9  }
0x90: {  	v6 =	vld [tilespmem:s8+$0x5420];
	[tilespmem:s11+$0x430] =	vst v5;
	v3 =	vadd.f32 v3, v7  }
0x91: {  	v5 =	vld [tilespmem:s8+$0x5430];
	[tilespmem:s11+$0x440] =	vst v4;
	v2 =	vadd.f32 v2, v8  }
0x92: {  	v4 =	vld [tilespmem:s8+$0x5440];
	[tilespmem:s11+$0x450] =	vst v3;
	v1 =	vadd.f32 v1, v11  }
0x93: {  	v3 =	vld [tilespmem:s8+$0x5450];
	[tilespmem:s11+$0x460] =	vst v2  }
0x94: {  	v2 =	vld [tilespmem:s8+$0x5460];
	[tilespmem:s11+$0x470] =	vst v1;
	s11 =	smov.u32 s8  }
0x95: {  	v1 =	vld [tilespmem:s11+$0x5470]  }
0x96: {  	v7 =	vld [tilespmem:s11+$0x400]  }
0x97: {  	v8 =	vld [tilespmem:s11+$0x410]  }
.Ltmp1:
0x98: {  	v11 =	vld [tilespmem:s11+$0x420];
	(pc) =	sbr.rel @p1 .LBB2_4-.Ltmp1, $4  }
0x99: {  	v10 =	vld [tilespmem:s11+$0x430]  }
0x9a: {  	v9 =	vld [tilespmem:s11+$0x440]  }
0x9b: {  	v13 =	vadd.f32 v13, v7;
	v7 =	vld [tilespmem:s11+$0x450]  }
0x9c: {  	s12 =	sadd.s32 $0x200, s12;
	v12 =	vadd.f32 v12, v8;
	v8 =	vld [tilespmem:s11+$0x460]  }
0x9d: {  	[tilespmem:s11+$0x400] =	vst v13;
	v6 =	vadd.f32 v6, v11;
	v63 =	vld [tilespmem:s11+$0x470]  }
0x9e: {  	[tilespmem:s11+$0x410] =	vst v12;
	v5 =	vadd.f32 v5, v10  }
0x9f: {  	[tilespmem:s11+$0x420] =	vst v6;
	v4 =	vadd.f32 v4, v9  }
0xa0: {  	[tilespmem:s11+$0x430] =	vst v5;
	v3 =	vadd.f32 v3, v7  }
0xa1: {  	[tilespmem:s11+$0x440] =	vst v4;
	v2 =	vadd.f32 v2, v8  }
0xa2: {  	[tilespmem:s11+$0x450] =	vst v3;
	v1 =	vadd.f32 v1, v63  }
0xa3: {  	[tilespmem:s11+$0x460] =	vst v2  }
0xa4: {  	s12 =	simm.s32 $0x0;
	[tilespmem:s11+$0x470] =	vst v1;
	s11 =	simm.s32 $0x0  }
0xa5: {  	[spmem:s5] =	stream.indirect.scatter.add.f32 [tilespmem:s19], [sflag:$0x3], $0x80, s15, s18, $0xb8;
	[tilespmem:$0x1DC80] =	vst v63  }
.LBB2_6:
0xa6: {  	s17 =	sshll.u32 s12, $0x2  }
0xa7: {  	s8 =	sor.u32 $0x2, s17  }
0xa8: {  	s26 =	sadd.s32 s16, s8  }
0xa9: {  	s26 =	sshll.u32 s26, $0x4  }
0xaa: {  	s6 =	sadd.s32 s3, s26  }
0xab: {  	[tilespmem:s30], [sflag:$0x4] =	stream.linear.gather [hbm4b:s6+s11], $0x80, $0x38;
	[tilespmem:$0x1DC80] =	vst v63  }
0xac: {  	s14 =	sadd.s32 s26, s31  }
0xad: {  	[tilespmem:s0], [sflag:$0x5] =	stream.linear.gather [hbm4b:s14+s11], $0x80, $0x38;
	[tilespmem:$0x1DC80] =	vst v63  }
0xae: {  	_ =	swait.ge [sflag:s23], $0x2800  }
0xaf: {  	[sflag:s23] =	ssyncset.done $0x0  }
0xb0: {  	[sflag:s23] =	ssyncadd.s32 $0xFFFFD800  }
0xb1: {  	_ =	swait.ge [sflag:s24], $0x2800  }
0xb2: {  	[sflag:s24] =	ssyncset.done $0x0  }
0xb3: {  	[sflag:s24] =	ssyncadd.s32 $0xFFFFD800  }
0xb4: {  	_ =	swait.ge [sflag:s4], $0x2800  }
0xb5: {  	[sflag:s4] =	ssyncset.done $0x0  }
0xb6: {  	[sflag:s4] =	ssyncadd.s32 $0xFFFFD800  }
0xb7: {  	_ =	swait.ge [sflag:s25], $0x80  }
0xb8: {  	[sflag:s25] =	ssyncset.done $0x0  }
0xb9: {  	s26 =	smul.u32 $0x50, s8;
	[sflag:s25] =	ssyncadd.s32 $0xFFFFFF80  }
0xba: {  	_ =	swait.ge [sflag:s28], $0x80  }
0xbb: {  	s6 =	sadd.s32 s7, s26;
	[sflag:s28] =	ssyncset.done $0x0  }
0xbc: {  	s6 =	sshll.u32 s6, $0x4;
	[sflag:s28] =	ssyncadd.s32 $0xFFFFFF80  }
0xbd: {  	[tilespmem:s19], [sflag:$0x1] =	stream.indirect.gather [hbm4b:s1+s18], $0x80, s30, s18, $0xb8;
	[tilespmem:$0x1DC80] =	vst v63  }
0xbe: {  	s26 =	simm.s32 $0x0;
	s6 =	sadd.s32 s2, s6  }
0xbf: {  	[tilespmem:s20], [sflag:$0x2] =	stream.linear.gather [hbm4b:s6+s11], $0x2800, $0x38;
	[tilespmem:$0x1DC80] =	vst v63  }
0xc0: {  	v8 =	vld [tilespmem:s26+$0x7C00]  }
0xc1: {  	v12 =	vld [tilespmem:s26+$0x7C10]  }
0xc2: {  	v6 =	vld [tilespmem:s26+$0x7C20]  }
0xc3: {  	v5 =	vld [tilespmem:s26+$0x7C30]  }
0xc4: {  	v4 =	vld [tilespmem:s26+$0x7C40]  }
0xc5: {  	v3 =	vld [tilespmem:s26+$0x7C50]  }
0xc6: {  	v2 =	vld [tilespmem:s26+$0x7C60]  }
0xc7: {  	v1 =	vld [tilespmem:s26+$0x7C70]  }
0xc8: {  	v13 =	vld [tilespmem:s26+$0x2C00]  }
0xc9: {  	v14 =	vld [tilespmem:s26+$0x2C10]  }
0xca: {  	v11 =	vld [tilespmem:s26+$0x2C20]  }
0xcb: {  	v10 =	vld [tilespmem:s26+$0x2C30]  }
0xcc: {  	v9 =	vld [tilespmem:s26+$0x2C40]  }
0xcd: {  	v7 =	vld [tilespmem:s26+$0x2C50];
	v13 =	vadd.f32 v8, v13  }
0xce: {  	s8 =	simm.s32 $0x200;
	v12 =	vadd.f32 v12, v14;
	v8 =	vld [tilespmem:s26+$0x2C60]  }
.LBB2_7:
0xcf: {  	s6 =	sshra.s32 s8, $0x2;
	p1 =	sne.s32 s8, $0x9E00;
	[tilespmem:s26+$0x2C00] =	vst v13;
	v6 =	vadd.f32 v6, v11;
	v11 =	vld [tilespmem:s26+$0x2C70]  }
0xd0: {  	v13 =	vld [tilespmem:s6+$0x7C00];
	[tilespmem:s26+$0x2C10] =	vst v12;
	v5 =	vadd.f32 v5, v10  }
0xd1: {  	v12 =	vld [tilespmem:s6+$0x7C10];
	[tilespmem:s26+$0x2C20] =	vst v6;
	v4 =	vadd.f32 v4, v9  }
0xd2: {  	v6 =	vld [tilespmem:s6+$0x7C20];
	[tilespmem:s26+$0x2C30] =	vst v5;
	v3 =	vadd.f32 v3, v7  }
0xd3: {  	v5 =	vld [tilespmem:s6+$0x7C30];
	[tilespmem:s26+$0x2C40] =	vst v4;
	v2 =	vadd.f32 v2, v8  }
0xd4: {  	v4 =	vld [tilespmem:s6+$0x7C40];
	[tilespmem:s26+$0x2C50] =	vst v3;
	v1 =	vadd.f32 v1, v11  }
0xd5: {  	v3 =	vld [tilespmem:s6+$0x7C50];
	[tilespmem:s26+$0x2C60] =	vst v2  }
0xd6: {  	v2 =	vld [tilespmem:s6+$0x7C60];
	[tilespmem:s26+$0x2C70] =	vst v1;
	s26 =	smov.u32 s6  }
0xd7: {  	v1 =	vld [tilespmem:s26+$0x7C70]  }
0xd8: {  	v7 =	vld [tilespmem:s26+$0x2C00]  }
0xd9: {  	v8 =	vld [tilespmem:s26+$0x2C10]  }
.Ltmp2:
0xda: {  	v11 =	vld [tilespmem:s26+$0x2C20];
	(pc) =	sbr.rel @p1 .LBB2_7-.Ltmp2, $4  }
0xdb: {  	v10 =	vld [tilespmem:s26+$0x2C30]  }
0xdc: {  	v9 =	vld [tilespmem:s26+$0x2C40]  }
0xdd: {  	v13 =	vadd.f32 v13, v7;
	v7 =	vld [tilespmem:s26+$0x2C50]  }
0xde: {  	s8 =	sadd.s32 $0x200, s8;
	v12 =	vadd.f32 v12, v8;
	v8 =	vld [tilespmem:s26+$0x2C60]  }
0xdf: {  	[tilespmem:s26+$0x2C00] =	vst v13;
	v6 =	vadd.f32 v6, v11;
	v11 =	vld [tilespmem:s26+$0x2C70]  }
0xe0: {  	[tilespmem:s26+$0x2C10] =	vst v12;
	v5 =	vadd.f32 v5, v10  }
0xe1: {  	[tilespmem:s26+$0x2C20] =	vst v6;
	v4 =	vadd.f32 v4, v9  }
0xe2: {  	[tilespmem:s26+$0x2C30] =	vst v5;
	v3 =	vadd.f32 v3, v7  }
0xe3: {  	[tilespmem:s26+$0x2C40] =	vst v4;
	v2 =	vadd.f32 v2, v8  }
0xe4: {  	s6 =	sor.u32 $0x3, s17;
	[tilespmem:s26+$0x2C50] =	vst v3;
	v1 =	vadd.f32 v1, v11  }
0xe5: {  	s8 =	sadd.s32 s16, s6;
	[tilespmem:s26+$0x2C60] =	vst v2  }
0xe6: {  	s8 =	sshll.u32 s8, $0x4;
	[tilespmem:s26+$0x2C70] =	vst v1  }
0xe7: {  	[spmem:s5] =	stream.indirect.scatter.add.f32 [tilespmem:s13], [sflag:$0x3], $0x80, s22, s18, $0xb8;
	[tilespmem:$0x1DC80] =	vst v63  }
0xe8: {  	s14 =	simm.s32 $0x0;
	s26 =	sadd.s32 s3, s8  }
0xe9: {  	[tilespmem:s9], [sflag:$0x4] =	stream.linear.gather [hbm4b:s26+s14], $0x80, $0x38;
	[tilespmem:$0x1DC80] =	vst v63  }
0xea: {  	s8 =	sadd.s32 s8, s31  }
0xeb: {  	[tilespmem:s10], [sflag:$0x5] =	stream.linear.gather [hbm4b:s8+s14], $0x80, $0x38;
	[tilespmem:$0x1DC80] =	vst v63  }
0xec: {  	_ =	swait.ge [sflag:s23], $0x2800  }
0xed: {  	[sflag:s23] =	ssyncset.done $0x0  }
0xee: {  	[sflag:s23] =	ssyncadd.s32 $0xFFFFD800  }
0xef: {  	_ =	swait.ge [sflag:s24], $0x2800  }
0xf0: {  	[sflag:s24] =	ssyncset.done $0x0  }
0xf1: {  	[sflag:s24] =	ssyncadd.s32 $0xFFFFD800  }
0xf2: {  	_ =	swait.ge [sflag:s4], $0x2800  }
0xf3: {  	[sflag:s4] =	ssyncset.done $0x0  }
0xf4: {  	[sflag:s4] =	ssyncadd.s32 $0xFFFFD800  }
0xf5: {  	_ =	swait.ge [sflag:s25], $0x80  }
0xf6: {  	[sflag:s25] =	ssyncset.done $0x0  }
0xf7: {  	s6 =	smul.u32 $0x50, s6;
	[sflag:s25] =	ssyncadd.s32 $0xFFFFFF80  }
0xf8: {  	_ =	swait.ge [sflag:s28], $0x80  }
0xf9: {  	s6 =	sadd.s32 s7, s6;
	[sflag:s28] =	ssyncset.done $0x0  }
0xfa: {  	s6 =	sshll.u32 s6, $0x4;
	[sflag:s28] =	ssyncadd.s32 $0xFFFFFF80  }
0xfb: {  	[tilespmem:s13], [sflag:$0x1] =	stream.indirect.gather [hbm4b:s1+s18], $0x80, s9, s18, $0xb8;
	[tilespmem:$0x1DC80] =	vst v63  }
0xfc: {  	s6 =	sadd.s32 s2, s6;
	s26 =	simm.s32 $0x0  }
0xfd: {  	[tilespmem:s29], [sflag:$0x2] =	stream.linear.gather [hbm4b:s6+s14], $0x2800, $0x38;
	[tilespmem:$0x1DC80] =	vst v63  }
0xfe: {  	v8 =	vld [tilespmem:s26+$0x5400]  }
0xff: {  	v12 =	vld [tilespmem:s26+$0x5410]  }
0x100: {  	v6 =	vld [tilespmem:s26+$0x5420]  }
0x101: {  	v5 =	vld [tilespmem:s26+$0x5430]  }
0x102: {  	v4 =	vld [tilespmem:s26+$0x5440]  }
0x103: {  	v3 =	vld [tilespmem:s26+$0x5450]  }
0x104: {  	v2 =	vld [tilespmem:s26+$0x5460]  }
0x105: {  	v1 =	vld [tilespmem:s26+$0x5470]  }
0x106: {  	v13 =	vld [tilespmem:s26+$0x400]  }
0x107: {  	v14 =	vld [tilespmem:s26+$0x410]  }
0x108: {  	v11 =	vld [tilespmem:s26+$0x420]  }
0x109: {  	v10 =	vld [tilespmem:s26+$0x430]  }
0x10a: {  	v9 =	vld [tilespmem:s26+$0x440]  }
0x10b: {  	v7 =	vld [tilespmem:s26+$0x450];
	v13 =	vadd.f32 v8, v13  }
0x10c: {  	s8 =	simm.s32 $0x200;
	v12 =	vadd.f32 v12, v14;
	v8 =	vld [tilespmem:s26+$0x460]  }
.LBB2_9:
0x10d: {  	s6 =	sshra.s32 s8, $0x2;
	p1 =	sne.s32 s8, $0x9E00;
	[tilespmem:s26+$0x400] =	vst v13;
	v6 =	vadd.f32 v6, v11;
	v11 =	vld [tilespmem:s26+$0x470]  }
0x10e: {  	v13 =	vld [tilespmem:s6+$0x5400];
	[tilespmem:s26+$0x410] =	vst v12;
	v5 =	vadd.f32 v5, v10  }
0x10f: {  	v12 =	vld [tilespmem:s6+$0x5410];
	[tilespmem:s26+$0x420] =	vst v6;
	v4 =	vadd.f32 v4, v9  }
0x110: {  	v6 =	vld [tilespmem:s6+$0x5420];
	[tilespmem:s26+$0x430] =	vst v5;
	v3 =	vadd.f32 v3, v7  }
0x111: {  	v5 =	vld [tilespmem:s6+$0x5430];
	[tilespmem:s26+$0x440] =	vst v4;
	v2 =	vadd.f32 v2, v8  }
0x112: {  	v4 =	vld [tilespmem:s6+$0x5440];
	[tilespmem:s26+$0x450] =	vst v3;
	v1 =	vadd.f32 v1, v11  }
0x113: {  	v3 =	vld [tilespmem:s6+$0x5450];
	[tilespmem:s26+$0x460] =	vst v2  }
0x114: {  	v2 =	vld [tilespmem:s6+$0x5460];
	[tilespmem:s26+$0x470] =	vst v1;
	s26 =	smov.u32 s6  }
0x115: {  	v1 =	vld [tilespmem:s26+$0x5470]  }
0x116: {  	v7 =	vld [tilespmem:s26+$0x400]  }
0x117: {  	v8 =	vld [tilespmem:s26+$0x410]  }
.Ltmp3:
0x118: {  	v11 =	vld [tilespmem:s26+$0x420];
	(pc) =	sbr.rel @p1 .LBB2_9-.Ltmp3, $4  }
0x119: {  	v10 =	vld [tilespmem:s26+$0x430]  }
0x11a: {  	v9 =	vld [tilespmem:s26+$0x440]  }
0x11b: {  	v13 =	vadd.f32 v13, v7;
	v7 =	vld [tilespmem:s26+$0x450]  }
0x11c: {  	s8 =	sadd.s32 $0x200, s8;
	v12 =	vadd.f32 v12, v8;
	v8 =	vld [tilespmem:s26+$0x460]  }
0x11d: {  	[tilespmem:s26+$0x400] =	vst v13;
	v6 =	vadd.f32 v6, v11;
	v11 =	vld [tilespmem:s26+$0x470]  }
0x11e: {  	[tilespmem:s26+$0x410] =	vst v12;
	v5 =	vadd.f32 v5, v10  }
0x11f: {  	[tilespmem:s26+$0x420] =	vst v6;
	v4 =	vadd.f32 v4, v9  }
0x120: {  	[tilespmem:s26+$0x430] =	vst v5;
	v3 =	vadd.f32 v3, v7  }
0x121: {  	[tilespmem:s26+$0x440] =	vst v4;
	v2 =	vadd.f32 v2, v8  }
0x122: {  	s6 =	sadd.s32 $0x4, s17;
	[tilespmem:s26+$0x450] =	vst v3;
	v1 =	vadd.f32 v1, v11  }
0x123: {  	s8 =	sadd.s32 s16, s6;
	[tilespmem:s26+$0x460] =	vst v2  }
0x124: {  	s8 =	sshll.u32 s8, $0x4;
	[tilespmem:s26+$0x470] =	vst v1  }
0x125: {  	[spmem:s5] =	stream.indirect.scatter.add.f32 [tilespmem:s19], [sflag:$0x3], $0x80, s0, s18, $0xb8;
	[tilespmem:$0x1DC80] =	vst v63  }
0x126: {  	s14 =	sadd.s32 s3, s8;
	s26 =	simm.s32 $0x0  }
0x127: {  	[tilespmem:s26], [sflag:$0x4] =	stream.linear.gather [hbm4b:s14+s26], $0x80, $0x38;
	[tilespmem:$0x1DC80] =	vst v63  }
0x128: {  	s8 =	sadd.s32 s8, s31  }
0x129: {  	[tilespmem:s15], [sflag:$0x5] =	stream.linear.gather [hbm4b:s8+s26], $0x80, $0x38;
	[tilespmem:$0x1DC80] =	vst v63  }
0x12a: {  	_ =	swait.ge [sflag:s23], $0x2800  }
0x12b: {  	[sflag:s23] =	ssyncset.done $0x0  }
0x12c: {  	[sflag:s23] =	ssyncadd.s32 $0xFFFFD800  }
0x12d: {  	_ =	swait.ge [sflag:s24], $0x2800  }
0x12e: {  	[sflag:s24] =	ssyncset.done $0x0  }
0x12f: {  	[sflag:s24] =	ssyncadd.s32 $0xFFFFD800  }
0x130: {  	_ =	swait.ge [sflag:s4], $0x2800  }
0x131: {  	[sflag:s4] =	ssyncset.done $0x0  }
0x132: {  	[sflag:s4] =	ssyncadd.s32 $0xFFFFD800  }
0x133: {  	_ =	swait.ge [sflag:s25], $0x80  }
0x134: {  	[sflag:s25] =	ssyncset.done $0x0  }
0x135: {  	s6 =	smul.u32 $0x50, s6;
	[sflag:s25] =	ssyncadd.s32 $0xFFFFFF80  }
0x136: {  	_ =	swait.ge [sflag:s28], $0x80  }
0x137: {  	s6 =	sadd.s32 s7, s6;
	[sflag:s28] =	ssyncset.done $0x0  }
0x138: {  	s6 =	sshll.u32 s6, $0x4;
	[sflag:s28] =	ssyncadd.s32 $0xFFFFFF80  }
0x139: {  	[tilespmem:s19], [sflag:$0x1] =	stream.indirect.gather [hbm4b:s1+s18], $0x80, s26, s18, $0xb8;
	[tilespmem:$0x1DC80] =	vst v63  }
0x13a: {  	s6 =	sadd.s32 s2, s6  }
0x13b: {  	[tilespmem:s20], [sflag:$0x2] =	stream.linear.gather [hbm4b:s6+s26], $0x2800, $0x38;
	[tilespmem:$0x1DC80] =	vst v63  }
0x13c: {  	s26 =	simm.s32 $0x0  }
0x13d: {  	v8 =	vld [tilespmem:s26+$0x7C00]  }
0x13e: {  	v12 =	vld [tilespmem:s26+$0x7C10]  }
0x13f: {  	v6 =	vld [tilespmem:s26+$0x7C20]  }
0x140: {  	v5 =	vld [tilespmem:s26+$0x7C30]  }
0x141: {  	v4 =	vld [tilespmem:s26+$0x7C40]  }
0x142: {  	v3 =	vld [tilespmem:s26+$0x7C50]  }
0x143: {  	v2 =	vld [tilespmem:s26+$0x7C60]  }
0x144: {  	v1 =	vld [tilespmem:s26+$0x7C70]  }
0x145: {  	v13 =	vld [tilespmem:s26+$0x2C00]  }
0x146: {  	v14 =	vld [tilespmem:s26+$0x2C10]  }
0x147: {  	v11 =	vld [tilespmem:s26+$0x2C20]  }
0x148: {  	v10 =	vld [tilespmem:s26+$0x2C30]  }
0x149: {  	v9 =	vld [tilespmem:s26+$0x2C40]  }
0x14a: {  	v7 =	vld [tilespmem:s26+$0x2C50];
	v13 =	vadd.f32 v8, v13  }
0x14b: {  	s8 =	simm.s32 $0x200;
	v12 =	vadd.f32 v12, v14;
	v8 =	vld [tilespmem:s26+$0x2C60]  }
.LBB2_11:
0x14c: {  	s6 =	sshra.s32 s8, $0x2;
	p1 =	sne.s32 s8, $0x9E00;
	[tilespmem:s26+$0x2C00] =	vst v13;
	v6 =	vadd.f32 v6, v11;
	v11 =	vld [tilespmem:s26+$0x2C70]  }
0x14d: {  	v13 =	vld [tilespmem:s6+$0x7C00];
	[tilespmem:s26+$0x2C10] =	vst v12;
	v5 =	vadd.f32 v5, v10  }
0x14e: {  	v12 =	vld [tilespmem:s6+$0x7C10];
	[tilespmem:s26+$0x2C20] =	vst v6;
	v4 =	vadd.f32 v4, v9  }
0x14f: {  	v6 =	vld [tilespmem:s6+$0x7C20];
	[tilespmem:s26+$0x2C30] =	vst v5;
	v3 =	vadd.f32 v3, v7  }
0x150: {  	v5 =	vld [tilespmem:s6+$0x7C30];
	[tilespmem:s26+$0x2C40] =	vst v4;
	v2 =	vadd.f32 v2, v8  }
0x151: {  	v4 =	vld [tilespmem:s6+$0x7C40];
	[tilespmem:s26+$0x2C50] =	vst v3;
	v1 =	vadd.f32 v1, v11  }
0x152: {  	v3 =	vld [tilespmem:s6+$0x7C50];
	[tilespmem:s26+$0x2C60] =	vst v2  }
0x153: {  	v2 =	vld [tilespmem:s6+$0x7C60];
	[tilespmem:s26+$0x2C70] =	vst v1;
	s26 =	smov.u32 s6  }
0x154: {  	v1 =	vld [tilespmem:s26+$0x7C70]  }
0x155: {  	v7 =	vld [tilespmem:s26+$0x2C00]  }
0x156: {  	v8 =	vld [tilespmem:s26+$0x2C10]  }
.Ltmp4:
0x157: {  	v11 =	vld [tilespmem:s26+$0x2C20];
	(pc) =	sbr.rel @p1 .LBB2_11-.Ltmp4, $4  }
0x158: {  	v10 =	vld [tilespmem:s26+$0x2C30]  }
0x159: {  	v9 =	vld [tilespmem:s26+$0x2C40]  }
0x15a: {  	v13 =	vadd.f32 v13, v7;
	v7 =	vld [tilespmem:s26+$0x2C50]  }
0x15b: {  	s8 =	sadd.s32 $0x200, s8;
	v12 =	vadd.f32 v12, v8;
	v8 =	vld [tilespmem:s26+$0x2C60]  }
0x15c: {  	[tilespmem:s26+$0x2C00] =	vst v13;
	v6 =	vadd.f32 v6, v11;
	v11 =	vld [tilespmem:s26+$0x2C70]  }
0x15d: {  	[tilespmem:s26+$0x2C10] =	vst v12;
	v5 =	vadd.f32 v5, v10  }
0x15e: {  	[tilespmem:s26+$0x2C20] =	vst v6;
	v4 =	vadd.f32 v4, v9  }
0x15f: {  	[tilespmem:s26+$0x2C30] =	vst v5;
	v3 =	vadd.f32 v3, v7  }
0x160: {  	[tilespmem:s26+$0x2C40] =	vst v4;
	v2 =	vadd.f32 v2, v8  }
0x161: {  	s6 =	sadd.s32 $0x5, s17;
	[tilespmem:s26+$0x2C50] =	vst v3;
	v1 =	vadd.f32 v1, v11  }
0x162: {  	s8 =	sadd.s32 s16, s6;
	[tilespmem:s26+$0x2C60] =	vst v2  }
0x163: {  	s8 =	sshll.u32 s8, $0x4;
	[tilespmem:s26+$0x2C70] =	vst v1  }
0x164: {  	[spmem:s5] =	stream.indirect.scatter.add.f32 [tilespmem:s13], [sflag:$0x3], $0x80, s10, s18, $0xb8;
	[tilespmem:$0x1DC80] =	vst v63  }
0x165: {  	s14 =	sadd.s32 s3, s8;
	s26 =	simm.s32 $0x0  }
0x166: {  	[tilespmem:s21], [sflag:$0x4] =	stream.linear.gather [hbm4b:s14+s26], $0x80, $0x38;
	[tilespmem:$0x1DC80] =	vst v63  }
0x167: {  	s8 =	sadd.s32 s8, s31  }
0x168: {  	[tilespmem:s22], [sflag:$0x5] =	stream.linear.gather [hbm4b:s8+s26], $0x80, $0x38;
	[tilespmem:$0x1DC80] =	vst v63  }
0x169: {  	_ =	swait.ge [sflag:s23], $0x2800  }
0x16a: {  	[sflag:s23] =	ssyncset.done $0x0  }
0x16b: {  	[sflag:s23] =	ssyncadd.s32 $0xFFFFD800  }
0x16c: {  	_ =	swait.ge [sflag:s24], $0x2800  }
0x16d: {  	[sflag:s24] =	ssyncset.done $0x0  }
0x16e: {  	[sflag:s24] =	ssyncadd.s32 $0xFFFFD800  }
0x16f: {  	_ =	swait.ge [sflag:s4], $0x2800  }
0x170: {  	[sflag:s4] =	ssyncset.done $0x0  }
0x171: {  	[sflag:s4] =	ssyncadd.s32 $0xFFFFD800  }
0x172: {  	_ =	swait.ge [sflag:s25], $0x80  }
0x173: {  	[sflag:s25] =	ssyncset.done $0x0  }
0x174: {  	s6 =	smul.u32 $0x50, s6;
	[sflag:s25] =	ssyncadd.s32 $0xFFFFFF80  }
0x175: {  	_ =	swait.ge [sflag:s28], $0x80  }
0x176: {  	s6 =	sadd.s32 s7, s6;
	[sflag:s28] =	ssyncset.done $0x0  }
0x177: {  	s6 =	sshll.u32 s6, $0x4;
	[sflag:s28] =	ssyncadd.s32 $0xFFFFFF80  }
0x178: {  	[tilespmem:s13], [sflag:$0x1] =	stream.indirect.gather [hbm4b:s1+s18], $0x80, s21, s18, $0xb8;
	[tilespmem:$0x1DC80] =	vst v63  }
0x179: {  	s17 =	simm.s32 $0x0;
	s6 =	sadd.s32 s2, s6  }
0x17a: {  	[tilespmem:s29], [sflag:$0x2] =	stream.linear.gather [hbm4b:s6+s26], $0x2800, $0x38;
	[tilespmem:$0x1DC80] =	vst v63  }
0x17b: {  	v8 =	vld [tilespmem:s17+$0x5400]  }
0x17c: {  	v12 =	vld [tilespmem:s17+$0x5410]  }
0x17d: {  	v6 =	vld [tilespmem:s17+$0x5420]  }
0x17e: {  	v5 =	vld [tilespmem:s17+$0x5430]  }
0x17f: {  	v4 =	vld [tilespmem:s17+$0x5440]  }
0x180: {  	v3 =	vld [tilespmem:s17+$0x5450]  }
0x181: {  	v2 =	vld [tilespmem:s17+$0x5460]  }
0x182: {  	v1 =	vld [tilespmem:s17+$0x5470]  }
0x183: {  	v13 =	vld [tilespmem:s17+$0x400]  }
0x184: {  	v14 =	vld [tilespmem:s17+$0x410]  }
0x185: {  	v11 =	vld [tilespmem:s17+$0x420]  }
0x186: {  	v10 =	vld [tilespmem:s17+$0x430]  }
0x187: {  	v9 =	vld [tilespmem:s17+$0x440]  }
0x188: {  	v7 =	vld [tilespmem:s17+$0x450];
	v13 =	vadd.f32 v8, v13  }
0x189: {  	s8 =	simm.s32 $0x200;
	v12 =	vadd.f32 v12, v14;
	v8 =	vld [tilespmem:s17+$0x460]  }
.LBB2_13:
0x18a: {  	s6 =	sshra.s32 s8, $0x2;
	p1 =	sne.s32 s8, $0x9E00;
	[tilespmem:s17+$0x400] =	vst v13;
	v6 =	vadd.f32 v6, v11;
	v11 =	vld [tilespmem:s17+$0x470]  }
0x18b: {  	v13 =	vld [tilespmem:s6+$0x5400];
	[tilespmem:s17+$0x410] =	vst v12;
	v5 =	vadd.f32 v5, v10  }
0x18c: {  	v12 =	vld [tilespmem:s6+$0x5410];
	[tilespmem:s17+$0x420] =	vst v6;
	v4 =	vadd.f32 v4, v9  }
0x18d: {  	v6 =	vld [tilespmem:s6+$0x5420];
	[tilespmem:s17+$0x430] =	vst v5;
	v3 =	vadd.f32 v3, v7  }
0x18e: {  	v5 =	vld [tilespmem:s6+$0x5430];
	[tilespmem:s17+$0x440] =	vst v4;
	v2 =	vadd.f32 v2, v8  }
0x18f: {  	v4 =	vld [tilespmem:s6+$0x5440];
	[tilespmem:s17+$0x450] =	vst v3;
	v1 =	vadd.f32 v1, v11  }
0x190: {  	v3 =	vld [tilespmem:s6+$0x5450];
	[tilespmem:s17+$0x460] =	vst v2  }
0x191: {  	v2 =	vld [tilespmem:s6+$0x5460];
	[tilespmem:s17+$0x470] =	vst v1;
	s17 =	smov.u32 s6  }
0x192: {  	v1 =	vld [tilespmem:s17+$0x5470]  }
0x193: {  	v7 =	vld [tilespmem:s17+$0x400]  }
0x194: {  	v8 =	vld [tilespmem:s17+$0x410]  }
.Ltmp5:
0x195: {  	v11 =	vld [tilespmem:s17+$0x420];
	(pc) =	sbr.rel @p1 .LBB2_13-.Ltmp5, $4  }
0x196: {  	v10 =	vld [tilespmem:s17+$0x430]  }
0x197: {  	v9 =	vld [tilespmem:s17+$0x440]  }
0x198: {  	v13 =	vadd.f32 v13, v7;
	v7 =	vld [tilespmem:s17+$0x450]  }
0x199: {  	s8 =	sadd.s32 $0x200, s8;
	v12 =	vadd.f32 v12, v8;
	v8 =	vld [tilespmem:s17+$0x460]  }
0x19a: {  	[tilespmem:s17+$0x400] =	vst v13;
	v6 =	vadd.f32 v6, v11;
	v63 =	vld [tilespmem:s17+$0x470]  }
0x19b: {  	[tilespmem:s17+$0x410] =	vst v12;
	v5 =	vadd.f32 v5, v10  }
0x19c: {  	s12 =	sadd.s32 $0x1, s12;
	[tilespmem:s17+$0x420] =	vst v6;
	v4 =	vadd.f32 v4, v9  }
0x19d: {  	p1 =	sne.s32 s12, $0x1E;
	[tilespmem:s17+$0x430] =	vst v5;
	v3 =	vadd.f32 v3, v7  }
.Ltmp6:
0x19e: {  	[tilespmem:s17+$0x440] =	vst v4;
	v2 =	vadd.f32 v2, v8;
	(pc) =	sbr.rel @p1 .LBB2_6-.Ltmp6, $4  }
0x19f: {  	[tilespmem:s17+$0x450] =	vst v3;
	v1 =	vadd.f32 v1, v63  }
0x1a0: {  	[tilespmem:s17+$0x460] =	vst v2  }
0x1a1: {  	[tilespmem:s17+$0x470] =	vst v1  }
0x1a2: {  	[spmem:s5] =	stream.indirect.scatter.add.f32 [tilespmem:s19], [sflag:$0x3], $0x80, s15, s18, $0xb8;
	[tilespmem:$0x1DC80] =	vst v63  }
0x1a3: {  	s6 =	simm.s32 $0x0;
	s8 =	rddreg [dreg:$0x1c]  }
0x1a4: {  	[tilespmem:s30], [sflag:$0x4] =	stream.linear.gather [hbm4b:s8+s6], $0x80, $0x38;
	[tilespmem:$0x1DC80] =	vst v63  }
0x1a5: {  	s17 =	rddreg [dreg:$0x1d]  }
0x1a6: {  	[tilespmem:s0], [sflag:$0x5] =	stream.linear.gather [hbm4b:s17+s6], $0x80, $0x38;
	[tilespmem:$0x1DC80] =	vst v63  }
0x1a7: {  	_ =	swait.ge [sflag:s23], $0x2800  }
0x1a8: {  	[sflag:s23] =	ssyncset.done $0x0  }
0x1a9: {  	[sflag:s23] =	ssyncadd.s32 $0xFFFFD800  }
0x1aa: {  	_ =	swait.ge [sflag:s24], $0x2800  }
0x1ab: {  	[sflag:s24] =	ssyncset.done $0x0  }
0x1ac: {  	[sflag:s24] =	ssyncadd.s32 $0xFFFFD800  }
0x1ad: {  	_ =	swait.ge [sflag:s4], $0x2800  }
0x1ae: {  	[sflag:s4] =	ssyncset.done $0x0  }
0x1af: {  	[sflag:s4] =	ssyncadd.s32 $0xFFFFD800  }
0x1b0: {  	_ =	swait.ge [sflag:s25], $0x80  }
0x1b1: {  	[sflag:s25] =	ssyncset.done $0x0  }
0x1b2: {  	[sflag:s25] =	ssyncadd.s32 $0xFFFFFF80  }
0x1b3: {  	_ =	swait.ge [sflag:s28], $0x80  }
0x1b4: {  	[sflag:s28] =	ssyncset.done $0x0  }
0x1b5: {  	[sflag:s28] =	ssyncadd.s32 $0xFFFFFF80  }
0x1b6: {  	[tilespmem:s19], [sflag:$0x1] =	stream.indirect.gather [hbm4b:s1+s18], $0x80, s30, s18, $0xb8;
	[tilespmem:$0x1DC80] =	vst v63  }
0x1b7: {  	s11 =	simm.s32 $0x0;
	s26 =	rddreg [dreg:$0x12]  }
0x1b8: {  	[tilespmem:s20], [sflag:$0x2] =	stream.linear.gather [hbm4b:s26+s6], $0x2800, $0x38;
	[tilespmem:$0x1DC80] =	vst v63  }
0x1b9: {  	v8 =	vld [tilespmem:s11+$0x7C00]  }
0x1ba: {  	v12 =	vld [tilespmem:s11+$0x7C10]  }
0x1bb: {  	v6 =	vld [tilespmem:s11+$0x7C20]  }
0x1bc: {  	v5 =	vld [tilespmem:s11+$0x7C30]  }
0x1bd: {  	v4 =	vld [tilespmem:s11+$0x7C40]  }
0x1be: {  	v3 =	vld [tilespmem:s11+$0x7C50]  }
0x1bf: {  	v2 =	vld [tilespmem:s11+$0x7C60]  }
0x1c0: {  	v1 =	vld [tilespmem:s11+$0x7C70]  }
0x1c1: {  	v13 =	vld [tilespmem:s11+$0x2C00]  }
0x1c2: {  	v14 =	vld [tilespmem:s11+$0x2C10]  }
0x1c3: {  	v11 =	vld [tilespmem:s11+$0x2C20]  }
0x1c4: {  	v10 =	vld [tilespmem:s11+$0x2C30]  }
0x1c5: {  	v9 =	vld [tilespmem:s11+$0x2C40]  }
0x1c6: {  	v7 =	vld [tilespmem:s11+$0x2C50];
	v13 =	vadd.f32 v8, v13  }
0x1c7: {  	s8 =	simm.s32 $0x200;
	v12 =	vadd.f32 v12, v14;
	v8 =	vld [tilespmem:s11+$0x2C60]  }
.LBB2_16:
0x1c8: {  	s6 =	sshra.s32 s8, $0x2;
	p1 =	sne.s32 s8, $0x9E00;
	[tilespmem:s11+$0x2C00] =	vst v13;
	v6 =	vadd.f32 v6, v11;
	v11 =	vld [tilespmem:s11+$0x2C70]  }
0x1c9: {  	v13 =	vld [tilespmem:s6+$0x7C00];
	[tilespmem:s11+$0x2C10] =	vst v12;
	v5 =	vadd.f32 v5, v10  }
0x1ca: {  	v12 =	vld [tilespmem:s6+$0x7C10];
	[tilespmem:s11+$0x2C20] =	vst v6;
	v4 =	vadd.f32 v4, v9  }
0x1cb: {  	v6 =	vld [tilespmem:s6+$0x7C20];
	[tilespmem:s11+$0x2C30] =	vst v5;
	v3 =	vadd.f32 v3, v7  }
0x1cc: {  	v5 =	vld [tilespmem:s6+$0x7C30];
	[tilespmem:s11+$0x2C40] =	vst v4;
	v2 =	vadd.f32 v2, v8  }
0x1cd: {  	v4 =	vld [tilespmem:s6+$0x7C40];
	[tilespmem:s11+$0x2C50] =	vst v3;
	v1 =	vadd.f32 v1, v11  }
0x1ce: {  	v3 =	vld [tilespmem:s6+$0x7C50];
	[tilespmem:s11+$0x2C60] =	vst v2  }
0x1cf: {  	v2 =	vld [tilespmem:s6+$0x7C60];
	[tilespmem:s11+$0x2C70] =	vst v1;
	s11 =	smov.u32 s6  }
0x1d0: {  	v1 =	vld [tilespmem:s11+$0x7C70]  }
0x1d1: {  	v7 =	vld [tilespmem:s11+$0x2C00]  }
0x1d2: {  	v8 =	vld [tilespmem:s11+$0x2C10]  }
.Ltmp7:
0x1d3: {  	v11 =	vld [tilespmem:s11+$0x2C20];
	(pc) =	sbr.rel @p1 .LBB2_16-.Ltmp7, $4  }
0x1d4: {  	v10 =	vld [tilespmem:s11+$0x2C30]  }
0x1d5: {  	v9 =	vld [tilespmem:s11+$0x2C40]  }
0x1d6: {  	v13 =	vadd.f32 v13, v7;
	v7 =	vld [tilespmem:s11+$0x2C50]  }
0x1d7: {  	s8 =	sadd.s32 $0x200, s8;
	v12 =	vadd.f32 v12, v8;
	v8 =	vld [tilespmem:s11+$0x2C60]  }
0x1d8: {  	[tilespmem:s11+$0x2C00] =	vst v13;
	v6 =	vadd.f32 v6, v11;
	v11 =	vld [tilespmem:s11+$0x2C70]  }
0x1d9: {  	[tilespmem:s11+$0x2C10] =	vst v12;
	v5 =	vadd.f32 v5, v10  }
0x1da: {  	[tilespmem:s11+$0x2C20] =	vst v6;
	v4 =	vadd.f32 v4, v9  }
0x1db: {  	[tilespmem:s11+$0x2C30] =	vst v5;
	v3 =	vadd.f32 v3, v7  }
0x1dc: {  	[tilespmem:s11+$0x2C40] =	vst v4;
	v2 =	vadd.f32 v2, v8  }
0x1dd: {  	[tilespmem:s11+$0x2C50] =	vst v3;
	v1 =	vadd.f32 v1, v11  }
0x1de: {  	[tilespmem:s11+$0x2C60] =	vst v2  }
0x1df: {  	[tilespmem:s11+$0x2C70] =	vst v1  }
0x1e0: {  	[spmem:s5] =	stream.indirect.scatter.add.f32 [tilespmem:s13], [sflag:$0x3], $0x80, s22, s18, $0xb8;
	[tilespmem:$0x1DC80] =	vst v63  }
0x1e1: {  	s6 =	simm.s32 $0x0;
	s8 =	rddreg [dreg:$0x1e]  }
0x1e2: {  	[tilespmem:s9], [sflag:$0x4] =	stream.linear.gather [hbm4b:s8+s6], $0x80, $0x38;
	[tilespmem:$0x1DC80] =	vst v63  }
0x1e3: {  	s17 =	rddreg [dreg:$0x1f]  }
0x1e4: {  	[tilespmem:s10], [sflag:$0x5] =	stream.linear.gather [hbm4b:s17+s6], $0x80, $0x38;
	[tilespmem:$0x1DC80] =	vst v63  }
0x1e5: {  	_ =	swait.ge [sflag:s23], $0x2800  }
0x1e6: {  	[sflag:s23] =	ssyncset.done $0x0  }
0x1e7: {  	[sflag:s23] =	ssyncadd.s32 $0xFFFFD800  }
0x1e8: {  	_ =	swait.ge [sflag:s24], $0x2800  }
0x1e9: {  	[sflag:s24] =	ssyncset.done $0x0  }
0x1ea: {  	[sflag:s24] =	ssyncadd.s32 $0xFFFFD800  }
0x1eb: {  	_ =	swait.ge [sflag:s4], $0x2800  }
0x1ec: {  	[sflag:s4] =	ssyncset.done $0x0  }
0x1ed: {  	[sflag:s4] =	ssyncadd.s32 $0xFFFFD800  }
0x1ee: {  	_ =	swait.ge [sflag:s25], $0x80  }
0x1ef: {  	[sflag:s25] =	ssyncset.done $0x0  }
0x1f0: {  	[sflag:s25] =	ssyncadd.s32 $0xFFFFFF80  }
0x1f1: {  	_ =	swait.ge [sflag:s28], $0x80  }
0x1f2: {  	[sflag:s28] =	ssyncset.done $0x0  }
0x1f3: {  	[sflag:s28] =	ssyncadd.s32 $0xFFFFFF80  }
0x1f4: {  	[tilespmem:s13], [sflag:$0x1] =	stream.indirect.gather [hbm4b:s1+s18], $0x80, s9, s18, $0xb8;
	[tilespmem:$0x1DC80] =	vst v63  }
0x1f5: {  	s11 =	simm.s32 $0x0;
	s26 =	rddreg [dreg:$0x14]  }
0x1f6: {  	[tilespmem:s29], [sflag:$0x2] =	stream.linear.gather [hbm4b:s26+s6], $0x2800, $0x38;
	[tilespmem:$0x1DC80] =	vst v63  }
0x1f7: {  	v8 =	vld [tilespmem:s11+$0x5400]  }
0x1f8: {  	v12 =	vld [tilespmem:s11+$0x5410]  }
0x1f9: {  	v6 =	vld [tilespmem:s11+$0x5420]  }
0x1fa: {  	v5 =	vld [tilespmem:s11+$0x5430]  }
0x1fb: {  	v4 =	vld [tilespmem:s11+$0x5440]  }
0x1fc: {  	v3 =	vld [tilespmem:s11+$0x5450]  }
0x1fd: {  	v2 =	vld [tilespmem:s11+$0x5460]  }
0x1fe: {  	v1 =	vld [tilespmem:s11+$0x5470]  }
0x1ff: {  	v13 =	vld [tilespmem:s11+$0x400]  }
0x200: {  	v14 =	vld [tilespmem:s11+$0x410]  }
0x201: {  	v11 =	vld [tilespmem:s11+$0x420]  }
0x202: {  	v10 =	vld [tilespmem:s11+$0x430]  }
0x203: {  	v9 =	vld [tilespmem:s11+$0x440]  }
0x204: {  	s14 =	rddreg [dreg:$0x6];
	v7 =	vld [tilespmem:s11+$0x450];
	v13 =	vadd.f32 v8, v13  }
0x205: {  	s8 =	simm.s32 $0x200;
	s12 =	rddreg [dreg:$0x18];
	s26 =	simm.s32 $0x6;
	v12 =	vadd.f32 v12, v14;
	v8 =	vld [tilespmem:s11+$0x460]  }
.LBB2_18:
0x206: {  	s6 =	sshra.s32 s8, $0x2;
	p1 =	sne.s32 s8, $0x9E00;
	[tilespmem:s11+$0x400] =	vst v13;
	v6 =	vadd.f32 v6, v11;
	v11 =	vld [tilespmem:s11+$0x470]  }
0x207: {  	v13 =	vld [tilespmem:s6+$0x5400];
	[tilespmem:s11+$0x410] =	vst v12;
	v5 =	vadd.f32 v5, v10  }
0x208: {  	v12 =	vld [tilespmem:s6+$0x5410];
	[tilespmem:s11+$0x420] =	vst v6;
	v4 =	vadd.f32 v4, v9  }
0x209: {  	v6 =	vld [tilespmem:s6+$0x5420];
	[tilespmem:s11+$0x430] =	vst v5;
	v3 =	vadd.f32 v3, v7  }
0x20a: {  	v5 =	vld [tilespmem:s6+$0x5430];
	[tilespmem:s11+$0x440] =	vst v4;
	v2 =	vadd.f32 v2, v8  }
0x20b: {  	v4 =	vld [tilespmem:s6+$0x5440];
	[tilespmem:s11+$0x450] =	vst v3;
	v1 =	vadd.f32 v1, v11  }
0x20c: {  	v3 =	vld [tilespmem:s6+$0x5450];
	[tilespmem:s11+$0x460] =	vst v2  }
0x20d: {  	v2 =	vld [tilespmem:s6+$0x5460];
	[tilespmem:s11+$0x470] =	vst v1;
	s11 =	smov.u32 s6  }
0x20e: {  	v1 =	vld [tilespmem:s11+$0x5470]  }
0x20f: {  	v7 =	vld [tilespmem:s11+$0x400]  }
0x210: {  	v8 =	vld [tilespmem:s11+$0x410]  }
.Ltmp8:
0x211: {  	v11 =	vld [tilespmem:s11+$0x420];
	(pc) =	sbr.rel @p1 .LBB2_18-.Ltmp8, $4  }
0x212: {  	v10 =	vld [tilespmem:s11+$0x430]  }
0x213: {  	v9 =	vld [tilespmem:s11+$0x440]  }
0x214: {  	v13 =	vadd.f32 v13, v7;
	v7 =	vld [tilespmem:s11+$0x450]  }
0x215: {  	s8 =	sadd.s32 $0x200, s8;
	v12 =	vadd.f32 v12, v8;
	v8 =	vld [tilespmem:s11+$0x460]  }
0x216: {  	[tilespmem:s11+$0x400] =	vst v13;
	v6 =	vadd.f32 v6, v11;
	v11 =	vld [tilespmem:s11+$0x470]  }
0x217: {  	[tilespmem:s11+$0x410] =	vst v12;
	v5 =	vadd.f32 v5, v10  }
0x218: {  	[tilespmem:s11+$0x420] =	vst v6;
	v4 =	vadd.f32 v4, v9  }
0x219: {  	[tilespmem:s11+$0x430] =	vst v5;
	v3 =	vadd.f32 v3, v7  }
0x21a: {  	[tilespmem:s11+$0x440] =	vst v4;
	v2 =	vadd.f32 v2, v8  }
0x21b: {  	[tilespmem:s11+$0x450] =	vst v3;
	v1 =	vadd.f32 v1, v11  }
0x21c: {  	[tilespmem:s11+$0x460] =	vst v2  }
0x21d: {  	s8 =	sld [smem:$0x7FC];
	[tilespmem:s11+$0x470] =	vst v1  }
0x21e: {  	[spmem:s5] =	stream.indirect.scatter.add.f32 [tilespmem:s19], [sflag:$0x3], $0x80, s0, s18, $0xb8;
	[tilespmem:$0x1DC80] =	vst v63  }
0x21f: {  	s6 =	simm.s32 $0x0;
	s11 =	sld [smem:$0x7FD]  }
0x220: {  	[tilespmem:s6], [sflag:$0x4] =	stream.linear.gather [hbm4b:s8+s6], $0x80, $0x38;
	[tilespmem:$0x1DC80] =	vst v63  }
0x221: {  	_ = 	snop  }
0x222: {  	[tilespmem:s15], [sflag:$0x5] =	stream.linear.gather [hbm4b:s11+s6], $0x80, $0x38;
	[tilespmem:$0x1DC80] =	vst v63  }
0x223: {  	_ =	swait.ge [sflag:s23], $0x2800  }
0x224: {  	[sflag:s23] =	ssyncset.done $0x0  }
0x225: {  	[sflag:s23] =	ssyncadd.s32 $0xFFFFD800  }
0x226: {  	_ =	swait.ge [sflag:s24], $0x2800  }
0x227: {  	[sflag:s24] =	ssyncset.done $0x0  }
0x228: {  	[sflag:s24] =	ssyncadd.s32 $0xFFFFD800  }
0x229: {  	_ =	swait.ge [sflag:s4], $0x2800  }
0x22a: {  	[sflag:s4] =	ssyncset.done $0x0  }
0x22b: {  	[sflag:s4] =	ssyncadd.s32 $0xFFFFD800  }
0x22c: {  	_ =	swait.ge [sflag:s25], $0x80  }
0x22d: {  	[sflag:s25] =	ssyncset.done $0x0  }
0x22e: {  	[sflag:s25] =	ssyncadd.s32 $0xFFFFFF80  }
0x22f: {  	_ =	swait.ge [sflag:s28], $0x80  }
0x230: {  	[sflag:s28] =	ssyncset.done $0x0  }
0x231: {  	[sflag:s28] =	ssyncadd.s32 $0xFFFFFF80  }
0x232: {  	[tilespmem:s19], [sflag:$0x1] =	stream.indirect.gather [hbm4b:s1+s18], $0x80, s6, s18, $0xb8;
	[tilespmem:$0x1DC80] =	vst v63  }
0x233: {  	s11 =	simm.s32 $0x0;
	s17 =	rddreg [dreg:$0x15]  }
0x234: {  	[tilespmem:s20], [sflag:$0x2] =	stream.linear.gather [hbm4b:s17+s6], $0x2800, $0x38;
	[tilespmem:$0x1DC80] =	vst v63  }
0x235: {  	v8 =	vld [tilespmem:s11+$0x7C00]  }
0x236: {  	v12 =	vld [tilespmem:s11+$0x7C10]  }
0x237: {  	v6 =	vld [tilespmem:s11+$0x7C20]  }
0x238: {  	v5 =	vld [tilespmem:s11+$0x7C30]  }
0x239: {  	v4 =	vld [tilespmem:s11+$0x7C40]  }
0x23a: {  	v3 =	vld [tilespmem:s11+$0x7C50]  }
0x23b: {  	v2 =	vld [tilespmem:s11+$0x7C60]  }
0x23c: {  	v1 =	vld [tilespmem:s11+$0x7C70]  }
0x23d: {  	v13 =	vld [tilespmem:s11+$0x2C00]  }
0x23e: {  	v14 =	vld [tilespmem:s11+$0x2C10]  }
0x23f: {  	v11 =	vld [tilespmem:s11+$0x2C20]  }
0x240: {  	v10 =	vld [tilespmem:s11+$0x2C30]  }
0x241: {  	v9 =	vld [tilespmem:s11+$0x2C40]  }
0x242: {  	v7 =	vld [tilespmem:s11+$0x2C50];
	v13 =	vadd.f32 v8, v13  }
0x243: {  	s8 =	simm.s32 $0x200;
	s17 =	rddreg [dreg:$0x7];
	v12 =	vadd.f32 v12, v14;
	v8 =	vld [tilespmem:s11+$0x2C60]  }
.LBB2_20:
0x244: {  	s6 =	sshra.s32 s8, $0x2;
	p1 =	sne.s32 s8, $0x9E00;
	[tilespmem:s11+$0x2C00] =	vst v13;
	v6 =	vadd.f32 v6, v11;
	v11 =	vld [tilespmem:s11+$0x2C70]  }
0x245: {  	v13 =	vld [tilespmem:s6+$0x7C00];
	[tilespmem:s11+$0x2C10] =	vst v12;
	v5 =	vadd.f32 v5, v10  }
0x246: {  	v12 =	vld [tilespmem:s6+$0x7C10];
	[tilespmem:s11+$0x2C20] =	vst v6;
	v4 =	vadd.f32 v4, v9  }
0x247: {  	v6 =	vld [tilespmem:s6+$0x7C20];
	[tilespmem:s11+$0x2C30] =	vst v5;
	v3 =	vadd.f32 v3, v7  }
0x248: {  	v5 =	vld [tilespmem:s6+$0x7C30];
	[tilespmem:s11+$0x2C40] =	vst v4;
	v2 =	vadd.f32 v2, v8  }
0x249: {  	v4 =	vld [tilespmem:s6+$0x7C40];
	[tilespmem:s11+$0x2C50] =	vst v3;
	v1 =	vadd.f32 v1, v11  }
0x24a: {  	v3 =	vld [tilespmem:s6+$0x7C50];
	[tilespmem:s11+$0x2C60] =	vst v2  }
0x24b: {  	v2 =	vld [tilespmem:s6+$0x7C60];
	[tilespmem:s11+$0x2C70] =	vst v1;
	s11 =	smov.u32 s6  }
0x24c: {  	v1 =	vld [tilespmem:s11+$0x7C70]  }
0x24d: {  	v7 =	vld [tilespmem:s11+$0x2C00]  }
0x24e: {  	v8 =	vld [tilespmem:s11+$0x2C10]  }
.Ltmp9:
0x24f: {  	v11 =	vld [tilespmem:s11+$0x2C20];
	(pc) =	sbr.rel @p1 .LBB2_20-.Ltmp9, $4  }
0x250: {  	v10 =	vld [tilespmem:s11+$0x2C30]  }
0x251: {  	v9 =	vld [tilespmem:s11+$0x2C40]  }
0x252: {  	v13 =	vadd.f32 v13, v7;
	v7 =	vld [tilespmem:s11+$0x2C50]  }
0x253: {  	s8 =	sadd.s32 $0x200, s8;
	v12 =	vadd.f32 v12, v8;
	v8 =	vld [tilespmem:s11+$0x2C60]  }
0x254: {  	[tilespmem:s11+$0x2C00] =	vst v13;
	v6 =	vadd.f32 v6, v11;
	v11 =	vld [tilespmem:s11+$0x2C70]  }
0x255: {  	[tilespmem:s11+$0x2C10] =	vst v12;
	v5 =	vadd.f32 v5, v10  }
0x256: {  	[tilespmem:s11+$0x2C20] =	vst v6;
	v4 =	vadd.f32 v4, v9  }
0x257: {  	[tilespmem:s11+$0x2C30] =	vst v5;
	v3 =	vadd.f32 v3, v7  }
0x258: {  	[tilespmem:s11+$0x2C40] =	vst v4;
	v2 =	vadd.f32 v2, v8  }
0x259: {  	[tilespmem:s11+$0x2C50] =	vst v3;
	v1 =	vadd.f32 v1, v11  }
0x25a: {  	[tilespmem:s11+$0x2C60] =	vst v2  }
0x25b: {  	[tilespmem:s11+$0x2C70] =	vst v1  }
0x25c: {  	[spmem:s5] =	stream.indirect.scatter.add.f32 [tilespmem:s13], [sflag:$0x3], $0x80, s10, s18, $0xb8;
	[tilespmem:$0x1DC80] =	vst v63  }
0x25d: {  	_ =	swait.ge [sflag:s23], $0x2800  }
0x25e: {  	[sflag:s23] =	ssyncset.done $0x0  }
0x25f: {  	[sflag:s23] =	ssyncadd.s32 $0xFFFFD800  }
0x260: {  	_ =	swait.ge [sflag:s24], $0x2800  }
0x261: {  	[sflag:s24] =	ssyncset.done $0x0  }
0x262: {  	[sflag:s24] =	ssyncadd.s32 $0xFFFFD800  }
0x263: {  	_ =	swait.ge [sflag:s4], $0x2800  }
0x264: {  	[sflag:s4] =	ssyncset.done $0x0  }
0x265: {  	s11 =	simm.s32 $0x0;
	[sflag:s4] =	ssyncadd.s32 $0xFFFFD800  }
0x266: {  	v8 =	vld [tilespmem:s11+$0x5400]  }
0x267: {  	v12 =	vld [tilespmem:s11+$0x5410]  }
0x268: {  	v6 =	vld [tilespmem:s11+$0x5420]  }
0x269: {  	v5 =	vld [tilespmem:s11+$0x5430]  }
0x26a: {  	v4 =	vld [tilespmem:s11+$0x5440]  }
0x26b: {  	v3 =	vld [tilespmem:s11+$0x5450]  }
0x26c: {  	v2 =	vld [tilespmem:s11+$0x5460]  }
0x26d: {  	v1 =	vld [tilespmem:s11+$0x5470]  }
0x26e: {  	v13 =	vld [tilespmem:s11+$0x400]  }
0x26f: {  	v14 =	vld [tilespmem:s11+$0x410]  }
0x270: {  	v11 =	vld [tilespmem:s11+$0x420]  }
0x271: {  	v10 =	vld [tilespmem:s11+$0x430]  }
0x272: {  	v9 =	vld [tilespmem:s11+$0x440]  }
0x273: {  	v7 =	vld [tilespmem:s11+$0x450];
	v13 =	vadd.f32 v8, v13  }
0x274: {  	s8 =	simm.s32 $0x200;
	v12 =	vadd.f32 v12, v14;
	v8 =	vld [tilespmem:s11+$0x460]  }
.LBB2_22:
0x275: {  	s6 =	sshra.s32 s8, $0x2;
	p1 =	sne.s32 s8, $0x9E00;
	[tilespmem:s11+$0x400] =	vst v13;
	v6 =	vadd.f32 v6, v11;
	v11 =	vld [tilespmem:s11+$0x470]  }
0x276: {  	v13 =	vld [tilespmem:s6+$0x5400];
	[tilespmem:s11+$0x410] =	vst v12;
	v5 =	vadd.f32 v5, v10  }
0x277: {  	v12 =	vld [tilespmem:s6+$0x5410];
	[tilespmem:s11+$0x420] =	vst v6;
	v4 =	vadd.f32 v4, v9  }
0x278: {  	v6 =	vld [tilespmem:s6+$0x5420];
	[tilespmem:s11+$0x430] =	vst v5;
	v3 =	vadd.f32 v3, v7  }
0x279: {  	v5 =	vld [tilespmem:s6+$0x5430];
	[tilespmem:s11+$0x440] =	vst v4;
	v2 =	vadd.f32 v2, v8  }
0x27a: {  	v4 =	vld [tilespmem:s6+$0x5440];
	[tilespmem:s11+$0x450] =	vst v3;
	v1 =	vadd.f32 v1, v11  }
0x27b: {  	v3 =	vld [tilespmem:s6+$0x5450];
	[tilespmem:s11+$0x460] =	vst v2  }
0x27c: {  	v2 =	vld [tilespmem:s6+$0x5460];
	[tilespmem:s11+$0x470] =	vst v1;
	s11 =	smov.u32 s6  }
0x27d: {  	v1 =	vld [tilespmem:s11+$0x5470]  }
0x27e: {  	v7 =	vld [tilespmem:s11+$0x400]  }
0x27f: {  	v8 =	vld [tilespmem:s11+$0x410]  }
.Ltmp10:
0x280: {  	v11 =	vld [tilespmem:s11+$0x420];
	(pc) =	sbr.rel @p1 .LBB2_22-.Ltmp10, $4  }
0x281: {  	v10 =	vld [tilespmem:s11+$0x430]  }
0x282: {  	v9 =	vld [tilespmem:s11+$0x440]  }
0x283: {  	v13 =	vadd.f32 v13, v7;
	v7 =	vld [tilespmem:s11+$0x450]  }
0x284: {  	s8 =	sadd.s32 $0x200, s8;
	v12 =	vadd.f32 v12, v8;
	v8 =	vld [tilespmem:s11+$0x460]  }
0x285: {  	[tilespmem:s11+$0x400] =	vst v13;
	v6 =	vadd.f32 v6, v11;
	v63 =	vld [tilespmem:s11+$0x470]  }
0x286: {  	[tilespmem:s11+$0x410] =	vst v12;
	v5 =	vadd.f32 v5, v10  }
0x287: {  	[tilespmem:s11+$0x420] =	vst v6;
	v4 =	vadd.f32 v4, v9  }
0x288: {  	[tilespmem:s11+$0x430] =	vst v5;
	v3 =	vadd.f32 v3, v7  }
0x289: {  	[tilespmem:s11+$0x440] =	vst v4;
	v2 =	vadd.f32 v2, v8  }
0x28a: {  	[tilespmem:s11+$0x450] =	vst v3;
	v1 =	vadd.f32 v1, v63  }
0x28b: {  	[tilespmem:s11+$0x460] =	vst v2  }
0x28c: {  	[tilespmem:s11+$0x470] =	vst v1  }
0x28d: {  	[spmem:s5] =	stream.indirect.scatter.add.f32 [tilespmem:s19], [sflag:$0x3], $0x80, s15, s18, $0xb8;
	[tilespmem:$0x1DC80] =	vst v63  }
0x28e: {  	_ =	swait.ge [sflag:s4], $0x2800  }
0x28f: {  	[sflag:s4] =	ssyncset.done $0x0  }
0x290: {  	s6 =	stileid.u32;
	[sflag:s4] =	ssyncadd.s32 $0xFFFFD800  }
0x291: {  	s6 =	sshll.u32 s6, $0x6;
	[bflag:$0x0] =	sbarrier.arrive $0xFFFF  }
0x292: {  	s8 =	sshrl.u32 s17, $0x3;
	s6 =	sor.u32 $0x1C06, s6;
	s11 =	rddreg [dreg:$0x13]  }
0x293: {  	[hbm:s11], [sflag:s6] =	dma.local [spmem:s8], $0x2700  }
0x294: {  	_ =	swait.ge [sflag:s26], $0x2700  }
0x295: {  	[sflag:s26] =	ssyncset.done $0x0  }
0x296: {  	s8 =	sshrl.u32 @!p0 s12, $0x3;
	s11 =	rddreg [dreg:$0x16];
	[sflag:s26] =	ssyncadd.s32 $0xFFFFD900  }
0x297: {  	[hbm:s11], [sflag:s6] =	dma.local @!p0 [spmem:s8], $0x100  }
0x298: {  	s6 =	simm.s32 @!p0 $0x6  }
0x299: {  	_ =	swait.ge @!p0 [sflag:s6], $0x100  }
0x29a: {  	s14 =	sadd.s32 $0x1, s14;
	s11 =	rddreg [dreg:$0x17]  }
0x29b: {  	p1 =	sne.s32 s14, s11  }
.Ltmp11:
0x29c: {  	_ = 	snop;
	(pc) =	sbr.rel @p1 .LBB2_1-.Ltmp11, $3  }
0x29d: {  	_ =	sdelay $0x1  }
0x29e: {  	[sflag:s6] =	ssyncset.done @!p0 $0x0  }
0x29f: {  	[sflag:s6] =	ssyncadd.s32 @!p0 $0xFFFFFF00  }
0x2a0: {  	_ =	sfence.sel $0x180000  }
0x2a1: {  	[bflag:$0x0] =	sbarrier.arrive $0xFFFF  }
0x2a2: {  	_ =	strace $0x90000047  }
0x2a3: {  	s0 =	stileid.u32;
	[bflag:$0x2] =	sbarrier.arrive $0xFFFF  }
0x2a4: {  	p0 =	sne.s32 s0, $0x0;
	s0 =	rddreg [dreg:$0x5]  }
0x2a5: {  	s0 =	sadd.s32 @!p0 $0x100000, s0  }
0x2a6: {  	[sflag:s0] =	ssyncadd.tile.s32 @!p0 $0x1;
	_ =	shalt  }
.Lfunc_end2:
_tile_overlayer_lowered:
.L_overlay_start_2:
0x2a7: {  	(tag) =	ssettag $0x2  }
0x2a8: {  	s0 =	rddreg [dreg:$0x0];
	s2 =	stileid.u32  }
0x2a9: {  	s1 =	rddreg [dreg:$0x1];
	p0 =	sne.s32 s2, $0x0  }
0x2aa: {  	s3 =	rddreg [dreg:$0x2];
	[bflag:$0x3] =	sbarrier.arrive $0xFFFF;
	s2 =	simm.s32 @!p0 $0x1C06  }
0x2ab: {  	[timem:s3], [sflag:s2] =	dma.local @!p0 [hbm:s0], s1  }
0x2ac: {  	s0 =	simm.s32 @!p0 $0x6  }
0x2ad: {  	_ =	swait.ge @!p0 [sflag:s0], s1  }
0x2ae: {  	s1 =	ssub.s32 @!p0 $0x0, s1;
	[sflag:s0] =	ssyncset.done @!p0 $0x0  }
0x2af: {  	[sflag:s0] =	ssyncadd.s32 @!p0 s1  }
0x2b0: {  	[bflag:$0x3] =	sbarrier.arrive $0xFFFF  }
0x2b1: {  	_ =	shalt  }

</sc_bundles>
